<compile_context>
chip_gen: v7x
topology: tpu7x:2x2x1
jax: 0.10.2.dev20260603
libtpu: 0.0.44.dev20260713+nightly
codegen_flags: <defaults>
</compile_context>

<pallas_src>
import functools

import jax
import jax.numpy as jnp
from jax import lax
from jax.experimental import pallas as pl
from jax.experimental.pallas import tpu as pltpu
from jax.experimental.pallas import tpu_sc as plsc

B = 32768
Q = 10
D = 128
HD = 64
ALPHA = 0.8
NUM_QUAL = 501

NC = 2
NS = 16
NW = NC * NS
S_PER_W = B // NW
CS = 16
R_PER_C = CS * Q
NCHUNK = S_PER_W // CS
GROUPS = B // CS
RCS = 128
NRCHUNK = S_PER_W // RCS


def _sc_body(quals_hbm, r0_hbm, ent_hbm, qtab_hbm, rtab_hbm,
             coal_hbm, relp_hbm,
             qtab_v, qid_v, qrl_v, quals_v, ent_a, ent_b, out_a, out_b,
             ridx_v, sem_a, sem_b, sem_oa, sem_ob):
    wid = lax.axis_index("s") * NC + lax.axis_index("c")

    pltpu.sync_copy(qtab_hbm, qtab_v)
    pltpu.sync_copy(quals_hbm.at[pl.ds(wid * S_PER_W * 2 * Q,
                                       S_PER_W * 2 * Q)], quals_v)
    pltpu.sync_copy(r0_hbm.at[pl.ds(wid * S_PER_W, S_PER_W)], ridx_v)

    stmt_iota = jnp.arange(16, dtype=jnp.int32)
    row_vecs = [stmt_iota * Q + p for p in range(Q)]

    q_iota20 = stmt_iota * (2 * Q)

    def build_body(ch, carry):
        base_src = ch * CS * 2 * Q
        base_dst = ch * R_PER_C
        src0 = base_src + q_iota20
        for p in range(Q):
            ent_ids = plsc.load_gather(quals_v, [src0 + (2 * p + 1)])
            plsc.store_scatter(qid_v, [base_dst + row_vecs[p]], ent_ids)
            rel_ids = plsc.load_gather(quals_v, [src0 + 2 * p])
            plsc.store_scatter(qrl_v, [base_dst + p * CS + stmt_iota],
                               rel_ids)
        return carry

    lax.fori_loop(0, NCHUNK, build_body, 0)

    def fire(ch, ent_buf, sem):
        pltpu.async_copy(ent_hbm.at[qid_v.at[pl.ds(ch * R_PER_C, 80)]],
                         ent_buf.at[pl.ds(0, 80)], sem)
        pltpu.async_copy(ent_hbm.at[qid_v.at[pl.ds(ch * R_PER_C + 80, 80)]],
                         ent_buf.at[pl.ds(80, 80)], sem)

    def drain_gathers(ent_buf, sem):
        pltpu.make_async_copy(ent_hbm.at[pl.ds(0, R_PER_C)], ent_buf,
                              sem).wait()

    def compute(ent_buf, ch, out_buf):
        rid_vecs = [qrl_v[pl.ds(ch * R_PER_C + p * CS, CS)] * HD
                    for p in range(Q)]

        def col_body(c, carry):
            c0 = c & 15
            skew = (c0 + stmt_iota) & 15
            col_re = (c - c0) + skew
            col_im = col_re + HD
            acc_re = jnp.zeros((16,), jnp.float32)
            acc_im = jnp.zeros((16,), jnp.float32)
            for p in range(Q):
                e_re = plsc.load_gather(ent_buf, [row_vecs[p], col_re])
                e_im = plsc.load_gather(ent_buf, [row_vecs[p], col_im])
                w = plsc.load_gather(qtab_v, [rid_vecs[p] + col_re])
                r_re, r_im = plsc.unpack(
                    plsc.bitcast(w, jnp.bfloat16),
                    format=plsc.PackFormat.INTERLEAVED,
                    preferred_element_type=jnp.float32)
                acc_re = acc_re + (e_re * r_re - e_im * r_im)
                acc_im = acc_im + (e_re * r_im + e_im * r_re)
            plsc.store_scatter(out_buf, [stmt_iota, col_re], acc_re)
            plsc.store_scatter(out_buf, [stmt_iota, col_im], acc_im)
            return carry

        lax.fori_loop(0, HD, col_body, 0, unroll=4)

    def out_issue(out_buf, ch, sem_o):
        stmt_base = (wid * NCHUNK + ch) * CS
        pltpu.async_copy(out_buf, coal_hbm.at[pl.ds(stmt_base, CS)], sem_o)

    def out_drain(sem_o):
        pltpu.make_async_copy(coal_hbm.at[pl.ds(0, CS)], out_a, sem_o).wait()

    fire(0, ent_a, sem_a)

    def body(i, carry):
        c0 = 2 * i
        fire(c0 + 1, ent_b, sem_b)
        drain_gathers(ent_a, sem_a)

        @pl.when(i > 0)
        def _():
            out_drain(sem_oa)

        compute(ent_a, c0, out_a)
        out_issue(out_a, c0, sem_oa)

        @pl.when(i < NCHUNK // 2 - 1)
        def _():
            fire(c0 + 2, ent_a, sem_a)

        drain_gathers(ent_b, sem_b)

        @pl.when(i > 0)
        def _():
            out_drain(sem_ob)

        compute(ent_b, c0 + 1, out_b)
        out_issue(out_b, c0 + 1, sem_ob)
        return carry

    lax.fori_loop(0, NCHUNK // 2, body, 0)
    out_drain(sem_oa)
    out_drain(sem_ob)

    def rel_fire(rch, buf, sem):
        base = rch * RCS
        pltpu.async_copy(rtab_hbm.at[ridx_v.at[pl.ds(base, RCS // 2)]],
                         buf.at[pl.ds(0, RCS // 2)], sem)
        pltpu.async_copy(
            rtab_hbm.at[ridx_v.at[pl.ds(base + RCS // 2, RCS // 2)]],
            buf.at[pl.ds(RCS // 2, RCS // 2)], sem)

    def rel_drain_gather(buf, sem):
        pltpu.make_async_copy(rtab_hbm.at[pl.ds(0, RCS)],
                              buf.at[pl.ds(0, RCS)], sem).wait()

    def rel_issue(buf, rch, sem_o):
        rbase = (wid * NRCHUNK + rch) * RCS
        pltpu.async_copy(buf.at[pl.ds(0, RCS)],
                         relp_hbm.at[pl.ds(rbase, RCS)], sem_o)

    def rel_drain_copy(sem_o):
        pltpu.make_async_copy(relp_hbm.at[pl.ds(0, RCS)],
                              ent_a.at[pl.ds(0, RCS)], sem_o).wait()

    rel_fire(0, ent_a, sem_a)

    def rel_body(j, carry):
        @pl.when(j > 0)
        def _():
            rel_drain_copy(sem_ob)

        rel_fire(2 * j + 1, ent_b, sem_b)
        rel_drain_gather(ent_a, sem_a)
        rel_issue(ent_a, 2 * j, sem_oa)

        @pl.when(j < NRCHUNK // 2 - 1)
        def _():
            rel_drain_copy(sem_oa)
            rel_fire(2 * j + 2, ent_a, sem_a)

        rel_drain_gather(ent_b, sem_b)
        rel_issue(ent_b, 2 * j + 1, sem_ob)
        return carry

    lax.fori_loop(0, NRCHUNK // 2, rel_body, 0)
    rel_drain_copy(sem_oa)
    rel_drain_copy(sem_ob)


@jax.jit
def _sc_stage(quals_flat, r0, ent_embed, qtab_packed, rel_embed):
    mesh = plsc.VectorSubcoreMesh(core_axis_name="c", subcore_axis_name="s",
                                  num_cores=NC, num_subcores=NS)
    fn = pl.kernel(
        _sc_body,
        out_type=(jax.ShapeDtypeStruct((B, D), jnp.float32),
                  jax.ShapeDtypeStruct((B, D), jnp.float32)),
        mesh=mesh,
        scratch_types=[
            pltpu.VMEM((NUM_QUAL * HD,), jnp.int32),
            pltpu.VMEM((NCHUNK * R_PER_C,), jnp.int32),
            pltpu.VMEM((NCHUNK * R_PER_C,), jnp.int32),
            pltpu.VMEM((S_PER_W * 2 * Q,), jnp.int32),
            pltpu.VMEM((R_PER_C, D), jnp.float32),
            pltpu.VMEM((R_PER_C, D), jnp.float32),
            pltpu.VMEM((CS, D), jnp.float32),
            pltpu.VMEM((CS, D), jnp.float32),
            pltpu.VMEM((S_PER_W,), jnp.int32),
            pltpu.SemaphoreType.DMA,
            pltpu.SemaphoreType.DMA,
            pltpu.SemaphoreType.DMA,
            pltpu.SemaphoreType.DMA,
        ],
        compiler_params=pltpu.CompilerParams(needs_layout_passes=False),
    )
    return fn(quals_flat, r0, ent_embed, qtab_packed, rel_embed)


def _tc_body(coal_ref, relp_ref, wq_ref, out_ref):
    proj = jnp.dot(coal_ref[...], wq_ref[...],
                   preferred_element_type=jnp.float32)
    out_ref[...] = ALPHA * relp_ref[...] + (1.0 - ALPHA) * proj


@jax.jit
def _tc_stage(coal, relp, w_q):
    blk = 2048
    return pl.pallas_call(
        _tc_body,
        grid=(B // blk,),
        in_specs=[
            pl.BlockSpec((blk, D), lambda i: (i, 0)),
            pl.BlockSpec((blk, D), lambda i: (i, 0)),
            pl.BlockSpec((D, D), lambda i: (0, 0)),
        ],
        out_specs=pl.BlockSpec((blk, D), lambda i: (i, 0)),
        out_shape=jax.ShapeDtypeStruct((B, D), jnp.float32),
    )(coal, relp, w_q)


def kernel(quals, r_index, hypergraph_edge_index, hypergraph_edge_type,
           hypergraph_quals, ent_embed, rel_embed, qual_rel_embed, w_q):
    qt = jnp.stack([qual_rel_embed[:, :HD], qual_rel_embed[:, HD:]], axis=2)
    qt = lax.bitcast_convert_type(qt.astype(jnp.bfloat16), jnp.int32)
    qt = qt.reshape(NUM_QUAL * HD)

    quals_flat = quals.reshape(B * 2 * Q)
    r0 = r_index[:, 0]

    coal, relp = _sc_stage(quals_flat, r0, ent_embed, qt, rel_embed)
    query = _tc_stage(coal, relp, w_q)
    return (query, ent_embed, rel_embed)

# --- scband reference (transcript-rebuilt; emitter-appended) ---
"""Pipeline reference for scband-hyper-relation-learner-20976620274287 (READ-ONLY COPY).

The authoritative reference and input builder live on the scoring server;
editing this copy changes nothing except your own understanding.
"""

import jax, jax.numpy as jnp
import numpy as np

NUM_ENTITY = 1000000
NUM_RELATION = 500
NUM_QUAL_RELATION = 500
DIM = 128
B = 32768
L = 20  # 10 (rel, ent) qualifier pairs per statement, no -1 padding
ALPHA = 0.8
E_HG = 262144


def rotate(h, r):
    d = h.shape[-1] // 2
    h_re, h_im = h[..., :d], h[..., d:]
    r_re, r_im = r[..., :d], r[..., d:]
    return jnp.concatenate([h_re * r_re - h_im * r_im,
                            h_re * r_im + h_im * r_re], axis=-1)


def un_pad(quals):
    # Faithful to torch un_pad when there is no -1 padding: row-major pair order.
    Bq, Lq = quals.shape
    Q = Lq // 2
    rel = quals[:, 0:2 * Q:2].reshape(-1)
    ent = quals[:, 1:2 * Q:2].reshape(-1)
    idx = jnp.repeat(jnp.arange(Bq, dtype=quals.dtype), Q)
    return jnp.stack([rel, ent, idx], axis=0)


def setup_inputs(seed: int = 0) -> dict:
    key = jax.random.key(seed)
    ks = jax.random.split(key, 10)
    Q = L // 2
    q_rel = jax.random.randint(ks[0], (B, Q), 0, NUM_QUAL_RELATION + 1, dtype=jnp.int32)
    q_ent = jax.random.randint(ks[1], (B, Q), 0, NUM_ENTITY, dtype=jnp.int32)
    quals = jnp.stack([q_rel, q_ent], axis=2).reshape(B, L)
    r_index = jax.random.randint(ks[2], (B, 2), 0, 2 * NUM_RELATION, dtype=jnp.int32)
    hypergraph_edge_index = jax.random.randint(ks[3], (2, E_HG), 0, NUM_ENTITY, dtype=jnp.int32)
    hypergraph_edge_type = jax.random.randint(ks[4], (E_HG,), 0, 2 * NUM_RELATION, dtype=jnp.int32)
    hypergraph_quals = jax.random.randint(ks[5], (3, 100000), 0, NUM_QUAL_RELATION + 1, dtype=jnp.int32)
    ent_embed = jax.random.normal(ks[6], (NUM_ENTITY, DIM), dtype=jnp.float32) * 0.02
    rel_embed = jax.random.normal(ks[7], (2 * NUM_RELATION, DIM), dtype=jnp.float32) * 0.02
    qual_rel_embed = jax.random.normal(ks[8], (NUM_QUAL_RELATION + 1, DIM), dtype=jnp.float32) * 0.02
    w_q = jax.random.normal(ks[9], (DIM, DIM), dtype=jnp.float32) * 0.02
    return {
        'quals': quals,
        'r_index': r_index,
        'hypergraph_edge_index': hypergraph_edge_index,
        'hypergraph_edge_type': hypergraph_edge_type,
        'hypergraph_quals': hypergraph_quals,
        'ent_embed': ent_embed,
        'rel_embed': rel_embed,
        'qual_rel_embed': qual_rel_embed,
        'w_q': w_q,
    }


def reference(quals, r_index, hypergraph_edge_index, hypergraph_edge_type,
              hypergraph_quals, ent_embed, rel_embed, qual_rel_embed, w_q):
    # version == 'wo_prep': skip EdgeProcessing, x = ent_embed, r = rel_embed
    x = ent_embed
    r = rel_embed
    # statement_len (5) > 3 branch
    qu = un_pad(quals)  # [3, B*Q] : rel ids, ent ids, statement idx
    qualifier_emb_rel = jnp.take(qual_rel_embed, qu[0], axis=0)
    qualifier_emb_ent = jnp.take(ent_embed, qu[1], axis=0)
    qualifier_emb = rotate(qualifier_emb_ent, qualifier_emb_rel)  # OPN == 'rotate'
    rel_part_emb = jnp.take(rel_embed, r_index[:, 0], axis=0)
    # coalesce_quals: scatter-add qualifier embeddings by statement index (fill=0)
    coalesced = jax.ops.segment_sum(qualifier_emb, qu[2], num_segments=B)
    # QUAL_AGGREGATE == 'sum'
    qual_proj = jnp.einsum('ij,jk->ik', coalesced, w_q)
    query_embedding = ALPHA * rel_part_emb + (1.0 - ALPHA) * qual_proj
    return (query_embedding, x, r)

if __name__ == "__main__":
    import jax
    _d = setup_inputs()
    print(jax.jit(kernel)(*tuple(_d.values())))

</pallas_src>

<mosaic_0001>
#map = affine_map<(d0, d1) -> (0)>
#map1 = affine_map<(d0, d1) -> (0, 0)>
module attributes {stable_mosaic.version = 14 : i64} {
  func.func @_sc_body(%arg0: i32, %arg1: i32, %arg2: memref<655360xi32, #tpu.memory_space<hbm>>, %arg3: memref<32768xi32, #tpu.memory_space<hbm>>, %arg4: memref<1000000x128xf32, #tpu.memory_space<hbm>>, %arg5: memref<32064xi32, #tpu.memory_space<hbm>>, %arg6: memref<1000x128xf32, #tpu.memory_space<hbm>>, %arg7: memref<32768x128xf32, #tpu.memory_space<hbm>>, %arg8: memref<32768x128xf32, #tpu.memory_space<hbm>>, %arg9: memref<32064xi32, #tpu.memory_space<vmem>>, %arg10: memref<10240xi32, #tpu.memory_space<vmem>>, %arg11: memref<10240xi32, #tpu.memory_space<vmem>>, %arg12: memref<20480xi32, #tpu.memory_space<vmem>>, %arg13: memref<160x128xf32, #tpu.memory_space<vmem>>, %arg14: memref<160x128xf32, #tpu.memory_space<vmem>>, %arg15: memref<16x128xf32, #tpu.memory_space<vmem>>, %arg16: memref<16x128xf32, #tpu.memory_space<vmem>>, %arg17: memref<1024xi32, #tpu.memory_space<vmem>>, %arg18: memref<!tpu.dma_semaphore, #tpu.memory_space<semaphore_mem>>, %arg19: memref<!tpu.dma_semaphore, #tpu.memory_space<semaphore_mem>>, %arg20: memref<!tpu.dma_semaphore, #tpu.memory_space<semaphore_mem>>, %arg21: memref<!tpu.dma_semaphore, #tpu.memory_space<semaphore_mem>>) attributes {dimension_semantics = [#tpu.dimension_semantics<core_parallel>, #tpu.dimension_semantics<subcore_parallel>], iteration_bounds = array<i64: 2, 16>, scalar_prefetch = 0 : i64, scratch_operands = 13 : i64, tpu.core_type = #tpu.core_type<sc_vector_subcore>, window_params = [{transform_indices = #map}, {transform_indices = #map}, {transform_indices = #map1}, {transform_indices = #map}, {transform_indices = #map1}, {transform_indices = #map1}, {transform_indices = #map1}]} {
    %mul3A = arith.constant 2 : i32
    %mul3A_0 = arith.muli %arg1, %mul3A : i32
    %add3A = arith.addi %mul3A_0, %arg0 : i32
    "tpu.region"() ({
      %run_scoped3A = tpu.sem_alloc : memref<!tpu.dma_semaphore, #tpu.memory_space<semaphore_mem>>
      tpu.enqueue_dma source(%arg5 : memref<32064xi32, #tpu.memory_space<hbm>>) target(%arg9 : memref<32064xi32, #tpu.memory_space<vmem>>) target_semaphore(%run_scoped3A : memref<!tpu.dma_semaphore, #tpu.memory_space<semaphore_mem>>)
      tpu.wait_dma2 semaphore(%run_scoped3A : memref<!tpu.dma_semaphore, #tpu.memory_space<semaphore_mem>>) src(%arg5 : memref<32064xi32, #tpu.memory_space<hbm>>) dst(%arg9 : memref<32064xi32, #tpu.memory_space<vmem>>)
      tpu.yield
    }) : () -> ()
    %mul3A_1 = arith.constant 1024 : i32
    %mul3A_2 = arith.muli %add3A, %mul3A_1 : i32
    %mul3A_3 = arith.constant 2 : i32
    %mul3A_4 = arith.muli %mul3A_2, %mul3A_3 : i32
    %mul3A_5 = arith.constant 10 : i32
    %mul3A_6 = arith.muli %mul3A_4, %mul3A_5 : i32
    "tpu.region"() ({
      %run_scoped3A = tpu.sem_alloc : memref<!tpu.dma_semaphore, #tpu.memory_space<semaphore_mem>>
      %dma_start3A_155 = tpu.memref_slice %arg2[%mul3A_6] : memref<655360xi32, #tpu.memory_space<hbm>> -> memref<20480xi32, #tpu.memory_space<hbm>>
      %dma_start3A_156 = tpu.memref_slice %arg2[%mul3A_6] : memref<655360xi32, #tpu.memory_space<hbm>> -> memref<20480xi32, #tpu.memory_space<hbm>>
      tpu.enqueue_dma source(%dma_start3A_156 : memref<20480xi32, #tpu.memory_space<hbm>>) target(%arg12 : memref<20480xi32, #tpu.memory_space<vmem>>) target_semaphore(%run_scoped3A : memref<!tpu.dma_semaphore, #tpu.memory_space<semaphore_mem>>)
      %dma_wait3A_157 = tpu.memref_slice %arg2[%mul3A_6] : memref<655360xi32, #tpu.memory_space<hbm>> -> memref<20480xi32, #tpu.memory_space<hbm>>
      %dma_wait3A_158 = tpu.memref_slice %arg2[%mul3A_6] : memref<655360xi32, #tpu.memory_space<hbm>> -> memref<20480xi32, #tpu.memory_space<hbm>>
      tpu.wait_dma2 semaphore(%run_scoped3A : memref<!tpu.dma_semaphore, #tpu.memory_space<semaphore_mem>>) src(%dma_wait3A_158 : memref<20480xi32, #tpu.memory_space<hbm>>) dst(%arg12 : memref<20480xi32, #tpu.memory_space<vmem>>)
      tpu.yield
    }) : () -> ()
    %mul3A_7 = arith.constant 1024 : i32
    %mul3A_8 = arith.muli %add3A, %mul3A_7 : i32
    "tpu.region"() ({
      %run_scoped3A = tpu.sem_alloc : memref<!tpu.dma_semaphore, #tpu.memory_space<semaphore_mem>>
      %dma_start3A_155 = tpu.memref_slice %arg3[%mul3A_8] : memref<32768xi32, #tpu.memory_space<hbm>> -> memref<1024xi32, #tpu.memory_space<hbm>>
      %dma_start3A_156 = tpu.memref_slice %arg3[%mul3A_8] : memref<32768xi32, #tpu.memory_space<hbm>> -> memref<1024xi32, #tpu.memory_space<hbm>>
      tpu.enqueue_dma source(%dma_start3A_156 : memref<1024xi32, #tpu.memory_space<hbm>>) target(%arg17 : memref<1024xi32, #tpu.memory_space<vmem>>) target_semaphore(%run_scoped3A : memref<!tpu.dma_semaphore, #tpu.memory_space<semaphore_mem>>)
      %dma_wait3A_157 = tpu.memref_slice %arg3[%mul3A_8] : memref<32768xi32, #tpu.memory_space<hbm>> -> memref<1024xi32, #tpu.memory_space<hbm>>
      %dma_wait3A_158 = tpu.memref_slice %arg3[%mul3A_8] : memref<32768xi32, #tpu.memory_space<hbm>> -> memref<1024xi32, #tpu.memory_space<hbm>>
      tpu.wait_dma2 semaphore(%run_scoped3A : memref<!tpu.dma_semaphore, #tpu.memory_space<semaphore_mem>>) src(%dma_wait3A_158 : memref<1024xi32, #tpu.memory_space<hbm>>) dst(%arg17 : memref<1024xi32, #tpu.memory_space<vmem>>)
      tpu.yield
    }) : () -> ()
    %iota3A = tpu.iota {dimensions = array<i32: 0>} : vector<16xi32>
    %mul3A_9 = arith.constant 10 : i32
    %mul3A_10 = vector.broadcast %mul3A_9 : i32 to vector<16xi32>
    %mul3A_11 = arith.muli %iota3A, %mul3A_10 : vector<16xi32>
    %add3A_12 = arith.constant 0 : i32
    %add3A_13 = vector.broadcast %add3A_12 : i32 to vector<16xi32>
    %add3A_14 = arith.addi %mul3A_11, %add3A_13 : vector<16xi32>
    %mul3A_15 = arith.constant 10 : i32
    %mul3A_16 = vector.broadcast %mul3A_15 : i32 to vector<16xi32>
    %mul3A_17 = arith.muli %iota3A, %mul3A_16 : vector<16xi32>
    %add3A_18 = arith.constant 1 : i32
    %add3A_19 = vector.broadcast %add3A_18 : i32 to vector<16xi32>
    %add3A_20 = arith.addi %mul3A_17, %add3A_19 : vector<16xi32>
    %mul3A_21 = arith.constant 10 : i32
    %mul3A_22 = vector.broadcast %mul3A_21 : i32 to vector<16xi32>
    %mul3A_23 = arith.muli %iota3A, %mul3A_22 : vector<16xi32>
    %add3A_24 = arith.constant 2 : i32
    %add3A_25 = vector.broadcast %add3A_24 : i32 to vector<16xi32>
    %add3A_26 = arith.addi %mul3A_23, %add3A_25 : vector<16xi32>
    %mul3A_27 = arith.constant 10 : i32
    %mul3A_28 = vector.broadcast %mul3A_27 : i32 to vector<16xi32>
    %mul3A_29 = arith.muli %iota3A, %mul3A_28 : vector<16xi32>
    %add3A_30 = arith.constant 3 : i32
    %add3A_31 = vector.broadcast %add3A_30 : i32 to vector<16xi32>
    %add3A_32 = arith.addi %mul3A_29, %add3A_31 : vector<16xi32>
    %mul3A_33 = arith.constant 10 : i32
    %mul3A_34 = vector.broadcast %mul3A_33 : i32 to vector<16xi32>
    %mul3A_35 = arith.muli %iota3A, %mul3A_34 : vector<16xi32>
    %add3A_36 = arith.constant 4 : i32
    %add3A_37 = vector.broadcast %add3A_36 : i32 to vector<16xi32>
    %add3A_38 = arith.addi %mul3A_35, %add3A_37 : vector<16xi32>
    %mul3A_39 = arith.constant 10 : i32
    %mul3A_40 = vector.broadcast %mul3A_39 : i32 to vector<16xi32>
    %mul3A_41 = arith.muli %iota3A, %mul3A_40 : vector<16xi32>
    %add3A_42 = arith.constant 5 : i32
    %add3A_43 = vector.broadcast %add3A_42 : i32 to vector<16xi32>
    %add3A_44 = arith.addi %mul3A_41, %add3A_43 : vector<16xi32>
    %mul3A_45 = arith.constant 10 : i32
    %mul3A_46 = vector.broadcast %mul3A_45 : i32 to vector<16xi32>
    %mul3A_47 = arith.muli %iota3A, %mul3A_46 : vector<16xi32>
    %add3A_48 = arith.constant 6 : i32
    %add3A_49 = vector.broadcast %add3A_48 : i32 to vector<16xi32>
    %add3A_50 = arith.addi %mul3A_47, %add3A_49 : vector<16xi32>
    %mul3A_51 = arith.constant 10 : i32
    %mul3A_52 = vector.broadcast %mul3A_51 : i32 to vector<16xi32>
    %mul3A_53 = arith.muli %iota3A, %mul3A_52 : vector<16xi32>
    %add3A_54 = arith.constant 7 : i32
    %add3A_55 = vector.broadcast %add3A_54 : i32 to vector<16xi32>
    %add3A_56 = arith.addi %mul3A_53, %add3A_55 : vector<16xi32>
    %mul3A_57 = arith.constant 10 : i32
    %mul3A_58 = vector.broadcast %mul3A_57 : i32 to vector<16xi32>
    %mul3A_59 = arith.muli %iota3A, %mul3A_58 : vector<16xi32>
    %add3A_60 = arith.constant 8 : i32
    %add3A_61 = vector.broadcast %add3A_60 : i32 to vector<16xi32>
    %add3A_62 = arith.addi %mul3A_59, %add3A_61 : vector<16xi32>
    %mul3A_63 = arith.constant 10 : i32
    %mul3A_64 = vector.broadcast %mul3A_63 : i32 to vector<16xi32>
    %mul3A_65 = arith.muli %iota3A, %mul3A_64 : vector<16xi32>
    %add3A_66 = arith.constant 9 : i32
    %add3A_67 = vector.broadcast %add3A_66 : i32 to vector<16xi32>
    %add3A_68 = arith.addi %mul3A_65, %add3A_67 : vector<16xi32>
    %mul3A_69 = arith.constant 20 : i32
    %mul3A_70 = vector.broadcast %mul3A_69 : i32 to vector<16xi32>
    %mul3A_71 = arith.muli %iota3A, %mul3A_70 : vector<16xi32>
    %scan3A = arith.constant 0 : i32
    %scan3A_72 = arith.constant 0 : i32
    %scan3A_73 = arith.constant 64 : i32
    %scan3A_74 = arith.addi %scan3A_72, %scan3A_73 : i32
    %scan3A_75 = arith.constant 1 : i32
    scf.for %scan3A_155 = %scan3A_72 to %scan3A_74 step %scan3A_75  : i32 {
      %mul3A_156 = arith.constant 16 : i32
      %mul3A_157 = arith.muli %scan3A_155, %mul3A_156 : i32
      %mul3A_158 = arith.constant 2 : i32
      %mul3A_159 = arith.muli %mul3A_157, %mul3A_158 : i32
      %mul3A_160 = arith.constant 10 : i32
      %mul3A_161 = arith.muli %mul3A_159, %mul3A_160 : i32
      %mul3A_162 = arith.constant 160 : i32
      %mul3A_163 = arith.muli %scan3A_155, %mul3A_162 : i32
      %add3A_164 = vector.broadcast %mul3A_161 : i32 to vector<16xi32>
      %add3A_165 = arith.addi %add3A_164, %mul3A_71 : vector<16xi32>
      %add3A_166 = arith.constant 1 : i32
      %add3A_167 = vector.broadcast %add3A_166 : i32 to vector<16xi32>
      %add3A_168 = arith.addi %add3A_165, %add3A_167 : vector<16xi32>
      %gather3A = tpu.vector_load_idx %arg12[%add3A_168] : memref<20480xi32, #tpu.memory_space<vmem>>[vector<16xi32>], vector<16xi32>,
      %add3A_169 = vector.broadcast %mul3A_163 : i32 to vector<16xi32>
      %add3A_170 = arith.addi %add3A_169, %add3A_14 : vector<16xi32>
      tpu.vector_store_idx %arg10[%add3A_170], %gather3A : memref<10240xi32, #tpu.memory_space<vmem>>[vector<16xi32>], vector<16xi32>,
      %add3A_171 = arith.constant 0 : i32
      %add3A_172 = vector.broadcast %add3A_171 : i32 to vector<16xi32>
      %add3A_173 = arith.addi %add3A_165, %add3A_172 : vector<16xi32>
      %gather3A_174 = tpu.vector_load_idx %arg12[%add3A_173] : memref<20480xi32, #tpu.memory_space<vmem>>[vector<16xi32>], vector<16xi32>,
      %add3A_175 = arith.constant 0 : i32
      %add3A_176 = arith.addi %mul3A_163, %add3A_175 : i32
      %add3A_177 = vector.broadcast %add3A_176 : i32 to vector<16xi32>
      %add3A_178 = arith.addi %add3A_177, %iota3A : vector<16xi32>
      tpu.vector_store_idx %arg11[%add3A_178], %gather3A_174 : memref<10240xi32, #tpu.memory_space<vmem>>[vector<16xi32>], vector<16xi32>,
      %add3A_179 = arith.constant 3 : i32
      %add3A_180 = vector.broadcast %add3A_179 : i32 to vector<16xi32>
      %add3A_181 = arith.addi %add3A_165, %add3A_180 : vector<16xi32>
      %gather3A_182 = tpu.vector_load_idx %arg12[%add3A_181] : memref<20480xi32, #tpu.memory_space<vmem>>[vector<16xi32>], vector<16xi32>,
      %add3A_183 = vector.broadcast %mul3A_163 : i32 to vector<16xi32>
      %add3A_184 = arith.addi %add3A_183, %add3A_20 : vector<16xi32>
      tpu.vector_store_idx %arg10[%add3A_184], %gather3A_182 : memref<10240xi32, #tpu.memory_space<vmem>>[vector<16xi32>], vector<16xi32>,
      %add3A_185 = arith.constant 2 : i32
      %add3A_186 = vector.broadcast %add3A_185 : i32 to vector<16xi32>
      %add3A_187 = arith.addi %add3A_165, %add3A_186 : vector<16xi32>
      %gather3A_188 = tpu.vector_load_idx %arg12[%add3A_187] : memref<20480xi32, #tpu.memory_space<vmem>>[vector<16xi32>], vector<16xi32>,
      %add3A_189 = arith.constant 16 : i32
      %add3A_190 = arith.addi %mul3A_163, %add3A_189 : i32
      %add3A_191 = vector.broadcast %add3A_190 : i32 to vector<16xi32>
      %add3A_192 = arith.addi %add3A_191, %iota3A : vector<16xi32>
      tpu.vector_store_idx %arg11[%add3A_192], %gather3A_188 : memref<10240xi32, #tpu.memory_space<vmem>>[vector<16xi32>], vector<16xi32>,
      %add3A_193 = arith.constant 5 : i32
      %add3A_194 = vector.broadcast %add3A_193 : i32 to vector<16xi32>
      %add3A_195 = arith.addi %add3A_165, %add3A_194 : vector<16xi32>
      %gather3A_196 = tpu.vector_load_idx %arg12[%add3A_195] : memref<20480xi32, #tpu.memory_space<vmem>>[vector<16xi32>], vector<16xi32>,
      %add3A_197 = vector.broadcast %mul3A_163 : i32 to vector<16xi32>
      %add3A_198 = arith.addi %add3A_197, %add3A_26 : vector<16xi32>
      tpu.vector_store_idx %arg10[%add3A_198], %gather3A_196 : memref<10240xi32, #tpu.memory_space<vmem>>[vector<16xi32>], vector<16xi32>,
      %add3A_199 = arith.constant 4 : i32
      %add3A_200 = vector.broadcast %add3A_199 : i32 to vector<16xi32>
      %add3A_201 = arith.addi %add3A_165, %add3A_200 : vector<16xi32>
      %gather3A_202 = tpu.vector_load_idx %arg12[%add3A_201] : memref<20480xi32, #tpu.memory_space<vmem>>[vector<16xi32>], vector<16xi32>,
      %add3A_203 = arith.constant 32 : i32
      %add3A_204 = arith.addi %mul3A_163, %add3A_203 : i32
      %add3A_205 = vector.broadcast %add3A_204 : i32 to vector<16xi32>
      %add3A_206 = arith.addi %add3A_205, %iota3A : vector<16xi32>
      tpu.vector_store_idx %arg11[%add3A_206], %gather3A_202 : memref<10240xi32, #tpu.memory_space<vmem>>[vector<16xi32>], vector<16xi32>,
      %add3A_207 = arith.constant 7 : i32
      %add3A_208 = vector.broadcast %add3A_207 : i32 to vector<16xi32>
      %add3A_209 = arith.addi %add3A_165, %add3A_208 : vector<16xi32>
      %gather3A_210 = tpu.vector_load_idx %arg12[%add3A_209] : memref<20480xi32, #tpu.memory_space<vmem>>[vector<16xi32>], vector<16xi32>,
      %add3A_211 = vector.broadcast %mul3A_163 : i32 to vector<16xi32>
      %add3A_212 = arith.addi %add3A_211, %add3A_32 : vector<16xi32>
      tpu.vector_store_idx %arg10[%add3A_212], %gather3A_210 : memref<10240xi32, #tpu.memory_space<vmem>>[vector<16xi32>], vector<16xi32>,
      %add3A_213 = arith.constant 6 : i32
      %add3A_214 = vector.broadcast %add3A_213 : i32 to vector<16xi32>
      %add3A_215 = arith.addi %add3A_165, %add3A_214 : vector<16xi32>
      %gather3A_216 = tpu.vector_load_idx %arg12[%add3A_215] : memref<20480xi32, #tpu.memory_space<vmem>>[vector<16xi32>], vector<16xi32>,
      %add3A_217 = arith.constant 48 : i32
      %add3A_218 = arith.addi %mul3A_163, %add3A_217 : i32
      %add3A_219 = vector.broadcast %add3A_218 : i32 to vector<16xi32>
      %add3A_220 = arith.addi %add3A_219, %iota3A : vector<16xi32>
      tpu.vector_store_idx %arg11[%add3A_220], %gather3A_216 : memref<10240xi32, #tpu.memory_space<vmem>>[vector<16xi32>], vector<16xi32>,
      %add3A_221 = arith.constant 9 : i32
      %add3A_222 = vector.broadcast %add3A_221 : i32 to vector<16xi32>
      %add3A_223 = arith.addi %add3A_165, %add3A_222 : vector<16xi32>
      %gather3A_224 = tpu.vector_load_idx %arg12[%add3A_223] : memref<20480xi32, #tpu.memory_space<vmem>>[vector<16xi32>], vector<16xi32>,
      %add3A_225 = vector.broadcast %mul3A_163 : i32 to vector<16xi32>
      %add3A_226 = arith.addi %add3A_225, %add3A_38 : vector<16xi32>
      tpu.vector_store_idx %arg10[%add3A_226], %gather3A_224 : memref<10240xi32, #tpu.memory_space<vmem>>[vector<16xi32>], vector<16xi32>,
      %add3A_227 = arith.constant 8 : i32
      %add3A_228 = vector.broadcast %add3A_227 : i32 to vector<16xi32>
      %add3A_229 = arith.addi %add3A_165, %add3A_228 : vector<16xi32>
      %gather3A_230 = tpu.vector_load_idx %arg12[%add3A_229] : memref<20480xi32, #tpu.memory_space<vmem>>[vector<16xi32>], vector<16xi32>,
      %add3A_231 = arith.constant 64 : i32
      %add3A_232 = arith.addi %mul3A_163, %add3A_231 : i32
      %add3A_233 = vector.broadcast %add3A_232 : i32 to vector<16xi32>
      %add3A_234 = arith.addi %add3A_233, %iota3A : vector<16xi32>
      tpu.vector_store_idx %arg11[%add3A_234], %gather3A_230 : memref<10240xi32, #tpu.memory_space<vmem>>[vector<16xi32>], vector<16xi32>,
      %add3A_235 = arith.constant 11 : i32
      %add3A_236 = vector.broadcast %add3A_235 : i32 to vector<16xi32>
      %add3A_237 = arith.addi %add3A_165, %add3A_236 : vector<16xi32>
      %gather3A_238 = tpu.vector_load_idx %arg12[%add3A_237] : memref<20480xi32, #tpu.memory_space<vmem>>[vector<16xi32>], vector<16xi32>,
      %add3A_239 = vector.broadcast %mul3A_163 : i32 to vector<16xi32>
      %add3A_240 = arith.addi %add3A_239, %add3A_44 : vector<16xi32>
      tpu.vector_store_idx %arg10[%add3A_240], %gather3A_238 : memref<10240xi32, #tpu.memory_space<vmem>>[vector<16xi32>], vector<16xi32>,
      %add3A_241 = arith.constant 10 : i32
      %add3A_242 = vector.broadcast %add3A_241 : i32 to vector<16xi32>
      %add3A_243 = arith.addi %add3A_165, %add3A_242 : vector<16xi32>
      %gather3A_244 = tpu.vector_load_idx %arg12[%add3A_243] : memref<20480xi32, #tpu.memory_space<vmem>>[vector<16xi32>], vector<16xi32>,
      %add3A_245 = arith.constant 80 : i32
      %add3A_246 = arith.addi %mul3A_163, %add3A_245 : i32
      %add3A_247 = vector.broadcast %add3A_246 : i32 to vector<16xi32>
      %add3A_248 = arith.addi %add3A_247, %iota3A : vector<16xi32>
      tpu.vector_store_idx %arg11[%add3A_248], %gather3A_244 : memref<10240xi32, #tpu.memory_space<vmem>>[vector<16xi32>], vector<16xi32>,
      %add3A_249 = arith.constant 13 : i32
      %add3A_250 = vector.broadcast %add3A_249 : i32 to vector<16xi32>
      %add3A_251 = arith.addi %add3A_165, %add3A_250 : vector<16xi32>
      %gather3A_252 = tpu.vector_load_idx %arg12[%add3A_251] : memref<20480xi32, #tpu.memory_space<vmem>>[vector<16xi32>], vector<16xi32>,
      %add3A_253 = vector.broadcast %mul3A_163 : i32 to vector<16xi32>
      %add3A_254 = arith.addi %add3A_253, %add3A_50 : vector<16xi32>
      tpu.vector_store_idx %arg10[%add3A_254], %gather3A_252 : memref<10240xi32, #tpu.memory_space<vmem>>[vector<16xi32>], vector<16xi32>,
      %add3A_255 = arith.constant 12 : i32
      %add3A_256 = vector.broadcast %add3A_255 : i32 to vector<16xi32>
      %add3A_257 = arith.addi %add3A_165, %add3A_256 : vector<16xi32>
      %gather3A_258 = tpu.vector_load_idx %arg12[%add3A_257] : memref<20480xi32, #tpu.memory_space<vmem>>[vector<16xi32>], vector<16xi32>,
      %add3A_259 = arith.constant 96 : i32
      %add3A_260 = arith.addi %mul3A_163, %add3A_259 : i32
      %add3A_261 = vector.broadcast %add3A_260 : i32 to vector<16xi32>
      %add3A_262 = arith.addi %add3A_261, %iota3A : vector<16xi32>
      tpu.vector_store_idx %arg11[%add3A_262], %gather3A_258 : memref<10240xi32, #tpu.memory_space<vmem>>[vector<16xi32>], vector<16xi32>,
      %add3A_263 = arith.constant 15 : i32
      %add3A_264 = vector.broadcast %add3A_263 : i32 to vector<16xi32>
      %add3A_265 = arith.addi %add3A_165, %add3A_264 : vector<16xi32>
      %gather3A_266 = tpu.vector_load_idx %arg12[%add3A_265] : memref<20480xi32, #tpu.memory_space<vmem>>[vector<16xi32>], vector<16xi32>,
      %add3A_267 = vector.broadcast %mul3A_163 : i32 to vector<16xi32>
      %add3A_268 = arith.addi %add3A_267, %add3A_56 : vector<16xi32>
      tpu.vector_store_idx %arg10[%add3A_268], %gather3A_266 : memref<10240xi32, #tpu.memory_space<vmem>>[vector<16xi32>], vector<16xi32>,
      %add3A_269 = arith.constant 14 : i32
      %add3A_270 = vector.broadcast %add3A_269 : i32 to vector<16xi32>
      %add3A_271 = arith.addi %add3A_165, %add3A_270 : vector<16xi32>
      %gather3A_272 = tpu.vector_load_idx %arg12[%add3A_271] : memref<20480xi32, #tpu.memory_space<vmem>>[vector<16xi32>], vector<16xi32>,
      %add3A_273 = arith.constant 112 : i32
      %add3A_274 = arith.addi %mul3A_163, %add3A_273 : i32
      %add3A_275 = vector.broadcast %add3A_274 : i32 to vector<16xi32>
      %add3A_276 = arith.addi %add3A_275, %iota3A : vector<16xi32>
      tpu.vector_store_idx %arg11[%add3A_276], %gather3A_272 : memref<10240xi32, #tpu.memory_space<vmem>>[vector<16xi32>], vector<16xi32>,
      %add3A_277 = arith.constant 17 : i32
      %add3A_278 = vector.broadcast %add3A_277 : i32 to vector<16xi32>
      %add3A_279 = arith.addi %add3A_165, %add3A_278 : vector<16xi32>
      %gather3A_280 = tpu.vector_load_idx %arg12[%add3A_279] : memref<20480xi32, #tpu.memory_space<vmem>>[vector<16xi32>], vector<16xi32>,
      %add3A_281 = vector.broadcast %mul3A_163 : i32 to vector<16xi32>
      %add3A_282 = arith.addi %add3A_281, %add3A_62 : vector<16xi32>
      tpu.vector_store_idx %arg10[%add3A_282], %gather3A_280 : memref<10240xi32, #tpu.memory_space<vmem>>[vector<16xi32>], vector<16xi32>,
      %add3A_283 = arith.constant 16 : i32
      %add3A_284 = vector.broadcast %add3A_283 : i32 to vector<16xi32>
      %add3A_285 = arith.addi %add3A_165, %add3A_284 : vector<16xi32>
      %gather3A_286 = tpu.vector_load_idx %arg12[%add3A_285] : memref<20480xi32, #tpu.memory_space<vmem>>[vector<16xi32>], vector<16xi32>,
      %add3A_287 = arith.constant 128 : i32
      %add3A_288 = arith.addi %mul3A_163, %add3A_287 : i32
      %add3A_289 = vector.broadcast %add3A_288 : i32 to vector<16xi32>
      %add3A_290 = arith.addi %add3A_289, %iota3A : vector<16xi32>
      tpu.vector_store_idx %arg11[%add3A_290], %gather3A_286 : memref<10240xi32, #tpu.memory_space<vmem>>[vector<16xi32>], vector<16xi32>,
      %add3A_291 = arith.constant 19 : i32
      %add3A_292 = vector.broadcast %add3A_291 : i32 to vector<16xi32>
      %add3A_293 = arith.addi %add3A_165, %add3A_292 : vector<16xi32>
      %gather3A_294 = tpu.vector_load_idx %arg12[%add3A_293] : memref<20480xi32, #tpu.memory_space<vmem>>[vector<16xi32>], vector<16xi32>,
      %add3A_295 = vector.broadcast %mul3A_163 : i32 to vector<16xi32>
      %add3A_296 = arith.addi %add3A_295, %add3A_68 : vector<16xi32>
      tpu.vector_store_idx %arg10[%add3A_296], %gather3A_294 : memref<10240xi32, #tpu.memory_space<vmem>>[vector<16xi32>], vector<16xi32>,
      %add3A_297 = arith.constant 18 : i32
      %add3A_298 = vector.broadcast %add3A_297 : i32 to vector<16xi32>
      %add3A_299 = arith.addi %add3A_165, %add3A_298 : vector<16xi32>
      %gather3A_300 = tpu.vector_load_idx %arg12[%add3A_299] : memref<20480xi32, #tpu.memory_space<vmem>>[vector<16xi32>], vector<16xi32>,
      %add3A_301 = arith.constant 144 : i32
      %add3A_302 = arith.addi %mul3A_163, %add3A_301 : i32
      %add3A_303 = vector.broadcast %add3A_302 : i32 to vector<16xi32>
      %add3A_304 = arith.addi %add3A_303, %iota3A : vector<16xi32>
      tpu.vector_store_idx %arg11[%add3A_304], %gather3A_300 : memref<10240xi32, #tpu.memory_space<vmem>>[vector<16xi32>], vector<16xi32>,
    }
    %scan3A_76 = arith.constant 64 : i32
    %dma_start3A = arith.constant 0 : i32
    %dma_start3A_77 = arith.constant 0 : i32
    %dma_start3A_78 = tpu.memref_slice %arg13[%dma_start3A, %dma_start3A_77] : memref<160x128xf32, #tpu.memory_space<vmem>> -> memref<80x128xf32, #tpu.memory_space<vmem>>
    %dma_start3A_79 = arith.constant 0 : i32
    %dma_start3A_80 = tpu.memref_slice %arg10[%dma_start3A_79] : memref<10240xi32, #tpu.memory_space<vmem>> -> memref<80xi32, #tpu.memory_space<vmem>>
    %dma_start3A_81 = arith.constant 0 : i32
    %dma_start3A_82 = arith.constant 0 : i32
    %dma_start3A_83 = tpu.memref_slice %arg4[%dma_start3A_81, %dma_start3A_82] : memref<1000000x128xf32, #tpu.memory_space<hbm>> -> memref<1000000x128xf32, #tpu.memory_space<hbm>>
    tpu.enqueue_indirect_dma source(%dma_start3A_83 : memref<1000000x128xf32, #tpu.memory_space<hbm>>) target(%dma_start3A_78 : memref<80x128xf32, #tpu.memory_space<vmem>>) offsets(%dma_start3A_80 : memref<80xi32, #tpu.memory_space<vmem>>) semaphore(%arg18 : memref<!tpu.dma_semaphore, #tpu.memory_space<semaphore_mem>>)
    %dma_start3A_84 = arith.constant 80 : i32
    %dma_start3A_85 = arith.constant 0 : i32
    %dma_start3A_86 = tpu.memref_slice %arg13[%dma_start3A_84, %dma_start3A_85] : memref<160x128xf32, #tpu.memory_space<vmem>> -> memref<80x128xf32, #tpu.memory_space<vmem>>
    %dma_start3A_87 = arith.constant 80 : i32
    %dma_start3A_88 = tpu.memref_slice %arg10[%dma_start3A_87] : memref<10240xi32, #tpu.memory_space<vmem>> -> memref<80xi32, #tpu.memory_space<vmem>>
    %dma_start3A_89 = arith.constant 0 : i32
    %dma_start3A_90 = arith.constant 0 : i32
    %dma_start3A_91 = tpu.memref_slice %arg4[%dma_start3A_89, %dma_start3A_90] : memref<1000000x128xf32, #tpu.memory_space<hbm>> -> memref<1000000x128xf32, #tpu.memory_space<hbm>>
    tpu.enqueue_indirect_dma source(%dma_start3A_91 : memref<1000000x128xf32, #tpu.memory_space<hbm>>) target(%dma_start3A_86 : memref<80x128xf32, #tpu.memory_space<vmem>>) offsets(%dma_start3A_88 : memref<80xi32, #tpu.memory_space<vmem>>) semaphore(%arg18 : memref<!tpu.dma_semaphore, #tpu.memory_space<semaphore_mem>>)
    %scan3A_92 = arith.constant 0 : i32
    %scan3A_93 = arith.constant 0 : i32
    %scan3A_94 = arith.constant 32 : i32
    %scan3A_95 = arith.addi %scan3A_93, %scan3A_94 : i32
    %scan3A_96 = arith.constant 1 : i32
    scf.for %scan3A_155 = %scan3A_93 to %scan3A_95 step %scan3A_96  : i32 {
      %mul3A_156 = arith.constant 2 : i32
      %mul3A_157 = arith.muli %mul3A_156, %scan3A_155 : i32
      %add3A_158 = arith.constant 1 : i32
      %add3A_159 = arith.addi %mul3A_157, %add3A_158 : i32
      %mul3A_160 = arith.constant 160 : i32
      %mul3A_161 = arith.muli %add3A_159, %mul3A_160 : i32
      %dma_start3A_162 = arith.constant 0 : i32
      %dma_start3A_163 = arith.constant 0 : i32
      %dma_start3A_164 = tpu.memref_slice %arg14[%dma_start3A_162, %dma_start3A_163] : memref<160x128xf32, #tpu.memory_space<vmem>> -> memref<80x128xf32, #tpu.memory_space<vmem>>
      %dma_start3A_165 = tpu.memref_slice %arg10[%mul3A_161] : memref<10240xi32, #tpu.memory_space<vmem>> -> memref<80xi32, #tpu.memory_space<vmem>>
      %dma_start3A_166 = arith.constant 0 : i32
      %dma_start3A_167 = arith.constant 0 : i32
      %dma_start3A_168 = tpu.memref_slice %arg4[%dma_start3A_166, %dma_start3A_167] : memref<1000000x128xf32, #tpu.memory_space<hbm>> -> memref<1000000x128xf32, #tpu.memory_space<hbm>>
      tpu.enqueue_indirect_dma source(%dma_start3A_168 : memref<1000000x128xf32, #tpu.memory_space<hbm>>) target(%dma_start3A_164 : memref<80x128xf32, #tpu.memory_space<vmem>>) offsets(%dma_start3A_165 : memref<80xi32, #tpu.memory_space<vmem>>) semaphore(%arg19 : memref<!tpu.dma_semaphore, #tpu.memory_space<semaphore_mem>>)
      %mul3A_169 = arith.constant 160 : i32
      %mul3A_170 = arith.muli %add3A_159, %mul3A_169 : i32
      %add3A_171 = arith.constant 80 : i32
      %add3A_172 = arith.addi %mul3A_170, %add3A_171 : i32
      %dma_start3A_173 = arith.constant 80 : i32
      %dma_start3A_174 = arith.constant 0 : i32
      %dma_start3A_175 = tpu.memref_slice %arg14[%dma_start3A_173, %dma_start3A_174] : memref<160x128xf32, #tpu.memory_space<vmem>> -> memref<80x128xf32, #tpu.memory_space<vmem>>
      %dma_start3A_176 = tpu.memref_slice %arg10[%add3A_172] : memref<10240xi32, #tpu.memory_space<vmem>> -> memref<80xi32, #tpu.memory_space<vmem>>
      %dma_start3A_177 = arith.constant 0 : i32
      %dma_start3A_178 = arith.constant 0 : i32
      %dma_start3A_179 = tpu.memref_slice %arg4[%dma_start3A_177, %dma_start3A_178] : memref<1000000x128xf32, #tpu.memory_space<hbm>> -> memref<1000000x128xf32, #tpu.memory_space<hbm>>
      tpu.enqueue_indirect_dma source(%dma_start3A_179 : memref<1000000x128xf32, #tpu.memory_space<hbm>>) target(%dma_start3A_175 : memref<80x128xf32, #tpu.memory_space<vmem>>) offsets(%dma_start3A_176 : memref<80xi32, #tpu.memory_space<vmem>>) semaphore(%arg19 : memref<!tpu.dma_semaphore, #tpu.memory_space<semaphore_mem>>)
      %dma_wait3A_180 = arith.constant 0 : i32
      %dma_wait3A_181 = arith.constant 0 : i32
      %dma_wait3A_182 = tpu.memref_slice %arg4[%dma_wait3A_180, %dma_wait3A_181] : memref<1000000x128xf32, #tpu.memory_space<hbm>> -> memref<160x128xf32, #tpu.memory_space<hbm>>
      %dma_wait3A_183 = arith.constant 0 : i32
      %dma_wait3A_184 = arith.constant 0 : i32
      %dma_wait3A_185 = tpu.memref_slice %arg4[%dma_wait3A_183, %dma_wait3A_184] : memref<1000000x128xf32, #tpu.memory_space<hbm>> -> memref<160x128xf32, #tpu.memory_space<hbm>>
      tpu.wait_dma2 semaphore(%arg18 : memref<!tpu.dma_semaphore, #tpu.memory_space<semaphore_mem>>) src(%dma_wait3A_185 : memref<160x128xf32, #tpu.memory_space<hbm>>) dst(%arg13 : memref<160x128xf32, #tpu.memory_space<vmem>>)
      %gt3A = arith.constant 0 : i32
      %gt3A_186 = arith.cmpi sgt, %scan3A_155, %gt3A : i32
      %convert_element_type3A = arith.extui %gt3A_186 : i1 to i32
      %cond3A = arith.constant 0 : i32
      %cond3A_187 = arith.cmpi ne, %convert_element_type3A, %cond3A : i32
      scf.if %cond3A_187 {
        %dma_wait3A_416 = arith.constant 0 : i32
        %dma_wait3A_417 = arith.constant 0 : i32
        %dma_wait3A_418 = tpu.memref_slice %arg7[%dma_wait3A_416, %dma_wait3A_417] : memref<32768x128xf32, #tpu.memory_space<hbm>> -> memref<16x128xf32, #tpu.memory_space<hbm>>
        %dma_wait3A_419 = arith.constant 0 : i32
        %dma_wait3A_420 = arith.constant 0 : i32
        %dma_wait3A_421 = tpu.memref_slice %arg7[%dma_wait3A_419, %dma_wait3A_420] : memref<32768x128xf32, #tpu.memory_space<hbm>> -> memref<16x128xf32, #tpu.memory_space<hbm>>
        tpu.wait_dma2 semaphore(%arg20 : memref<!tpu.dma_semaphore, #tpu.memory_space<semaphore_mem>>) src(%dma_wait3A_421 : memref<16x128xf32, #tpu.memory_space<hbm>>) dst(%arg15 : memref<16x128xf32, #tpu.memory_space<vmem>>)
      } else {
      }
      %mul3A_188 = arith.constant 160 : i32
      %mul3A_189 = arith.muli %mul3A_157, %mul3A_188 : i32
      %add3A_190 = arith.constant 0 : i32
      %add3A_191 = arith.addi %mul3A_189, %add3A_190 : i32
      %get3A = arith.index_cast %add3A_191 : i32 to index
      %get3A_192 = tpu.vector_load %arg11[%get3A] {strides = array<i32>} : memref<10240xi32, #tpu.memory_space<vmem>>, vector<16xi32>,
      %mul3A_193 = arith.constant 64 : i32
      %mul3A_194 = vector.broadcast %mul3A_193 : i32 to vector<16xi32>
      %mul3A_195 = arith.muli %get3A_192, %mul3A_194 : vector<16xi32>
      %mul3A_196 = arith.constant 160 : i32
      %mul3A_197 = arith.muli %mul3A_157, %mul3A_196 : i32
      %add3A_198 = arith.constant 16 : i32
      %add3A_199 = arith.addi %mul3A_197, %add3A_198 : i32
      %get3A_200 = arith.index_cast %add3A_199 : i32 to index
      %get3A_201 = tpu.vector_load %arg11[%get3A_200] {strides = array<i32>} : memref<10240xi32, #tpu.memory_space<vmem>>, vector<16xi32>,
      %mul3A_202 = arith.constant 64 : i32
      %mul3A_203 = vector.broadcast %mul3A_202 : i32 to vector<16xi32>
      %mul3A_204 = arith.muli %get3A_201, %mul3A_203 : vector<16xi32>
      %mul3A_205 = arith.constant 160 : i32
      %mul3A_206 = arith.muli %mul3A_157, %mul3A_205 : i32
      %add3A_207 = arith.constant 32 : i32
      %add3A_208 = arith.addi %mul3A_206, %add3A_207 : i32
      %get3A_209 = arith.index_cast %add3A_208 : i32 to index
      %get3A_210 = tpu.vector_load %arg11[%get3A_209] {strides = array<i32>} : memref<10240xi32, #tpu.memory_space<vmem>>, vector<16xi32>,
      %mul3A_211 = arith.constant 64 : i32
      %mul3A_212 = vector.broadcast %mul3A_211 : i32 to vector<16xi32>
      %mul3A_213 = arith.muli %get3A_210, %mul3A_212 : vector<16xi32>
      %mul3A_214 = arith.constant 160 : i32
      %mul3A_215 = arith.muli %mul3A_157, %mul3A_214 : i32
      %add3A_216 = arith.constant 48 : i32
      %add3A_217 = arith.addi %mul3A_215, %add3A_216 : i32
      %get3A_218 = arith.index_cast %add3A_217 : i32 to index
      %get3A_219 = tpu.vector_load %arg11[%get3A_218] {strides = array<i32>} : memref<10240xi32, #tpu.memory_space<vmem>>, vector<16xi32>,
      %mul3A_220 = arith.constant 64 : i32
      %mul3A_221 = vector.broadcast %mul3A_220 : i32 to vector<16xi32>
      %mul3A_222 = arith.muli %get3A_219, %mul3A_221 : vector<16xi32>
      %mul3A_223 = arith.constant 160 : i32
      %mul3A_224 = arith.muli %mul3A_157, %mul3A_223 : i32
      %add3A_225 = arith.constant 64 : i32
      %add3A_226 = arith.addi %mul3A_224, %add3A_225 : i32
      %get3A_227 = arith.index_cast %add3A_226 : i32 to index
      %get3A_228 = tpu.vector_load %arg11[%get3A_227] {strides = array<i32>} : memref<10240xi32, #tpu.memory_space<vmem>>, vector<16xi32>,
      %mul3A_229 = arith.constant 64 : i32
      %mul3A_230 = vector.broadcast %mul3A_229 : i32 to vector<16xi32>
      %mul3A_231 = arith.muli %get3A_228, %mul3A_230 : vector<16xi32>
      %mul3A_232 = arith.constant 160 : i32
      %mul3A_233 = arith.muli %mul3A_157, %mul3A_232 : i32
      %add3A_234 = arith.constant 80 : i32
      %add3A_235 = arith.addi %mul3A_233, %add3A_234 : i32
      %get3A_236 = arith.index_cast %add3A_235 : i32 to index
      %get3A_237 = tpu.vector_load %arg11[%get3A_236] {strides = array<i32>} : memref<10240xi32, #tpu.memory_space<vmem>>, vector<16xi32>,
      %mul3A_238 = arith.constant 64 : i32
      %mul3A_239 = vector.broadcast %mul3A_238 : i32 to vector<16xi32>
      %mul3A_240 = arith.muli %get3A_237, %mul3A_239 : vector<16xi32>
      %mul3A_241 = arith.constant 160 : i32
      %mul3A_242 = arith.muli %mul3A_157, %mul3A_241 : i32
      %add3A_243 = arith.constant 96 : i32
      %add3A_244 = arith.addi %mul3A_242, %add3A_243 : i32
      %get3A_245 = arith.index_cast %add3A_244 : i32 to index
      %get3A_246 = tpu.vector_load %arg11[%get3A_245] {strides = array<i32>} : memref<10240xi32, #tpu.memory_space<vmem>>, vector<16xi32>,
      %mul3A_247 = arith.constant 64 : i32
      %mul3A_248 = vector.broadcast %mul3A_247 : i32 to vector<16xi32>
      %mul3A_249 = arith.muli %get3A_246, %mul3A_248 : vector<16xi32>
      %mul3A_250 = arith.constant 160 : i32
      %mul3A_251 = arith.muli %mul3A_157, %mul3A_250 : i32
      %add3A_252 = arith.constant 112 : i32
      %add3A_253 = arith.addi %mul3A_251, %add3A_252 : i32
      %get3A_254 = arith.index_cast %add3A_253 : i32 to index
      %get3A_255 = tpu.vector_load %arg11[%get3A_254] {strides = array<i32>} : memref<10240xi32, #tpu.memory_space<vmem>>, vector<16xi32>,
      %mul3A_256 = arith.constant 64 : i32
      %mul3A_257 = vector.broadcast %mul3A_256 : i32 to vector<16xi32>
      %mul3A_258 = arith.muli %get3A_255, %mul3A_257 : vector<16xi32>
      %mul3A_259 = arith.constant 160 : i32
      %mul3A_260 = arith.muli %mul3A_157, %mul3A_259 : i32
      %add3A_261 = arith.constant 128 : i32
      %add3A_262 = arith.addi %mul3A_260, %add3A_261 : i32
      %get3A_263 = arith.index_cast %add3A_262 : i32 to index
      %get3A_264 = tpu.vector_load %arg11[%get3A_263] {strides = array<i32>} : memref<10240xi32, #tpu.memory_space<vmem>>, vector<16xi32>,
      %mul3A_265 = arith.constant 64 : i32
      %mul3A_266 = vector.broadcast %mul3A_265 : i32 to vector<16xi32>
      %mul3A_267 = arith.muli %get3A_264, %mul3A_266 : vector<16xi32>
      %mul3A_268 = arith.constant 160 : i32
      %mul3A_269 = arith.muli %mul3A_157, %mul3A_268 : i32
      %add3A_270 = arith.constant 144 : i32
      %add3A_271 = arith.addi %mul3A_269, %add3A_270 : i32
      %get3A_272 = arith.index_cast %add3A_271 : i32 to index
      %get3A_273 = tpu.vector_load %arg11[%get3A_272] {strides = array<i32>} : memref<10240xi32, #tpu.memory_space<vmem>>, vector<16xi32>,
      %mul3A_274 = arith.constant 64 : i32
      %mul3A_275 = vector.broadcast %mul3A_274 : i32 to vector<16xi32>
      %mul3A_276 = arith.muli %get3A_273, %mul3A_275 : vector<16xi32>
      %scan3A_277 = arith.constant 0 : i32
      %scan3A_278 = arith.constant 0 : i32
      %scan3A_279 = arith.constant 64 : i32
      %scan3A_280 = arith.addi %scan3A_278, %scan3A_279 : i32
      %scan3A_281 = arith.constant 4 : i32
      scf.for %scan3A_416 = %scan3A_278 to %scan3A_280 step %scan3A_281  : i32 {
        %and3A = arith.constant 15 : i32
        %and3A_417 = arith.andi %scan3A_416, %and3A : i32
        %add3A_418 = vector.broadcast %and3A_417 : i32 to vector<16xi32>
        %add3A_419 = arith.addi %add3A_418, %iota3A : vector<16xi32>
        %and3A_420 = arith.constant 15 : i32
        %and3A_421 = vector.broadcast %and3A_420 : i32 to vector<16xi32>
        %and3A_422 = arith.andi %add3A_419, %and3A_421 : vector<16xi32>
        %sub3A = arith.subi %scan3A_416, %and3A_417 : i32
        %add3A_423 = vector.broadcast %sub3A : i32 to vector<16xi32>
        %add3A_424 = arith.addi %add3A_423, %and3A_422 : vector<16xi32>
        %add3A_425 = arith.constant 64 : i32
        %add3A_426 = vector.broadcast %add3A_425 : i32 to vector<16xi32>
        %add3A_427 = arith.addi %add3A_424, %add3A_426 : vector<16xi32>
        %broadcast_in_dim3A = arith.constant 0.000000e+00 : f32
        %broadcast_in_dim3A_428 = vector.broadcast %broadcast_in_dim3A : f32 to vector<16xf32>
        %broadcast_in_dim3A_429 = arith.constant 0.000000e+00 : f32
        %broadcast_in_dim3A_430 = vector.broadcast %broadcast_in_dim3A_429 : f32 to vector<16xf32>
        %gather3A = tpu.vector_load_idx %arg13[%add3A_14, %add3A_424] : memref<160x128xf32, #tpu.memory_space<vmem>>[vector<16xi32>, vector<16xi32>], vector<16xf32>,
        %gather3A_431 = tpu.vector_load_idx %arg13[%add3A_14, %add3A_427] : memref<160x128xf32, #tpu.memory_space<vmem>>[vector<16xi32>, vector<16xi32>], vector<16xf32>,
        %add3A_432 = arith.addi %mul3A_195, %add3A_424 : vector<16xi32>
        %gather3A_433 = tpu.vector_load_idx %arg9[%add3A_432] : memref<32064xi32, #tpu.memory_space<vmem>>[vector<16xi32>], vector<16xi32>,
        %bitcast3A = vector.bitcast %gather3A_433 : vector<16xi32> to vector<32xbf16>
        %unpack3A = tpu.unpack_subelements %bitcast3A, 0 {pack_format = #tpu.pack_format<interleaved>} : vector<32xbf16> -> vector<16xf32>
        %unpack3A_434 = tpu.unpack_subelements %bitcast3A, 1 {pack_format = #tpu.pack_format<interleaved>} : vector<32xbf16> -> vector<16xf32>
        %mul3A_435 = arith.mulf %gather3A, %unpack3A : vector<16xf32>
        %mul3A_436 = arith.mulf %gather3A_431, %unpack3A_434 : vector<16xf32>
        %sub3A_437 = arith.subf %mul3A_435, %mul3A_436 : vector<16xf32>
        %add3A_438 = arith.addf %broadcast_in_dim3A_428, %sub3A_437 : vector<16xf32>
        %mul3A_439 = arith.mulf %gather3A, %unpack3A_434 : vector<16xf32>
        %mul3A_440 = arith.mulf %gather3A_431, %unpack3A : vector<16xf32>
        %add3A_441 = arith.addf %mul3A_439, %mul3A_440 : vector<16xf32>
        %add3A_442 = arith.addf %broadcast_in_dim3A_430, %add3A_441 : vector<16xf32>
        %gather3A_443 = tpu.vector_load_idx %arg13[%add3A_20, %add3A_424] : memref<160x128xf32, #tpu.memory_space<vmem>>[vector<16xi32>, vector<16xi32>], vector<16xf32>,
        %gather3A_444 = tpu.vector_load_idx %arg13[%add3A_20, %add3A_427] : memref<160x128xf32, #tpu.memory_space<vmem>>[vector<16xi32>, vector<16xi32>], vector<16xf32>,
        %add3A_445 = arith.addi %mul3A_204, %add3A_424 : vector<16xi32>
        %gather3A_446 = tpu.vector_load_idx %arg9[%add3A_445] : memref<32064xi32, #tpu.memory_space<vmem>>[vector<16xi32>], vector<16xi32>,
        %bitcast3A_447 = vector.bitcast %gather3A_446 : vector<16xi32> to vector<32xbf16>
        %unpack3A_448 = tpu.unpack_subelements %bitcast3A_447, 0 {pack_format = #tpu.pack_format<interleaved>} : vector<32xbf16> -> vector<16xf32>
        %unpack3A_449 = tpu.unpack_subelements %bitcast3A_447, 1 {pack_format = #tpu.pack_format<interleaved>} : vector<32xbf16> -> vector<16xf32>
        %mul3A_450 = arith.mulf %gather3A_443, %unpack3A_448 : vector<16xf32>
        %mul3A_451 = arith.mulf %gather3A_444, %unpack3A_449 : vector<16xf32>
        %sub3A_452 = arith.subf %mul3A_450, %mul3A_451 : vector<16xf32>
        %add3A_453 = arith.addf %add3A_438, %sub3A_452 : vector<16xf32>
        %mul3A_454 = arith.mulf %gather3A_443, %unpack3A_449 : vector<16xf32>
        %mul3A_455 = arith.mulf %gather3A_444, %unpack3A_448 : vector<16xf32>
        %add3A_456 = arith.addf %mul3A_454, %mul3A_455 : vector<16xf32>
        %add3A_457 = arith.addf %add3A_442, %add3A_456 : vector<16xf32>
        %gather3A_458 = tpu.vector_load_idx %arg13[%add3A_26, %add3A_424] : memref<160x128xf32, #tpu.memory_space<vmem>>[vector<16xi32>, vector<16xi32>], vector<16xf32>,
        %gather3A_459 = tpu.vector_load_idx %arg13[%add3A_26, %add3A_427] : memref<160x128xf32, #tpu.memory_space<vmem>>[vector<16xi32>, vector<16xi32>], vector<16xf32>,
        %add3A_460 = arith.addi %mul3A_213, %add3A_424 : vector<16xi32>
        %gather3A_461 = tpu.vector_load_idx %arg9[%add3A_460] : memref<32064xi32, #tpu.memory_space<vmem>>[vector<16xi32>], vector<16xi32>,
        %bitcast3A_462 = vector.bitcast %gather3A_461 : vector<16xi32> to vector<32xbf16>
        %unpack3A_463 = tpu.unpack_subelements %bitcast3A_462, 0 {pack_format = #tpu.pack_format<interleaved>} : vector<32xbf16> -> vector<16xf32>
        %unpack3A_464 = tpu.unpack_subelements %bitcast3A_462, 1 {pack_format = #tpu.pack_format<interleaved>} : vector<32xbf16> -> vector<16xf32>
        %mul3A_465 = arith.mulf %gather3A_458, %unpack3A_463 : vector<16xf32>
        %mul3A_466 = arith.mulf %gather3A_459, %unpack3A_464 : vector<16xf32>
        %sub3A_467 = arith.subf %mul3A_465, %mul3A_466 : vector<16xf32>
        %add3A_468 = arith.addf %add3A_453, %sub3A_467 : vector<16xf32>
        %mul3A_469 = arith.mulf %gather3A_458, %unpack3A_464 : vector<16xf32>
        %mul3A_470 = arith.mulf %gather3A_459, %unpack3A_463 : vector<16xf32>
        %add3A_471 = arith.addf %mul3A_469, %mul3A_470 : vector<16xf32>
        %add3A_472 = arith.addf %add3A_457, %add3A_471 : vector<16xf32>
        %gather3A_473 = tpu.vector_load_idx %arg13[%add3A_32, %add3A_424] : memref<160x128xf32, #tpu.memory_space<vmem>>[vector<16xi32>, vector<16xi32>], vector<16xf32>,
        %gather3A_474 = tpu.vector_load_idx %arg13[%add3A_32, %add3A_427] : memref<160x128xf32, #tpu.memory_space<vmem>>[vector<16xi32>, vector<16xi32>], vector<16xf32>,
        %add3A_475 = arith.addi %mul3A_222, %add3A_424 : vector<16xi32>
        %gather3A_476 = tpu.vector_load_idx %arg9[%add3A_475] : memref<32064xi32, #tpu.memory_space<vmem>>[vector<16xi32>], vector<16xi32>,
        %bitcast3A_477 = vector.bitcast %gather3A_476 : vector<16xi32> to vector<32xbf16>
        %unpack3A_478 = tpu.unpack_subelements %bitcast3A_477, 0 {pack_format = #tpu.pack_format<interleaved>} : vector<32xbf16> -> vector<16xf32>
        %unpack3A_479 = tpu.unpack_subelements %bitcast3A_477, 1 {pack_format = #tpu.pack_format<interleaved>} : vector<32xbf16> -> vector<16xf32>
        %mul3A_480 = arith.mulf %gather3A_473, %unpack3A_478 : vector<16xf32>
        %mul3A_481 = arith.mulf %gather3A_474, %unpack3A_479 : vector<16xf32>
        %sub3A_482 = arith.subf %mul3A_480, %mul3A_481 : vector<16xf32>
        %add3A_483 = arith.addf %add3A_468, %sub3A_482 : vector<16xf32>
        %mul3A_484 = arith.mulf %gather3A_473, %unpack3A_479 : vector<16xf32>
        %mul3A_485 = arith.mulf %gather3A_474, %unpack3A_478 : vector<16xf32>
        %add3A_486 = arith.addf %mul3A_484, %mul3A_485 : vector<16xf32>
        %add3A_487 = arith.addf %add3A_472, %add3A_486 : vector<16xf32>
        %gather3A_488 = tpu.vector_load_idx %arg13[%add3A_38, %add3A_424] : memref<160x128xf32, #tpu.memory_space<vmem>>[vector<16xi32>, vector<16xi32>], vector<16xf32>,
        %gather3A_489 = tpu.vector_load_idx %arg13[%add3A_38, %add3A_427] : memref<160x128xf32, #tpu.memory_space<vmem>>[vector<16xi32>, vector<16xi32>], vector<16xf32>,
        %add3A_490 = arith.addi %mul3A_231, %add3A_424 : vector<16xi32>
        %gather3A_491 = tpu.vector_load_idx %arg9[%add3A_490] : memref<32064xi32, #tpu.memory_space<vmem>>[vector<16xi32>], vector<16xi32>,
        %bitcast3A_492 = vector.bitcast %gather3A_491 : vector<16xi32> to vector<32xbf16>
        %unpack3A_493 = tpu.unpack_subelements %bitcast3A_492, 0 {pack_format = #tpu.pack_format<interleaved>} : vector<32xbf16> -> vector<16xf32>
        %unpack3A_494 = tpu.unpack_subelements %bitcast3A_492, 1 {pack_format = #tpu.pack_format<interleaved>} : vector<32xbf16> -> vector<16xf32>
        %mul3A_495 = arith.mulf %gather3A_488, %unpack3A_493 : vector<16xf32>
        %mul3A_496 = arith.mulf %gather3A_489, %unpack3A_494 : vector<16xf32>
        %sub3A_497 = arith.subf %mul3A_495, %mul3A_496 : vector<16xf32>
        %add3A_498 = arith.addf %add3A_483, %sub3A_497 : vector<16xf32>
        %mul3A_499 = arith.mulf %gather3A_488, %unpack3A_494 : vector<16xf32>
        %mul3A_500 = arith.mulf %gather3A_489, %unpack3A_493 : vector<16xf32>
        %add3A_501 = arith.addf %mul3A_499, %mul3A_500 : vector<16xf32>
        %add3A_502 = arith.addf %add3A_487, %add3A_501 : vector<16xf32>
        %gather3A_503 = tpu.vector_load_idx %arg13[%add3A_44, %add3A_424] : memref<160x128xf32, #tpu.memory_space<vmem>>[vector<16xi32>, vector<16xi32>], vector<16xf32>,
        %gather3A_504 = tpu.vector_load_idx %arg13[%add3A_44, %add3A_427] : memref<160x128xf32, #tpu.memory_space<vmem>>[vector<16xi32>, vector<16xi32>], vector<16xf32>,
        %add3A_505 = arith.addi %mul3A_240, %add3A_424 : vector<16xi32>
        %gather3A_506 = tpu.vector_load_idx %arg9[%add3A_505] : memref<32064xi32, #tpu.memory_space<vmem>>[vector<16xi32>], vector<16xi32>,
        %bitcast3A_507 = vector.bitcast %gather3A_506 : vector<16xi32> to vector<32xbf16>
        %unpack3A_508 = tpu.unpack_subelements %bitcast3A_507, 0 {pack_format = #tpu.pack_format<interleaved>} : vector<32xbf16> -> vector<16xf32>
        %unpack3A_509 = tpu.unpack_subelements %bitcast3A_507, 1 {pack_format = #tpu.pack_format<interleaved>} : vector<32xbf16> -> vector<16xf32>
        %mul3A_510 = arith.mulf %gather3A_503, %unpack3A_508 : vector<16xf32>
        %mul3A_511 = arith.mulf %gather3A_504, %unpack3A_509 : vector<16xf32>
        %sub3A_512 = arith.subf %mul3A_510, %mul3A_511 : vector<16xf32>
        %add3A_513 = arith.addf %add3A_498, %sub3A_512 : vector<16xf32>
        %mul3A_514 = arith.mulf %gather3A_503, %unpack3A_509 : vector<16xf32>
        %mul3A_515 = arith.mulf %gather3A_504, %unpack3A_508 : vector<16xf32>
        %add3A_516 = arith.addf %mul3A_514, %mul3A_515 : vector<16xf32>
        %add3A_517 = arith.addf %add3A_502, %add3A_516 : vector<16xf32>
        %gather3A_518 = tpu.vector_load_idx %arg13[%add3A_50, %add3A_424] : memref<160x128xf32, #tpu.memory_space<vmem>>[vector<16xi32>, vector<16xi32>], vector<16xf32>,
        %gather3A_519 = tpu.vector_load_idx %arg13[%add3A_50, %add3A_427] : memref<160x128xf32, #tpu.memory_space<vmem>>[vector<16xi32>, vector<16xi32>], vector<16xf32>,
        %add3A_520 = arith.addi %mul3A_249, %add3A_424 : vector<16xi32>
        %gather3A_521 = tpu.vector_load_idx %arg9[%add3A_520] : memref<32064xi32, #tpu.memory_space<vmem>>[vector<16xi32>], vector<16xi32>,
        %bitcast3A_522 = vector.bitcast %gather3A_521 : vector<16xi32> to vector<32xbf16>
        %unpack3A_523 = tpu.unpack_subelements %bitcast3A_522, 0 {pack_format = #tpu.pack_format<interleaved>} : vector<32xbf16> -> vector<16xf32>
        %unpack3A_524 = tpu.unpack_subelements %bitcast3A_522, 1 {pack_format = #tpu.pack_format<interleaved>} : vector<32xbf16> -> vector<16xf32>
        %mul3A_525 = arith.mulf %gather3A_518, %unpack3A_523 : vector<16xf32>
        %mul3A_526 = arith.mulf %gather3A_519, %unpack3A_524 : vector<16xf32>
        %sub3A_527 = arith.subf %mul3A_525, %mul3A_526 : vector<16xf32>
        %add3A_528 = arith.addf %add3A_513, %sub3A_527 : vector<16xf32>
        %mul3A_529 = arith.mulf %gather3A_518, %unpack3A_524 : vector<16xf32>
        %mul3A_530 = arith.mulf %gather3A_519, %unpack3A_523 : vector<16xf32>
        %add3A_531 = arith.addf %mul3A_529, %mul3A_530 : vector<16xf32>
        %add3A_532 = arith.addf %add3A_517, %add3A_531 : vector<16xf32>
        %gather3A_533 = tpu.vector_load_idx %arg13[%add3A_56, %add3A_424] : memref<160x128xf32, #tpu.memory_space<vmem>>[vector<16xi32>, vector<16xi32>], vector<16xf32>,
        %gather3A_534 = tpu.vector_load_idx %arg13[%add3A_56, %add3A_427] : memref<160x128xf32, #tpu.memory_space<vmem>>[vector<16xi32>, vector<16xi32>], vector<16xf32>,
        %add3A_535 = arith.addi %mul3A_258, %add3A_424 : vector<16xi32>
        %gather3A_536 = tpu.vector_load_idx %arg9[%add3A_535] : memref<32064xi32, #tpu.memory_space<vmem>>[vector<16xi32>], vector<16xi32>,
        %bitcast3A_537 = vector.bitcast %gather3A_536 : vector<16xi32> to vector<32xbf16>
        %unpack3A_538 = tpu.unpack_subelements %bitcast3A_537, 0 {pack_format = #tpu.pack_format<interleaved>} : vector<32xbf16> -> vector<16xf32>
        %unpack3A_539 = tpu.unpack_subelements %bitcast3A_537, 1 {pack_format = #tpu.pack_format<interleaved>} : vector<32xbf16> -> vector<16xf32>
        %mul3A_540 = arith.mulf %gather3A_533, %unpack3A_538 : vector<16xf32>
        %mul3A_541 = arith.mulf %gather3A_534, %unpack3A_539 : vector<16xf32>
        %sub3A_542 = arith.subf %mul3A_540, %mul3A_541 : vector<16xf32>
        %add3A_543 = arith.addf %add3A_528, %sub3A_542 : vector<16xf32>
        %mul3A_544 = arith.mulf %gather3A_533, %unpack3A_539 : vector<16xf32>
        %mul3A_545 = arith.mulf %gather3A_534, %unpack3A_538 : vector<16xf32>
        %add3A_546 = arith.addf %mul3A_544, %mul3A_545 : vector<16xf32>
        %add3A_547 = arith.addf %add3A_532, %add3A_546 : vector<16xf32>
        %gather3A_548 = tpu.vector_load_idx %arg13[%add3A_62, %add3A_424] : memref<160x128xf32, #tpu.memory_space<vmem>>[vector<16xi32>, vector<16xi32>], vector<16xf32>,
        %gather3A_549 = tpu.vector_load_idx %arg13[%add3A_62, %add3A_427] : memref<160x128xf32, #tpu.memory_space<vmem>>[vector<16xi32>, vector<16xi32>], vector<16xf32>,
        %add3A_550 = arith.addi %mul3A_267, %add3A_424 : vector<16xi32>
        %gather3A_551 = tpu.vector_load_idx %arg9[%add3A_550] : memref<32064xi32, #tpu.memory_space<vmem>>[vector<16xi32>], vector<16xi32>,
        %bitcast3A_552 = vector.bitcast %gather3A_551 : vector<16xi32> to vector<32xbf16>
        %unpack3A_553 = tpu.unpack_subelements %bitcast3A_552, 0 {pack_format = #tpu.pack_format<interleaved>} : vector<32xbf16> -> vector<16xf32>
        %unpack3A_554 = tpu.unpack_subelements %bitcast3A_552, 1 {pack_format = #tpu.pack_format<interleaved>} : vector<32xbf16> -> vector<16xf32>
        %mul3A_555 = arith.mulf %gather3A_548, %unpack3A_553 : vector<16xf32>
        %mul3A_556 = arith.mulf %gather3A_549, %unpack3A_554 : vector<16xf32>
        %sub3A_557 = arith.subf %mul3A_555, %mul3A_556 : vector<16xf32>
        %add3A_558 = arith.addf %add3A_543, %sub3A_557 : vector<16xf32>
        %mul3A_559 = arith.mulf %gather3A_548, %unpack3A_554 : vector<16xf32>
        %mul3A_560 = arith.mulf %gather3A_549, %unpack3A_553 : vector<16xf32>
        %add3A_561 = arith.addf %mul3A_559, %mul3A_560 : vector<16xf32>
        %add3A_562 = arith.addf %add3A_547, %add3A_561 : vector<16xf32>
        %gather3A_563 = tpu.vector_load_idx %arg13[%add3A_68, %add3A_424] : memref<160x128xf32, #tpu.memory_space<vmem>>[vector<16xi32>, vector<16xi32>], vector<16xf32>,
        %gather3A_564 = tpu.vector_load_idx %arg13[%add3A_68, %add3A_427] : memref<160x128xf32, #tpu.memory_space<vmem>>[vector<16xi32>, vector<16xi32>], vector<16xf32>,
        %add3A_565 = arith.addi %mul3A_276, %add3A_424 : vector<16xi32>
        %gather3A_566 = tpu.vector_load_idx %arg9[%add3A_565] : memref<32064xi32, #tpu.memory_space<vmem>>[vector<16xi32>], vector<16xi32>,
        %bitcast3A_567 = vector.bitcast %gather3A_566 : vector<16xi32> to vector<32xbf16>
        %unpack3A_568 = tpu.unpack_subelements %bitcast3A_567, 0 {pack_format = #tpu.pack_format<interleaved>} : vector<32xbf16> -> vector<16xf32>
        %unpack3A_569 = tpu.unpack_subelements %bitcast3A_567, 1 {pack_format = #tpu.pack_format<interleaved>} : vector<32xbf16> -> vector<16xf32>
        %mul3A_570 = arith.mulf %gather3A_563, %unpack3A_568 : vector<16xf32>
        %mul3A_571 = arith.mulf %gather3A_564, %unpack3A_569 : vector<16xf32>
        %sub3A_572 = arith.subf %mul3A_570, %mul3A_571 : vector<16xf32>
        %add3A_573 = arith.addf %add3A_558, %sub3A_572 : vector<16xf32>
        %mul3A_574 = arith.mulf %gather3A_563, %unpack3A_569 : vector<16xf32>
        %mul3A_575 = arith.mulf %gather3A_564, %unpack3A_568 : vector<16xf32>
        %add3A_576 = arith.addf %mul3A_574, %mul3A_575 : vector<16xf32>
        %add3A_577 = arith.addf %add3A_562, %add3A_576 : vector<16xf32>
        tpu.vector_store_idx %arg15[%iota3A, %add3A_424], %add3A_573 : memref<16x128xf32, #tpu.memory_space<vmem>>[vector<16xi32>, vector<16xi32>], vector<16xf32>,
        tpu.vector_store_idx %arg15[%iota3A, %add3A_427], %add3A_577 : memref<16x128xf32, #tpu.memory_space<vmem>>[vector<16xi32>, vector<16xi32>], vector<16xf32>,
        %scan3A_578 = arith.constant 1 : i32
        %scan3A_579 = arith.addi %scan3A_416, %scan3A_578 : i32
        %and3A_580 = arith.constant 15 : i32
        %and3A_581 = arith.andi %scan3A_579, %and3A_580 : i32
        %add3A_582 = vector.broadcast %and3A_581 : i32 to vector<16xi32>
        %add3A_583 = arith.addi %add3A_582, %iota3A : vector<16xi32>
        %and3A_584 = arith.constant 15 : i32
        %and3A_585 = vector.broadcast %and3A_584 : i32 to vector<16xi32>
        %and3A_586 = arith.andi %add3A_583, %and3A_585 : vector<16xi32>
        %sub3A_587 = arith.subi %scan3A_579, %and3A_581 : i32
        %add3A_588 = vector.broadcast %sub3A_587 : i32 to vector<16xi32>
        %add3A_589 = arith.addi %add3A_588, %and3A_586 : vector<16xi32>
        %add3A_590 = arith.constant 64 : i32
        %add3A_591 = vector.broadcast %add3A_590 : i32 to vector<16xi32>
        %add3A_592 = arith.addi %add3A_589, %add3A_591 : vector<16xi32>
        %broadcast_in_dim3A_593 = arith.constant 0.000000e+00 : f32
        %broadcast_in_dim3A_594 = vector.broadcast %broadcast_in_dim3A_593 : f32 to vector<16xf32>
        %broadcast_in_dim3A_595 = arith.constant 0.000000e+00 : f32
        %broadcast_in_dim3A_596 = vector.broadcast %broadcast_in_dim3A_595 : f32 to vector<16xf32>
        %gather3A_597 = tpu.vector_load_idx %arg13[%add3A_14, %add3A_589] : memref<160x128xf32, #tpu.memory_space<vmem>>[vector<16xi32>, vector<16xi32>], vector<16xf32>,
        %gather3A_598 = tpu.vector_load_idx %arg13[%add3A_14, %add3A_592] : memref<160x128xf32, #tpu.memory_space<vmem>>[vector<16xi32>, vector<16xi32>], vector<16xf32>,
        %add3A_599 = arith.addi %mul3A_195, %add3A_589 : vector<16xi32>
        %gather3A_600 = tpu.vector_load_idx %arg9[%add3A_599] : memref<32064xi32, #tpu.memory_space<vmem>>[vector<16xi32>], vector<16xi32>,
        %bitcast3A_601 = vector.bitcast %gather3A_600 : vector<16xi32> to vector<32xbf16>
        %unpack3A_602 = tpu.unpack_subelements %bitcast3A_601, 0 {pack_format = #tpu.pack_format<interleaved>} : vector<32xbf16> -> vector<16xf32>
        %unpack3A_603 = tpu.unpack_subelements %bitcast3A_601, 1 {pack_format = #tpu.pack_format<interleaved>} : vector<32xbf16> -> vector<16xf32>
        %mul3A_604 = arith.mulf %gather3A_597, %unpack3A_602 : vector<16xf32>
        %mul3A_605 = arith.mulf %gather3A_598, %unpack3A_603 : vector<16xf32>
        %sub3A_606 = arith.subf %mul3A_604, %mul3A_605 : vector<16xf32>
        %add3A_607 = arith.addf %broadcast_in_dim3A_594, %sub3A_606 : vector<16xf32>
        %mul3A_608 = arith.mulf %gather3A_597, %unpack3A_603 : vector<16xf32>
        %mul3A_609 = arith.mulf %gather3A_598, %unpack3A_602 : vector<16xf32>
        %add3A_610 = arith.addf %mul3A_608, %mul3A_609 : vector<16xf32>
        %add3A_611 = arith.addf %broadcast_in_dim3A_596, %add3A_610 : vector<16xf32>
        %gather3A_612 = tpu.vector_load_idx %arg13[%add3A_20, %add3A_589] : memref<160x128xf32, #tpu.memory_space<vmem>>[vector<16xi32>, vector<16xi32>], vector<16xf32>,
        %gather3A_613 = tpu.vector_load_idx %arg13[%add3A_20, %add3A_592] : memref<160x128xf32, #tpu.memory_space<vmem>>[vector<16xi32>, vector<16xi32>], vector<16xf32>,
        %add3A_614 = arith.addi %mul3A_204, %add3A_589 : vector<16xi32>
        %gather3A_615 = tpu.vector_load_idx %arg9[%add3A_614] : memref<32064xi32, #tpu.memory_space<vmem>>[vector<16xi32>], vector<16xi32>,
        %bitcast3A_616 = vector.bitcast %gather3A_615 : vector<16xi32> to vector<32xbf16>
        %unpack3A_617 = tpu.unpack_subelements %bitcast3A_616, 0 {pack_format = #tpu.pack_format<interleaved>} : vector<32xbf16> -> vector<16xf32>
        %unpack3A_618 = tpu.unpack_subelements %bitcast3A_616, 1 {pack_format = #tpu.pack_format<interleaved>} : vector<32xbf16> -> vector<16xf32>
        %mul3A_619 = arith.mulf %gather3A_612, %unpack3A_617 : vector<16xf32>
        %mul3A_620 = arith.mulf %gather3A_613, %unpack3A_618 : vector<16xf32>
        %sub3A_621 = arith.subf %mul3A_619, %mul3A_620 : vector<16xf32>
        %add3A_622 = arith.addf %add3A_607, %sub3A_621 : vector<16xf32>
        %mul3A_623 = arith.mulf %gather3A_612, %unpack3A_618 : vector<16xf32>
        %mul3A_624 = arith.mulf %gather3A_613, %unpack3A_617 : vector<16xf32>
        %add3A_625 = arith.addf %mul3A_623, %mul3A_624 : vector<16xf32>
        %add3A_626 = arith.addf %add3A_611, %add3A_625 : vector<16xf32>
        %gather3A_627 = tpu.vector_load_idx %arg13[%add3A_26, %add3A_589] : memref<160x128xf32, #tpu.memory_space<vmem>>[vector<16xi32>, vector<16xi32>], vector<16xf32>,
        %gather3A_628 = tpu.vector_load_idx %arg13[%add3A_26, %add3A_592] : memref<160x128xf32, #tpu.memory_space<vmem>>[vector<16xi32>, vector<16xi32>], vector<16xf32>,
        %add3A_629 = arith.addi %mul3A_213, %add3A_589 : vector<16xi32>
        %gather3A_630 = tpu.vector_load_idx %arg9[%add3A_629] : memref<32064xi32, #tpu.memory_space<vmem>>[vector<16xi32>], vector<16xi32>,
        %bitcast3A_631 = vector.bitcast %gather3A_630 : vector<16xi32> to vector<32xbf16>
        %unpack3A_632 = tpu.unpack_subelements %bitcast3A_631, 0 {pack_format = #tpu.pack_format<interleaved>} : vector<32xbf16> -> vector<16xf32>
        %unpack3A_633 = tpu.unpack_subelements %bitcast3A_631, 1 {pack_format = #tpu.pack_format<interleaved>} : vector<32xbf16> -> vector<16xf32>
        %mul3A_634 = arith.mulf %gather3A_627, %unpack3A_632 : vector<16xf32>
        %mul3A_635 = arith.mulf %gather3A_628, %unpack3A_633 : vector<16xf32>
        %sub3A_636 = arith.subf %mul3A_634, %mul3A_635 : vector<16xf32>
        %add3A_637 = arith.addf %add3A_622, %sub3A_636 : vector<16xf32>
        %mul3A_638 = arith.mulf %gather3A_627, %unpack3A_633 : vector<16xf32>
        %mul3A_639 = arith.mulf %gather3A_628, %unpack3A_632 : vector<16xf32>
        %add3A_640 = arith.addf %mul3A_638, %mul3A_639 : vector<16xf32>
        %add3A_641 = arith.addf %add3A_626, %add3A_640 : vector<16xf32>
        %gather3A_642 = tpu.vector_load_idx %arg13[%add3A_32, %add3A_589] : memref<160x128xf32, #tpu.memory_space<vmem>>[vector<16xi32>, vector<16xi32>], vector<16xf32>,
        %gather3A_643 = tpu.vector_load_idx %arg13[%add3A_32, %add3A_592] : memref<160x128xf32, #tpu.memory_space<vmem>>[vector<16xi32>, vector<16xi32>], vector<16xf32>,
        %add3A_644 = arith.addi %mul3A_222, %add3A_589 : vector<16xi32>
        %gather3A_645 = tpu.vector_load_idx %arg9[%add3A_644] : memref<32064xi32, #tpu.memory_space<vmem>>[vector<16xi32>], vector<16xi32>,
        %bitcast3A_646 = vector.bitcast %gather3A_645 : vector<16xi32> to vector<32xbf16>
        %unpack3A_647 = tpu.unpack_subelements %bitcast3A_646, 0 {pack_format = #tpu.pack_format<interleaved>} : vector<32xbf16> -> vector<16xf32>
        %unpack3A_648 = tpu.unpack_subelements %bitcast3A_646, 1 {pack_format = #tpu.pack_format<interleaved>} : vector<32xbf16> -> vector<16xf32>
        %mul3A_649 = arith.mulf %gather3A_642, %unpack3A_647 : vector<16xf32>
        %mul3A_650 = arith.mulf %gather3A_643, %unpack3A_648 : vector<16xf32>
        %sub3A_651 = arith.subf %mul3A_649, %mul3A_650 : vector<16xf32>
        %add3A_652 = arith.addf %add3A_637, %sub3A_651 : vector<16xf32>
        %mul3A_653 = arith.mulf %gather3A_642, %unpack3A_648 : vector<16xf32>
        %mul3A_654 = arith.mulf %gather3A_643, %unpack3A_647 : vector<16xf32>
        %add3A_655 = arith.addf %mul3A_653, %mul3A_654 : vector<16xf32>
        %add3A_656 = arith.addf %add3A_641, %add3A_655 : vector<16xf32>
        %gather3A_657 = tpu.vector_load_idx %arg13[%add3A_38, %add3A_589] : memref<160x128xf32, #tpu.memory_space<vmem>>[vector<16xi32>, vector<16xi32>], vector<16xf32>,
        %gather3A_658 = tpu.vector_load_idx %arg13[%add3A_38, %add3A_592] : memref<160x128xf32, #tpu.memory_space<vmem>>[vector<16xi32>, vector<16xi32>], vector<16xf32>,
        %add3A_659 = arith.addi %mul3A_231, %add3A_589 : vector<16xi32>
        %gather3A_660 = tpu.vector_load_idx %arg9[%add3A_659] : memref<32064xi32, #tpu.memory_space<vmem>>[vector<16xi32>], vector<16xi32>,
        %bitcast3A_661 = vector.bitcast %gather3A_660 : vector<16xi32> to vector<32xbf16>
        %unpack3A_662 = tpu.unpack_subelements %bitcast3A_661, 0 {pack_format = #tpu.pack_format<interleaved>} : vector<32xbf16> -> vector<16xf32>
        %unpack3A_663 = tpu.unpack_subelements %bitcast3A_661, 1 {pack_format = #tpu.pack_format<interleaved>} : vector<32xbf16> -> vector<16xf32>
        %mul3A_664 = arith.mulf %gather3A_657, %unpack3A_662 : vector<16xf32>
        %mul3A_665 = arith.mulf %gather3A_658, %unpack3A_663 : vector<16xf32>
        %sub3A_666 = arith.subf %mul3A_664, %mul3A_665 : vector<16xf32>
        %add3A_667 = arith.addf %add3A_652, %sub3A_666 : vector<16xf32>
        %mul3A_668 = arith.mulf %gather3A_657, %unpack3A_663 : vector<16xf32>
        %mul3A_669 = arith.mulf %gather3A_658, %unpack3A_662 : vector<16xf32>
        %add3A_670 = arith.addf %mul3A_668, %mul3A_669 : vector<16xf32>
        %add3A_671 = arith.addf %add3A_656, %add3A_670 : vector<16xf32>
        %gather3A_672 = tpu.vector_load_idx %arg13[%add3A_44, %add3A_589] : memref<160x128xf32, #tpu.memory_space<vmem>>[vector<16xi32>, vector<16xi32>], vector<16xf32>,
        %gather3A_673 = tpu.vector_load_idx %arg13[%add3A_44, %add3A_592] : memref<160x128xf32, #tpu.memory_space<vmem>>[vector<16xi32>, vector<16xi32>], vector<16xf32>,
        %add3A_674 = arith.addi %mul3A_240, %add3A_589 : vector<16xi32>
        %gather3A_675 = tpu.vector_load_idx %arg9[%add3A_674] : memref<32064xi32, #tpu.memory_space<vmem>>[vector<16xi32>], vector<16xi32>,
        %bitcast3A_676 = vector.bitcast %gather3A_675 : vector<16xi32> to vector<32xbf16>
        %unpack3A_677 = tpu.unpack_subelements %bitcast3A_676, 0 {pack_format = #tpu.pack_format<interleaved>} : vector<32xbf16> -> vector<16xf32>
        %unpack3A_678 = tpu.unpack_subelements %bitcast3A_676, 1 {pack_format = #tpu.pack_format<interleaved>} : vector<32xbf16> -> vector<16xf32>
        %mul3A_679 = arith.mulf %gather3A_672, %unpack3A_677 : vector<16xf32>
        %mul3A_680 = arith.mulf %gather3A_673, %unpack3A_678 : vector<16xf32>
        %sub3A_681 = arith.subf %mul3A_679, %mul3A_680 : vector<16xf32>
        %add3A_682 = arith.addf %add3A_667, %sub3A_681 : vector<16xf32>
        %mul3A_683 = arith.mulf %gather3A_672, %unpack3A_678 : vector<16xf32>
        %mul3A_684 = arith.mulf %gather3A_673, %unpack3A_677 : vector<16xf32>
        %add3A_685 = arith.addf %mul3A_683, %mul3A_684 : vector<16xf32>
        %add3A_686 = arith.addf %add3A_671, %add3A_685 : vector<16xf32>
        %gather3A_687 = tpu.vector_load_idx %arg13[%add3A_50, %add3A_589] : memref<160x128xf32, #tpu.memory_space<vmem>>[vector<16xi32>, vector<16xi32>], vector<16xf32>,
        %gather3A_688 = tpu.vector_load_idx %arg13[%add3A_50, %add3A_592] : memref<160x128xf32, #tpu.memory_space<vmem>>[vector<16xi32>, vector<16xi32>], vector<16xf32>,
        %add3A_689 = arith.addi %mul3A_249, %add3A_589 : vector<16xi32>
        %gather3A_690 = tpu.vector_load_idx %arg9[%add3A_689] : memref<32064xi32, #tpu.memory_space<vmem>>[vector<16xi32>], vector<16xi32>,
        %bitcast3A_691 = vector.bitcast %gather3A_690 : vector<16xi32> to vector<32xbf16>
        %unpack3A_692 = tpu.unpack_subelements %bitcast3A_691, 0 {pack_format = #tpu.pack_format<interleaved>} : vector<32xbf16> -> vector<16xf32>
        %unpack3A_693 = tpu.unpack_subelements %bitcast3A_691, 1 {pack_format = #tpu.pack_format<interleaved>} : vector<32xbf16> -> vector<16xf32>
        %mul3A_694 = arith.mulf %gather3A_687, %unpack3A_692 : vector<16xf32>
        %mul3A_695 = arith.mulf %gather3A_688, %unpack3A_693 : vector<16xf32>
        %sub3A_696 = arith.subf %mul3A_694, %mul3A_695 : vector<16xf32>
        %add3A_697 = arith.addf %add3A_682, %sub3A_696 : vector<16xf32>
        %mul3A_698 = arith.mulf %gather3A_687, %unpack3A_693 : vector<16xf32>
        %mul3A_699 = arith.mulf %gather3A_688, %unpack3A_692 : vector<16xf32>
        %add3A_700 = arith.addf %mul3A_698, %mul3A_699 : vector<16xf32>
        %add3A_701 = arith.addf %add3A_686, %add3A_700 : vector<16xf32>
        %gather3A_702 = tpu.vector_load_idx %arg13[%add3A_56, %add3A_589] : memref<160x128xf32, #tpu.memory_space<vmem>>[vector<16xi32>, vector<16xi32>], vector<16xf32>,
        %gather3A_703 = tpu.vector_load_idx %arg13[%add3A_56, %add3A_592] : memref<160x128xf32, #tpu.memory_space<vmem>>[vector<16xi32>, vector<16xi32>], vector<16xf32>,
        %add3A_704 = arith.addi %mul3A_258, %add3A_589 : vector<16xi32>
        %gather3A_705 = tpu.vector_load_idx %arg9[%add3A_704] : memref<32064xi32, #tpu.memory_space<vmem>>[vector<16xi32>], vector<16xi32>,
        %bitcast3A_706 = vector.bitcast %gather3A_705 : vector<16xi32> to vector<32xbf16>
        %unpack3A_707 = tpu.unpack_subelements %bitcast3A_706, 0 {pack_format = #tpu.pack_format<interleaved>} : vector<32xbf16> -> vector<16xf32>
        %unpack3A_708 = tpu.unpack_subelements %bitcast3A_706, 1 {pack_format = #tpu.pack_format<interleaved>} : vector<32xbf16> -> vector<16xf32>
        %mul3A_709 = arith.mulf %gather3A_702, %unpack3A_707 : vector<16xf32>
        %mul3A_710 = arith.mulf %gather3A_703, %unpack3A_708 : vector<16xf32>
        %sub3A_711 = arith.subf %mul3A_709, %mul3A_710 : vector<16xf32>
        %add3A_712 = arith.addf %add3A_697, %sub3A_711 : vector<16xf32>
        %mul3A_713 = arith.mulf %gather3A_702, %unpack3A_708 : vector<16xf32>
        %mul3A_714 = arith.mulf %gather3A_703, %unpack3A_707 : vector<16xf32>
        %add3A_715 = arith.addf %mul3A_713, %mul3A_714 : vector<16xf32>
        %add3A_716 = arith.addf %add3A_701, %add3A_715 : vector<16xf32>
        %gather3A_717 = tpu.vector_load_idx %arg13[%add3A_62, %add3A_589] : memref<160x128xf32, #tpu.memory_space<vmem>>[vector<16xi32>, vector<16xi32>], vector<16xf32>,
        %gather3A_718 = tpu.vector_load_idx %arg13[%add3A_62, %add3A_592] : memref<160x128xf32, #tpu.memory_space<vmem>>[vector<16xi32>, vector<16xi32>], vector<16xf32>,
        %add3A_719 = arith.addi %mul3A_267, %add3A_589 : vector<16xi32>
        %gather3A_720 = tpu.vector_load_idx %arg9[%add3A_719] : memref<32064xi32, #tpu.memory_space<vmem>>[vector<16xi32>], vector<16xi32>,
        %bitcast3A_721 = vector.bitcast %gather3A_720 : vector<16xi32> to vector<32xbf16>
        %unpack3A_722 = tpu.unpack_subelements %bitcast3A_721, 0 {pack_format = #tpu.pack_format<interleaved>} : vector<32xbf16> -> vector<16xf32>
        %unpack3A_723 = tpu.unpack_subelements %bitcast3A_721, 1 {pack_format = #tpu.pack_format<interleaved>} : vector<32xbf16> -> vector<16xf32>
        %mul3A_724 = arith.mulf %gather3A_717, %unpack3A_722 : vector<16xf32>
        %mul3A_725 = arith.mulf %gather3A_718, %unpack3A_723 : vector<16xf32>
        %sub3A_726 = arith.subf %mul3A_724, %mul3A_725 : vector<16xf32>
        %add3A_727 = arith.addf %add3A_712, %sub3A_726 : vector<16xf32>
        %mul3A_728 = arith.mulf %gather3A_717, %unpack3A_723 : vector<16xf32>
        %mul3A_729 = arith.mulf %gather3A_718, %unpack3A_722 : vector<16xf32>
        %add3A_730 = arith.addf %mul3A_728, %mul3A_729 : vector<16xf32>
        %add3A_731 = arith.addf %add3A_716, %add3A_730 : vector<16xf32>
        %gather3A_732 = tpu.vector_load_idx %arg13[%add3A_68, %add3A_589] : memref<160x128xf32, #tpu.memory_space<vmem>>[vector<16xi32>, vector<16xi32>], vector<16xf32>,
        %gather3A_733 = tpu.vector_load_idx %arg13[%add3A_68, %add3A_592] : memref<160x128xf32, #tpu.memory_space<vmem>>[vector<16xi32>, vector<16xi32>], vector<16xf32>,
        %add3A_734 = arith.addi %mul3A_276, %add3A_589 : vector<16xi32>
        %gather3A_735 = tpu.vector_load_idx %arg9[%add3A_734] : memref<32064xi32, #tpu.memory_space<vmem>>[vector<16xi32>], vector<16xi32>,
        %bitcast3A_736 = vector.bitcast %gather3A_735 : vector<16xi32> to vector<32xbf16>
        %unpack3A_737 = tpu.unpack_subelements %bitcast3A_736, 0 {pack_format = #tpu.pack_format<interleaved>} : vector<32xbf16> -> vector<16xf32>
        %unpack3A_738 = tpu.unpack_subelements %bitcast3A_736, 1 {pack_format = #tpu.pack_format<interleaved>} : vector<32xbf16> -> vector<16xf32>
        %mul3A_739 = arith.mulf %gather3A_732, %unpack3A_737 : vector<16xf32>
        %mul3A_740 = arith.mulf %gather3A_733, %unpack3A_738 : vector<16xf32>
        %sub3A_741 = arith.subf %mul3A_739, %mul3A_740 : vector<16xf32>
        %add3A_742 = arith.addf %add3A_727, %sub3A_741 : vector<16xf32>
        %mul3A_743 = arith.mulf %gather3A_732, %unpack3A_738 : vector<16xf32>
        %mul3A_744 = arith.mulf %gather3A_733, %unpack3A_737 : vector<16xf32>
        %add3A_745 = arith.addf %mul3A_743, %mul3A_744 : vector<16xf32>
        %add3A_746 = arith.addf %add3A_731, %add3A_745 : vector<16xf32>
        tpu.vector_store_idx %arg15[%iota3A, %add3A_589], %add3A_742 : memref<16x128xf32, #tpu.memory_space<vmem>>[vector<16xi32>, vector<16xi32>], vector<16xf32>,
        tpu.vector_store_idx %arg15[%iota3A, %add3A_592], %add3A_746 : memref<16x128xf32, #tpu.memory_space<vmem>>[vector<16xi32>, vector<16xi32>], vector<16xf32>,
        %scan3A_747 = arith.constant 2 : i32
        %scan3A_748 = arith.addi %scan3A_416, %scan3A_747 : i32
        %and3A_749 = arith.constant 15 : i32
        %and3A_750 = arith.andi %scan3A_748, %and3A_749 : i32
        %add3A_751 = vector.broadcast %and3A_750 : i32 to vector<16xi32>
        %add3A_752 = arith.addi %add3A_751, %iota3A : vector<16xi32>
        %and3A_753 = arith.constant 15 : i32
        %and3A_754 = vector.broadcast %and3A_753 : i32 to vector<16xi32>
        %and3A_755 = arith.andi %add3A_752, %and3A_754 : vector<16xi32>
        %sub3A_756 = arith.subi %scan3A_748, %and3A_750 : i32
        %add3A_757 = vector.broadcast %sub3A_756 : i32 to vector<16xi32>
        %add3A_758 = arith.addi %add3A_757, %and3A_755 : vector<16xi32>
        %add3A_759 = arith.constant 64 : i32
        %add3A_760 = vector.broadcast %add3A_759 : i32 to vector<16xi32>
        %add3A_761 = arith.addi %add3A_758, %add3A_760 : vector<16xi32>
        %broadcast_in_dim3A_762 = arith.constant 0.000000e+00 : f32
        %broadcast_in_dim3A_763 = vector.broadcast %broadcast_in_dim3A_762 : f32 to vector<16xf32>
        %broadcast_in_dim3A_764 = arith.constant 0.000000e+00 : f32
        %broadcast_in_dim3A_765 = vector.broadcast %broadcast_in_dim3A_764 : f32 to vector<16xf32>
        %gather3A_766 = tpu.vector_load_idx %arg13[%add3A_14, %add3A_758] : memref<160x128xf32, #tpu.memory_space<vmem>>[vector<16xi32>, vector<16xi32>], vector<16xf32>,
        %gather3A_767 = tpu.vector_load_idx %arg13[%add3A_14, %add3A_761] : memref<160x128xf32, #tpu.memory_space<vmem>>[vector<16xi32>, vector<16xi32>], vector<16xf32>,
        %add3A_768 = arith.addi %mul3A_195, %add3A_758 : vector<16xi32>
        %gather3A_769 = tpu.vector_load_idx %arg9[%add3A_768] : memref<32064xi32, #tpu.memory_space<vmem>>[vector<16xi32>], vector<16xi32>,
        %bitcast3A_770 = vector.bitcast %gather3A_769 : vector<16xi32> to vector<32xbf16>
        %unpack3A_771 = tpu.unpack_subelements %bitcast3A_770, 0 {pack_format = #tpu.pack_format<interleaved>} : vector<32xbf16> -> vector<16xf32>
        %unpack3A_772 = tpu.unpack_subelements %bitcast3A_770, 1 {pack_format = #tpu.pack_format<interleaved>} : vector<32xbf16> -> vector<16xf32>
        %mul3A_773 = arith.mulf %gather3A_766, %unpack3A_771 : vector<16xf32>
        %mul3A_774 = arith.mulf %gather3A_767, %unpack3A_772 : vector<16xf32>
        %sub3A_775 = arith.subf %mul3A_773, %mul3A_774 : vector<16xf32>
        %add3A_776 = arith.addf %broadcast_in_dim3A_763, %sub3A_775 : vector<16xf32>
        %mul3A_777 = arith.mulf %gather3A_766, %unpack3A_772 : vector<16xf32>
        %mul3A_778 = arith.mulf %gather3A_767, %unpack3A_771 : vector<16xf32>
        %add3A_779 = arith.addf %mul3A_777, %mul3A_778 : vector<16xf32>
        %add3A_780 = arith.addf %broadcast_in_dim3A_765, %add3A_779 : vector<16xf32>
        %gather3A_781 = tpu.vector_load_idx %arg13[%add3A_20, %add3A_758] : memref<160x128xf32, #tpu.memory_space<vmem>>[vector<16xi32>, vector<16xi32>], vector<16xf32>,
        %gather3A_782 = tpu.vector_load_idx %arg13[%add3A_20, %add3A_761] : memref<160x128xf32, #tpu.memory_space<vmem>>[vector<16xi32>, vector<16xi32>], vector<16xf32>,
        %add3A_783 = arith.addi %mul3A_204, %add3A_758 : vector<16xi32>
        %gather3A_784 = tpu.vector_load_idx %arg9[%add3A_783] : memref<32064xi32, #tpu.memory_space<vmem>>[vector<16xi32>], vector<16xi32>,
        %bitcast3A_785 = vector.bitcast %gather3A_784 : vector<16xi32> to vector<32xbf16>
        %unpack3A_786 = tpu.unpack_subelements %bitcast3A_785, 0 {pack_format = #tpu.pack_format<interleaved>} : vector<32xbf16> -> vector<16xf32>
        %unpack3A_787 = tpu.unpack_subelements %bitcast3A_785, 1 {pack_format = #tpu.pack_format<interleaved>} : vector<32xbf16> -> vector<16xf32>
        %mul3A_788 = arith.mulf %gather3A_781, %unpack3A_786 : vector<16xf32>
        %mul3A_789 = arith.mulf %gather3A_782, %unpack3A_787 : vector<16xf32>
        %sub3A_790 = arith.subf %mul3A_788, %mul3A_789 : vector<16xf32>
        %add3A_791 = arith.addf %add3A_776, %sub3A_790 : vector<16xf32>
        %mul3A_792 = arith.mulf %gather3A_781, %unpack3A_787 : vector<16xf32>
        %mul3A_793 = arith.mulf %gather3A_782, %unpack3A_786 : vector<16xf32>
        %add3A_794 = arith.addf %mul3A_792, %mul3A_793 : vector<16xf32>
        %add3A_795 = arith.addf %add3A_780, %add3A_794 : vector<16xf32>
        %gather3A_796 = tpu.vector_load_idx %arg13[%add3A_26, %add3A_758] : memref<160x128xf32, #tpu.memory_space<vmem>>[vector<16xi32>, vector<16xi32>], vector<16xf32>,
        %gather3A_797 = tpu.vector_load_idx %arg13[%add3A_26, %add3A_761] : memref<160x128xf32, #tpu.memory_space<vmem>>[vector<16xi32>, vector<16xi32>], vector<16xf32>,
        %add3A_798 = arith.addi %mul3A_213, %add3A_758 : vector<16xi32>
        %gather3A_799 = tpu.vector_load_idx %arg9[%add3A_798] : memref<32064xi32, #tpu.memory_space<vmem>>[vector<16xi32>], vector<16xi32>,
        %bitcast3A_800 = vector.bitcast %gather3A_799 : vector<16xi32> to vector<32xbf16>
        %unpack3A_801 = tpu.unpack_subelements %bitcast3A_800, 0 {pack_format = #tpu.pack_format<interleaved>} : vector<32xbf16> -> vector<16xf32>
        %unpack3A_802 = tpu.unpack_subelements %bitcast3A_800, 1 {pack_format = #tpu.pack_format<interleaved>} : vector<32xbf16> -> vector<16xf32>
        %mul3A_803 = arith.mulf %gather3A_796, %unpack3A_801 : vector<16xf32>
        %mul3A_804 = arith.mulf %gather3A_797, %unpack3A_802 : vector<16xf32>
        %sub3A_805 = arith.subf %mul3A_803, %mul3A_804 : vector<16xf32>
        %add3A_806 = arith.addf %add3A_791, %sub3A_805 : vector<16xf32>
        %mul3A_807 = arith.mulf %gather3A_796, %unpack3A_802 : vector<16xf32>
        %mul3A_808 = arith.mulf %gather3A_797, %unpack3A_801 : vector<16xf32>
        %add3A_809 = arith.addf %mul3A_807, %mul3A_808 : vector<16xf32>
        %add3A_810 = arith.addf %add3A_795, %add3A_809 : vector<16xf32>
        %gather3A_811 = tpu.vector_load_idx %arg13[%add3A_32, %add3A_758] : memref<160x128xf32, #tpu.memory_space<vmem>>[vector<16xi32>, vector<16xi32>], vector<16xf32>,
        %gather3A_812 = tpu.vector_load_idx %arg13[%add3A_32, %add3A_761] : memref<160x128xf32, #tpu.memory_space<vmem>>[vector<16xi32>, vector<16xi32>], vector<16xf32>,
        %add3A_813 = arith.addi %mul3A_222, %add3A_758 : vector<16xi32>
        %gather3A_814 = tpu.vector_load_idx %arg9[%add3A_813] : memref<32064xi32, #tpu.memory_space<vmem>>[vector<16xi32>], vector<16xi32>,
        %bitcast3A_815 = vector.bitcast %gather3A_814 : vector<16xi32> to vector<32xbf16>
        %unpack3A_816 = tpu.unpack_subelements %bitcast3A_815, 0 {pack_format = #tpu.pack_format<interleaved>} : vector<32xbf16> -> vector<16xf32>
        %unpack3A_817 = tpu.unpack_subelements %bitcast3A_815, 1 {pack_format = #tpu.pack_format<interleaved>} : vector<32xbf16> -> vector<16xf32>
        %mul3A_818 = arith.mulf %gather3A_811, %unpack3A_816 : vector<16xf32>
        %mul3A_819 = arith.mulf %gather3A_812, %unpack3A_817 : vector<16xf32>
        %sub3A_820 = arith.subf %mul3A_818, %mul3A_819 : vector<16xf32>
        %add3A_821 = arith.addf %add3A_806, %sub3A_820 : vector<16xf32>
        %mul3A_822 = arith.mulf %gather3A_811, %unpack3A_817 : vector<16xf32>
        %mul3A_823 = arith.mulf %gather3A_812, %unpack3A_816 : vector<16xf32>
        %add3A_824 = arith.addf %mul3A_822, %mul3A_823 : vector<16xf32>
        %add3A_825 = arith.addf %add3A_810, %add3A_824 : vector<16xf32>
        %gather3A_826 = tpu.vector_load_idx %arg13[%add3A_38, %add3A_758] : memref<160x128xf32, #tpu.memory_space<vmem>>[vector<16xi32>, vector<16xi32>], vector<16xf32>,
        %gather3A_827 = tpu.vector_load_idx %arg13[%add3A_38, %add3A_761] : memref<160x128xf32, #tpu.memory_space<vmem>>[vector<16xi32>, vector<16xi32>], vector<16xf32>,
        %add3A_828 = arith.addi %mul3A_231, %add3A_758 : vector<16xi32>
        %gather3A_829 = tpu.vector_load_idx %arg9[%add3A_828] : memref<32064xi32, #tpu.memory_space<vmem>>[vector<16xi32>], vector<16xi32>,
        %bitcast3A_830 = vector.bitcast %gather3A_829 : vector<16xi32> to vector<32xbf16>
        %unpack3A_831 = tpu.unpack_subelements %bitcast3A_830, 0 {pack_format = #tpu.pack_format<interleaved>} : vector<32xbf16> -> vector<16xf32>
        %unpack3A_832 = tpu.unpack_subelements %bitcast3A_830, 1 {pack_format = #tpu.pack_format<interleaved>} : vector<32xbf16> -> vector<16xf32>
        %mul3A_833 = arith.mulf %gather3A_826, %unpack3A_831 : vector<16xf32>
        %mul3A_834 = arith.mulf %gather3A_827, %unpack3A_832 : vector<16xf32>
        %sub3A_835 = arith.subf %mul3A_833, %mul3A_834 : vector<16xf32>
        %add3A_836 = arith.addf %add3A_821, %sub3A_835 : vector<16xf32>
        %mul3A_837 = arith.mulf %gather3A_826, %unpack3A_832 : vector<16xf32>
        %mul3A_838 = arith.mulf %gather3A_827, %unpack3A_831 : vector<16xf32>
        %add3A_839 = arith.addf %mul3A_837, %mul3A_838 : vector<16xf32>
        %add3A_840 = arith.addf %add3A_825, %add3A_839 : vector<16xf32>
        %gather3A_841 = tpu.vector_load_idx %arg13[%add3A_44, %add3A_758] : memref<160x128xf32, #tpu.memory_space<vmem>>[vector<16xi32>, vector<16xi32>], vector<16xf32>,
        %gather3A_842 = tpu.vector_load_idx %arg13[%add3A_44, %add3A_761] : memref<160x128xf32, #tpu.memory_space<vmem>>[vector<16xi32>, vector<16xi32>], vector<16xf32>,
        %add3A_843 = arith.addi %mul3A_240, %add3A_758 : vector<16xi32>
        %gather3A_844 = tpu.vector_load_idx %arg9[%add3A_843] : memref<32064xi32, #tpu.memory_space<vmem>>[vector<16xi32>], vector<16xi32>,
        %bitcast3A_845 = vector.bitcast %gather3A_844 : vector<16xi32> to vector<32xbf16>
        %unpack3A_846 = tpu.unpack_subelements %bitcast3A_845, 0 {pack_format = #tpu.pack_format<interleaved>} : vector<32xbf16> -> vector<16xf32>
        %unpack3A_847 = tpu.unpack_subelements %bitcast3A_845, 1 {pack_format = #tpu.pack_format<interleaved>} : vector<32xbf16> -> vector<16xf32>
        %mul3A_848 = arith.mulf %gather3A_841, %unpack3A_846 : vector<16xf32>
        %mul3A_849 = arith.mulf %gather3A_842, %unpack3A_847 : vector<16xf32>
        %sub3A_850 = arith.subf %mul3A_848, %mul3A_849 : vector<16xf32>
        %add3A_851 = arith.addf %add3A_836, %sub3A_850 : vector<16xf32>
        %mul3A_852 = arith.mulf %gather3A_841, %unpack3A_847 : vector<16xf32>
        %mul3A_853 = arith.mulf %gather3A_842, %unpack3A_846 : vector<16xf32>
        %add3A_854 = arith.addf %mul3A_852, %mul3A_853 : vector<16xf32>
        %add3A_855 = arith.addf %add3A_840, %add3A_854 : vector<16xf32>
        %gather3A_856 = tpu.vector_load_idx %arg13[%add3A_50, %add3A_758] : memref<160x128xf32, #tpu.memory_space<vmem>>[vector<16xi32>, vector<16xi32>], vector<16xf32>,
        %gather3A_857 = tpu.vector_load_idx %arg13[%add3A_50, %add3A_761] : memref<160x128xf32, #tpu.memory_space<vmem>>[vector<16xi32>, vector<16xi32>], vector<16xf32>,
        %add3A_858 = arith.addi %mul3A_249, %add3A_758 : vector<16xi32>
        %gather3A_859 = tpu.vector_load_idx %arg9[%add3A_858] : memref<32064xi32, #tpu.memory_space<vmem>>[vector<16xi32>], vector<16xi32>,
        %bitcast3A_860 = vector.bitcast %gather3A_859 : vector<16xi32> to vector<32xbf16>
        %unpack3A_861 = tpu.unpack_subelements %bitcast3A_860, 0 {pack_format = #tpu.pack_format<interleaved>} : vector<32xbf16> -> vector<16xf32>
        %unpack3A_862 = tpu.unpack_subelements %bitcast3A_860, 1 {pack_format = #tpu.pack_format<interleaved>} : vector<32xbf16> -> vector<16xf32>
        %mul3A_863 = arith.mulf %gather3A_856, %unpack3A_861 : vector<16xf32>
        %mul3A_864 = arith.mulf %gather3A_857, %unpack3A_862 : vector<16xf32>
        %sub3A_865 = arith.subf %mul3A_863, %mul3A_864 : vector<16xf32>
        %add3A_866 = arith.addf %add3A_851, %sub3A_865 : vector<16xf32>
        %mul3A_867 = arith.mulf %gather3A_856, %unpack3A_862 : vector<16xf32>
        %mul3A_868 = arith.mulf %gather3A_857, %unpack3A_861 : vector<16xf32>
        %add3A_869 = arith.addf %mul3A_867, %mul3A_868 : vector<16xf32>
        %add3A_870 = arith.addf %add3A_855, %add3A_869 : vector<16xf32>
        %gather3A_871 = tpu.vector_load_idx %arg13[%add3A_56, %add3A_758] : memref<160x128xf32, #tpu.memory_space<vmem>>[vector<16xi32>, vector<16xi32>], vector<16xf32>,
        %gather3A_872 = tpu.vector_load_idx %arg13[%add3A_56, %add3A_761] : memref<160x128xf32, #tpu.memory_space<vmem>>[vector<16xi32>, vector<16xi32>], vector<16xf32>,
        %add3A_873 = arith.addi %mul3A_258, %add3A_758 : vector<16xi32>
        %gather3A_874 = tpu.vector_load_idx %arg9[%add3A_873] : memref<32064xi32, #tpu.memory_space<vmem>>[vector<16xi32>], vector<16xi32>,
        %bitcast3A_875 = vector.bitcast %gather3A_874 : vector<16xi32> to vector<32xbf16>
        %unpack3A_876 = tpu.unpack_subelements %bitcast3A_875, 0 {pack_format = #tpu.pack_format<interleaved>} : vector<32xbf16> -> vector<16xf32>
        %unpack3A_877 = tpu.unpack_subelements %bitcast3A_875, 1 {pack_format = #tpu.pack_format<interleaved>} : vector<32xbf16> -> vector<16xf32>
        %mul3A_878 = arith.mulf %gather3A_871, %unpack3A_876 : vector<16xf32>
        %mul3A_879 = arith.mulf %gather3A_872, %unpack3A_877 : vector<16xf32>
        %sub3A_880 = arith.subf %mul3A_878, %mul3A_879 : vector<16xf32>
        %add3A_881 = arith.addf %add3A_866, %sub3A_880 : vector<16xf32>
        %mul3A_882 = arith.mulf %gather3A_871, %unpack3A_877 : vector<16xf32>
        %mul3A_883 = arith.mulf %gather3A_872, %unpack3A_876 : vector<16xf32>
        %add3A_884 = arith.addf %mul3A_882, %mul3A_883 : vector<16xf32>
        %add3A_885 = arith.addf %add3A_870, %add3A_884 : vector<16xf32>
        %gather3A_886 = tpu.vector_load_idx %arg13[%add3A_62, %add3A_758] : memref<160x128xf32, #tpu.memory_space<vmem>>[vector<16xi32>, vector<16xi32>], vector<16xf32>,
        %gather3A_887 = tpu.vector_load_idx %arg13[%add3A_62, %add3A_761] : memref<160x128xf32, #tpu.memory_space<vmem>>[vector<16xi32>, vector<16xi32>], vector<16xf32>,
        %add3A_888 = arith.addi %mul3A_267, %add3A_758 : vector<16xi32>
        %gather3A_889 = tpu.vector_load_idx %arg9[%add3A_888] : memref<32064xi32, #tpu.memory_space<vmem>>[vector<16xi32>], vector<16xi32>,
        %bitcast3A_890 = vector.bitcast %gather3A_889 : vector<16xi32> to vector<32xbf16>
        %unpack3A_891 = tpu.unpack_subelements %bitcast3A_890, 0 {pack_format = #tpu.pack_format<interleaved>} : vector<32xbf16> -> vector<16xf32>
        %unpack3A_892 = tpu.unpack_subelements %bitcast3A_890, 1 {pack_format = #tpu.pack_format<interleaved>} : vector<32xbf16> -> vector<16xf32>
        %mul3A_893 = arith.mulf %gather3A_886, %unpack3A_891 : vector<16xf32>
        %mul3A_894 = arith.mulf %gather3A_887, %unpack3A_892 : vector<16xf32>
        %sub3A_895 = arith.subf %mul3A_893, %mul3A_894 : vector<16xf32>
        %add3A_896 = arith.addf %add3A_881, %sub3A_895 : vector<16xf32>
        %mul3A_897 = arith.mulf %gather3A_886, %unpack3A_892 : vector<16xf32>
        %mul3A_898 = arith.mulf %gather3A_887, %unpack3A_891 : vector<16xf32>
        %add3A_899 = arith.addf %mul3A_897, %mul3A_898 : vector<16xf32>
        %add3A_900 = arith.addf %add3A_885, %add3A_899 : vector<16xf32>
        %gather3A_901 = tpu.vector_load_idx %arg13[%add3A_68, %add3A_758] : memref<160x128xf32, #tpu.memory_space<vmem>>[vector<16xi32>, vector<16xi32>], vector<16xf32>,
        %gather3A_902 = tpu.vector_load_idx %arg13[%add3A_68, %add3A_761] : memref<160x128xf32, #tpu.memory_space<vmem>>[vector<16xi32>, vector<16xi32>], vector<16xf32>,
        %add3A_903 = arith.addi %mul3A_276, %add3A_758 : vector<16xi32>
        %gather3A_904 = tpu.vector_load_idx %arg9[%add3A_903] : memref<32064xi32, #tpu.memory_space<vmem>>[vector<16xi32>], vector<16xi32>,
        %bitcast3A_905 = vector.bitcast %gather3A_904 : vector<16xi32> to vector<32xbf16>
        %unpack3A_906 = tpu.unpack_subelements %bitcast3A_905, 0 {pack_format = #tpu.pack_format<interleaved>} : vector<32xbf16> -> vector<16xf32>
        %unpack3A_907 = tpu.unpack_subelements %bitcast3A_905, 1 {pack_format = #tpu.pack_format<interleaved>} : vector<32xbf16> -> vector<16xf32>
        %mul3A_908 = arith.mulf %gather3A_901, %unpack3A_906 : vector<16xf32>
        %mul3A_909 = arith.mulf %gather3A_902, %unpack3A_907 : vector<16xf32>
        %sub3A_910 = arith.subf %mul3A_908, %mul3A_909 : vector<16xf32>
        %add3A_911 = arith.addf %add3A_896, %sub3A_910 : vector<16xf32>
        %mul3A_912 = arith.mulf %gather3A_901, %unpack3A_907 : vector<16xf32>
        %mul3A_913 = arith.mulf %gather3A_902, %unpack3A_906 : vector<16xf32>
        %add3A_914 = arith.addf %mul3A_912, %mul3A_913 : vector<16xf32>
        %add3A_915 = arith.addf %add3A_900, %add3A_914 : vector<16xf32>
        tpu.vector_store_idx %arg15[%iota3A, %add3A_758], %add3A_911 : memref<16x128xf32, #tpu.memory_space<vmem>>[vector<16xi32>, vector<16xi32>], vector<16xf32>,
        tpu.vector_store_idx %arg15[%iota3A, %add3A_761], %add3A_915 : memref<16x128xf32, #tpu.memory_space<vmem>>[vector<16xi32>, vector<16xi32>], vector<16xf32>,
        %scan3A_916 = arith.constant 3 : i32
        %scan3A_917 = arith.addi %scan3A_416, %scan3A_916 : i32
        %and3A_918 = arith.constant 15 : i32
        %and3A_919 = arith.andi %scan3A_917, %and3A_918 : i32
        %add3A_920 = vector.broadcast %and3A_919 : i32 to vector<16xi32>
        %add3A_921 = arith.addi %add3A_920, %iota3A : vector<16xi32>
        %and3A_922 = arith.constant 15 : i32
        %and3A_923 = vector.broadcast %and3A_922 : i32 to vector<16xi32>
        %and3A_924 = arith.andi %add3A_921, %and3A_923 : vector<16xi32>
        %sub3A_925 = arith.subi %scan3A_917, %and3A_919 : i32
        %add3A_926 = vector.broadcast %sub3A_925 : i32 to vector<16xi32>
        %add3A_927 = arith.addi %add3A_926, %and3A_924 : vector<16xi32>
        %add3A_928 = arith.constant 64 : i32
        %add3A_929 = vector.broadcast %add3A_928 : i32 to vector<16xi32>
        %add3A_930 = arith.addi %add3A_927, %add3A_929 : vector<16xi32>
        %broadcast_in_dim3A_931 = arith.constant 0.000000e+00 : f32
        %broadcast_in_dim3A_932 = vector.broadcast %broadcast_in_dim3A_931 : f32 to vector<16xf32>
        %broadcast_in_dim3A_933 = arith.constant 0.000000e+00 : f32
        %broadcast_in_dim3A_934 = vector.broadcast %broadcast_in_dim3A_933 : f32 to vector<16xf32>
        %gather3A_935 = tpu.vector_load_idx %arg13[%add3A_14, %add3A_927] : memref<160x128xf32, #tpu.memory_space<vmem>>[vector<16xi32>, vector<16xi32>], vector<16xf32>,
        %gather3A_936 = tpu.vector_load_idx %arg13[%add3A_14, %add3A_930] : memref<160x128xf32, #tpu.memory_space<vmem>>[vector<16xi32>, vector<16xi32>], vector<16xf32>,
        %add3A_937 = arith.addi %mul3A_195, %add3A_927 : vector<16xi32>
        %gather3A_938 = tpu.vector_load_idx %arg9[%add3A_937] : memref<32064xi32, #tpu.memory_space<vmem>>[vector<16xi32>], vector<16xi32>,
        %bitcast3A_939 = vector.bitcast %gather3A_938 : vector<16xi32> to vector<32xbf16>
        %unpack3A_940 = tpu.unpack_subelements %bitcast3A_939, 0 {pack_format = #tpu.pack_format<interleaved>} : vector<32xbf16> -> vector<16xf32>
        %unpack3A_941 = tpu.unpack_subelements %bitcast3A_939, 1 {pack_format = #tpu.pack_format<interleaved>} : vector<32xbf16> -> vector<16xf32>
        %mul3A_942 = arith.mulf %gather3A_935, %unpack3A_940 : vector<16xf32>
        %mul3A_943 = arith.mulf %gather3A_936, %unpack3A_941 : vector<16xf32>
        %sub3A_944 = arith.subf %mul3A_942, %mul3A_943 : vector<16xf32>
        %add3A_945 = arith.addf %broadcast_in_dim3A_932, %sub3A_944 : vector<16xf32>
        %mul3A_946 = arith.mulf %gather3A_935, %unpack3A_941 : vector<16xf32>
        %mul3A_947 = arith.mulf %gather3A_936, %unpack3A_940 : vector<16xf32>
        %add3A_948 = arith.addf %mul3A_946, %mul3A_947 : vector<16xf32>
        %add3A_949 = arith.addf %broadcast_in_dim3A_934, %add3A_948 : vector<16xf32>
        %gather3A_950 = tpu.vector_load_idx %arg13[%add3A_20, %add3A_927] : memref<160x128xf32, #tpu.memory_space<vmem>>[vector<16xi32>, vector<16xi32>], vector<16xf32>,
        %gather3A_951 = tpu.vector_load_idx %arg13[%add3A_20, %add3A_930] : memref<160x128xf32, #tpu.memory_space<vmem>>[vector<16xi32>, vector<16xi32>], vector<16xf32>,
        %add3A_952 = arith.addi %mul3A_204, %add3A_927 : vector<16xi32>
        %gather3A_953 = tpu.vector_load_idx %arg9[%add3A_952] : memref<32064xi32, #tpu.memory_space<vmem>>[vector<16xi32>], vector<16xi32>,
        %bitcast3A_954 = vector.bitcast %gather3A_953 : vector<16xi32> to vector<32xbf16>
        %unpack3A_955 = tpu.unpack_subelements %bitcast3A_954, 0 {pack_format = #tpu.pack_format<interleaved>} : vector<32xbf16> -> vector<16xf32>
        %unpack3A_956 = tpu.unpack_subelements %bitcast3A_954, 1 {pack_format = #tpu.pack_format<interleaved>} : vector<32xbf16> -> vector<16xf32>
        %mul3A_957 = arith.mulf %gather3A_950, %unpack3A_955 : vector<16xf32>
        %mul3A_958 = arith.mulf %gather3A_951, %unpack3A_956 : vector<16xf32>
        %sub3A_959 = arith.subf %mul3A_957, %mul3A_958 : vector<16xf32>
        %add3A_960 = arith.addf %add3A_945, %sub3A_959 : vector<16xf32>
        %mul3A_961 = arith.mulf %gather3A_950, %unpack3A_956 : vector<16xf32>
        %mul3A_962 = arith.mulf %gather3A_951, %unpack3A_955 : vector<16xf32>
        %add3A_963 = arith.addf %mul3A_961, %mul3A_962 : vector<16xf32>
        %add3A_964 = arith.addf %add3A_949, %add3A_963 : vector<16xf32>
        %gather3A_965 = tpu.vector_load_idx %arg13[%add3A_26, %add3A_927] : memref<160x128xf32, #tpu.memory_space<vmem>>[vector<16xi32>, vector<16xi32>], vector<16xf32>,
        %gather3A_966 = tpu.vector_load_idx %arg13[%add3A_26, %add3A_930] : memref<160x128xf32, #tpu.memory_space<vmem>>[vector<16xi32>, vector<16xi32>], vector<16xf32>,
        %add3A_967 = arith.addi %mul3A_213, %add3A_927 : vector<16xi32>
        %gather3A_968 = tpu.vector_load_idx %arg9[%add3A_967] : memref<32064xi32, #tpu.memory_space<vmem>>[vector<16xi32>], vector<16xi32>,
        %bitcast3A_969 = vector.bitcast %gather3A_968 : vector<16xi32> to vector<32xbf16>
        %unpack3A_970 = tpu.unpack_subelements %bitcast3A_969, 0 {pack_format = #tpu.pack_format<interleaved>} : vector<32xbf16> -> vector<16xf32>
        %unpack3A_971 = tpu.unpack_subelements %bitcast3A_969, 1 {pack_format = #tpu.pack_format<interleaved>} : vector<32xbf16> -> vector<16xf32>
        %mul3A_972 = arith.mulf %gather3A_965, %unpack3A_970 : vector<16xf32>
        %mul3A_973 = arith.mulf %gather3A_966, %unpack3A_971 : vector<16xf32>
        %sub3A_974 = arith.subf %mul3A_972, %mul3A_973 : vector<16xf32>
        %add3A_975 = arith.addf %add3A_960, %sub3A_974 : vector<16xf32>
        %mul3A_976 = arith.mulf %gather3A_965, %unpack3A_971 : vector<16xf32>
        %mul3A_977 = arith.mulf %gather3A_966, %unpack3A_970 : vector<16xf32>
        %add3A_978 = arith.addf %mul3A_976, %mul3A_977 : vector<16xf32>
        %add3A_979 = arith.addf %add3A_964, %add3A_978 : vector<16xf32>
        %gather3A_980 = tpu.vector_load_idx %arg13[%add3A_32, %add3A_927] : memref<160x128xf32, #tpu.memory_space<vmem>>[vector<16xi32>, vector<16xi32>], vector<16xf32>,
        %gather3A_981 = tpu.vector_load_idx %arg13[%add3A_32, %add3A_930] : memref<160x128xf32, #tpu.memory_space<vmem>>[vector<16xi32>, vector<16xi32>], vector<16xf32>,
        %add3A_982 = arith.addi %mul3A_222, %add3A_927 : vector<16xi32>
        %gather3A_983 = tpu.vector_load_idx %arg9[%add3A_982] : memref<32064xi32, #tpu.memory_space<vmem>>[vector<16xi32>], vector<16xi32>,
        %bitcast3A_984 = vector.bitcast %gather3A_983 : vector<16xi32> to vector<32xbf16>
        %unpack3A_985 = tpu.unpack_subelements %bitcast3A_984, 0 {pack_format = #tpu.pack_format<interleaved>} : vector<32xbf16> -> vector<16xf32>
        %unpack3A_986 = tpu.unpack_subelements %bitcast3A_984, 1 {pack_format = #tpu.pack_format<interleaved>} : vector<32xbf16> -> vector<16xf32>
        %mul3A_987 = arith.mulf %gather3A_980, %unpack3A_985 : vector<16xf32>
        %mul3A_988 = arith.mulf %gather3A_981, %unpack3A_986 : vector<16xf32>
        %sub3A_989 = arith.subf %mul3A_987, %mul3A_988 : vector<16xf32>
        %add3A_990 = arith.addf %add3A_975, %sub3A_989 : vector<16xf32>
        %mul3A_991 = arith.mulf %gather3A_980, %unpack3A_986 : vector<16xf32>
        %mul3A_992 = arith.mulf %gather3A_981, %unpack3A_985 : vector<16xf32>
        %add3A_993 = arith.addf %mul3A_991, %mul3A_992 : vector<16xf32>
        %add3A_994 = arith.addf %add3A_979, %add3A_993 : vector<16xf32>
        %gather3A_995 = tpu.vector_load_idx %arg13[%add3A_38, %add3A_927] : memref<160x128xf32, #tpu.memory_space<vmem>>[vector<16xi32>, vector<16xi32>], vector<16xf32>,
        %gather3A_996 = tpu.vector_load_idx %arg13[%add3A_38, %add3A_930] : memref<160x128xf32, #tpu.memory_space<vmem>>[vector<16xi32>, vector<16xi32>], vector<16xf32>,
        %add3A_997 = arith.addi %mul3A_231, %add3A_927 : vector<16xi32>
        %gather3A_998 = tpu.vector_load_idx %arg9[%add3A_997] : memref<32064xi32, #tpu.memory_space<vmem>>[vector<16xi32>], vector<16xi32>,
        %bitcast3A_999 = vector.bitcast %gather3A_998 : vector<16xi32> to vector<32xbf16>
        %unpack3A_1000 = tpu.unpack_subelements %bitcast3A_999, 0 {pack_format = #tpu.pack_format<interleaved>} : vector<32xbf16> -> vector<16xf32>
        %unpack3A_1001 = tpu.unpack_subelements %bitcast3A_999, 1 {pack_format = #tpu.pack_format<interleaved>} : vector<32xbf16> -> vector<16xf32>
        %mul3A_1002 = arith.mulf %gather3A_995, %unpack3A_1000 : vector<16xf32>
        %mul3A_1003 = arith.mulf %gather3A_996, %unpack3A_1001 : vector<16xf32>
        %sub3A_1004 = arith.subf %mul3A_1002, %mul3A_1003 : vector<16xf32>
        %add3A_1005 = arith.addf %add3A_990, %sub3A_1004 : vector<16xf32>
        %mul3A_1006 = arith.mulf %gather3A_995, %unpack3A_1001 : vector<16xf32>
        %mul3A_1007 = arith.mulf %gather3A_996, %unpack3A_1000 : vector<16xf32>
        %add3A_1008 = arith.addf %mul3A_1006, %mul3A_1007 : vector<16xf32>
        %add3A_1009 = arith.addf %add3A_994, %add3A_1008 : vector<16xf32>
        %gather3A_1010 = tpu.vector_load_idx %arg13[%add3A_44, %add3A_927] : memref<160x128xf32, #tpu.memory_space<vmem>>[vector<16xi32>, vector<16xi32>], vector<16xf32>,
        %gather3A_1011 = tpu.vector_load_idx %arg13[%add3A_44, %add3A_930] : memref<160x128xf32, #tpu.memory_space<vmem>>[vector<16xi32>, vector<16xi32>], vector<16xf32>,
        %add3A_1012 = arith.addi %mul3A_240, %add3A_927 : vector<16xi32>
        %gather3A_1013 = tpu.vector_load_idx %arg9[%add3A_1012] : memref<32064xi32, #tpu.memory_space<vmem>>[vector<16xi32>], vector<16xi32>,
        %bitcast3A_1014 = vector.bitcast %gather3A_1013 : vector<16xi32> to vector<32xbf16>
        %unpack3A_1015 = tpu.unpack_subelements %bitcast3A_1014, 0 {pack_format = #tpu.pack_format<interleaved>} : vector<32xbf16> -> vector<16xf32>
        %unpack3A_1016 = tpu.unpack_subelements %bitcast3A_1014, 1 {pack_format = #tpu.pack_format<interleaved>} : vector<32xbf16> -> vector<16xf32>
        %mul3A_1017 = arith.mulf %gather3A_1010, %unpack3A_1015 : vector<16xf32>
        %mul3A_1018 = arith.mulf %gather3A_1011, %unpack3A_1016 : vector<16xf32>
        %sub3A_1019 = arith.subf %mul3A_1017, %mul3A_1018 : vector<16xf32>
        %add3A_1020 = arith.addf %add3A_1005, %sub3A_1019 : vector<16xf32>
        %mul3A_1021 = arith.mulf %gather3A_1010, %unpack3A_1016 : vector<16xf32>
        %mul3A_1022 = arith.mulf %gather3A_1011, %unpack3A_1015 : vector<16xf32>
        %add3A_1023 = arith.addf %mul3A_1021, %mul3A_1022 : vector<16xf32>
        %add3A_1024 = arith.addf %add3A_1009, %add3A_1023 : vector<16xf32>
        %gather3A_1025 = tpu.vector_load_idx %arg13[%add3A_50, %add3A_927] : memref<160x128xf32, #tpu.memory_space<vmem>>[vector<16xi32>, vector<16xi32>], vector<16xf32>,
        %gather3A_1026 = tpu.vector_load_idx %arg13[%add3A_50, %add3A_930] : memref<160x128xf32, #tpu.memory_space<vmem>>[vector<16xi32>, vector<16xi32>], vector<16xf32>,
        %add3A_1027 = arith.addi %mul3A_249, %add3A_927 : vector<16xi32>
        %gather3A_1028 = tpu.vector_load_idx %arg9[%add3A_1027] : memref<32064xi32, #tpu.memory_space<vmem>>[vector<16xi32>], vector<16xi32>,
        %bitcast3A_1029 = vector.bitcast %gather3A_1028 : vector<16xi32> to vector<32xbf16>
        %unpack3A_1030 = tpu.unpack_subelements %bitcast3A_1029, 0 {pack_format = #tpu.pack_format<interleaved>} : vector<32xbf16> -> vector<16xf32>
        %unpack3A_1031 = tpu.unpack_subelements %bitcast3A_1029, 1 {pack_format = #tpu.pack_format<interleaved>} : vector<32xbf16> -> vector<16xf32>
        %mul3A_1032 = arith.mulf %gather3A_1025, %unpack3A_1030 : vector<16xf32>
        %mul3A_1033 = arith.mulf %gather3A_1026, %unpack3A_1031 : vector<16xf32>
        %sub3A_1034 = arith.subf %mul3A_1032, %mul3A_1033 : vector<16xf32>
        %add3A_1035 = arith.addf %add3A_1020, %sub3A_1034 : vector<16xf32>
        %mul3A_1036 = arith.mulf %gather3A_1025, %unpack3A_1031 : vector<16xf32>
        %mul3A_1037 = arith.mulf %gather3A_1026, %unpack3A_1030 : vector<16xf32>
        %add3A_1038 = arith.addf %mul3A_1036, %mul3A_1037 : vector<16xf32>
        %add3A_1039 = arith.addf %add3A_1024, %add3A_1038 : vector<16xf32>
        %gather3A_1040 = tpu.vector_load_idx %arg13[%add3A_56, %add3A_927] : memref<160x128xf32, #tpu.memory_space<vmem>>[vector<16xi32>, vector<16xi32>], vector<16xf32>,
        %gather3A_1041 = tpu.vector_load_idx %arg13[%add3A_56, %add3A_930] : memref<160x128xf32, #tpu.memory_space<vmem>>[vector<16xi32>, vector<16xi32>], vector<16xf32>,
        %add3A_1042 = arith.addi %mul3A_258, %add3A_927 : vector<16xi32>
        %gather3A_1043 = tpu.vector_load_idx %arg9[%add3A_1042] : memref<32064xi32, #tpu.memory_space<vmem>>[vector<16xi32>], vector<16xi32>,
        %bitcast3A_1044 = vector.bitcast %gather3A_1043 : vector<16xi32> to vector<32xbf16>
        %unpack3A_1045 = tpu.unpack_subelements %bitcast3A_1044, 0 {pack_format = #tpu.pack_format<interleaved>} : vector<32xbf16> -> vector<16xf32>
        %unpack3A_1046 = tpu.unpack_subelements %bitcast3A_1044, 1 {pack_format = #tpu.pack_format<interleaved>} : vector<32xbf16> -> vector<16xf32>
        %mul3A_1047 = arith.mulf %gather3A_1040, %unpack3A_1045 : vector<16xf32>
        %mul3A_1048 = arith.mulf %gather3A_1041, %unpack3A_1046 : vector<16xf32>
        %sub3A_1049 = arith.subf %mul3A_1047, %mul3A_1048 : vector<16xf32>
        %add3A_1050 = arith.addf %add3A_1035, %sub3A_1049 : vector<16xf32>
        %mul3A_1051 = arith.mulf %gather3A_1040, %unpack3A_1046 : vector<16xf32>
        %mul3A_1052 = arith.mulf %gather3A_1041, %unpack3A_1045 : vector<16xf32>
        %add3A_1053 = arith.addf %mul3A_1051, %mul3A_1052 : vector<16xf32>
        %add3A_1054 = arith.addf %add3A_1039, %add3A_1053 : vector<16xf32>
        %gather3A_1055 = tpu.vector_load_idx %arg13[%add3A_62, %add3A_927] : memref<160x128xf32, #tpu.memory_space<vmem>>[vector<16xi32>, vector<16xi32>], vector<16xf32>,
        %gather3A_1056 = tpu.vector_load_idx %arg13[%add3A_62, %add3A_930] : memref<160x128xf32, #tpu.memory_space<vmem>>[vector<16xi32>, vector<16xi32>], vector<16xf32>,
        %add3A_1057 = arith.addi %mul3A_267, %add3A_927 : vector<16xi32>
        %gather3A_1058 = tpu.vector_load_idx %arg9[%add3A_1057] : memref<32064xi32, #tpu.memory_space<vmem>>[vector<16xi32>], vector<16xi32>,
        %bitcast3A_1059 = vector.bitcast %gather3A_1058 : vector<16xi32> to vector<32xbf16>
        %unpack3A_1060 = tpu.unpack_subelements %bitcast3A_1059, 0 {pack_format = #tpu.pack_format<interleaved>} : vector<32xbf16> -> vector<16xf32>
        %unpack3A_1061 = tpu.unpack_subelements %bitcast3A_1059, 1 {pack_format = #tpu.pack_format<interleaved>} : vector<32xbf16> -> vector<16xf32>
        %mul3A_1062 = arith.mulf %gather3A_1055, %unpack3A_1060 : vector<16xf32>
        %mul3A_1063 = arith.mulf %gather3A_1056, %unpack3A_1061 : vector<16xf32>
        %sub3A_1064 = arith.subf %mul3A_1062, %mul3A_1063 : vector<16xf32>
        %add3A_1065 = arith.addf %add3A_1050, %sub3A_1064 : vector<16xf32>
        %mul3A_1066 = arith.mulf %gather3A_1055, %unpack3A_1061 : vector<16xf32>
        %mul3A_1067 = arith.mulf %gather3A_1056, %unpack3A_1060 : vector<16xf32>
        %add3A_1068 = arith.addf %mul3A_1066, %mul3A_1067 : vector<16xf32>
        %add3A_1069 = arith.addf %add3A_1054, %add3A_1068 : vector<16xf32>
        %gather3A_1070 = tpu.vector_load_idx %arg13[%add3A_68, %add3A_927] : memref<160x128xf32, #tpu.memory_space<vmem>>[vector<16xi32>, vector<16xi32>], vector<16xf32>,
        %gather3A_1071 = tpu.vector_load_idx %arg13[%add3A_68, %add3A_930] : memref<160x128xf32, #tpu.memory_space<vmem>>[vector<16xi32>, vector<16xi32>], vector<16xf32>,
        %add3A_1072 = arith.addi %mul3A_276, %add3A_927 : vector<16xi32>
        %gather3A_1073 = tpu.vector_load_idx %arg9[%add3A_1072] : memref<32064xi32, #tpu.memory_space<vmem>>[vector<16xi32>], vector<16xi32>,
        %bitcast3A_1074 = vector.bitcast %gather3A_1073 : vector<16xi32> to vector<32xbf16>
        %unpack3A_1075 = tpu.unpack_subelements %bitcast3A_1074, 0 {pack_format = #tpu.pack_format<interleaved>} : vector<32xbf16> -> vector<16xf32>
        %unpack3A_1076 = tpu.unpack_subelements %bitcast3A_1074, 1 {pack_format = #tpu.pack_format<interleaved>} : vector<32xbf16> -> vector<16xf32>
        %mul3A_1077 = arith.mulf %gather3A_1070, %unpack3A_1075 : vector<16xf32>
        %mul3A_1078 = arith.mulf %gather3A_1071, %unpack3A_1076 : vector<16xf32>
        %sub3A_1079 = arith.subf %mul3A_1077, %mul3A_1078 : vector<16xf32>
        %add3A_1080 = arith.addf %add3A_1065, %sub3A_1079 : vector<16xf32>
        %mul3A_1081 = arith.mulf %gather3A_1070, %unpack3A_1076 : vector<16xf32>
        %mul3A_1082 = arith.mulf %gather3A_1071, %unpack3A_1075 : vector<16xf32>
        %add3A_1083 = arith.addf %mul3A_1081, %mul3A_1082 : vector<16xf32>
        %add3A_1084 = arith.addf %add3A_1069, %add3A_1083 : vector<16xf32>
        tpu.vector_store_idx %arg15[%iota3A, %add3A_927], %add3A_1080 : memref<16x128xf32, #tpu.memory_space<vmem>>[vector<16xi32>, vector<16xi32>], vector<16xf32>,
        tpu.vector_store_idx %arg15[%iota3A, %add3A_930], %add3A_1084 : memref<16x128xf32, #tpu.memory_space<vmem>>[vector<16xi32>, vector<16xi32>], vector<16xf32>,
      }
      %scan3A_282 = arith.constant 64 : i32
      %mul3A_283 = arith.constant 64 : i32
      %mul3A_284 = arith.muli %add3A, %mul3A_283 : i32
      %add3A_285 = arith.addi %mul3A_284, %mul3A_157 : i32
      %mul3A_286 = arith.constant 16 : i32
      %mul3A_287 = arith.muli %add3A_285, %mul3A_286 : i32
      %dma_start3A_288 = arith.constant 0 : i32
      %dma_start3A_289 = tpu.memref_slice %arg7[%mul3A_287, %dma_start3A_288] : memref<32768x128xf32, #tpu.memory_space<hbm>> -> memref<16x128xf32, #tpu.memory_space<hbm>>
      %dma_start3A_290 = arith.constant 0 : i32
      %dma_start3A_291 = tpu.memref_slice %arg7[%mul3A_287, %dma_start3A_290] : memref<32768x128xf32, #tpu.memory_space<hbm>> -> memref<16x128xf32, #tpu.memory_space<hbm>>
      tpu.enqueue_dma source(%arg15 : memref<16x128xf32, #tpu.memory_space<vmem>>) target(%dma_start3A_291 : memref<16x128xf32, #tpu.memory_space<hbm>>) target_semaphore(%arg20 : memref<!tpu.dma_semaphore, #tpu.memory_space<semaphore_mem>>)
      %lt3A = arith.constant 31 : i32
      %lt3A_292 = arith.cmpi slt, %scan3A_155, %lt3A : i32
      %convert_element_type3A_293 = arith.extui %lt3A_292 : i1 to i32
      %cond3A_294 = arith.constant 0 : i32
      %cond3A_295 = arith.cmpi ne, %convert_element_type3A_293, %cond3A_294 : i32
      scf.if %cond3A_295 {
        %add3A_416 = arith.constant 2 : i32
        %add3A_417 = arith.addi %mul3A_157, %add3A_416 : i32
        %mul3A_418 = arith.constant 160 : i32
        %mul3A_419 = arith.muli %add3A_417, %mul3A_418 : i32
        %dma_start3A_420 = arith.constant 0 : i32
        %dma_start3A_421 = arith.constant 0 : i32
        %dma_start3A_422 = tpu.memref_slice %arg13[%dma_start3A_420, %dma_start3A_421] : memref<160x128xf32, #tpu.memory_space<vmem>> -> memref<80x128xf32, #tpu.memory_space<vmem>>
        %dma_start3A_423 = tpu.memref_slice %arg10[%mul3A_419] : memref<10240xi32, #tpu.memory_space<vmem>> -> memref<80xi32, #tpu.memory_space<vmem>>
        %dma_start3A_424 = arith.constant 0 : i32
        %dma_start3A_425 = arith.constant 0 : i32
        %dma_start3A_426 = tpu.memref_slice %arg4[%dma_start3A_424, %dma_start3A_425] : memref<1000000x128xf32, #tpu.memory_space<hbm>> -> memref<1000000x128xf32, #tpu.memory_space<hbm>>
        tpu.enqueue_indirect_dma source(%dma_start3A_426 : memref<1000000x128xf32, #tpu.memory_space<hbm>>) target(%dma_start3A_422 : memref<80x128xf32, #tpu.memory_space<vmem>>) offsets(%dma_start3A_423 : memref<80xi32, #tpu.memory_space<vmem>>) semaphore(%arg18 : memref<!tpu.dma_semaphore, #tpu.memory_space<semaphore_mem>>)
        %mul3A_427 = arith.constant 160 : i32
        %mul3A_428 = arith.muli %add3A_417, %mul3A_427 : i32
        %add3A_429 = arith.constant 80 : i32
        %add3A_430 = arith.addi %mul3A_428, %add3A_429 : i32
        %dma_start3A_431 = arith.constant 80 : i32
        %dma_start3A_432 = arith.constant 0 : i32
        %dma_start3A_433 = tpu.memref_slice %arg13[%dma_start3A_431, %dma_start3A_432] : memref<160x128xf32, #tpu.memory_space<vmem>> -> memref<80x128xf32, #tpu.memory_space<vmem>>
        %dma_start3A_434 = tpu.memref_slice %arg10[%add3A_430] : memref<10240xi32, #tpu.memory_space<vmem>> -> memref<80xi32, #tpu.memory_space<vmem>>
        %dma_start3A_435 = arith.constant 0 : i32
        %dma_start3A_436 = arith.constant 0 : i32
        %dma_start3A_437 = tpu.memref_slice %arg4[%dma_start3A_435, %dma_start3A_436] : memref<1000000x128xf32, #tpu.memory_space<hbm>> -> memref<1000000x128xf32, #tpu.memory_space<hbm>>
        tpu.enqueue_indirect_dma source(%dma_start3A_437 : memref<1000000x128xf32, #tpu.memory_space<hbm>>) target(%dma_start3A_433 : memref<80x128xf32, #tpu.memory_space<vmem>>) offsets(%dma_start3A_434 : memref<80xi32, #tpu.memory_space<vmem>>) semaphore(%arg18 : memref<!tpu.dma_semaphore, #tpu.memory_space<semaphore_mem>>)
      } else {
      }
      %dma_wait3A_296 = arith.constant 0 : i32
      %dma_wait3A_297 = arith.constant 0 : i32
      %dma_wait3A_298 = tpu.memref_slice %arg4[%dma_wait3A_296, %dma_wait3A_297] : memref<1000000x128xf32, #tpu.memory_space<hbm>> -> memref<160x128xf32, #tpu.memory_space<hbm>>
      %dma_wait3A_299 = arith.constant 0 : i32
      %dma_wait3A_300 = arith.constant 0 : i32
      %dma_wait3A_301 = tpu.memref_slice %arg4[%dma_wait3A_299, %dma_wait3A_300] : memref<1000000x128xf32, #tpu.memory_space<hbm>> -> memref<160x128xf32, #tpu.memory_space<hbm>>
      tpu.wait_dma2 semaphore(%arg19 : memref<!tpu.dma_semaphore, #tpu.memory_space<semaphore_mem>>) src(%dma_wait3A_301 : memref<160x128xf32, #tpu.memory_space<hbm>>) dst(%arg14 : memref<160x128xf32, #tpu.memory_space<vmem>>)
      %gt3A_302 = arith.constant 0 : i32
      %gt3A_303 = arith.cmpi sgt, %scan3A_155, %gt3A_302 : i32
      %convert_element_type3A_304 = arith.extui %gt3A_303 : i1 to i32
      %cond3A_305 = arith.constant 0 : i32
      %cond3A_306 = arith.cmpi ne, %convert_element_type3A_304, %cond3A_305 : i32
      scf.if %cond3A_306 {
        %dma_wait3A_416 = arith.constant 0 : i32
        %dma_wait3A_417 = arith.constant 0 : i32
        %dma_wait3A_418 = tpu.memref_slice %arg7[%dma_wait3A_416, %dma_wait3A_417] : memref<32768x128xf32, #tpu.memory_space<hbm>> -> memref<16x128xf32, #tpu.memory_space<hbm>>
        %dma_wait3A_419 = arith.constant 0 : i32
        %dma_wait3A_420 = arith.constant 0 : i32
        %dma_wait3A_421 = tpu.memref_slice %arg7[%dma_wait3A_419, %dma_wait3A_420] : memref<32768x128xf32, #tpu.memory_space<hbm>> -> memref<16x128xf32, #tpu.memory_space<hbm>>
        tpu.wait_dma2 semaphore(%arg21 : memref<!tpu.dma_semaphore, #tpu.memory_space<semaphore_mem>>) src(%dma_wait3A_421 : memref<16x128xf32, #tpu.memory_space<hbm>>) dst(%arg15 : memref<16x128xf32, #tpu.memory_space<vmem>>)
      } else {
      }
      %add3A_307 = arith.constant 1 : i32
      %add3A_308 = arith.addi %mul3A_157, %add3A_307 : i32
      %mul3A_309 = arith.constant 160 : i32
      %mul3A_310 = arith.muli %add3A_308, %mul3A_309 : i32
      %add3A_311 = arith.constant 0 : i32
      %add3A_312 = arith.addi %mul3A_310, %add3A_311 : i32
      %get3A_313 = arith.index_cast %add3A_312 : i32 to index
      %get3A_314 = tpu.vector_load %arg11[%get3A_313] {strides = array<i32>} : memref<10240xi32, #tpu.memory_space<vmem>>, vector<16xi32>,
      %mul3A_315 = arith.constant 64 : i32
      %mul3A_316 = vector.broadcast %mul3A_315 : i32 to vector<16xi32>
      %mul3A_317 = arith.muli %get3A_314, %mul3A_316 : vector<16xi32>
      %mul3A_318 = arith.constant 160 : i32
      %mul3A_319 = arith.muli %add3A_308, %mul3A_318 : i32
      %add3A_320 = arith.constant 16 : i32
      %add3A_321 = arith.addi %mul3A_319, %add3A_320 : i32
      %get3A_322 = arith.index_cast %add3A_321 : i32 to index
      %get3A_323 = tpu.vector_load %arg11[%get3A_322] {strides = array<i32>} : memref<10240xi32, #tpu.memory_space<vmem>>, vector<16xi32>,
      %mul3A_324 = arith.constant 64 : i32
      %mul3A_325 = vector.broadcast %mul3A_324 : i32 to vector<16xi32>
      %mul3A_326 = arith.muli %get3A_323, %mul3A_325 : vector<16xi32>
      %mul3A_327 = arith.constant 160 : i32
      %mul3A_328 = arith.muli %add3A_308, %mul3A_327 : i32
      %add3A_329 = arith.constant 32 : i32
      %add3A_330 = arith.addi %mul3A_328, %add3A_329 : i32
      %get3A_331 = arith.index_cast %add3A_330 : i32 to index
      %get3A_332 = tpu.vector_load %arg11[%get3A_331] {strides = array<i32>} : memref<10240xi32, #tpu.memory_space<vmem>>, vector<16xi32>,
      %mul3A_333 = arith.constant 64 : i32
      %mul3A_334 = vector.broadcast %mul3A_333 : i32 to vector<16xi32>
      %mul3A_335 = arith.muli %get3A_332, %mul3A_334 : vector<16xi32>
      %mul3A_336 = arith.constant 160 : i32
      %mul3A_337 = arith.muli %add3A_308, %mul3A_336 : i32
      %add3A_338 = arith.constant 48 : i32
      %add3A_339 = arith.addi %mul3A_337, %add3A_338 : i32
      %get3A_340 = arith.index_cast %add3A_339 : i32 to index
      %get3A_341 = tpu.vector_load %arg11[%get3A_340] {strides = array<i32>} : memref<10240xi32, #tpu.memory_space<vmem>>, vector<16xi32>,
      %mul3A_342 = arith.constant 64 : i32
      %mul3A_343 = vector.broadcast %mul3A_342 : i32 to vector<16xi32>
      %mul3A_344 = arith.muli %get3A_341, %mul3A_343 : vector<16xi32>
      %mul3A_345 = arith.constant 160 : i32
      %mul3A_346 = arith.muli %add3A_308, %mul3A_345 : i32
      %add3A_347 = arith.constant 64 : i32
      %add3A_348 = arith.addi %mul3A_346, %add3A_347 : i32
      %get3A_349 = arith.index_cast %add3A_348 : i32 to index
      %get3A_350 = tpu.vector_load %arg11[%get3A_349] {strides = array<i32>} : memref<10240xi32, #tpu.memory_space<vmem>>, vector<16xi32>,
      %mul3A_351 = arith.constant 64 : i32
      %mul3A_352 = vector.broadcast %mul3A_351 : i32 to vector<16xi32>
      %mul3A_353 = arith.muli %get3A_350, %mul3A_352 : vector<16xi32>
      %mul3A_354 = arith.constant 160 : i32
      %mul3A_355 = arith.muli %add3A_308, %mul3A_354 : i32
      %add3A_356 = arith.constant 80 : i32
      %add3A_357 = arith.addi %mul3A_355, %add3A_356 : i32
      %get3A_358 = arith.index_cast %add3A_357 : i32 to index
      %get3A_359 = tpu.vector_load %arg11[%get3A_358] {strides = array<i32>} : memref<10240xi32, #tpu.memory_space<vmem>>, vector<16xi32>,
      %mul3A_360 = arith.constant 64 : i32
      %mul3A_361 = vector.broadcast %mul3A_360 : i32 to vector<16xi32>
      %mul3A_362 = arith.muli %get3A_359, %mul3A_361 : vector<16xi32>
      %mul3A_363 = arith.constant 160 : i32
      %mul3A_364 = arith.muli %add3A_308, %mul3A_363 : i32
      %add3A_365 = arith.constant 96 : i32
      %add3A_366 = arith.addi %mul3A_364, %add3A_365 : i32
      %get3A_367 = arith.index_cast %add3A_366 : i32 to index
      %get3A_368 = tpu.vector_load %arg11[%get3A_367] {strides = array<i32>} : memref<10240xi32, #tpu.memory_space<vmem>>, vector<16xi32>,
      %mul3A_369 = arith.constant 64 : i32
      %mul3A_370 = vector.broadcast %mul3A_369 : i32 to vector<16xi32>
      %mul3A_371 = arith.muli %get3A_368, %mul3A_370 : vector<16xi32>
      %mul3A_372 = arith.constant 160 : i32
      %mul3A_373 = arith.muli %add3A_308, %mul3A_372 : i32
      %add3A_374 = arith.constant 112 : i32
      %add3A_375 = arith.addi %mul3A_373, %add3A_374 : i32
      %get3A_376 = arith.index_cast %add3A_375 : i32 to index
      %get3A_377 = tpu.vector_load %arg11[%get3A_376] {strides = array<i32>} : memref<10240xi32, #tpu.memory_space<vmem>>, vector<16xi32>,
      %mul3A_378 = arith.constant 64 : i32
      %mul3A_379 = vector.broadcast %mul3A_378 : i32 to vector<16xi32>
      %mul3A_380 = arith.muli %get3A_377, %mul3A_379 : vector<16xi32>
      %mul3A_381 = arith.constant 160 : i32
      %mul3A_382 = arith.muli %add3A_308, %mul3A_381 : i32
      %add3A_383 = arith.constant 128 : i32
      %add3A_384 = arith.addi %mul3A_382, %add3A_383 : i32
      %get3A_385 = arith.index_cast %add3A_384 : i32 to index
      %get3A_386 = tpu.vector_load %arg11[%get3A_385] {strides = array<i32>} : memref<10240xi32, #tpu.memory_space<vmem>>, vector<16xi32>,
      %mul3A_387 = arith.constant 64 : i32
      %mul3A_388 = vector.broadcast %mul3A_387 : i32 to vector<16xi32>
      %mul3A_389 = arith.muli %get3A_386, %mul3A_388 : vector<16xi32>
      %mul3A_390 = arith.constant 160 : i32
      %mul3A_391 = arith.muli %add3A_308, %mul3A_390 : i32
      %add3A_392 = arith.constant 144 : i32
      %add3A_393 = arith.addi %mul3A_391, %add3A_392 : i32
      %get3A_394 = arith.index_cast %add3A_393 : i32 to index
      %get3A_395 = tpu.vector_load %arg11[%get3A_394] {strides = array<i32>} : memref<10240xi32, #tpu.memory_space<vmem>>, vector<16xi32>,
      %mul3A_396 = arith.constant 64 : i32
      %mul3A_397 = vector.broadcast %mul3A_396 : i32 to vector<16xi32>
      %mul3A_398 = arith.muli %get3A_395, %mul3A_397 : vector<16xi32>
      %scan3A_399 = arith.constant 0 : i32
      %scan3A_400 = arith.constant 0 : i32
      %scan3A_401 = arith.constant 64 : i32
      %scan3A_402 = arith.addi %scan3A_400, %scan3A_401 : i32
      %scan3A_403 = arith.constant 4 : i32
      scf.for %scan3A_416 = %scan3A_400 to %scan3A_402 step %scan3A_403  : i32 {
        %and3A = arith.constant 15 : i32
        %and3A_417 = arith.andi %scan3A_416, %and3A : i32
        %add3A_418 = vector.broadcast %and3A_417 : i32 to vector<16xi32>
        %add3A_419 = arith.addi %add3A_418, %iota3A : vector<16xi32>
        %and3A_420 = arith.constant 15 : i32
        %and3A_421 = vector.broadcast %and3A_420 : i32 to vector<16xi32>
        %and3A_422 = arith.andi %add3A_419, %and3A_421 : vector<16xi32>
        %sub3A = arith.subi %scan3A_416, %and3A_417 : i32
        %add3A_423 = vector.broadcast %sub3A : i32 to vector<16xi32>
        %add3A_424 = arith.addi %add3A_423, %and3A_422 : vector<16xi32>
        %add3A_425 = arith.constant 64 : i32
        %add3A_426 = vector.broadcast %add3A_425 : i32 to vector<16xi32>
        %add3A_427 = arith.addi %add3A_424, %add3A_426 : vector<16xi32>
        %broadcast_in_dim3A = arith.constant 0.000000e+00 : f32
        %broadcast_in_dim3A_428 = vector.broadcast %broadcast_in_dim3A : f32 to vector<16xf32>
        %broadcast_in_dim3A_429 = arith.constant 0.000000e+00 : f32
        %broadcast_in_dim3A_430 = vector.broadcast %broadcast_in_dim3A_429 : f32 to vector<16xf32>
        %gather3A = tpu.vector_load_idx %arg14[%add3A_14, %add3A_424] : memref<160x128xf32, #tpu.memory_space<vmem>>[vector<16xi32>, vector<16xi32>], vector<16xf32>,
        %gather3A_431 = tpu.vector_load_idx %arg14[%add3A_14, %add3A_427] : memref<160x128xf32, #tpu.memory_space<vmem>>[vector<16xi32>, vector<16xi32>], vector<16xf32>,
        %add3A_432 = arith.addi %mul3A_317, %add3A_424 : vector<16xi32>
        %gather3A_433 = tpu.vector_load_idx %arg9[%add3A_432] : memref<32064xi32, #tpu.memory_space<vmem>>[vector<16xi32>], vector<16xi32>,
        %bitcast3A = vector.bitcast %gather3A_433 : vector<16xi32> to vector<32xbf16>
        %unpack3A = tpu.unpack_subelements %bitcast3A, 0 {pack_format = #tpu.pack_format<interleaved>} : vector<32xbf16> -> vector<16xf32>
        %unpack3A_434 = tpu.unpack_subelements %bitcast3A, 1 {pack_format = #tpu.pack_format<interleaved>} : vector<32xbf16> -> vector<16xf32>
        %mul3A_435 = arith.mulf %gather3A, %unpack3A : vector<16xf32>
        %mul3A_436 = arith.mulf %gather3A_431, %unpack3A_434 : vector<16xf32>
        %sub3A_437 = arith.subf %mul3A_435, %mul3A_436 : vector<16xf32>
        %add3A_438 = arith.addf %broadcast_in_dim3A_428, %sub3A_437 : vector<16xf32>
        %mul3A_439 = arith.mulf %gather3A, %unpack3A_434 : vector<16xf32>
        %mul3A_440 = arith.mulf %gather3A_431, %unpack3A : vector<16xf32>
        %add3A_441 = arith.addf %mul3A_439, %mul3A_440 : vector<16xf32>
        %add3A_442 = arith.addf %broadcast_in_dim3A_430, %add3A_441 : vector<16xf32>
        %gather3A_443 = tpu.vector_load_idx %arg14[%add3A_20, %add3A_424] : memref<160x128xf32, #tpu.memory_space<vmem>>[vector<16xi32>, vector<16xi32>], vector<16xf32>,
        %gather3A_444 = tpu.vector_load_idx %arg14[%add3A_20, %add3A_427] : memref<160x128xf32, #tpu.memory_space<vmem>>[vector<16xi32>, vector<16xi32>], vector<16xf32>,
        %add3A_445 = arith.addi %mul3A_326, %add3A_424 : vector<16xi32>
        %gather3A_446 = tpu.vector_load_idx %arg9[%add3A_445] : memref<32064xi32, #tpu.memory_space<vmem>>[vector<16xi32>], vector<16xi32>,
        %bitcast3A_447 = vector.bitcast %gather3A_446 : vector<16xi32> to vector<32xbf16>
        %unpack3A_448 = tpu.unpack_subelements %bitcast3A_447, 0 {pack_format = #tpu.pack_format<interleaved>} : vector<32xbf16> -> vector<16xf32>
        %unpack3A_449 = tpu.unpack_subelements %bitcast3A_447, 1 {pack_format = #tpu.pack_format<interleaved>} : vector<32xbf16> -> vector<16xf32>
        %mul3A_450 = arith.mulf %gather3A_443, %unpack3A_448 : vector<16xf32>
        %mul3A_451 = arith.mulf %gather3A_444, %unpack3A_449 : vector<16xf32>
        %sub3A_452 = arith.subf %mul3A_450, %mul3A_451 : vector<16xf32>
        %add3A_453 = arith.addf %add3A_438, %sub3A_452 : vector<16xf32>
        %mul3A_454 = arith.mulf %gather3A_443, %unpack3A_449 : vector<16xf32>
        %mul3A_455 = arith.mulf %gather3A_444, %unpack3A_448 : vector<16xf32>
        %add3A_456 = arith.addf %mul3A_454, %mul3A_455 : vector<16xf32>
        %add3A_457 = arith.addf %add3A_442, %add3A_456 : vector<16xf32>
        %gather3A_458 = tpu.vector_load_idx %arg14[%add3A_26, %add3A_424] : memref<160x128xf32, #tpu.memory_space<vmem>>[vector<16xi32>, vector<16xi32>], vector<16xf32>,
        %gather3A_459 = tpu.vector_load_idx %arg14[%add3A_26, %add3A_427] : memref<160x128xf32, #tpu.memory_space<vmem>>[vector<16xi32>, vector<16xi32>], vector<16xf32>,
        %add3A_460 = arith.addi %mul3A_335, %add3A_424 : vector<16xi32>
        %gather3A_461 = tpu.vector_load_idx %arg9[%add3A_460] : memref<32064xi32, #tpu.memory_space<vmem>>[vector<16xi32>], vector<16xi32>,
        %bitcast3A_462 = vector.bitcast %gather3A_461 : vector<16xi32> to vector<32xbf16>
        %unpack3A_463 = tpu.unpack_subelements %bitcast3A_462, 0 {pack_format = #tpu.pack_format<interleaved>} : vector<32xbf16> -> vector<16xf32>
        %unpack3A_464 = tpu.unpack_subelements %bitcast3A_462, 1 {pack_format = #tpu.pack_format<interleaved>} : vector<32xbf16> -> vector<16xf32>
        %mul3A_465 = arith.mulf %gather3A_458, %unpack3A_463 : vector<16xf32>
        %mul3A_466 = arith.mulf %gather3A_459, %unpack3A_464 : vector<16xf32>
        %sub3A_467 = arith.subf %mul3A_465, %mul3A_466 : vector<16xf32>
        %add3A_468 = arith.addf %add3A_453, %sub3A_467 : vector<16xf32>
        %mul3A_469 = arith.mulf %gather3A_458, %unpack3A_464 : vector<16xf32>
        %mul3A_470 = arith.mulf %gather3A_459, %unpack3A_463 : vector<16xf32>
        %add3A_471 = arith.addf %mul3A_469, %mul3A_470 : vector<16xf32>
        %add3A_472 = arith.addf %add3A_457, %add3A_471 : vector<16xf32>
        %gather3A_473 = tpu.vector_load_idx %arg14[%add3A_32, %add3A_424] : memref<160x128xf32, #tpu.memory_space<vmem>>[vector<16xi32>, vector<16xi32>], vector<16xf32>,
        %gather3A_474 = tpu.vector_load_idx %arg14[%add3A_32, %add3A_427] : memref<160x128xf32, #tpu.memory_space<vmem>>[vector<16xi32>, vector<16xi32>], vector<16xf32>,
        %add3A_475 = arith.addi %mul3A_344, %add3A_424 : vector<16xi32>
        %gather3A_476 = tpu.vector_load_idx %arg9[%add3A_475] : memref<32064xi32, #tpu.memory_space<vmem>>[vector<16xi32>], vector<16xi32>,
        %bitcast3A_477 = vector.bitcast %gather3A_476 : vector<16xi32> to vector<32xbf16>
        %unpack3A_478 = tpu.unpack_subelements %bitcast3A_477, 0 {pack_format = #tpu.pack_format<interleaved>} : vector<32xbf16> -> vector<16xf32>
        %unpack3A_479 = tpu.unpack_subelements %bitcast3A_477, 1 {pack_format = #tpu.pack_format<interleaved>} : vector<32xbf16> -> vector<16xf32>
        %mul3A_480 = arith.mulf %gather3A_473, %unpack3A_478 : vector<16xf32>
        %mul3A_481 = arith.mulf %gather3A_474, %unpack3A_479 : vector<16xf32>
        %sub3A_482 = arith.subf %mul3A_480, %mul3A_481 : vector<16xf32>
        %add3A_483 = arith.addf %add3A_468, %sub3A_482 : vector<16xf32>
        %mul3A_484 = arith.mulf %gather3A_473, %unpack3A_479 : vector<16xf32>
        %mul3A_485 = arith.mulf %gather3A_474, %unpack3A_478 : vector<16xf32>
        %add3A_486 = arith.addf %mul3A_484, %mul3A_485 : vector<16xf32>
        %add3A_487 = arith.addf %add3A_472, %add3A_486 : vector<16xf32>
        %gather3A_488 = tpu.vector_load_idx %arg14[%add3A_38, %add3A_424] : memref<160x128xf32, #tpu.memory_space<vmem>>[vector<16xi32>, vector<16xi32>], vector<16xf32>,
        %gather3A_489 = tpu.vector_load_idx %arg14[%add3A_38, %add3A_427] : memref<160x128xf32, #tpu.memory_space<vmem>>[vector<16xi32>, vector<16xi32>], vector<16xf32>,
        %add3A_490 = arith.addi %mul3A_353, %add3A_424 : vector<16xi32>
        %gather3A_491 = tpu.vector_load_idx %arg9[%add3A_490] : memref<32064xi32, #tpu.memory_space<vmem>>[vector<16xi32>], vector<16xi32>,
        %bitcast3A_492 = vector.bitcast %gather3A_491 : vector<16xi32> to vector<32xbf16>
        %unpack3A_493 = tpu.unpack_subelements %bitcast3A_492, 0 {pack_format = #tpu.pack_format<interleaved>} : vector<32xbf16> -> vector<16xf32>
        %unpack3A_494 = tpu.unpack_subelements %bitcast3A_492, 1 {pack_format = #tpu.pack_format<interleaved>} : vector<32xbf16> -> vector<16xf32>
        %mul3A_495 = arith.mulf %gather3A_488, %unpack3A_493 : vector<16xf32>
        %mul3A_496 = arith.mulf %gather3A_489, %unpack3A_494 : vector<16xf32>
        %sub3A_497 = arith.subf %mul3A_495, %mul3A_496 : vector<16xf32>
        %add3A_498 = arith.addf %add3A_483, %sub3A_497 : vector<16xf32>
        %mul3A_499 = arith.mulf %gather3A_488, %unpack3A_494 : vector<16xf32>
        %mul3A_500 = arith.mulf %gather3A_489, %unpack3A_493 : vector<16xf32>
        %add3A_501 = arith.addf %mul3A_499, %mul3A_500 : vector<16xf32>
        %add3A_502 = arith.addf %add3A_487, %add3A_501 : vector<16xf32>
        %gather3A_503 = tpu.vector_load_idx %arg14[%add3A_44, %add3A_424] : memref<160x128xf32, #tpu.memory_space<vmem>>[vector<16xi32>, vector<16xi32>], vector<16xf32>,
        %gather3A_504 = tpu.vector_load_idx %arg14[%add3A_44, %add3A_427] : memref<160x128xf32, #tpu.memory_space<vmem>>[vector<16xi32>, vector<16xi32>], vector<16xf32>,
        %add3A_505 = arith.addi %mul3A_362, %add3A_424 : vector<16xi32>
        %gather3A_506 = tpu.vector_load_idx %arg9[%add3A_505] : memref<32064xi32, #tpu.memory_space<vmem>>[vector<16xi32>], vector<16xi32>,
        %bitcast3A_507 = vector.bitcast %gather3A_506 : vector<16xi32> to vector<32xbf16>
        %unpack3A_508 = tpu.unpack_subelements %bitcast3A_507, 0 {pack_format = #tpu.pack_format<interleaved>} : vector<32xbf16> -> vector<16xf32>
        %unpack3A_509 = tpu.unpack_subelements %bitcast3A_507, 1 {pack_format = #tpu.pack_format<interleaved>} : vector<32xbf16> -> vector<16xf32>
        %mul3A_510 = arith.mulf %gather3A_503, %unpack3A_508 : vector<16xf32>
        %mul3A_511 = arith.mulf %gather3A_504, %unpack3A_509 : vector<16xf32>
        %sub3A_512 = arith.subf %mul3A_510, %mul3A_511 : vector<16xf32>
        %add3A_513 = arith.addf %add3A_498, %sub3A_512 : vector<16xf32>
        %mul3A_514 = arith.mulf %gather3A_503, %unpack3A_509 : vector<16xf32>
        %mul3A_515 = arith.mulf %gather3A_504, %unpack3A_508 : vector<16xf32>
        %add3A_516 = arith.addf %mul3A_514, %mul3A_515 : vector<16xf32>
        %add3A_517 = arith.addf %add3A_502, %add3A_516 : vector<16xf32>
        %gather3A_518 = tpu.vector_load_idx %arg14[%add3A_50, %add3A_424] : memref<160x128xf32, #tpu.memory_space<vmem>>[vector<16xi32>, vector<16xi32>], vector<16xf32>,
        %gather3A_519 = tpu.vector_load_idx %arg14[%add3A_50, %add3A_427] : memref<160x128xf32, #tpu.memory_space<vmem>>[vector<16xi32>, vector<16xi32>], vector<16xf32>,
        %add3A_520 = arith.addi %mul3A_371, %add3A_424 : vector<16xi32>
        %gather3A_521 = tpu.vector_load_idx %arg9[%add3A_520] : memref<32064xi32, #tpu.memory_space<vmem>>[vector<16xi32>], vector<16xi32>,
        %bitcast3A_522 = vector.bitcast %gather3A_521 : vector<16xi32> to vector<32xbf16>
        %unpack3A_523 = tpu.unpack_subelements %bitcast3A_522, 0 {pack_format = #tpu.pack_format<interleaved>} : vector<32xbf16> -> vector<16xf32>
        %unpack3A_524 = tpu.unpack_subelements %bitcast3A_522, 1 {pack_format = #tpu.pack_format<interleaved>} : vector<32xbf16> -> vector<16xf32>
        %mul3A_525 = arith.mulf %gather3A_518, %unpack3A_523 : vector<16xf32>
        %mul3A_526 = arith.mulf %gather3A_519, %unpack3A_524 : vector<16xf32>
        %sub3A_527 = arith.subf %mul3A_525, %mul3A_526 : vector<16xf32>
        %add3A_528 = arith.addf %add3A_513, %sub3A_527 : vector<16xf32>
        %mul3A_529 = arith.mulf %gather3A_518, %unpack3A_524 : vector<16xf32>
        %mul3A_530 = arith.mulf %gather3A_519, %unpack3A_523 : vector<16xf32>
        %add3A_531 = arith.addf %mul3A_529, %mul3A_530 : vector<16xf32>
        %add3A_532 = arith.addf %add3A_517, %add3A_531 : vector<16xf32>
        %gather3A_533 = tpu.vector_load_idx %arg14[%add3A_56, %add3A_424] : memref<160x128xf32, #tpu.memory_space<vmem>>[vector<16xi32>, vector<16xi32>], vector<16xf32>,
        %gather3A_534 = tpu.vector_load_idx %arg14[%add3A_56, %add3A_427] : memref<160x128xf32, #tpu.memory_space<vmem>>[vector<16xi32>, vector<16xi32>], vector<16xf32>,
        %add3A_535 = arith.addi %mul3A_380, %add3A_424 : vector<16xi32>
        %gather3A_536 = tpu.vector_load_idx %arg9[%add3A_535] : memref<32064xi32, #tpu.memory_space<vmem>>[vector<16xi32>], vector<16xi32>,
        %bitcast3A_537 = vector.bitcast %gather3A_536 : vector<16xi32> to vector<32xbf16>
        %unpack3A_538 = tpu.unpack_subelements %bitcast3A_537, 0 {pack_format = #tpu.pack_format<interleaved>} : vector<32xbf16> -> vector<16xf32>
        %unpack3A_539 = tpu.unpack_subelements %bitcast3A_537, 1 {pack_format = #tpu.pack_format<interleaved>} : vector<32xbf16> -> vector<16xf32>
        %mul3A_540 = arith.mulf %gather3A_533, %unpack3A_538 : vector<16xf32>
        %mul3A_541 = arith.mulf %gather3A_534, %unpack3A_539 : vector<16xf32>
        %sub3A_542 = arith.subf %mul3A_540, %mul3A_541 : vector<16xf32>
        %add3A_543 = arith.addf %add3A_528, %sub3A_542 : vector<16xf32>
        %mul3A_544 = arith.mulf %gather3A_533, %unpack3A_539 : vector<16xf32>
        %mul3A_545 = arith.mulf %gather3A_534, %unpack3A_538 : vector<16xf32>
        %add3A_546 = arith.addf %mul3A_544, %mul3A_545 : vector<16xf32>
        %add3A_547 = arith.addf %add3A_532, %add3A_546 : vector<16xf32>
        %gather3A_548 = tpu.vector_load_idx %arg14[%add3A_62, %add3A_424] : memref<160x128xf32, #tpu.memory_space<vmem>>[vector<16xi32>, vector<16xi32>], vector<16xf32>,
        %gather3A_549 = tpu.vector_load_idx %arg14[%add3A_62, %add3A_427] : memref<160x128xf32, #tpu.memory_space<vmem>>[vector<16xi32>, vector<16xi32>], vector<16xf32>,
        %add3A_550 = arith.addi %mul3A_389, %add3A_424 : vector<16xi32>
        %gather3A_551 = tpu.vector_load_idx %arg9[%add3A_550] : memref<32064xi32, #tpu.memory_space<vmem>>[vector<16xi32>], vector<16xi32>,
        %bitcast3A_552 = vector.bitcast %gather3A_551 : vector<16xi32> to vector<32xbf16>
        %unpack3A_553 = tpu.unpack_subelements %bitcast3A_552, 0 {pack_format = #tpu.pack_format<interleaved>} : vector<32xbf16> -> vector<16xf32>
        %unpack3A_554 = tpu.unpack_subelements %bitcast3A_552, 1 {pack_format = #tpu.pack_format<interleaved>} : vector<32xbf16> -> vector<16xf32>
        %mul3A_555 = arith.mulf %gather3A_548, %unpack3A_553 : vector<16xf32>
        %mul3A_556 = arith.mulf %gather3A_549, %unpack3A_554 : vector<16xf32>
        %sub3A_557 = arith.subf %mul3A_555, %mul3A_556 : vector<16xf32>
        %add3A_558 = arith.addf %add3A_543, %sub3A_557 : vector<16xf32>
        %mul3A_559 = arith.mulf %gather3A_548, %unpack3A_554 : vector<16xf32>
        %mul3A_560 = arith.mulf %gather3A_549, %unpack3A_553 : vector<16xf32>
        %add3A_561 = arith.addf %mul3A_559, %mul3A_560 : vector<16xf32>
        %add3A_562 = arith.addf %add3A_547, %add3A_561 : vector<16xf32>
        %gather3A_563 = tpu.vector_load_idx %arg14[%add3A_68, %add3A_424] : memref<160x128xf32, #tpu.memory_space<vmem>>[vector<16xi32>, vector<16xi32>], vector<16xf32>,
        %gather3A_564 = tpu.vector_load_idx %arg14[%add3A_68, %add3A_427] : memref<160x128xf32, #tpu.memory_space<vmem>>[vector<16xi32>, vector<16xi32>], vector<16xf32>,
        %add3A_565 = arith.addi %mul3A_398, %add3A_424 : vector<16xi32>
        %gather3A_566 = tpu.vector_load_idx %arg9[%add3A_565] : memref<32064xi32, #tpu.memory_space<vmem>>[vector<16xi32>], vector<16xi32>,
        %bitcast3A_567 = vector.bitcast %gather3A_566 : vector<16xi32> to vector<32xbf16>
        %unpack3A_568 = tpu.unpack_subelements %bitcast3A_567, 0 {pack_format = #tpu.pack_format<interleaved>} : vector<32xbf16> -> vector<16xf32>
        %unpack3A_569 = tpu.unpack_subelements %bitcast3A_567, 1 {pack_format = #tpu.pack_format<interleaved>} : vector<32xbf16> -> vector<16xf32>
        %mul3A_570 = arith.mulf %gather3A_563, %unpack3A_568 : vector<16xf32>
        %mul3A_571 = arith.mulf %gather3A_564, %unpack3A_569 : vector<16xf32>
        %sub3A_572 = arith.subf %mul3A_570, %mul3A_571 : vector<16xf32>
        %add3A_573 = arith.addf %add3A_558, %sub3A_572 : vector<16xf32>
        %mul3A_574 = arith.mulf %gather3A_563, %unpack3A_569 : vector<16xf32>
        %mul3A_575 = arith.mulf %gather3A_564, %unpack3A_568 : vector<16xf32>
        %add3A_576 = arith.addf %mul3A_574, %mul3A_575 : vector<16xf32>
        %add3A_577 = arith.addf %add3A_562, %add3A_576 : vector<16xf32>
        tpu.vector_store_idx %arg16[%iota3A, %add3A_424], %add3A_573 : memref<16x128xf32, #tpu.memory_space<vmem>>[vector<16xi32>, vector<16xi32>], vector<16xf32>,
        tpu.vector_store_idx %arg16[%iota3A, %add3A_427], %add3A_577 : memref<16x128xf32, #tpu.memory_space<vmem>>[vector<16xi32>, vector<16xi32>], vector<16xf32>,
        %scan3A_578 = arith.constant 1 : i32
        %scan3A_579 = arith.addi %scan3A_416, %scan3A_578 : i32
        %and3A_580 = arith.constant 15 : i32
        %and3A_581 = arith.andi %scan3A_579, %and3A_580 : i32
        %add3A_582 = vector.broadcast %and3A_581 : i32 to vector<16xi32>
        %add3A_583 = arith.addi %add3A_582, %iota3A : vector<16xi32>
        %and3A_584 = arith.constant 15 : i32
        %and3A_585 = vector.broadcast %and3A_584 : i32 to vector<16xi32>
        %and3A_586 = arith.andi %add3A_583, %and3A_585 : vector<16xi32>
        %sub3A_587 = arith.subi %scan3A_579, %and3A_581 : i32
        %add3A_588 = vector.broadcast %sub3A_587 : i32 to vector<16xi32>
        %add3A_589 = arith.addi %add3A_588, %and3A_586 : vector<16xi32>
        %add3A_590 = arith.constant 64 : i32
        %add3A_591 = vector.broadcast %add3A_590 : i32 to vector<16xi32>
        %add3A_592 = arith.addi %add3A_589, %add3A_591 : vector<16xi32>
        %broadcast_in_dim3A_593 = arith.constant 0.000000e+00 : f32
        %broadcast_in_dim3A_594 = vector.broadcast %broadcast_in_dim3A_593 : f32 to vector<16xf32>
        %broadcast_in_dim3A_595 = arith.constant 0.000000e+00 : f32
        %broadcast_in_dim3A_596 = vector.broadcast %broadcast_in_dim3A_595 : f32 to vector<16xf32>
        %gather3A_597 = tpu.vector_load_idx %arg14[%add3A_14, %add3A_589] : memref<160x128xf32, #tpu.memory_space<vmem>>[vector<16xi32>, vector<16xi32>], vector<16xf32>,
        %gather3A_598 = tpu.vector_load_idx %arg14[%add3A_14, %add3A_592] : memref<160x128xf32, #tpu.memory_space<vmem>>[vector<16xi32>, vector<16xi32>], vector<16xf32>,
        %add3A_599 = arith.addi %mul3A_317, %add3A_589 : vector<16xi32>
        %gather3A_600 = tpu.vector_load_idx %arg9[%add3A_599] : memref<32064xi32, #tpu.memory_space<vmem>>[vector<16xi32>], vector<16xi32>,
        %bitcast3A_601 = vector.bitcast %gather3A_600 : vector<16xi32> to vector<32xbf16>
        %unpack3A_602 = tpu.unpack_subelements %bitcast3A_601, 0 {pack_format = #tpu.pack_format<interleaved>} : vector<32xbf16> -> vector<16xf32>
        %unpack3A_603 = tpu.unpack_subelements %bitcast3A_601, 1 {pack_format = #tpu.pack_format<interleaved>} : vector<32xbf16> -> vector<16xf32>
        %mul3A_604 = arith.mulf %gather3A_597, %unpack3A_602 : vector<16xf32>
        %mul3A_605 = arith.mulf %gather3A_598, %unpack3A_603 : vector<16xf32>
        %sub3A_606 = arith.subf %mul3A_604, %mul3A_605 : vector<16xf32>
        %add3A_607 = arith.addf %broadcast_in_dim3A_594, %sub3A_606 : vector<16xf32>
        %mul3A_608 = arith.mulf %gather3A_597, %unpack3A_603 : vector<16xf32>
        %mul3A_609 = arith.mulf %gather3A_598, %unpack3A_602 : vector<16xf32>
        %add3A_610 = arith.addf %mul3A_608, %mul3A_609 : vector<16xf32>
        %add3A_611 = arith.addf %broadcast_in_dim3A_596, %add3A_610 : vector<16xf32>
        %gather3A_612 = tpu.vector_load_idx %arg14[%add3A_20, %add3A_589] : memref<160x128xf32, #tpu.memory_space<vmem>>[vector<16xi32>, vector<16xi32>], vector<16xf32>,
        %gather3A_613 = tpu.vector_load_idx %arg14[%add3A_20, %add3A_592] : memref<160x128xf32, #tpu.memory_space<vmem>>[vector<16xi32>, vector<16xi32>], vector<16xf32>,
        %add3A_614 = arith.addi %mul3A_326, %add3A_589 : vector<16xi32>
        %gather3A_615 = tpu.vector_load_idx %arg9[%add3A_614] : memref<32064xi32, #tpu.memory_space<vmem>>[vector<16xi32>], vector<16xi32>,
        %bitcast3A_616 = vector.bitcast %gather3A_615 : vector<16xi32> to vector<32xbf16>
        %unpack3A_617 = tpu.unpack_subelements %bitcast3A_616, 0 {pack_format = #tpu.pack_format<interleaved>} : vector<32xbf16> -> vector<16xf32>
        %unpack3A_618 = tpu.unpack_subelements %bitcast3A_616, 1 {pack_format = #tpu.pack_format<interleaved>} : vector<32xbf16> -> vector<16xf32>
        %mul3A_619 = arith.mulf %gather3A_612, %unpack3A_617 : vector<16xf32>
        %mul3A_620 = arith.mulf %gather3A_613, %unpack3A_618 : vector<16xf32>
        %sub3A_621 = arith.subf %mul3A_619, %mul3A_620 : vector<16xf32>
        %add3A_622 = arith.addf %add3A_607, %sub3A_621 : vector<16xf32>
        %mul3A_623 = arith.mulf %gather3A_612, %unpack3A_618 : vector<16xf32>
        %mul3A_624 = arith.mulf %gather3A_613, %unpack3A_617 : vector<16xf32>
        %add3A_625 = arith.addf %mul3A_623, %mul3A_624 : vector<16xf32>
        %add3A_626 = arith.addf %add3A_611, %add3A_625 : vector<16xf32>
        %gather3A_627 = tpu.vector_load_idx %arg14[%add3A_26, %add3A_589] : memref<160x128xf32, #tpu.memory_space<vmem>>[vector<16xi32>, vector<16xi32>], vector<16xf32>,
        %gather3A_628 = tpu.vector_load_idx %arg14[%add3A_26, %add3A_592] : memref<160x128xf32, #tpu.memory_space<vmem>>[vector<16xi32>, vector<16xi32>], vector<16xf32>,
        %add3A_629 = arith.addi %mul3A_335, %add3A_589 : vector<16xi32>
        %gather3A_630 = tpu.vector_load_idx %arg9[%add3A_629] : memref<32064xi32, #tpu.memory_space<vmem>>[vector<16xi32>], vector<16xi32>,
        %bitcast3A_631 = vector.bitcast %gather3A_630 : vector<16xi32> to vector<32xbf16>
        %unpack3A_632 = tpu.unpack_subelements %bitcast3A_631, 0 {pack_format = #tpu.pack_format<interleaved>} : vector<32xbf16> -> vector<16xf32>
        %unpack3A_633 = tpu.unpack_subelements %bitcast3A_631, 1 {pack_format = #tpu.pack_format<interleaved>} : vector<32xbf16> -> vector<16xf32>
        %mul3A_634 = arith.mulf %gather3A_627, %unpack3A_632 : vector<16xf32>
        %mul3A_635 = arith.mulf %gather3A_628, %unpack3A_633 : vector<16xf32>
        %sub3A_636 = arith.subf %mul3A_634, %mul3A_635 : vector<16xf32>
        %add3A_637 = arith.addf %add3A_622, %sub3A_636 : vector<16xf32>
        %mul3A_638 = arith.mulf %gather3A_627, %unpack3A_633 : vector<16xf32>
        %mul3A_639 = arith.mulf %gather3A_628, %unpack3A_632 : vector<16xf32>
        %add3A_640 = arith.addf %mul3A_638, %mul3A_639 : vector<16xf32>
        %add3A_641 = arith.addf %add3A_626, %add3A_640 : vector<16xf32>
        %gather3A_642 = tpu.vector_load_idx %arg14[%add3A_32, %add3A_589] : memref<160x128xf32, #tpu.memory_space<vmem>>[vector<16xi32>, vector<16xi32>], vector<16xf32>,
        %gather3A_643 = tpu.vector_load_idx %arg14[%add3A_32, %add3A_592] : memref<160x128xf32, #tpu.memory_space<vmem>>[vector<16xi32>, vector<16xi32>], vector<16xf32>,
        %add3A_644 = arith.addi %mul3A_344, %add3A_589 : vector<16xi32>
        %gather3A_645 = tpu.vector_load_idx %arg9[%add3A_644] : memref<32064xi32, #tpu.memory_space<vmem>>[vector<16xi32>], vector<16xi32>,
        %bitcast3A_646 = vector.bitcast %gather3A_645 : vector<16xi32> to vector<32xbf16>
        %unpack3A_647 = tpu.unpack_subelements %bitcast3A_646, 0 {pack_format = #tpu.pack_format<interleaved>} : vector<32xbf16> -> vector<16xf32>
        %unpack3A_648 = tpu.unpack_subelements %bitcast3A_646, 1 {pack_format = #tpu.pack_format<interleaved>} : vector<32xbf16> -> vector<16xf32>
        %mul3A_649 = arith.mulf %gather3A_642, %unpack3A_647 : vector<16xf32>
        %mul3A_650 = arith.mulf %gather3A_643, %unpack3A_648 : vector<16xf32>
        %sub3A_651 = arith.subf %mul3A_649, %mul3A_650 : vector<16xf32>
        %add3A_652 = arith.addf %add3A_637, %sub3A_651 : vector<16xf32>
        %mul3A_653 = arith.mulf %gather3A_642, %unpack3A_648 : vector<16xf32>
        %mul3A_654 = arith.mulf %gather3A_643, %unpack3A_647 : vector<16xf32>
        %add3A_655 = arith.addf %mul3A_653, %mul3A_654 : vector<16xf32>
        %add3A_656 = arith.addf %add3A_641, %add3A_655 : vector<16xf32>
        %gather3A_657 = tpu.vector_load_idx %arg14[%add3A_38, %add3A_589] : memref<160x128xf32, #tpu.memory_space<vmem>>[vector<16xi32>, vector<16xi32>], vector<16xf32>,
        %gather3A_658 = tpu.vector_load_idx %arg14[%add3A_38, %add3A_592] : memref<160x128xf32, #tpu.memory_space<vmem>>[vector<16xi32>, vector<16xi32>], vector<16xf32>,
        %add3A_659 = arith.addi %mul3A_353, %add3A_589 : vector<16xi32>
        %gather3A_660 = tpu.vector_load_idx %arg9[%add3A_659] : memref<32064xi32, #tpu.memory_space<vmem>>[vector<16xi32>], vector<16xi32>,
        %bitcast3A_661 = vector.bitcast %gather3A_660 : vector<16xi32> to vector<32xbf16>
        %unpack3A_662 = tpu.unpack_subelements %bitcast3A_661, 0 {pack_format = #tpu.pack_format<interleaved>} : vector<32xbf16> -> vector<16xf32>
        %unpack3A_663 = tpu.unpack_subelements %bitcast3A_661, 1 {pack_format = #tpu.pack_format<interleaved>} : vector<32xbf16> -> vector<16xf32>
        %mul3A_664 = arith.mulf %gather3A_657, %unpack3A_662 : vector<16xf32>
        %mul3A_665 = arith.mulf %gather3A_658, %unpack3A_663 : vector<16xf32>
        %sub3A_666 = arith.subf %mul3A_664, %mul3A_665 : vector<16xf32>
        %add3A_667 = arith.addf %add3A_652, %sub3A_666 : vector<16xf32>
        %mul3A_668 = arith.mulf %gather3A_657, %unpack3A_663 : vector<16xf32>
        %mul3A_669 = arith.mulf %gather3A_658, %unpack3A_662 : vector<16xf32>
        %add3A_670 = arith.addf %mul3A_668, %mul3A_669 : vector<16xf32>
        %add3A_671 = arith.addf %add3A_656, %add3A_670 : vector<16xf32>
        %gather3A_672 = tpu.vector_load_idx %arg14[%add3A_44, %add3A_589] : memref<160x128xf32, #tpu.memory_space<vmem>>[vector<16xi32>, vector<16xi32>], vector<16xf32>,
        %gather3A_673 = tpu.vector_load_idx %arg14[%add3A_44, %add3A_592] : memref<160x128xf32, #tpu.memory_space<vmem>>[vector<16xi32>, vector<16xi32>], vector<16xf32>,
        %add3A_674 = arith.addi %mul3A_362, %add3A_589 : vector<16xi32>
        %gather3A_675 = tpu.vector_load_idx %arg9[%add3A_674] : memref<32064xi32, #tpu.memory_space<vmem>>[vector<16xi32>], vector<16xi32>,
        %bitcast3A_676 = vector.bitcast %gather3A_675 : vector<16xi32> to vector<32xbf16>
        %unpack3A_677 = tpu.unpack_subelements %bitcast3A_676, 0 {pack_format = #tpu.pack_format<interleaved>} : vector<32xbf16> -> vector<16xf32>
        %unpack3A_678 = tpu.unpack_subelements %bitcast3A_676, 1 {pack_format = #tpu.pack_format<interleaved>} : vector<32xbf16> -> vector<16xf32>
        %mul3A_679 = arith.mulf %gather3A_672, %unpack3A_677 : vector<16xf32>
        %mul3A_680 = arith.mulf %gather3A_673, %unpack3A_678 : vector<16xf32>
        %sub3A_681 = arith.subf %mul3A_679, %mul3A_680 : vector<16xf32>
        %add3A_682 = arith.addf %add3A_667, %sub3A_681 : vector<16xf32>
        %mul3A_683 = arith.mulf %gather3A_672, %unpack3A_678 : vector<16xf32>
        %mul3A_684 = arith.mulf %gather3A_673, %unpack3A_677 : vector<16xf32>
        %add3A_685 = arith.addf %mul3A_683, %mul3A_684 : vector<16xf32>
        %add3A_686 = arith.addf %add3A_671, %add3A_685 : vector<16xf32>
        %gather3A_687 = tpu.vector_load_idx %arg14[%add3A_50, %add3A_589] : memref<160x128xf32, #tpu.memory_space<vmem>>[vector<16xi32>, vector<16xi32>], vector<16xf32>,
        %gather3A_688 = tpu.vector_load_idx %arg14[%add3A_50, %add3A_592] : memref<160x128xf32, #tpu.memory_space<vmem>>[vector<16xi32>, vector<16xi32>], vector<16xf32>,
        %add3A_689 = arith.addi %mul3A_371, %add3A_589 : vector<16xi32>
        %gather3A_690 = tpu.vector_load_idx %arg9[%add3A_689] : memref<32064xi32, #tpu.memory_space<vmem>>[vector<16xi32>], vector<16xi32>,
        %bitcast3A_691 = vector.bitcast %gather3A_690 : vector<16xi32> to vector<32xbf16>
        %unpack3A_692 = tpu.unpack_subelements %bitcast3A_691, 0 {pack_format = #tpu.pack_format<interleaved>} : vector<32xbf16> -> vector<16xf32>
        %unpack3A_693 = tpu.unpack_subelements %bitcast3A_691, 1 {pack_format = #tpu.pack_format<interleaved>} : vector<32xbf16> -> vector<16xf32>
        %mul3A_694 = arith.mulf %gather3A_687, %unpack3A_692 : vector<16xf32>
        %mul3A_695 = arith.mulf %gather3A_688, %unpack3A_693 : vector<16xf32>
        %sub3A_696 = arith.subf %mul3A_694, %mul3A_695 : vector<16xf32>
        %add3A_697 = arith.addf %add3A_682, %sub3A_696 : vector<16xf32>
        %mul3A_698 = arith.mulf %gather3A_687, %unpack3A_693 : vector<16xf32>
        %mul3A_699 = arith.mulf %gather3A_688, %unpack3A_692 : vector<16xf32>
        %add3A_700 = arith.addf %mul3A_698, %mul3A_699 : vector<16xf32>
        %add3A_701 = arith.addf %add3A_686, %add3A_700 : vector<16xf32>
        %gather3A_702 = tpu.vector_load_idx %arg14[%add3A_56, %add3A_589] : memref<160x128xf32, #tpu.memory_space<vmem>>[vector<16xi32>, vector<16xi32>], vector<16xf32>,
        %gather3A_703 = tpu.vector_load_idx %arg14[%add3A_56, %add3A_592] : memref<160x128xf32, #tpu.memory_space<vmem>>[vector<16xi32>, vector<16xi32>], vector<16xf32>,
        %add3A_704 = arith.addi %mul3A_380, %add3A_589 : vector<16xi32>
        %gather3A_705 = tpu.vector_load_idx %arg9[%add3A_704] : memref<32064xi32, #tpu.memory_space<vmem>>[vector<16xi32>], vector<16xi32>,
        %bitcast3A_706 = vector.bitcast %gather3A_705 : vector<16xi32> to vector<32xbf16>
        %unpack3A_707 = tpu.unpack_subelements %bitcast3A_706, 0 {pack_format = #tpu.pack_format<interleaved>} : vector<32xbf16> -> vector<16xf32>
        %unpack3A_708 = tpu.unpack_subelements %bitcast3A_706, 1 {pack_format = #tpu.pack_format<interleaved>} : vector<32xbf16> -> vector<16xf32>
        %mul3A_709 = arith.mulf %gather3A_702, %unpack3A_707 : vector<16xf32>
        %mul3A_710 = arith.mulf %gather3A_703, %unpack3A_708 : vector<16xf32>
        %sub3A_711 = arith.subf %mul3A_709, %mul3A_710 : vector<16xf32>
        %add3A_712 = arith.addf %add3A_697, %sub3A_711 : vector<16xf32>
        %mul3A_713 = arith.mulf %gather3A_702, %unpack3A_708 : vector<16xf32>
        %mul3A_714 = arith.mulf %gather3A_703, %unpack3A_707 : vector<16xf32>
        %add3A_715 = arith.addf %mul3A_713, %mul3A_714 : vector<16xf32>
        %add3A_716 = arith.addf %add3A_701, %add3A_715 : vector<16xf32>
        %gather3A_717 = tpu.vector_load_idx %arg14[%add3A_62, %add3A_589] : memref<160x128xf32, #tpu.memory_space<vmem>>[vector<16xi32>, vector<16xi32>], vector<16xf32>,
        %gather3A_718 = tpu.vector_load_idx %arg14[%add3A_62, %add3A_592] : memref<160x128xf32, #tpu.memory_space<vmem>>[vector<16xi32>, vector<16xi32>], vector<16xf32>,
        %add3A_719 = arith.addi %mul3A_389, %add3A_589 : vector<16xi32>
        %gather3A_720 = tpu.vector_load_idx %arg9[%add3A_719] : memref<32064xi32, #tpu.memory_space<vmem>>[vector<16xi32>], vector<16xi32>,
        %bitcast3A_721 = vector.bitcast %gather3A_720 : vector<16xi32> to vector<32xbf16>
        %unpack3A_722 = tpu.unpack_subelements %bitcast3A_721, 0 {pack_format = #tpu.pack_format<interleaved>} : vector<32xbf16> -> vector<16xf32>
        %unpack3A_723 = tpu.unpack_subelements %bitcast3A_721, 1 {pack_format = #tpu.pack_format<interleaved>} : vector<32xbf16> -> vector<16xf32>
        %mul3A_724 = arith.mulf %gather3A_717, %unpack3A_722 : vector<16xf32>
        %mul3A_725 = arith.mulf %gather3A_718, %unpack3A_723 : vector<16xf32>
        %sub3A_726 = arith.subf %mul3A_724, %mul3A_725 : vector<16xf32>
        %add3A_727 = arith.addf %add3A_712, %sub3A_726 : vector<16xf32>
        %mul3A_728 = arith.mulf %gather3A_717, %unpack3A_723 : vector<16xf32>
        %mul3A_729 = arith.mulf %gather3A_718, %unpack3A_722 : vector<16xf32>
        %add3A_730 = arith.addf %mul3A_728, %mul3A_729 : vector<16xf32>
        %add3A_731 = arith.addf %add3A_716, %add3A_730 : vector<16xf32>
        %gather3A_732 = tpu.vector_load_idx %arg14[%add3A_68, %add3A_589] : memref<160x128xf32, #tpu.memory_space<vmem>>[vector<16xi32>, vector<16xi32>], vector<16xf32>,
        %gather3A_733 = tpu.vector_load_idx %arg14[%add3A_68, %add3A_592] : memref<160x128xf32, #tpu.memory_space<vmem>>[vector<16xi32>, vector<16xi32>], vector<16xf32>,
        %add3A_734 = arith.addi %mul3A_398, %add3A_589 : vector<16xi32>
        %gather3A_735 = tpu.vector_load_idx %arg9[%add3A_734] : memref<32064xi32, #tpu.memory_space<vmem>>[vector<16xi32>], vector<16xi32>,
        %bitcast3A_736 = vector.bitcast %gather3A_735 : vector<16xi32> to vector<32xbf16>
        %unpack3A_737 = tpu.unpack_subelements %bitcast3A_736, 0 {pack_format = #tpu.pack_format<interleaved>} : vector<32xbf16> -> vector<16xf32>
        %unpack3A_738 = tpu.unpack_subelements %bitcast3A_736, 1 {pack_format = #tpu.pack_format<interleaved>} : vector<32xbf16> -> vector<16xf32>
        %mul3A_739 = arith.mulf %gather3A_732, %unpack3A_737 : vector<16xf32>
        %mul3A_740 = arith.mulf %gather3A_733, %unpack3A_738 : vector<16xf32>
        %sub3A_741 = arith.subf %mul3A_739, %mul3A_740 : vector<16xf32>
        %add3A_742 = arith.addf %add3A_727, %sub3A_741 : vector<16xf32>
        %mul3A_743 = arith.mulf %gather3A_732, %unpack3A_738 : vector<16xf32>
        %mul3A_744 = arith.mulf %gather3A_733, %unpack3A_737 : vector<16xf32>
        %add3A_745 = arith.addf %mul3A_743, %mul3A_744 : vector<16xf32>
        %add3A_746 = arith.addf %add3A_731, %add3A_745 : vector<16xf32>
        tpu.vector_store_idx %arg16[%iota3A, %add3A_589], %add3A_742 : memref<16x128xf32, #tpu.memory_space<vmem>>[vector<16xi32>, vector<16xi32>], vector<16xf32>,
        tpu.vector_store_idx %arg16[%iota3A, %add3A_592], %add3A_746 : memref<16x128xf32, #tpu.memory_space<vmem>>[vector<16xi32>, vector<16xi32>], vector<16xf32>,
        %scan3A_747 = arith.constant 2 : i32
        %scan3A_748 = arith.addi %scan3A_416, %scan3A_747 : i32
        %and3A_749 = arith.constant 15 : i32
        %and3A_750 = arith.andi %scan3A_748, %and3A_749 : i32
        %add3A_751 = vector.broadcast %and3A_750 : i32 to vector<16xi32>
        %add3A_752 = arith.addi %add3A_751, %iota3A : vector<16xi32>
        %and3A_753 = arith.constant 15 : i32
        %and3A_754 = vector.broadcast %and3A_753 : i32 to vector<16xi32>
        %and3A_755 = arith.andi %add3A_752, %and3A_754 : vector<16xi32>
        %sub3A_756 = arith.subi %scan3A_748, %and3A_750 : i32
        %add3A_757 = vector.broadcast %sub3A_756 : i32 to vector<16xi32>
        %add3A_758 = arith.addi %add3A_757, %and3A_755 : vector<16xi32>
        %add3A_759 = arith.constant 64 : i32
        %add3A_760 = vector.broadcast %add3A_759 : i32 to vector<16xi32>
        %add3A_761 = arith.addi %add3A_758, %add3A_760 : vector<16xi32>
        %broadcast_in_dim3A_762 = arith.constant 0.000000e+00 : f32
        %broadcast_in_dim3A_763 = vector.broadcast %broadcast_in_dim3A_762 : f32 to vector<16xf32>
        %broadcast_in_dim3A_764 = arith.constant 0.000000e+00 : f32
        %broadcast_in_dim3A_765 = vector.broadcast %broadcast_in_dim3A_764 : f32 to vector<16xf32>
        %gather3A_766 = tpu.vector_load_idx %arg14[%add3A_14, %add3A_758] : memref<160x128xf32, #tpu.memory_space<vmem>>[vector<16xi32>, vector<16xi32>], vector<16xf32>,
        %gather3A_767 = tpu.vector_load_idx %arg14[%add3A_14, %add3A_761] : memref<160x128xf32, #tpu.memory_space<vmem>>[vector<16xi32>, vector<16xi32>], vector<16xf32>,
        %add3A_768 = arith.addi %mul3A_317, %add3A_758 : vector<16xi32>
        %gather3A_769 = tpu.vector_load_idx %arg9[%add3A_768] : memref<32064xi32, #tpu.memory_space<vmem>>[vector<16xi32>], vector<16xi32>,
        %bitcast3A_770 = vector.bitcast %gather3A_769 : vector<16xi32> to vector<32xbf16>
        %unpack3A_771 = tpu.unpack_subelements %bitcast3A_770, 0 {pack_format = #tpu.pack_format<interleaved>} : vector<32xbf16> -> vector<16xf32>
        %unpack3A_772 = tpu.unpack_subelements %bitcast3A_770, 1 {pack_format = #tpu.pack_format<interleaved>} : vector<32xbf16> -> vector<16xf32>
        %mul3A_773 = arith.mulf %gather3A_766, %unpack3A_771 : vector<16xf32>
        %mul3A_774 = arith.mulf %gather3A_767, %unpack3A_772 : vector<16xf32>
        %sub3A_775 = arith.subf %mul3A_773, %mul3A_774 : vector<16xf32>
        %add3A_776 = arith.addf %broadcast_in_dim3A_763, %sub3A_775 : vector<16xf32>
        %mul3A_777 = arith.mulf %gather3A_766, %unpack3A_772 : vector<16xf32>
        %mul3A_778 = arith.mulf %gather3A_767, %unpack3A_771 : vector<16xf32>
        %add3A_779 = arith.addf %mul3A_777, %mul3A_778 : vector<16xf32>
        %add3A_780 = arith.addf %broadcast_in_dim3A_765, %add3A_779 : vector<16xf32>
        %gather3A_781 = tpu.vector_load_idx %arg14[%add3A_20, %add3A_758] : memref<160x128xf32, #tpu.memory_space<vmem>>[vector<16xi32>, vector<16xi32>], vector<16xf32>,
        %gather3A_782 = tpu.vector_load_idx %arg14[%add3A_20, %add3A_761] : memref<160x128xf32, #tpu.memory_space<vmem>>[vector<16xi32>, vector<16xi32>], vector<16xf32>,
        %add3A_783 = arith.addi %mul3A_326, %add3A_758 : vector<16xi32>
        %gather3A_784 = tpu.vector_load_idx %arg9[%add3A_783] : memref<32064xi32, #tpu.memory_space<vmem>>[vector<16xi32>], vector<16xi32>,
        %bitcast3A_785 = vector.bitcast %gather3A_784 : vector<16xi32> to vector<32xbf16>
        %unpack3A_786 = tpu.unpack_subelements %bitcast3A_785, 0 {pack_format = #tpu.pack_format<interleaved>} : vector<32xbf16> -> vector<16xf32>
        %unpack3A_787 = tpu.unpack_subelements %bitcast3A_785, 1 {pack_format = #tpu.pack_format<interleaved>} : vector<32xbf16> -> vector<16xf32>
        %mul3A_788 = arith.mulf %gather3A_781, %unpack3A_786 : vector<16xf32>
        %mul3A_789 = arith.mulf %gather3A_782, %unpack3A_787 : vector<16xf32>
        %sub3A_790 = arith.subf %mul3A_788, %mul3A_789 : vector<16xf32>
        %add3A_791 = arith.addf %add3A_776, %sub3A_790 : vector<16xf32>
        %mul3A_792 = arith.mulf %gather3A_781, %unpack3A_787 : vector<16xf32>
        %mul3A_793 = arith.mulf %gather3A_782, %unpack3A_786 : vector<16xf32>
        %add3A_794 = arith.addf %mul3A_792, %mul3A_793 : vector<16xf32>
        %add3A_795 = arith.addf %add3A_780, %add3A_794 : vector<16xf32>
        %gather3A_796 = tpu.vector_load_idx %arg14[%add3A_26, %add3A_758] : memref<160x128xf32, #tpu.memory_space<vmem>>[vector<16xi32>, vector<16xi32>], vector<16xf32>,
        %gather3A_797 = tpu.vector_load_idx %arg14[%add3A_26, %add3A_761] : memref<160x128xf32, #tpu.memory_space<vmem>>[vector<16xi32>, vector<16xi32>], vector<16xf32>,
        %add3A_798 = arith.addi %mul3A_335, %add3A_758 : vector<16xi32>
        %gather3A_799 = tpu.vector_load_idx %arg9[%add3A_798] : memref<32064xi32, #tpu.memory_space<vmem>>[vector<16xi32>], vector<16xi32>,
        %bitcast3A_800 = vector.bitcast %gather3A_799 : vector<16xi32> to vector<32xbf16>
        %unpack3A_801 = tpu.unpack_subelements %bitcast3A_800, 0 {pack_format = #tpu.pack_format<interleaved>} : vector<32xbf16> -> vector<16xf32>
        %unpack3A_802 = tpu.unpack_subelements %bitcast3A_800, 1 {pack_format = #tpu.pack_format<interleaved>} : vector<32xbf16> -> vector<16xf32>
        %mul3A_803 = arith.mulf %gather3A_796, %unpack3A_801 : vector<16xf32>
        %mul3A_804 = arith.mulf %gather3A_797, %unpack3A_802 : vector<16xf32>
        %sub3A_805 = arith.subf %mul3A_803, %mul3A_804 : vector<16xf32>
        %add3A_806 = arith.addf %add3A_791, %sub3A_805 : vector<16xf32>
        %mul3A_807 = arith.mulf %gather3A_796, %unpack3A_802 : vector<16xf32>
        %mul3A_808 = arith.mulf %gather3A_797, %unpack3A_801 : vector<16xf32>
        %add3A_809 = arith.addf %mul3A_807, %mul3A_808 : vector<16xf32>
        %add3A_810 = arith.addf %add3A_795, %add3A_809 : vector<16xf32>
        %gather3A_811 = tpu.vector_load_idx %arg14[%add3A_32, %add3A_758] : memref<160x128xf32, #tpu.memory_space<vmem>>[vector<16xi32>, vector<16xi32>], vector<16xf32>,
        %gather3A_812 = tpu.vector_load_idx %arg14[%add3A_32, %add3A_761] : memref<160x128xf32, #tpu.memory_space<vmem>>[vector<16xi32>, vector<16xi32>], vector<16xf32>,
        %add3A_813 = arith.addi %mul3A_344, %add3A_758 : vector<16xi32>
        %gather3A_814 = tpu.vector_load_idx %arg9[%add3A_813] : memref<32064xi32, #tpu.memory_space<vmem>>[vector<16xi32>], vector<16xi32>,
        %bitcast3A_815 = vector.bitcast %gather3A_814 : vector<16xi32> to vector<32xbf16>
        %unpack3A_816 = tpu.unpack_subelements %bitcast3A_815, 0 {pack_format = #tpu.pack_format<interleaved>} : vector<32xbf16> -> vector<16xf32>
        %unpack3A_817 = tpu.unpack_subelements %bitcast3A_815, 1 {pack_format = #tpu.pack_format<interleaved>} : vector<32xbf16> -> vector<16xf32>
        %mul3A_818 = arith.mulf %gather3A_811, %unpack3A_816 : vector<16xf32>
        %mul3A_819 = arith.mulf %gather3A_812, %unpack3A_817 : vector<16xf32>
        %sub3A_820 = arith.subf %mul3A_818, %mul3A_819 : vector<16xf32>
        %add3A_821 = arith.addf %add3A_806, %sub3A_820 : vector<16xf32>
        %mul3A_822 = arith.mulf %gather3A_811, %unpack3A_817 : vector<16xf32>
        %mul3A_823 = arith.mulf %gather3A_812, %unpack3A_816 : vector<16xf32>
        %add3A_824 = arith.addf %mul3A_822, %mul3A_823 : vector<16xf32>
        %add3A_825 = arith.addf %add3A_810, %add3A_824 : vector<16xf32>
        %gather3A_826 = tpu.vector_load_idx %arg14[%add3A_38, %add3A_758] : memref<160x128xf32, #tpu.memory_space<vmem>>[vector<16xi32>, vector<16xi32>], vector<16xf32>,
        %gather3A_827 = tpu.vector_load_idx %arg14[%add3A_38, %add3A_761] : memref<160x128xf32, #tpu.memory_space<vmem>>[vector<16xi32>, vector<16xi32>], vector<16xf32>,
        %add3A_828 = arith.addi %mul3A_353, %add3A_758 : vector<16xi32>
        %gather3A_829 = tpu.vector_load_idx %arg9[%add3A_828] : memref<32064xi32, #tpu.memory_space<vmem>>[vector<16xi32>], vector<16xi32>,
        %bitcast3A_830 = vector.bitcast %gather3A_829 : vector<16xi32> to vector<32xbf16>
        %unpack3A_831 = tpu.unpack_subelements %bitcast3A_830, 0 {pack_format = #tpu.pack_format<interleaved>} : vector<32xbf16> -> vector<16xf32>
        %unpack3A_832 = tpu.unpack_subelements %bitcast3A_830, 1 {pack_format = #tpu.pack_format<interleaved>} : vector<32xbf16> -> vector<16xf32>
        %mul3A_833 = arith.mulf %gather3A_826, %unpack3A_831 : vector<16xf32>
        %mul3A_834 = arith.mulf %gather3A_827, %unpack3A_832 : vector<16xf32>
        %sub3A_835 = arith.subf %mul3A_833, %mul3A_834 : vector<16xf32>
        %add3A_836 = arith.addf %add3A_821, %sub3A_835 : vector<16xf32>
        %mul3A_837 = arith.mulf %gather3A_826, %unpack3A_832 : vector<16xf32>
        %mul3A_838 = arith.mulf %gather3A_827, %unpack3A_831 : vector<16xf32>
        %add3A_839 = arith.addf %mul3A_837, %mul3A_838 : vector<16xf32>
        %add3A_840 = arith.addf %add3A_825, %add3A_839 : vector<16xf32>
        %gather3A_841 = tpu.vector_load_idx %arg14[%add3A_44, %add3A_758] : memref<160x128xf32, #tpu.memory_space<vmem>>[vector<16xi32>, vector<16xi32>], vector<16xf32>,
        %gather3A_842 = tpu.vector_load_idx %arg14[%add3A_44, %add3A_761] : memref<160x128xf32, #tpu.memory_space<vmem>>[vector<16xi32>, vector<16xi32>], vector<16xf32>,
        %add3A_843 = arith.addi %mul3A_362, %add3A_758 : vector<16xi32>
        %gather3A_844 = tpu.vector_load_idx %arg9[%add3A_843] : memref<32064xi32, #tpu.memory_space<vmem>>[vector<16xi32>], vector<16xi32>,
        %bitcast3A_845 = vector.bitcast %gather3A_844 : vector<16xi32> to vector<32xbf16>
        %unpack3A_846 = tpu.unpack_subelements %bitcast3A_845, 0 {pack_format = #tpu.pack_format<interleaved>} : vector<32xbf16> -> vector<16xf32>
        %unpack3A_847 = tpu.unpack_subelements %bitcast3A_845, 1 {pack_format = #tpu.pack_format<interleaved>} : vector<32xbf16> -> vector<16xf32>
        %mul3A_848 = arith.mulf %gather3A_841, %unpack3A_846 : vector<16xf32>
        %mul3A_849 = arith.mulf %gather3A_842, %unpack3A_847 : vector<16xf32>
        %sub3A_850 = arith.subf %mul3A_848, %mul3A_849 : vector<16xf32>
        %add3A_851 = arith.addf %add3A_836, %sub3A_850 : vector<16xf32>
        %mul3A_852 = arith.mulf %gather3A_841, %unpack3A_847 : vector<16xf32>
        %mul3A_853 = arith.mulf %gather3A_842, %unpack3A_846 : vector<16xf32>
        %add3A_854 = arith.addf %mul3A_852, %mul3A_853 : vector<16xf32>
        %add3A_855 = arith.addf %add3A_840, %add3A_854 : vector<16xf32>
        %gather3A_856 = tpu.vector_load_idx %arg14[%add3A_50, %add3A_758] : memref<160x128xf32, #tpu.memory_space<vmem>>[vector<16xi32>, vector<16xi32>], vector<16xf32>,
        %gather3A_857 = tpu.vector_load_idx %arg14[%add3A_50, %add3A_761] : memref<160x128xf32, #tpu.memory_space<vmem>>[vector<16xi32>, vector<16xi32>], vector<16xf32>,
        %add3A_858 = arith.addi %mul3A_371, %add3A_758 : vector<16xi32>
        %gather3A_859 = tpu.vector_load_idx %arg9[%add3A_858] : memref<32064xi32, #tpu.memory_space<vmem>>[vector<16xi32>], vector<16xi32>,
        %bitcast3A_860 = vector.bitcast %gather3A_859 : vector<16xi32> to vector<32xbf16>
        %unpack3A_861 = tpu.unpack_subelements %bitcast3A_860, 0 {pack_format = #tpu.pack_format<interleaved>} : vector<32xbf16> -> vector<16xf32>
        %unpack3A_862 = tpu.unpack_subelements %bitcast3A_860, 1 {pack_format = #tpu.pack_format<interleaved>} : vector<32xbf16> -> vector<16xf32>
        %mul3A_863 = arith.mulf %gather3A_856, %unpack3A_861 : vector<16xf32>
        %mul3A_864 = arith.mulf %gather3A_857, %unpack3A_862 : vector<16xf32>
        %sub3A_865 = arith.subf %mul3A_863, %mul3A_864 : vector<16xf32>
        %add3A_866 = arith.addf %add3A_851, %sub3A_865 : vector<16xf32>
        %mul3A_867 = arith.mulf %gather3A_856, %unpack3A_862 : vector<16xf32>
        %mul3A_868 = arith.mulf %gather3A_857, %unpack3A_861 : vector<16xf32>
        %add3A_869 = arith.addf %mul3A_867, %mul3A_868 : vector<16xf32>
        %add3A_870 = arith.addf %add3A_855, %add3A_869 : vector<16xf32>
        %gather3A_871 = tpu.vector_load_idx %arg14[%add3A_56, %add3A_758] : memref<160x128xf32, #tpu.memory_space<vmem>>[vector<16xi32>, vector<16xi32>], vector<16xf32>,
        %gather3A_872 = tpu.vector_load_idx %arg14[%add3A_56, %add3A_761] : memref<160x128xf32, #tpu.memory_space<vmem>>[vector<16xi32>, vector<16xi32>], vector<16xf32>,
        %add3A_873 = arith.addi %mul3A_380, %add3A_758 : vector<16xi32>
        %gather3A_874 = tpu.vector_load_idx %arg9[%add3A_873] : memref<32064xi32, #tpu.memory_space<vmem>>[vector<16xi32>], vector<16xi32>,
        %bitcast3A_875 = vector.bitcast %gather3A_874 : vector<16xi32> to vector<32xbf16>
        %unpack3A_876 = tpu.unpack_subelements %bitcast3A_875, 0 {pack_format = #tpu.pack_format<interleaved>} : vector<32xbf16> -> vector<16xf32>
        %unpack3A_877 = tpu.unpack_subelements %bitcast3A_875, 1 {pack_format = #tpu.pack_format<interleaved>} : vector<32xbf16> -> vector<16xf32>
        %mul3A_878 = arith.mulf %gather3A_871, %unpack3A_876 : vector<16xf32>
        %mul3A_879 = arith.mulf %gather3A_872, %unpack3A_877 : vector<16xf32>
        %sub3A_880 = arith.subf %mul3A_878, %mul3A_879 : vector<16xf32>
        %add3A_881 = arith.addf %add3A_866, %sub3A_880 : vector<16xf32>
        %mul3A_882 = arith.mulf %gather3A_871, %unpack3A_877 : vector<16xf32>
        %mul3A_883 = arith.mulf %gather3A_872, %unpack3A_876 : vector<16xf32>
        %add3A_884 = arith.addf %mul3A_882, %mul3A_883 : vector<16xf32>
        %add3A_885 = arith.addf %add3A_870, %add3A_884 : vector<16xf32>
        %gather3A_886 = tpu.vector_load_idx %arg14[%add3A_62, %add3A_758] : memref<160x128xf32, #tpu.memory_space<vmem>>[vector<16xi32>, vector<16xi32>], vector<16xf32>,
        %gather3A_887 = tpu.vector_load_idx %arg14[%add3A_62, %add3A_761] : memref<160x128xf32, #tpu.memory_space<vmem>>[vector<16xi32>, vector<16xi32>], vector<16xf32>,
        %add3A_888 = arith.addi %mul3A_389, %add3A_758 : vector<16xi32>
        %gather3A_889 = tpu.vector_load_idx %arg9[%add3A_888] : memref<32064xi32, #tpu.memory_space<vmem>>[vector<16xi32>], vector<16xi32>,
        %bitcast3A_890 = vector.bitcast %gather3A_889 : vector<16xi32> to vector<32xbf16>
        %unpack3A_891 = tpu.unpack_subelements %bitcast3A_890, 0 {pack_format = #tpu.pack_format<interleaved>} : vector<32xbf16> -> vector<16xf32>
        %unpack3A_892 = tpu.unpack_subelements %bitcast3A_890, 1 {pack_format = #tpu.pack_format<interleaved>} : vector<32xbf16> -> vector<16xf32>
        %mul3A_893 = arith.mulf %gather3A_886, %unpack3A_891 : vector<16xf32>
        %mul3A_894 = arith.mulf %gather3A_887, %unpack3A_892 : vector<16xf32>
        %sub3A_895 = arith.subf %mul3A_893, %mul3A_894 : vector<16xf32>
        %add3A_896 = arith.addf %add3A_881, %sub3A_895 : vector<16xf32>
        %mul3A_897 = arith.mulf %gather3A_886, %unpack3A_892 : vector<16xf32>
        %mul3A_898 = arith.mulf %gather3A_887, %unpack3A_891 : vector<16xf32>
        %add3A_899 = arith.addf %mul3A_897, %mul3A_898 : vector<16xf32>
        %add3A_900 = arith.addf %add3A_885, %add3A_899 : vector<16xf32>
        %gather3A_901 = tpu.vector_load_idx %arg14[%add3A_68, %add3A_758] : memref<160x128xf32, #tpu.memory_space<vmem>>[vector<16xi32>, vector<16xi32>], vector<16xf32>,
        %gather3A_902 = tpu.vector_load_idx %arg14[%add3A_68, %add3A_761] : memref<160x128xf32, #tpu.memory_space<vmem>>[vector<16xi32>, vector<16xi32>], vector<16xf32>,
        %add3A_903 = arith.addi %mul3A_398, %add3A_758 : vector<16xi32>
        %gather3A_904 = tpu.vector_load_idx %arg9[%add3A_903] : memref<32064xi32, #tpu.memory_space<vmem>>[vector<16xi32>], vector<16xi32>,
        %bitcast3A_905 = vector.bitcast %gather3A_904 : vector<16xi32> to vector<32xbf16>
        %unpack3A_906 = tpu.unpack_subelements %bitcast3A_905, 0 {pack_format = #tpu.pack_format<interleaved>} : vector<32xbf16> -> vector<16xf32>
        %unpack3A_907 = tpu.unpack_subelements %bitcast3A_905, 1 {pack_format = #tpu.pack_format<interleaved>} : vector<32xbf16> -> vector<16xf32>
        %mul3A_908 = arith.mulf %gather3A_901, %unpack3A_906 : vector<16xf32>
        %mul3A_909 = arith.mulf %gather3A_902, %unpack3A_907 : vector<16xf32>
        %sub3A_910 = arith.subf %mul3A_908, %mul3A_909 : vector<16xf32>
        %add3A_911 = arith.addf %add3A_896, %sub3A_910 : vector<16xf32>
        %mul3A_912 = arith.mulf %gather3A_901, %unpack3A_907 : vector<16xf32>
        %mul3A_913 = arith.mulf %gather3A_902, %unpack3A_906 : vector<16xf32>
        %add3A_914 = arith.addf %mul3A_912, %mul3A_913 : vector<16xf32>
        %add3A_915 = arith.addf %add3A_900, %add3A_914 : vector<16xf32>
        tpu.vector_store_idx %arg16[%iota3A, %add3A_758], %add3A_911 : memref<16x128xf32, #tpu.memory_space<vmem>>[vector<16xi32>, vector<16xi32>], vector<16xf32>,
        tpu.vector_store_idx %arg16[%iota3A, %add3A_761], %add3A_915 : memref<16x128xf32, #tpu.memory_space<vmem>>[vector<16xi32>, vector<16xi32>], vector<16xf32>,
        %scan3A_916 = arith.constant 3 : i32
        %scan3A_917 = arith.addi %scan3A_416, %scan3A_916 : i32
        %and3A_918 = arith.constant 15 : i32
        %and3A_919 = arith.andi %scan3A_917, %and3A_918 : i32
        %add3A_920 = vector.broadcast %and3A_919 : i32 to vector<16xi32>
        %add3A_921 = arith.addi %add3A_920, %iota3A : vector<16xi32>
        %and3A_922 = arith.constant 15 : i32
        %and3A_923 = vector.broadcast %and3A_922 : i32 to vector<16xi32>
        %and3A_924 = arith.andi %add3A_921, %and3A_923 : vector<16xi32>
        %sub3A_925 = arith.subi %scan3A_917, %and3A_919 : i32
        %add3A_926 = vector.broadcast %sub3A_925 : i32 to vector<16xi32>
        %add3A_927 = arith.addi %add3A_926, %and3A_924 : vector<16xi32>
        %add3A_928 = arith.constant 64 : i32
        %add3A_929 = vector.broadcast %add3A_928 : i32 to vector<16xi32>
        %add3A_930 = arith.addi %add3A_927, %add3A_929 : vector<16xi32>
        %broadcast_in_dim3A_931 = arith.constant 0.000000e+00 : f32
        %broadcast_in_dim3A_932 = vector.broadcast %broadcast_in_dim3A_931 : f32 to vector<16xf32>
        %broadcast_in_dim3A_933 = arith.constant 0.000000e+00 : f32
        %broadcast_in_dim3A_934 = vector.broadcast %broadcast_in_dim3A_933 : f32 to vector<16xf32>
        %gather3A_935 = tpu.vector_load_idx %arg14[%add3A_14, %add3A_927] : memref<160x128xf32, #tpu.memory_space<vmem>>[vector<16xi32>, vector<16xi32>], vector<16xf32>,
        %gather3A_936 = tpu.vector_load_idx %arg14[%add3A_14, %add3A_930] : memref<160x128xf32, #tpu.memory_space<vmem>>[vector<16xi32>, vector<16xi32>], vector<16xf32>,
        %add3A_937 = arith.addi %mul3A_317, %add3A_927 : vector<16xi32>
        %gather3A_938 = tpu.vector_load_idx %arg9[%add3A_937] : memref<32064xi32, #tpu.memory_space<vmem>>[vector<16xi32>], vector<16xi32>,
        %bitcast3A_939 = vector.bitcast %gather3A_938 : vector<16xi32> to vector<32xbf16>
        %unpack3A_940 = tpu.unpack_subelements %bitcast3A_939, 0 {pack_format = #tpu.pack_format<interleaved>} : vector<32xbf16> -> vector<16xf32>
        %unpack3A_941 = tpu.unpack_subelements %bitcast3A_939, 1 {pack_format = #tpu.pack_format<interleaved>} : vector<32xbf16> -> vector<16xf32>
        %mul3A_942 = arith.mulf %gather3A_935, %unpack3A_940 : vector<16xf32>
        %mul3A_943 = arith.mulf %gather3A_936, %unpack3A_941 : vector<16xf32>
        %sub3A_944 = arith.subf %mul3A_942, %mul3A_943 : vector<16xf32>
        %add3A_945 = arith.addf %broadcast_in_dim3A_932, %sub3A_944 : vector<16xf32>
        %mul3A_946 = arith.mulf %gather3A_935, %unpack3A_941 : vector<16xf32>
        %mul3A_947 = arith.mulf %gather3A_936, %unpack3A_940 : vector<16xf32>
        %add3A_948 = arith.addf %mul3A_946, %mul3A_947 : vector<16xf32>
        %add3A_949 = arith.addf %broadcast_in_dim3A_934, %add3A_948 : vector<16xf32>
        %gather3A_950 = tpu.vector_load_idx %arg14[%add3A_20, %add3A_927] : memref<160x128xf32, #tpu.memory_space<vmem>>[vector<16xi32>, vector<16xi32>], vector<16xf32>,
        %gather3A_951 = tpu.vector_load_idx %arg14[%add3A_20, %add3A_930] : memref<160x128xf32, #tpu.memory_space<vmem>>[vector<16xi32>, vector<16xi32>], vector<16xf32>,
        %add3A_952 = arith.addi %mul3A_326, %add3A_927 : vector<16xi32>
        %gather3A_953 = tpu.vector_load_idx %arg9[%add3A_952] : memref<32064xi32, #tpu.memory_space<vmem>>[vector<16xi32>], vector<16xi32>,
        %bitcast3A_954 = vector.bitcast %gather3A_953 : vector<16xi32> to vector<32xbf16>
        %unpack3A_955 = tpu.unpack_subelements %bitcast3A_954, 0 {pack_format = #tpu.pack_format<interleaved>} : vector<32xbf16> -> vector<16xf32>
        %unpack3A_956 = tpu.unpack_subelements %bitcast3A_954, 1 {pack_format = #tpu.pack_format<interleaved>} : vector<32xbf16> -> vector<16xf32>
        %mul3A_957 = arith.mulf %gather3A_950, %unpack3A_955 : vector<16xf32>
        %mul3A_958 = arith.mulf %gather3A_951, %unpack3A_956 : vector<16xf32>
        %sub3A_959 = arith.subf %mul3A_957, %mul3A_958 : vector<16xf32>
        %add3A_960 = arith.addf %add3A_945, %sub3A_959 : vector<16xf32>
        %mul3A_961 = arith.mulf %gather3A_950, %unpack3A_956 : vector<16xf32>
        %mul3A_962 = arith.mulf %gather3A_951, %unpack3A_955 : vector<16xf32>
        %add3A_963 = arith.addf %mul3A_961, %mul3A_962 : vector<16xf32>
        %add3A_964 = arith.addf %add3A_949, %add3A_963 : vector<16xf32>
        %gather3A_965 = tpu.vector_load_idx %arg14[%add3A_26, %add3A_927] : memref<160x128xf32, #tpu.memory_space<vmem>>[vector<16xi32>, vector<16xi32>], vector<16xf32>,
        %gather3A_966 = tpu.vector_load_idx %arg14[%add3A_26, %add3A_930] : memref<160x128xf32, #tpu.memory_space<vmem>>[vector<16xi32>, vector<16xi32>], vector<16xf32>,
        %add3A_967 = arith.addi %mul3A_335, %add3A_927 : vector<16xi32>
        %gather3A_968 = tpu.vector_load_idx %arg9[%add3A_967] : memref<32064xi32, #tpu.memory_space<vmem>>[vector<16xi32>], vector<16xi32>,
        %bitcast3A_969 = vector.bitcast %gather3A_968 : vector<16xi32> to vector<32xbf16>
        %unpack3A_970 = tpu.unpack_subelements %bitcast3A_969, 0 {pack_format = #tpu.pack_format<interleaved>} : vector<32xbf16> -> vector<16xf32>
        %unpack3A_971 = tpu.unpack_subelements %bitcast3A_969, 1 {pack_format = #tpu.pack_format<interleaved>} : vector<32xbf16> -> vector<16xf32>
        %mul3A_972 = arith.mulf %gather3A_965, %unpack3A_970 : vector<16xf32>
        %mul3A_973 = arith.mulf %gather3A_966, %unpack3A_971 : vector<16xf32>
        %sub3A_974 = arith.subf %mul3A_972, %mul3A_973 : vector<16xf32>
        %add3A_975 = arith.addf %add3A_960, %sub3A_974 : vector<16xf32>
        %mul3A_976 = arith.mulf %gather3A_965, %unpack3A_971 : vector<16xf32>
        %mul3A_977 = arith.mulf %gather3A_966, %unpack3A_970 : vector<16xf32>
        %add3A_978 = arith.addf %mul3A_976, %mul3A_977 : vector<16xf32>
        %add3A_979 = arith.addf %add3A_964, %add3A_978 : vector<16xf32>
        %gather3A_980 = tpu.vector_load_idx %arg14[%add3A_32, %add3A_927] : memref<160x128xf32, #tpu.memory_space<vmem>>[vector<16xi32>, vector<16xi32>], vector<16xf32>,
        %gather3A_981 = tpu.vector_load_idx %arg14[%add3A_32, %add3A_930] : memref<160x128xf32, #tpu.memory_space<vmem>>[vector<16xi32>, vector<16xi32>], vector<16xf32>,
        %add3A_982 = arith.addi %mul3A_344, %add3A_927 : vector<16xi32>
        %gather3A_983 = tpu.vector_load_idx %arg9[%add3A_982] : memref<32064xi32, #tpu.memory_space<vmem>>[vector<16xi32>], vector<16xi32>,
        %bitcast3A_984 = vector.bitcast %gather3A_983 : vector<16xi32> to vector<32xbf16>
        %unpack3A_985 = tpu.unpack_subelements %bitcast3A_984, 0 {pack_format = #tpu.pack_format<interleaved>} : vector<32xbf16> -> vector<16xf32>
        %unpack3A_986 = tpu.unpack_subelements %bitcast3A_984, 1 {pack_format = #tpu.pack_format<interleaved>} : vector<32xbf16> -> vector<16xf32>
        %mul3A_987 = arith.mulf %gather3A_980, %unpack3A_985 : vector<16xf32>
        %mul3A_988 = arith.mulf %gather3A_981, %unpack3A_986 : vector<16xf32>
        %sub3A_989 = arith.subf %mul3A_987, %mul3A_988 : vector<16xf32>
        %add3A_990 = arith.addf %add3A_975, %sub3A_989 : vector<16xf32>
        %mul3A_991 = arith.mulf %gather3A_980, %unpack3A_986 : vector<16xf32>
        %mul3A_992 = arith.mulf %gather3A_981, %unpack3A_985 : vector<16xf32>
        %add3A_993 = arith.addf %mul3A_991, %mul3A_992 : vector<16xf32>
        %add3A_994 = arith.addf %add3A_979, %add3A_993 : vector<16xf32>
        %gather3A_995 = tpu.vector_load_idx %arg14[%add3A_38, %add3A_927] : memref<160x128xf32, #tpu.memory_space<vmem>>[vector<16xi32>, vector<16xi32>], vector<16xf32>,
        %gather3A_996 = tpu.vector_load_idx %arg14[%add3A_38, %add3A_930] : memref<160x128xf32, #tpu.memory_space<vmem>>[vector<16xi32>, vector<16xi32>], vector<16xf32>,
        %add3A_997 = arith.addi %mul3A_353, %add3A_927 : vector<16xi32>
        %gather3A_998 = tpu.vector_load_idx %arg9[%add3A_997] : memref<32064xi32, #tpu.memory_space<vmem>>[vector<16xi32>], vector<16xi32>,
        %bitcast3A_999 = vector.bitcast %gather3A_998 : vector<16xi32> to vector<32xbf16>
        %unpack3A_1000 = tpu.unpack_subelements %bitcast3A_999, 0 {pack_format = #tpu.pack_format<interleaved>} : vector<32xbf16> -> vector<16xf32>
        %unpack3A_1001 = tpu.unpack_subelements %bitcast3A_999, 1 {pack_format = #tpu.pack_format<interleaved>} : vector<32xbf16> -> vector<16xf32>
        %mul3A_1002 = arith.mulf %gather3A_995, %unpack3A_1000 : vector<16xf32>
        %mul3A_1003 = arith.mulf %gather3A_996, %unpack3A_1001 : vector<16xf32>
        %sub3A_1004 = arith.subf %mul3A_1002, %mul3A_1003 : vector<16xf32>
        %add3A_1005 = arith.addf %add3A_990, %sub3A_1004 : vector<16xf32>
        %mul3A_1006 = arith.mulf %gather3A_995, %unpack3A_1001 : vector<16xf32>
        %mul3A_1007 = arith.mulf %gather3A_996, %unpack3A_1000 : vector<16xf32>
        %add3A_1008 = arith.addf %mul3A_1006, %mul3A_1007 : vector<16xf32>
        %add3A_1009 = arith.addf %add3A_994, %add3A_1008 : vector<16xf32>
        %gather3A_1010 = tpu.vector_load_idx %arg14[%add3A_44, %add3A_927] : memref<160x128xf32, #tpu.memory_space<vmem>>[vector<16xi32>, vector<16xi32>], vector<16xf32>,
        %gather3A_1011 = tpu.vector_load_idx %arg14[%add3A_44, %add3A_930] : memref<160x128xf32, #tpu.memory_space<vmem>>[vector<16xi32>, vector<16xi32>], vector<16xf32>,
        %add3A_1012 = arith.addi %mul3A_362, %add3A_927 : vector<16xi32>
        %gather3A_1013 = tpu.vector_load_idx %arg9[%add3A_1012] : memref<32064xi32, #tpu.memory_space<vmem>>[vector<16xi32>], vector<16xi32>,
        %bitcast3A_1014 = vector.bitcast %gather3A_1013 : vector<16xi32> to vector<32xbf16>
        %unpack3A_1015 = tpu.unpack_subelements %bitcast3A_1014, 0 {pack_format = #tpu.pack_format<interleaved>} : vector<32xbf16> -> vector<16xf32>
        %unpack3A_1016 = tpu.unpack_subelements %bitcast3A_1014, 1 {pack_format = #tpu.pack_format<interleaved>} : vector<32xbf16> -> vector<16xf32>
        %mul3A_1017 = arith.mulf %gather3A_1010, %unpack3A_1015 : vector<16xf32>
        %mul3A_1018 = arith.mulf %gather3A_1011, %unpack3A_1016 : vector<16xf32>
        %sub3A_1019 = arith.subf %mul3A_1017, %mul3A_1018 : vector<16xf32>
        %add3A_1020 = arith.addf %add3A_1005, %sub3A_1019 : vector<16xf32>
        %mul3A_1021 = arith.mulf %gather3A_1010, %unpack3A_1016 : vector<16xf32>
        %mul3A_1022 = arith.mulf %gather3A_1011, %unpack3A_1015 : vector<16xf32>
        %add3A_1023 = arith.addf %mul3A_1021, %mul3A_1022 : vector<16xf32>
        %add3A_1024 = arith.addf %add3A_1009, %add3A_1023 : vector<16xf32>
        %gather3A_1025 = tpu.vector_load_idx %arg14[%add3A_50, %add3A_927] : memref<160x128xf32, #tpu.memory_space<vmem>>[vector<16xi32>, vector<16xi32>], vector<16xf32>,
        %gather3A_1026 = tpu.vector_load_idx %arg14[%add3A_50, %add3A_930] : memref<160x128xf32, #tpu.memory_space<vmem>>[vector<16xi32>, vector<16xi32>], vector<16xf32>,
        %add3A_1027 = arith.addi %mul3A_371, %add3A_927 : vector<16xi32>
        %gather3A_1028 = tpu.vector_load_idx %arg9[%add3A_1027] : memref<32064xi32, #tpu.memory_space<vmem>>[vector<16xi32>], vector<16xi32>,
        %bitcast3A_1029 = vector.bitcast %gather3A_1028 : vector<16xi32> to vector<32xbf16>
        %unpack3A_1030 = tpu.unpack_subelements %bitcast3A_1029, 0 {pack_format = #tpu.pack_format<interleaved>} : vector<32xbf16> -> vector<16xf32>
        %unpack3A_1031 = tpu.unpack_subelements %bitcast3A_1029, 1 {pack_format = #tpu.pack_format<interleaved>} : vector<32xbf16> -> vector<16xf32>
        %mul3A_1032 = arith.mulf %gather3A_1025, %unpack3A_1030 : vector<16xf32>
        %mul3A_1033 = arith.mulf %gather3A_1026, %unpack3A_1031 : vector<16xf32>
        %sub3A_1034 = arith.subf %mul3A_1032, %mul3A_1033 : vector<16xf32>
        %add3A_1035 = arith.addf %add3A_1020, %sub3A_1034 : vector<16xf32>
        %mul3A_1036 = arith.mulf %gather3A_1025, %unpack3A_1031 : vector<16xf32>
        %mul3A_1037 = arith.mulf %gather3A_1026, %unpack3A_1030 : vector<16xf32>
        %add3A_1038 = arith.addf %mul3A_1036, %mul3A_1037 : vector<16xf32>
        %add3A_1039 = arith.addf %add3A_1024, %add3A_1038 : vector<16xf32>
        %gather3A_1040 = tpu.vector_load_idx %arg14[%add3A_56, %add3A_927] : memref<160x128xf32, #tpu.memory_space<vmem>>[vector<16xi32>, vector<16xi32>], vector<16xf32>,
        %gather3A_1041 = tpu.vector_load_idx %arg14[%add3A_56, %add3A_930] : memref<160x128xf32, #tpu.memory_space<vmem>>[vector<16xi32>, vector<16xi32>], vector<16xf32>,
        %add3A_1042 = arith.addi %mul3A_380, %add3A_927 : vector<16xi32>
        %gather3A_1043 = tpu.vector_load_idx %arg9[%add3A_1042] : memref<32064xi32, #tpu.memory_space<vmem>>[vector<16xi32>], vector<16xi32>,
        %bitcast3A_1044 = vector.bitcast %gather3A_1043 : vector<16xi32> to vector<32xbf16>
        %unpack3A_1045 = tpu.unpack_subelements %bitcast3A_1044, 0 {pack_format = #tpu.pack_format<interleaved>} : vector<32xbf16> -> vector<16xf32>
        %unpack3A_1046 = tpu.unpack_subelements %bitcast3A_1044, 1 {pack_format = #tpu.pack_format<interleaved>} : vector<32xbf16> -> vector<16xf32>
        %mul3A_1047 = arith.mulf %gather3A_1040, %unpack3A_1045 : vector<16xf32>
        %mul3A_1048 = arith.mulf %gather3A_1041, %unpack3A_1046 : vector<16xf32>
        %sub3A_1049 = arith.subf %mul3A_1047, %mul3A_1048 : vector<16xf32>
        %add3A_1050 = arith.addf %add3A_1035, %sub3A_1049 : vector<16xf32>
        %mul3A_1051 = arith.mulf %gather3A_1040, %unpack3A_1046 : vector<16xf32>
        %mul3A_1052 = arith.mulf %gather3A_1041, %unpack3A_1045 : vector<16xf32>
        %add3A_1053 = arith.addf %mul3A_1051, %mul3A_1052 : vector<16xf32>
        %add3A_1054 = arith.addf %add3A_1039, %add3A_1053 : vector<16xf32>
        %gather3A_1055 = tpu.vector_load_idx %arg14[%add3A_62, %add3A_927] : memref<160x128xf32, #tpu.memory_space<vmem>>[vector<16xi32>, vector<16xi32>], vector<16xf32>,
        %gather3A_1056 = tpu.vector_load_idx %arg14[%add3A_62, %add3A_930] : memref<160x128xf32, #tpu.memory_space<vmem>>[vector<16xi32>, vector<16xi32>], vector<16xf32>,
        %add3A_1057 = arith.addi %mul3A_389, %add3A_927 : vector<16xi32>
        %gather3A_1058 = tpu.vector_load_idx %arg9[%add3A_1057] : memref<32064xi32, #tpu.memory_space<vmem>>[vector<16xi32>], vector<16xi32>,
        %bitcast3A_1059 = vector.bitcast %gather3A_1058 : vector<16xi32> to vector<32xbf16>
        %unpack3A_1060 = tpu.unpack_subelements %bitcast3A_1059, 0 {pack_format = #tpu.pack_format<interleaved>} : vector<32xbf16> -> vector<16xf32>
        %unpack3A_1061 = tpu.unpack_subelements %bitcast3A_1059, 1 {pack_format = #tpu.pack_format<interleaved>} : vector<32xbf16> -> vector<16xf32>
        %mul3A_1062 = arith.mulf %gather3A_1055, %unpack3A_1060 : vector<16xf32>
        %mul3A_1063 = arith.mulf %gather3A_1056, %unpack3A_1061 : vector<16xf32>
        %sub3A_1064 = arith.subf %mul3A_1062, %mul3A_1063 : vector<16xf32>
        %add3A_1065 = arith.addf %add3A_1050, %sub3A_1064 : vector<16xf32>
        %mul3A_1066 = arith.mulf %gather3A_1055, %unpack3A_1061 : vector<16xf32>
        %mul3A_1067 = arith.mulf %gather3A_1056, %unpack3A_1060 : vector<16xf32>
        %add3A_1068 = arith.addf %mul3A_1066, %mul3A_1067 : vector<16xf32>
        %add3A_1069 = arith.addf %add3A_1054, %add3A_1068 : vector<16xf32>
        %gather3A_1070 = tpu.vector_load_idx %arg14[%add3A_68, %add3A_927] : memref<160x128xf32, #tpu.memory_space<vmem>>[vector<16xi32>, vector<16xi32>], vector<16xf32>,
        %gather3A_1071 = tpu.vector_load_idx %arg14[%add3A_68, %add3A_930] : memref<160x128xf32, #tpu.memory_space<vmem>>[vector<16xi32>, vector<16xi32>], vector<16xf32>,
        %add3A_1072 = arith.addi %mul3A_398, %add3A_927 : vector<16xi32>
        %gather3A_1073 = tpu.vector_load_idx %arg9[%add3A_1072] : memref<32064xi32, #tpu.memory_space<vmem>>[vector<16xi32>], vector<16xi32>,
        %bitcast3A_1074 = vector.bitcast %gather3A_1073 : vector<16xi32> to vector<32xbf16>
        %unpack3A_1075 = tpu.unpack_subelements %bitcast3A_1074, 0 {pack_format = #tpu.pack_format<interleaved>} : vector<32xbf16> -> vector<16xf32>
        %unpack3A_1076 = tpu.unpack_subelements %bitcast3A_1074, 1 {pack_format = #tpu.pack_format<interleaved>} : vector<32xbf16> -> vector<16xf32>
        %mul3A_1077 = arith.mulf %gather3A_1070, %unpack3A_1075 : vector<16xf32>
        %mul3A_1078 = arith.mulf %gather3A_1071, %unpack3A_1076 : vector<16xf32>
        %sub3A_1079 = arith.subf %mul3A_1077, %mul3A_1078 : vector<16xf32>
        %add3A_1080 = arith.addf %add3A_1065, %sub3A_1079 : vector<16xf32>
        %mul3A_1081 = arith.mulf %gather3A_1070, %unpack3A_1076 : vector<16xf32>
        %mul3A_1082 = arith.mulf %gather3A_1071, %unpack3A_1075 : vector<16xf32>
        %add3A_1083 = arith.addf %mul3A_1081, %mul3A_1082 : vector<16xf32>
        %add3A_1084 = arith.addf %add3A_1069, %add3A_1083 : vector<16xf32>
        tpu.vector_store_idx %arg16[%iota3A, %add3A_927], %add3A_1080 : memref<16x128xf32, #tpu.memory_space<vmem>>[vector<16xi32>, vector<16xi32>], vector<16xf32>,
        tpu.vector_store_idx %arg16[%iota3A, %add3A_930], %add3A_1084 : memref<16x128xf32, #tpu.memory_space<vmem>>[vector<16xi32>, vector<16xi32>], vector<16xf32>,
      }
      %scan3A_404 = arith.constant 64 : i32
      %add3A_405 = arith.constant 1 : i32
      %add3A_406 = arith.addi %mul3A_157, %add3A_405 : i32
      %mul3A_407 = arith.constant 64 : i32
      %mul3A_408 = arith.muli %add3A, %mul3A_407 : i32
      %add3A_409 = arith.addi %mul3A_408, %add3A_406 : i32
      %mul3A_410 = arith.constant 16 : i32
      %mul3A_411 = arith.muli %add3A_409, %mul3A_410 : i32
      %dma_start3A_412 = arith.constant 0 : i32
      %dma_start3A_413 = tpu.memref_slice %arg7[%mul3A_411, %dma_start3A_412] : memref<32768x128xf32, #tpu.memory_space<hbm>> -> memref<16x128xf32, #tpu.memory_space<hbm>>
      %dma_start3A_414 = arith.constant 0 : i32
      %dma_start3A_415 = tpu.memref_slice %arg7[%mul3A_411, %dma_start3A_414] : memref<32768x128xf32, #tpu.memory_space<hbm>> -> memref<16x128xf32, #tpu.memory_space<hbm>>
      tpu.enqueue_dma source(%arg16 : memref<16x128xf32, #tpu.memory_space<vmem>>) target(%dma_start3A_415 : memref<16x128xf32, #tpu.memory_space<hbm>>) target_semaphore(%arg21 : memref<!tpu.dma_semaphore, #tpu.memory_space<semaphore_mem>>)
    }
    %scan3A_97 = arith.constant 32 : i32
    %dma_wait3A = arith.constant 0 : i32
    %dma_wait3A_98 = arith.constant 0 : i32
    %dma_wait3A_99 = tpu.memref_slice %arg7[%dma_wait3A, %dma_wait3A_98] : memref<32768x128xf32, #tpu.memory_space<hbm>> -> memref<16x128xf32, #tpu.memory_space<hbm>>
    %dma_wait3A_100 = arith.constant 0 : i32
    %dma_wait3A_101 = arith.constant 0 : i32
    %dma_wait3A_102 = tpu.memref_slice %arg7[%dma_wait3A_100, %dma_wait3A_101] : memref<32768x128xf32, #tpu.memory_space<hbm>> -> memref<16x128xf32, #tpu.memory_space<hbm>>
    tpu.wait_dma2 semaphore(%arg20 : memref<!tpu.dma_semaphore, #tpu.memory_space<semaphore_mem>>) src(%dma_wait3A_102 : memref<16x128xf32, #tpu.memory_space<hbm>>) dst(%arg15 : memref<16x128xf32, #tpu.memory_space<vmem>>)
    %dma_wait3A_103 = arith.constant 0 : i32
    %dma_wait3A_104 = arith.constant 0 : i32
    %dma_wait3A_105 = tpu.memref_slice %arg7[%dma_wait3A_103, %dma_wait3A_104] : memref<32768x128xf32, #tpu.memory_space<hbm>> -> memref<16x128xf32, #tpu.memory_space<hbm>>
    %dma_wait3A_106 = arith.constant 0 : i32
    %dma_wait3A_107 = arith.constant 0 : i32
    %dma_wait3A_108 = tpu.memref_slice %arg7[%dma_wait3A_106, %dma_wait3A_107] : memref<32768x128xf32, #tpu.memory_space<hbm>> -> memref<16x128xf32, #tpu.memory_space<hbm>>
    tpu.wait_dma2 semaphore(%arg21 : memref<!tpu.dma_semaphore, #tpu.memory_space<semaphore_mem>>) src(%dma_wait3A_108 : memref<16x128xf32, #tpu.memory_space<hbm>>) dst(%arg15 : memref<16x128xf32, #tpu.memory_space<vmem>>)
    %dma_start3A_109 = arith.constant 0 : i32
    %dma_start3A_110 = arith.constant 0 : i32
    %dma_start3A_111 = tpu.memref_slice %arg13[%dma_start3A_109, %dma_start3A_110] : memref<160x128xf32, #tpu.memory_space<vmem>> -> memref<64x128xf32, #tpu.memory_space<vmem>>
    %dma_start3A_112 = arith.constant 0 : i32
    %dma_start3A_113 = tpu.memref_slice %arg17[%dma_start3A_112] : memref<1024xi32, #tpu.memory_space<vmem>> -> memref<64xi32, #tpu.memory_space<vmem>>
    %dma_start3A_114 = arith.constant 0 : i32
    %dma_start3A_115 = arith.constant 0 : i32
    %dma_start3A_116 = tpu.memref_slice %arg6[%dma_start3A_114, %dma_start3A_115] : memref<1000x128xf32, #tpu.memory_space<hbm>> -> memref<1000x128xf32, #tpu.memory_space<hbm>>
    tpu.enqueue_indirect_dma source(%dma_start3A_116 : memref<1000x128xf32, #tpu.memory_space<hbm>>) target(%dma_start3A_111 : memref<64x128xf32, #tpu.memory_space<vmem>>) offsets(%dma_start3A_113 : memref<64xi32, #tpu.memory_space<vmem>>) semaphore(%arg18 : memref<!tpu.dma_semaphore, #tpu.memory_space<semaphore_mem>>)
    %dma_start3A_117 = arith.constant 64 : i32
    %dma_start3A_118 = arith.constant 0 : i32
    %dma_start3A_119 = tpu.memref_slice %arg13[%dma_start3A_117, %dma_start3A_118] : memref<160x128xf32, #tpu.memory_space<vmem>> -> memref<64x128xf32, #tpu.memory_space<vmem>>
    %dma_start3A_120 = arith.constant 64 : i32
    %dma_start3A_121 = tpu.memref_slice %arg17[%dma_start3A_120] : memref<1024xi32, #tpu.memory_space<vmem>> -> memref<64xi32, #tpu.memory_space<vmem>>
    %dma_start3A_122 = arith.constant 0 : i32
    %dma_start3A_123 = arith.constant 0 : i32
    %dma_start3A_124 = tpu.memref_slice %arg6[%dma_start3A_122, %dma_start3A_123] : memref<1000x128xf32, #tpu.memory_space<hbm>> -> memref<1000x128xf32, #tpu.memory_space<hbm>>
    tpu.enqueue_indirect_dma source(%dma_start3A_124 : memref<1000x128xf32, #tpu.memory_space<hbm>>) target(%dma_start3A_119 : memref<64x128xf32, #tpu.memory_space<vmem>>) offsets(%dma_start3A_121 : memref<64xi32, #tpu.memory_space<vmem>>) semaphore(%arg18 : memref<!tpu.dma_semaphore, #tpu.memory_space<semaphore_mem>>)
    %scan3A_125 = arith.constant 0 : i32
    %scan3A_126 = arith.constant 0 : i32
    %scan3A_127 = arith.constant 4 : i32
    %scan3A_128 = arith.addi %scan3A_126, %scan3A_127 : i32
    %scan3A_129 = arith.constant 1 : i32
    scf.for %scan3A_155 = %scan3A_126 to %scan3A_128 step %scan3A_129  : i32 {
      %gt3A = arith.constant 0 : i32
      %gt3A_156 = arith.cmpi sgt, %scan3A_155, %gt3A : i32
      %convert_element_type3A = arith.extui %gt3A_156 : i1 to i32
      %cond3A = arith.constant 0 : i32
      %cond3A_157 = arith.cmpi ne, %convert_element_type3A, %cond3A : i32
      scf.if %cond3A_157 {
        %dma_wait3A_244 = arith.constant 0 : i32
        %dma_wait3A_245 = arith.constant 0 : i32
        %dma_wait3A_246 = tpu.memref_slice %arg13[%dma_wait3A_244, %dma_wait3A_245] : memref<160x128xf32, #tpu.memory_space<vmem>> -> memref<128x128xf32, #tpu.memory_space<vmem>>
        %dma_wait3A_247 = arith.constant 0 : i32
        %dma_wait3A_248 = arith.constant 0 : i32
        %dma_wait3A_249 = tpu.memref_slice %arg8[%dma_wait3A_247, %dma_wait3A_248] : memref<32768x128xf32, #tpu.memory_space<hbm>> -> memref<128x128xf32, #tpu.memory_space<hbm>>
        %dma_wait3A_250 = arith.constant 0 : i32
        %dma_wait3A_251 = arith.constant 0 : i32
        %dma_wait3A_252 = tpu.memref_slice %arg13[%dma_wait3A_250, %dma_wait3A_251] : memref<160x128xf32, #tpu.memory_space<vmem>> -> memref<128x128xf32, #tpu.memory_space<vmem>>
        %dma_wait3A_253 = arith.constant 0 : i32
        %dma_wait3A_254 = arith.constant 0 : i32
        %dma_wait3A_255 = tpu.memref_slice %arg8[%dma_wait3A_253, %dma_wait3A_254] : memref<32768x128xf32, #tpu.memory_space<hbm>> -> memref<128x128xf32, #tpu.memory_space<hbm>>
        tpu.wait_dma2 semaphore(%arg21 : memref<!tpu.dma_semaphore, #tpu.memory_space<semaphore_mem>>) src(%dma_wait3A_255 : memref<128x128xf32, #tpu.memory_space<hbm>>) dst(%dma_wait3A_252 : memref<128x128xf32, #tpu.memory_space<vmem>>)
      } else {
      }
      %mul3A_158 = arith.constant 2 : i32
      %mul3A_159 = arith.muli %mul3A_158, %scan3A_155 : i32
      %add3A_160 = arith.constant 1 : i32
      %add3A_161 = arith.addi %mul3A_159, %add3A_160 : i32
      %mul3A_162 = arith.constant 128 : i32
      %mul3A_163 = arith.muli %add3A_161, %mul3A_162 : i32
      %dma_start3A_164 = arith.constant 0 : i32
      %dma_start3A_165 = arith.constant 0 : i32
      %dma_start3A_166 = tpu.memref_slice %arg14[%dma_start3A_164, %dma_start3A_165] : memref<160x128xf32, #tpu.memory_space<vmem>> -> memref<64x128xf32, #tpu.memory_space<vmem>>
      %dma_start3A_167 = tpu.memref_slice %arg17[%mul3A_163] : memref<1024xi32, #tpu.memory_space<vmem>> -> memref<64xi32, #tpu.memory_space<vmem>>
      %dma_start3A_168 = arith.constant 0 : i32
      %dma_start3A_169 = arith.constant 0 : i32
      %dma_start3A_170 = tpu.memref_slice %arg6[%dma_start3A_168, %dma_start3A_169] : memref<1000x128xf32, #tpu.memory_space<hbm>> -> memref<1000x128xf32, #tpu.memory_space<hbm>>
      tpu.enqueue_indirect_dma source(%dma_start3A_170 : memref<1000x128xf32, #tpu.memory_space<hbm>>) target(%dma_start3A_166 : memref<64x128xf32, #tpu.memory_space<vmem>>) offsets(%dma_start3A_167 : memref<64xi32, #tpu.memory_space<vmem>>) semaphore(%arg19 : memref<!tpu.dma_semaphore, #tpu.memory_space<semaphore_mem>>)
      %add3A_171 = arith.constant 64 : i32
      %add3A_172 = arith.addi %mul3A_163, %add3A_171 : i32
      %dma_start3A_173 = arith.constant 64 : i32
      %dma_start3A_174 = arith.constant 0 : i32
      %dma_start3A_175 = tpu.memref_slice %arg14[%dma_start3A_173, %dma_start3A_174] : memref<160x128xf32, #tpu.memory_space<vmem>> -> memref<64x128xf32, #tpu.memory_space<vmem>>
      %dma_start3A_176 = tpu.memref_slice %arg17[%add3A_172] : memref<1024xi32, #tpu.memory_space<vmem>> -> memref<64xi32, #tpu.memory_space<vmem>>
      %dma_start3A_177 = arith.constant 0 : i32
      %dma_start3A_178 = arith.constant 0 : i32
      %dma_start3A_179 = tpu.memref_slice %arg6[%dma_start3A_177, %dma_start3A_178] : memref<1000x128xf32, #tpu.memory_space<hbm>> -> memref<1000x128xf32, #tpu.memory_space<hbm>>
      tpu.enqueue_indirect_dma source(%dma_start3A_179 : memref<1000x128xf32, #tpu.memory_space<hbm>>) target(%dma_start3A_175 : memref<64x128xf32, #tpu.memory_space<vmem>>) offsets(%dma_start3A_176 : memref<64xi32, #tpu.memory_space<vmem>>) semaphore(%arg19 : memref<!tpu.dma_semaphore, #tpu.memory_space<semaphore_mem>>)
      %dma_wait3A_180 = arith.constant 0 : i32
      %dma_wait3A_181 = arith.constant 0 : i32
      %dma_wait3A_182 = tpu.memref_slice %arg13[%dma_wait3A_180, %dma_wait3A_181] : memref<160x128xf32, #tpu.memory_space<vmem>> -> memref<128x128xf32, #tpu.memory_space<vmem>>
      %dma_wait3A_183 = arith.constant 0 : i32
      %dma_wait3A_184 = arith.constant 0 : i32
      %dma_wait3A_185 = tpu.memref_slice %arg6[%dma_wait3A_183, %dma_wait3A_184] : memref<1000x128xf32, #tpu.memory_space<hbm>> -> memref<128x128xf32, #tpu.memory_space<hbm>>
      %dma_wait3A_186 = arith.constant 0 : i32
      %dma_wait3A_187 = arith.constant 0 : i32
      %dma_wait3A_188 = tpu.memref_slice %arg13[%dma_wait3A_186, %dma_wait3A_187] : memref<160x128xf32, #tpu.memory_space<vmem>> -> memref<128x128xf32, #tpu.memory_space<vmem>>
      %dma_wait3A_189 = arith.constant 0 : i32
      %dma_wait3A_190 = arith.constant 0 : i32
      %dma_wait3A_191 = tpu.memref_slice %arg6[%dma_wait3A_189, %dma_wait3A_190] : memref<1000x128xf32, #tpu.memory_space<hbm>> -> memref<128x128xf32, #tpu.memory_space<hbm>>
      tpu.wait_dma2 semaphore(%arg18 : memref<!tpu.dma_semaphore, #tpu.memory_space<semaphore_mem>>) src(%dma_wait3A_191 : memref<128x128xf32, #tpu.memory_space<hbm>>) dst(%dma_wait3A_188 : memref<128x128xf32, #tpu.memory_space<vmem>>)
      %mul3A_192 = arith.constant 2 : i32
      %mul3A_193 = arith.muli %mul3A_192, %scan3A_155 : i32
      %mul3A_194 = arith.constant 8 : i32
      %mul3A_195 = arith.muli %add3A, %mul3A_194 : i32
      %add3A_196 = arith.addi %mul3A_195, %mul3A_193 : i32
      %mul3A_197 = arith.constant 128 : i32
      %mul3A_198 = arith.muli %add3A_196, %mul3A_197 : i32
      %dma_start3A_199 = arith.constant 0 : i32
      %dma_start3A_200 = arith.constant 0 : i32
      %dma_start3A_201 = tpu.memref_slice %arg13[%dma_start3A_199, %dma_start3A_200] : memref<160x128xf32, #tpu.memory_space<vmem>> -> memref<128x128xf32, #tpu.memory_space<vmem>>
      %dma_start3A_202 = arith.constant 0 : i32
      %dma_start3A_203 = tpu.memref_slice %arg8[%mul3A_198, %dma_start3A_202] : memref<32768x128xf32, #tpu.memory_space<hbm>> -> memref<128x128xf32, #tpu.memory_space<hbm>>
      %dma_start3A_204 = arith.constant 0 : i32
      %dma_start3A_205 = tpu.memref_slice %arg8[%mul3A_198, %dma_start3A_204] : memref<32768x128xf32, #tpu.memory_space<hbm>> -> memref<128x128xf32, #tpu.memory_space<hbm>>
      %dma_start3A_206 = arith.constant 0 : i32
      %dma_start3A_207 = arith.constant 0 : i32
      %dma_start3A_208 = tpu.memref_slice %arg13[%dma_start3A_206, %dma_start3A_207] : memref<160x128xf32, #tpu.memory_space<vmem>> -> memref<128x128xf32, #tpu.memory_space<vmem>>
      tpu.enqueue_dma source(%dma_start3A_208 : memref<128x128xf32, #tpu.memory_space<vmem>>) target(%dma_start3A_205 : memref<128x128xf32, #tpu.memory_space<hbm>>) target_semaphore(%arg20 : memref<!tpu.dma_semaphore, #tpu.memory_space<semaphore_mem>>)
      %lt3A = arith.constant 3 : i32
      %lt3A_209 = arith.cmpi slt, %scan3A_155, %lt3A : i32
      %convert_element_type3A_210 = arith.extui %lt3A_209 : i1 to i32
      %cond3A_211 = arith.constant 0 : i32
      %cond3A_212 = arith.cmpi ne, %convert_element_type3A_210, %cond3A_211 : i32
      scf.if %cond3A_212 {
        %dma_wait3A_244 = arith.constant 0 : i32
        %dma_wait3A_245 = arith.constant 0 : i32
        %dma_wait3A_246 = tpu.memref_slice %arg13[%dma_wait3A_244, %dma_wait3A_245] : memref<160x128xf32, #tpu.memory_space<vmem>> -> memref<128x128xf32, #tpu.memory_space<vmem>>
        %dma_wait3A_247 = arith.constant 0 : i32
        %dma_wait3A_248 = arith.constant 0 : i32
        %dma_wait3A_249 = tpu.memref_slice %arg8[%dma_wait3A_247, %dma_wait3A_248] : memref<32768x128xf32, #tpu.memory_space<hbm>> -> memref<128x128xf32, #tpu.memory_space<hbm>>
        %dma_wait3A_250 = arith.constant 0 : i32
        %dma_wait3A_251 = arith.constant 0 : i32
        %dma_wait3A_252 = tpu.memref_slice %arg13[%dma_wait3A_250, %dma_wait3A_251] : memref<160x128xf32, #tpu.memory_space<vmem>> -> memref<128x128xf32, #tpu.memory_space<vmem>>
        %dma_wait3A_253 = arith.constant 0 : i32
        %dma_wait3A_254 = arith.constant 0 : i32
        %dma_wait3A_255 = tpu.memref_slice %arg8[%dma_wait3A_253, %dma_wait3A_254] : memref<32768x128xf32, #tpu.memory_space<hbm>> -> memref<128x128xf32, #tpu.memory_space<hbm>>
        tpu.wait_dma2 semaphore(%arg20 : memref<!tpu.dma_semaphore, #tpu.memory_space<semaphore_mem>>) src(%dma_wait3A_255 : memref<128x128xf32, #tpu.memory_space<hbm>>) dst(%dma_wait3A_252 : memref<128x128xf32, #tpu.memory_space<vmem>>)
        %mul3A_256 = arith.constant 2 : i32
        %mul3A_257 = arith.muli %mul3A_256, %scan3A_155 : i32
        %add3A_258 = arith.constant 2 : i32
        %add3A_259 = arith.addi %mul3A_257, %add3A_258 : i32
        %mul3A_260 = arith.constant 128 : i32
        %mul3A_261 = arith.muli %add3A_259, %mul3A_260 : i32
        %dma_start3A_262 = arith.constant 0 : i32
        %dma_start3A_263 = arith.constant 0 : i32
        %dma_start3A_264 = tpu.memref_slice %arg13[%dma_start3A_262, %dma_start3A_263] : memref<160x128xf32, #tpu.memory_space<vmem>> -> memref<64x128xf32, #tpu.memory_space<vmem>>
        %dma_start3A_265 = tpu.memref_slice %arg17[%mul3A_261] : memref<1024xi32, #tpu.memory_space<vmem>> -> memref<64xi32, #tpu.memory_space<vmem>>
        %dma_start3A_266 = arith.constant 0 : i32
        %dma_start3A_267 = arith.constant 0 : i32
        %dma_start3A_268 = tpu.memref_slice %arg6[%dma_start3A_266, %dma_start3A_267] : memref<1000x128xf32, #tpu.memory_space<hbm>> -> memref<1000x128xf32, #tpu.memory_space<hbm>>
        tpu.enqueue_indirect_dma source(%dma_start3A_268 : memref<1000x128xf32, #tpu.memory_space<hbm>>) target(%dma_start3A_264 : memref<64x128xf32, #tpu.memory_space<vmem>>) offsets(%dma_start3A_265 : memref<64xi32, #tpu.memory_space<vmem>>) semaphore(%arg18 : memref<!tpu.dma_semaphore, #tpu.memory_space<semaphore_mem>>)
        %add3A_269 = arith.constant 64 : i32
        %add3A_270 = arith.addi %mul3A_261, %add3A_269 : i32
        %dma_start3A_271 = arith.constant 64 : i32
        %dma_start3A_272 = arith.constant 0 : i32
        %dma_start3A_273 = tpu.memref_slice %arg13[%dma_start3A_271, %dma_start3A_272] : memref<160x128xf32, #tpu.memory_space<vmem>> -> memref<64x128xf32, #tpu.memory_space<vmem>>
        %dma_start3A_274 = tpu.memref_slice %arg17[%add3A_270] : memref<1024xi32, #tpu.memory_space<vmem>> -> memref<64xi32, #tpu.memory_space<vmem>>
        %dma_start3A_275 = arith.constant 0 : i32
        %dma_start3A_276 = arith.constant 0 : i32
        %dma_start3A_277 = tpu.memref_slice %arg6[%dma_start3A_275, %dma_start3A_276] : memref<1000x128xf32, #tpu.memory_space<hbm>> -> memref<1000x128xf32, #tpu.memory_space<hbm>>
        tpu.enqueue_indirect_dma source(%dma_start3A_277 : memref<1000x128xf32, #tpu.memory_space<hbm>>) target(%dma_start3A_273 : memref<64x128xf32, #tpu.memory_space<vmem>>) offsets(%dma_start3A_274 : memref<64xi32, #tpu.memory_space<vmem>>) semaphore(%arg18 : memref<!tpu.dma_semaphore, #tpu.memory_space<semaphore_mem>>)
      } else {
      }
      %dma_wait3A_213 = arith.constant 0 : i32
      %dma_wait3A_214 = arith.constant 0 : i32
      %dma_wait3A_215 = tpu.memref_slice %arg14[%dma_wait3A_213, %dma_wait3A_214] : memref<160x128xf32, #tpu.memory_space<vmem>> -> memref<128x128xf32, #tpu.memory_space<vmem>>
      %dma_wait3A_216 = arith.constant 0 : i32
      %dma_wait3A_217 = arith.constant 0 : i32
      %dma_wait3A_218 = tpu.memref_slice %arg6[%dma_wait3A_216, %dma_wait3A_217] : memref<1000x128xf32, #tpu.memory_space<hbm>> -> memref<128x128xf32, #tpu.memory_space<hbm>>
      %dma_wait3A_219 = arith.constant 0 : i32
      %dma_wait3A_220 = arith.constant 0 : i32
      %dma_wait3A_221 = tpu.memref_slice %arg14[%dma_wait3A_219, %dma_wait3A_220] : memref<160x128xf32, #tpu.memory_space<vmem>> -> memref<128x128xf32, #tpu.memory_space<vmem>>
      %dma_wait3A_222 = arith.constant 0 : i32
      %dma_wait3A_223 = arith.constant 0 : i32
      %dma_wait3A_224 = tpu.memref_slice %arg6[%dma_wait3A_222, %dma_wait3A_223] : memref<1000x128xf32, #tpu.memory_space<hbm>> -> memref<128x128xf32, #tpu.memory_space<hbm>>
      tpu.wait_dma2 semaphore(%arg19 : memref<!tpu.dma_semaphore, #tpu.memory_space<semaphore_mem>>) src(%dma_wait3A_224 : memref<128x128xf32, #tpu.memory_space<hbm>>) dst(%dma_wait3A_221 : memref<128x128xf32, #tpu.memory_space<vmem>>)
      %mul3A_225 = arith.constant 2 : i32
      %mul3A_226 = arith.muli %mul3A_225, %scan3A_155 : i32
      %add3A_227 = arith.constant 1 : i32
      %add3A_228 = arith.addi %mul3A_226, %add3A_227 : i32
      %mul3A_229 = arith.constant 8 : i32
      %mul3A_230 = arith.muli %add3A, %mul3A_229 : i32
      %add3A_231 = arith.addi %mul3A_230, %add3A_228 : i32
      %mul3A_232 = arith.constant 128 : i32
      %mul3A_233 = arith.muli %add3A_231, %mul3A_232 : i32
      %dma_start3A_234 = arith.constant 0 : i32
      %dma_start3A_235 = arith.constant 0 : i32
      %dma_start3A_236 = tpu.memref_slice %arg14[%dma_start3A_234, %dma_start3A_235] : memref<160x128xf32, #tpu.memory_space<vmem>> -> memref<128x128xf32, #tpu.memory_space<vmem>>
      %dma_start3A_237 = arith.constant 0 : i32
      %dma_start3A_238 = tpu.memref_slice %arg8[%mul3A_233, %dma_start3A_237] : memref<32768x128xf32, #tpu.memory_space<hbm>> -> memref<128x128xf32, #tpu.memory_space<hbm>>
      %dma_start3A_239 = arith.constant 0 : i32
      %dma_start3A_240 = tpu.memref_slice %arg8[%mul3A_233, %dma_start3A_239] : memref<32768x128xf32, #tpu.memory_space<hbm>> -> memref<128x128xf32, #tpu.memory_space<hbm>>
      %dma_start3A_241 = arith.constant 0 : i32
      %dma_start3A_242 = arith.constant 0 : i32
      %dma_start3A_243 = tpu.memref_slice %arg14[%dma_start3A_241, %dma_start3A_242] : memref<160x128xf32, #tpu.memory_space<vmem>> -> memref<128x128xf32, #tpu.memory_space<vmem>>
      tpu.enqueue_dma source(%dma_start3A_243 : memref<128x128xf32, #tpu.memory_space<vmem>>) target(%dma_start3A_240 : memref<128x128xf32, #tpu.memory_space<hbm>>) target_semaphore(%arg21 : memref<!tpu.dma_semaphore, #tpu.memory_space<semaphore_mem>>)
    }
    %scan3A_130 = arith.constant 4 : i32
    %dma_wait3A_131 = arith.constant 0 : i32
    %dma_wait3A_132 = arith.constant 0 : i32
    %dma_wait3A_133 = tpu.memref_slice %arg13[%dma_wait3A_131, %dma_wait3A_132] : memref<160x128xf32, #tpu.memory_space<vmem>> -> memref<128x128xf32, #tpu.memory_space<vmem>>
    %dma_wait3A_134 = arith.constant 0 : i32
    %dma_wait3A_135 = arith.constant 0 : i32
    %dma_wait3A_136 = tpu.memref_slice %arg8[%dma_wait3A_134, %dma_wait3A_135] : memref<32768x128xf32, #tpu.memory_space<hbm>> -> memref<128x128xf32, #tpu.memory_space<hbm>>
    %dma_wait3A_137 = arith.constant 0 : i32
    %dma_wait3A_138 = arith.constant 0 : i32
    %dma_wait3A_139 = tpu.memref_slice %arg13[%dma_wait3A_137, %dma_wait3A_138] : memref<160x128xf32, #tpu.memory_space<vmem>> -> memref<128x128xf32, #tpu.memory_space<vmem>>
    %dma_wait3A_140 = arith.constant 0 : i32
    %dma_wait3A_141 = arith.constant 0 : i32
    %dma_wait3A_142 = tpu.memref_slice %arg8[%dma_wait3A_140, %dma_wait3A_141] : memref<32768x128xf32, #tpu.memory_space<hbm>> -> memref<128x128xf32, #tpu.memory_space<hbm>>
    tpu.wait_dma2 semaphore(%arg20 : memref<!tpu.dma_semaphore, #tpu.memory_space<semaphore_mem>>) src(%dma_wait3A_142 : memref<128x128xf32, #tpu.memory_space<hbm>>) dst(%dma_wait3A_139 : memref<128x128xf32, #tpu.memory_space<vmem>>)
    %dma_wait3A_143 = arith.constant 0 : i32
    %dma_wait3A_144 = arith.constant 0 : i32
    %dma_wait3A_145 = tpu.memref_slice %arg13[%dma_wait3A_143, %dma_wait3A_144] : memref<160x128xf32, #tpu.memory_space<vmem>> -> memref<128x128xf32, #tpu.memory_space<vmem>>
    %dma_wait3A_146 = arith.constant 0 : i32
    %dma_wait3A_147 = arith.constant 0 : i32
    %dma_wait3A_148 = tpu.memref_slice %arg8[%dma_wait3A_146, %dma_wait3A_147] : memref<32768x128xf32, #tpu.memory_space<hbm>> -> memref<128x128xf32, #tpu.memory_space<hbm>>
    %dma_wait3A_149 = arith.constant 0 : i32
    %dma_wait3A_150 = arith.constant 0 : i32
    %dma_wait3A_151 = tpu.memref_slice %arg13[%dma_wait3A_149, %dma_wait3A_150] : memref<160x128xf32, #tpu.memory_space<vmem>> -> memref<128x128xf32, #tpu.memory_space<vmem>>
    %dma_wait3A_152 = arith.constant 0 : i32
    %dma_wait3A_153 = arith.constant 0 : i32
    %dma_wait3A_154 = tpu.memref_slice %arg8[%dma_wait3A_152, %dma_wait3A_153] : memref<32768x128xf32, #tpu.memory_space<hbm>> -> memref<128x128xf32, #tpu.memory_space<hbm>>
    tpu.wait_dma2 semaphore(%arg21 : memref<!tpu.dma_semaphore, #tpu.memory_space<semaphore_mem>>) src(%dma_wait3A_154 : memref<128x128xf32, #tpu.memory_space<hbm>>) dst(%dma_wait3A_151 : memref<128x128xf32, #tpu.memory_space<vmem>>)
    return
  }
}

</mosaic_0001>

<sc_bundles>
// kernel: _sc_stage.3.cloned.1.call-start
scs
__scs_entry_jumppad:
0x0: {  	(pc) =	sbr.rel $0x88, $3  }
0x1: {  	(tag) =	ssettag $0x0;
	lr =	simm.s32 $0x1  }
0x2: {  	[smem:$0x3F9C] =	sst lr;
	_ =	strace $0xD0000000  }
0x3: {  	_ = 	snop  }
0x4: {  	_ = 	snop  }
0x5: {  	_ = 	snop  }
0x6: {  	_ = 	snop  }
0x7: {  	_ = 	snop  }
__scs_overlays_trampoline_lowered:
0x8: {  	[smem:$0x3FAB] =	sst s0  }
0x9: {  	[smem:$0x3FAC] =	sst s1  }
0xa: {  	[smem:$0x3FAD] =	sst s2  }
0xb: {  	[smem:$0x3FAE] =	sst s3  }
0xc: {  	[smem:$0x3FAF] =	sst s4  }
0xd: {  	[smem:$0x3FB0] =	sst s5  }
0xe: {  	[smem:$0x3FB1] =	sst s6  }
0xf: {  	[smem:$0x3FB2] =	sst s7  }
0x10: {  	[smem:$0x3FB3] =	sst s8  }
0x11: {  	[smem:$0x3FB4] =	sst s9;
	s0 =	simm.s32 @!p0 $0x0  }
0x12: {  	s1 =	sld [smem:$0x3F9A];
	s0 =	simm.s32 @p0 $0x1  }
0x13: {  	[smem:$0x3FB5] =	sst s0;
	s0 =	simm.s32 @!p1 $0x0  }
0x14: {  	s2 =	sld [smem:$0x3F99];
	s0 =	simm.s32 @p1 $0x1  }
0x15: {  	[smem:$0x3FB6] =	sst s0;
	s0 =	simm.s32 @!p2 $0x0  }
0x16: {  	s3 =	sld [smem:$0x3FDB];
	s0 =	simm.s32 @p2 $0x1  }
0x17: {  	s4 =	simm.s32 $0x1BF5;
	[smem:$0x3FB8] =	sst s0  }
0x18: {  	s0 =	sld [smem:$0x3F9B];
	_ =	swait.ge [sflag:s4], $0x0  }
0x19: {  	s7 =	sld [smem:$0x3F9C]  }
0x1a: {  	s8 =	sadd.s32 $0xFFFFE003, lr  }
0x1b: {  	s9 =	sadd.s32 $0xFFFFFEF7, lr;
	s5 =	simm.s32 $0xFFFFFFFF;
	p2 =	slt.u32 s8, $0xFFFFF086  }
0x1c: {  	p1 =	slt.u32 s9, $0xF7A;
	s5 =	simm.s32 @!p2 $0x0  }
0x1d: {  	s5 =	simm.s32 @p1 $0x1;
	p0 =	seq.s32 s7, s2  }
0x1e: {  	s7 =	smul.u32 @!p0 $0xF7A, s2;
	p2 =	seq.s32 @!p0 s5, $0x0  }
0x1f: {  	s9 =	smul.u32 $0xF7A, s1;
	s8 =	simm.s32 @!p0 $0x1BF5;
	p2 =	por !p2, p0  }
0x20: {  	[sflag:s8] =	ssyncset.s32 @!p0 $0xFFFFF086;
	s6 =	sadd.s32 @!p0 s3, s7;
	s7 =	simm.s32 @!p0 $0x108  }
0x21: {  	s3 =	sadd.s32 s3, s9;
	s6 =	sadd.s32 @!p0 $0x88, s6;
	s7 =	simm.s32 @p2 $0x1082  }
0x22: {  	[simem:s7], [sflag:s8] =	dma.local @!p0 [hbm:s6], $0xF7A  }
0x23: {  	s9 =	sor.u32 $0xD0000000, s2;
	s6 =	simm.s32 $0x108;
	_ =	swait.ge @!p0 [sflag:s8], $0x0  }
0x24: {  	s3 =	sadd.s32 $0x88, s3;
	s6 =	simm.s32 @!p1 $0x1082;
	[sflag:s4] =	ssyncset.s32 $0xFFFFF086  }
0x25: {  	[simem:s6], [sflag:s4] =	dma.local [hbm:s3], $0xF7A  }
0x26: {  	[smem:$0x3F9C] =	sst s1;
	(tag) =	ssettag s2;
	_ =	strace s9  }
0x27: {  	s1 =	sld [smem:$0x3FAC]  }
0x28: {  	s2 =	sld [smem:$0x3FAD]  }
0x29: {  	s4 =	sld [smem:$0x3FAF]  }
0x2a: {  	p0 =	seq.s32 s5, $0x0;
	s5 =	sld [smem:$0x3FB0]  }
0x2b: {  	s6 =	sld [smem:$0x3FB1]  }
0x2c: {  	s7 =	sld [smem:$0x3FB2]  }
0x2d: {  	s3 =	simm.s32 $0x108;
	s8 =	sld [smem:$0x3FB3]  }
0x2e: {  	s3 =	simm.s32 @!p0 $0x1082;
	s9 =	sld [smem:$0x3FB4]  }
0x2f: {  	lr =	sadd.s32 s0, s3;
	s0 =	sld [smem:$0x3FAB]  }
0x30: {  	s3 =	sld [smem:$0x3FAE]  }
0x31: {  	[smem:$0x3FB7] =	sst s10  }
0x32: {  	s10 =	sld [smem:$0x3FB5];
	_ =	sdelay $0x3  }
0x33: {  	p0 =	seq.s32 s10, $0x1;
	s10 =	sld [smem:$0x3FB7];
	_ =	sdelay $0x3  }
0x34: {  	[smem:$0x3FB7] =	sst s10  }
0x35: {  	s10 =	sld [smem:$0x3FB6];
	_ =	sdelay $0x3  }
0x36: {  	p1 =	seq.s32 s10, $0x1;
	s10 =	sld [smem:$0x3FB7];
	_ =	sdelay $0x3  }
0x37: {  	[smem:$0x3FB7] =	sst s10  }
0x38: {  	s10 =	sld [smem:$0x3FB8]  }
0x39: {  	_ = 	snop;
	(pc) =	sbr.ind lr, $3  }
0x3a: {  	_ = 	snop  }
0x3b: {  	_ = 	snop  }
0x3c: {  	p2 =	seq.s32 s10, $0x1;
	s10 =	sld [smem:$0x3FB7]  }
0x3d: {  	_ =	shalt  }
0x3e: {  	_ =	shalt  }
0x3f: {  	_ =	shalt  }
0x40: {  	_ =	shalt  }
0x41: {  	_ =	shalt  }
0x42: {  	_ =	shalt  }
0x43: {  	_ =	shalt  }
0x44: {  	_ =	shalt  }
0x45: {  	_ =	shalt  }
0x46: {  	_ =	shalt  }
0x47: {  	_ =	shalt  }
0x48: {  	_ =	shalt  }
0x49: {  	_ =	shalt  }
0x4a: {  	_ =	shalt  }
0x4b: {  	_ =	shalt  }
0x4c: {  	_ =	shalt  }
0x4d: {  	_ =	shalt  }
0x4e: {  	_ =	shalt  }
0x4f: {  	_ =	shalt  }
0x50: {  	_ =	shalt  }
0x51: {  	_ =	shalt  }
0x52: {  	_ =	shalt  }
0x53: {  	_ =	shalt  }
0x54: {  	_ =	shalt  }
0x55: {  	_ =	shalt  }
0x56: {  	_ =	shalt  }
0x57: {  	_ =	shalt  }
0x58: {  	_ =	shalt  }
0x59: {  	_ =	shalt  }
0x5a: {  	_ =	shalt  }
0x5b: {  	_ =	shalt  }
0x5c: {  	_ =	shalt  }
0x5d: {  	_ =	shalt  }
0x5e: {  	_ =	shalt  }
0x5f: {  	_ =	shalt  }
0x60: {  	_ =	shalt  }
0x61: {  	_ =	shalt  }
0x62: {  	_ =	shalt  }
0x63: {  	_ =	shalt  }
0x64: {  	_ =	shalt  }
0x65: {  	_ =	shalt  }
0x66: {  	_ =	shalt  }
0x67: {  	_ =	shalt  }
0x68: {  	_ =	shalt  }
0x69: {  	_ =	shalt  }
0x6a: {  	_ =	shalt  }
0x6b: {  	_ =	shalt  }
0x6c: {  	_ =	shalt  }
0x6d: {  	_ =	shalt  }
0x6e: {  	_ =	shalt  }
0x6f: {  	_ =	shalt  }
0x70: {  	_ =	shalt  }
0x71: {  	_ =	shalt  }
0x72: {  	_ =	shalt  }
0x73: {  	_ =	shalt  }
0x74: {  	_ =	shalt  }
0x75: {  	_ =	shalt  }
0x76: {  	_ =	shalt  }
0x77: {  	_ =	shalt  }
0x78: {  	_ =	shalt  }
0x79: {  	_ =	shalt  }
0x7a: {  	_ =	shalt  }
0x7b: {  	_ =	shalt  }
0x7c: {  	_ =	shalt  }
0x7d: {  	_ =	shalt  }
0x7e: {  	_ =	shalt  }
0x7f: {  	_ =	shalt  }
0x80: {  	_ =	shalt  }
0x81: {  	_ =	shalt  }
0x82: {  	_ =	shalt  }
0x83: {  	_ =	shalt  }
0x84: {  	_ =	shalt  }
0x85: {  	_ =	shalt  }
0x86: {  	_ =	shalt  }
0x87: {  	_ =	shalt  }
.Lfunc_end0:
.L_simem_size_0:
called_computation_lowered:
.L_overlay_start_0:
0x88: {  	s2 =	sld [smem:$0x3FD9]  }
0x89: {  	s3 =	sld [smem:$0x3FFE];
	_ =	sdelay $0x1  }
0x8a: {  	s1 =	srdreg.scid  }
0x8b: {  	s0 =	sand.u32 $0x1, s1  }
0x8c: {  	s15 =	sshll.u32 s0, $0xA;
	s2 =	sadd.s32 s3, s2  }
0x8d: {  	s2 =	sadd.s32 s2, s15  }
0x8e: {  	[smem:$0x3FC3] =	sst s2  }
0x8f: {  	_ = 	snop  }
0x90: {  	s2 =	sld [smem:$0x3FC9]  }
0x91: {  	s16 =	sld [smem:$0x3FC8]  }
0x92: {  	s4 =	sld [smem:$0x3FD0]  }
0x93: {  	s5 =	sld [smem:$0x3FC7]  }
0x94: {  	s6 =	sld [smem:$0x3FC6]  }
0x95: {  	s8 =	simm.s32 $0xA;
	s9 =	simm.s32 $0x10;
	s7 =	sld [smem:$0x3FC5]  }
0x96: {  	[smem:s9], [sflag:s8] =	dma.local [hbm:s4], $0x1  }
0x97: {  	_ =	swait.eq [sflag:s8], $0x1  }
0x98: {  	[sflag:s8] =	ssyncset.done $0x0  }
0x99: {  	s17 =	sld [smem:$0x10];
	[sflag:s8] =	ssyncadd.s32 $0xFFFFFFFF  }
0x9a: {  	s18 =	sld [smem:$0x11];
	(tm) =	ssettm $0x1  }
0x9b: {  	s19 =	sld [smem:$0x3FFB];
	_ =	sdelay $0x3  }
0x9c: {  	_ =	strace s19  }
0x9d: {  	s9 =	sld [smem:$0x3FFC];
	_ =	sdelay $0x3  }
0x9e: {  	_ =	strace s9  }
0x9f: {  	s9 =	sld [smem:$0x3FFD];
	_ =	sdelay $0x3  }
0xa0: {  	_ =	strace s9  }
0xa1: {  	_ =	strace $0x8FFFFFFF  }
0xa2: {  	s20 =	sld [smem:$0x3FDB];
	_ =	sdelay $0x1  }
0xa3: {  	s10 =	simm.s32 $_scs_section_size  }
0xa4: {  	s11 =	simm.s32 $_size__tile_overlayer_lowered;
	s12 =	simm.s32 $_tile_overlayer_lowered  }
0xa5: {  	s23 =	simm.s32 $0x1BFF;
	s22 =	sshll.u32 s12, $0x1;
	s9 =	sadd.s32 s10, s20  }
0xa6: {  	s13 =	simm.s32 $0x0;
	s21 =	sshll.u32 s11, $0x1;
	s11 =	sadd.s32 s22, s9  }
0xa7: {  	[timem:s13], [sflag:s23] =	dma.local [hbm:s11], s21  }
0xa8: {  	_ =	swait.ge [sflag:s23], s21  }
0xa9: {  	s10 =	ssub.s32 $0x0, s21;
	[sflag:s23] =	ssyncset.done $0x0  }
0xaa: {  	[sflag:s23] =	ssyncadd.s32 s10;
	_ =	sdelay $0x1  }
0xab: {  	s24 =	simm.s32 $0x1B8B  }
0xac: {  	_ =	swait.ge [sflag:s24], $0x1  }
0xad: {  	[sflag:s24] =	ssyncset.done $0x0  }
0xae: {  	s25 =	simm.s32 $0x1B8E;
	[sflag:s24] =	ssyncadd.s32 $0xFFFFFFFF  }
0xaf: {  	s26 =	simm.s32 $execute0_lowered;
	[smem:$0x3FD2] =	sst s25  }
0xb0: {  	s10 =	sshll.u32 s26, $0x1;
	_ =	strace $0x80000046;
	[dreg:$0x1] =	wrdreg $0xFFFFFFFF  }
0xb1: {  	s28 =	simm.s32 $_size_execute0_lowered;
	s9 =	sadd.s32 s9, s10;
	[dreg:$0x0] =	wrdreg $0x0  }
0xb2: {  	s10 =	sshll.u32 s28, $0x1;
	[dreg:$0x2] =	wrdreg s9  }
0xb3: {  	[dreg:$0x3] =	wrdreg s10  }
0xb4: {  	[dreg:$0x4] =	wrdreg $0xC0  }
0xb5: {  	_ =	task [dreg:s13], $0x5FFFF  }
0xb6: {  	[dreg:$0x1] =	wrdreg $0xFFFFFFFF  }
0xb7: {  	[dreg:$0x0] =	wrdreg $0x60  }
0xb8: {  	[dreg:$0x2] =	wrdreg s2  }
0xb9: {  	[dreg:$0x3] =	wrdreg s16  }
0xba: {  	[dreg:$0x4] =	wrdreg s5  }
0xbb: {  	[dreg:$0x5] =	wrdreg s6  }
0xbc: {  	[dreg:$0x6] =	wrdreg s7  }
0xbd: {  	[dreg:$0x7] =	wrdreg s17  }
0xbe: {  	[dreg:$0x8] =	wrdreg s18  }
0xbf: {  	[dreg:$0x9] =	wrdreg $0x9  }
0xc0: {  	_ =	task.clear_ibuf [dreg:s13], $0xAFFFF;
	_ =	strace $0x90000046  }
0xc1: {  	s29 =	simm.s32 $0x9;
	_ =	strace $0x80000048  }
0xc2: {  	_ =	swait.ge [sflag:s29], $0x1  }
0xc3: {  	[sflag:s29] =	ssyncadd.s32 $0xFFFFFFFF  }
0xc4: {  	_ =	strace $0x90000048  }
0xc5: {  	_ =	sfence  }
0xc6: {  	s30 =	sld [smem:$0x0];
	_ =	sdelay $0x2  }
0xc7: {  	s31 =	sshll.u32 s1, $0xD;
	s1 =	sshrl.u32 s1, $0x2  }
0xc8: {  	s3 =	sand.u32 $0x4000, s31;
	s1 =	sadd.s32 s1, s30  }
0xc9: {  	s0 =	sor.u32 s3, s0;
	s1 =	sshll.u32 s1, $0x11  }
0xca: {  	s0 =	sor.u32 s1, s0  }
0xcb: {  	s0 =	sadd.s32 $0x8F2B, s0  }
0xcc: {  	[sflag:s0] =	ssyncadd.remote.s32 $0x1  }
0xcd: {  	_ =	sfence.sel $0xFFFF  }
0xce: {  	[dreg:$0x0] =	wrdreg $0xFFFFFFFF;
	(pc) =	sbr.abs _section_cstart, $3  }
0xcf: {  	[dreg:$0x1] =	wrdreg $0xFFFFFFFF  }
0xd0: {  	_ =	task.clear_ibuf [dreg:s13], $0x2FFFF;
	_ =	strace $0x9FFFFFFF  }
0xd1: {  	(tm) =	ssettm $0x7FFFFFFF  }
tec
execute0_lowered:
.L_overlay_start_1:
0x0: {  	(tag) =	ssettag $0x1  }
0x1: {  	s0 =	rddreg [dreg:$0x0]  }
0x2: {  	s2 =	rddreg [dreg:$0x1]  }
0x3: {  	s1 =	rddreg [dreg:$0x2]  }
0x4: {  	s3 =	rddreg [dreg:$0x4]  }
0x5: {  	s5 =	rddreg [dreg:$0x5];
	v0 =	vlaneseq.u32  }
0x6: {  	s4 =	rddreg [dreg:$0x6];
	s6 =	simm.s32 $0x0;
	v1 =	vmul.u32 $0x14, v0  }
0x7: {  	[smem:$0x7FF] =	sst s6;
	v2 =	vmul.u32 $0xA, v0  }
0x8: {  	s7 =	srdreg.scid;
	s8 =	stileid.u32;
	_ =	strace $0x80000047;
	[tilespmem:$0x1FEE0] =	vst v1  }
0x9: {  	s7 =	sand.u32 $0x1, s7;
	s8 =	sshll.u32 s8, $0x1;
	v28 =	vmul.u32 $0x500, v0;
	v3 =	vor.u32 $0x1, v1;
	[tilespmem:$0x1FEF0] =	vst v2  }
0xa: {  	v46 =	vmul.u32 $0x80, v0;
	s9 =	ssub.s32 $0x2, s7;
	s7 =	sor.u32 s7, s8;
	v4 =	vor.u32 $0x3, v1;
	v5 =	vor.u32 $0x1, v2;
	[tilespmem:$0x1FF00] =	vst v3  }
0xb: {  	s28 =	simm.s32 $0x14580;
	s29 =	simm.s32 $0x16D80;
	s17 =	sshll.u32 s7, $0x7;
	v6 =	vor.u32 $0x2, v1;
	v7 =	vadd.s32 $0x5, v1;
	v8 =	vadd.s32 $0x2, v2;
	[tilespmem:$0x1FF10] =	vst v4  }
0xc: {  	s10 =	smul.u32 $0xA00, s7;
	s11 =	sshll.u32 s7, $0xE;
	v9 =	vadd.s32 $0x4, v1;
	v10 =	vadd.s32 $0x7, v1;
	v11 =	vadd.s32 $0x3, v2;
	s18 =	sadd.s32 s2, s17;
	[tilespmem:$0x1FF20] =	vst v5  }
0xd: {  	s16 =	sshrl.u32 s9, $0x1;
	v12 =	vadd.s32 $0x6, v1;
	v13 =	vadd.s32 $0x9, v1;
	v14 =	vadd.s32 $0x4, v2;
	s19 =	sadd.s32 s4, s11;
	[tilespmem:$0x1FF30] =	vst v6;
	[dreg:$0x9] =	wrdreg s18  }
0xe: {  	v15 =	vadd.s32 $0x8, v1;
	v16 =	vadd.s32 $0xB, v1;
	v17 =	vadd.s32 $0x5, v2;
	s8 =	ssub.s32 s9, s16;
	[tilespmem:$0x1FF40] =	vst v7;
	s0 =	sadd.s32 s0, s10;
	[dreg:$0xa] =	wrdreg s19  }
0xf: {  	s30 =	simm.s32 $0x19580;
	v18 =	vadd.s32 $0xA, v1;
	v19 =	vadd.s32 $0xD, v1;
	v20 =	vadd.s32 $0x6, v2;
	[tilespmem:$0x1FF50] =	vst v8;
	s20 =	smax.u32 s8, $0x1;
	[dreg:$0x8] =	wrdreg s0  }
0x10: {  	s31 =	simm.s32 $0x1;
	v21 =	vadd.s32 $0xC, v1;
	v22 =	vadd.s32 $0xF, v1;
	v24 =	vadd.s32 $0xE, v1;
	[tilespmem:$0x1FF60] =	vst v9;
	s21 =	sadd.s32 $0x800, s19;
	[dreg:$0xb] =	wrdreg s20  }
0x11: {  	s12 =	simm.s32 $0x0;
	v25 =	vadd.s32 $0x11, v1;
	v27 =	vadd.s32 $0x10, v1;
	v29 =	vadd.s32 $0x13, v1;
	[tilespmem:$0x1FF70] =	vst v10;
	s22 =	sadd.s32 $0x1000, s19;
	[dreg:$0xc] =	wrdreg s21  }
0x12: {  	v30 =	vadd.s32 $0x9, v2;
	v31 =	vadd.s32 $0x12, v1;
	v32 =	vor.u32 $0x40, v28;
	s11 =	simm.s32 $0x1CD80;
	[tilespmem:$0x1FF80] =	vst v11;
	s23 =	sadd.s32 $0x1800, s19;
	[dreg:$0xd] =	wrdreg s22  }
0x13: {  	v33 =	vor.u32 $0x80, v28;
	v34 =	vor.u32 $0xC0, v28;
	v35 =	vadd.s32 $0x100, v28;
	s4 =	simm.s32 $0x2;
	[tilespmem:$0x1FF90] =	vst v12;
	s24 =	sadd.s32 $0x2000, s19;
	[dreg:$0xe] =	wrdreg s23  }
0x14: {  	v36 =	vadd.s32 $0x140, v28;
	v37 =	vadd.s32 $0x180, v28;
	v38 =	vadd.s32 $0x1C0, v28;
	s2 =	simm.s32 $0x4;
	[tilespmem:$0x1FFA0] =	vst v13;
	s25 =	sadd.s32 $0x2800, s19;
	[dreg:$0xf] =	wrdreg s24  }
0x15: {  	v39 =	vadd.s32 $0x200, v28;
	v40 =	vadd.s32 $0x240, v28;
	v41 =	vadd.s32 $0x280, v28;
	[tilespmem:$0x1FFB0] =	vst v14;
	s10 =	sshll.u32 s7, $0x6;
	s26 =	sadd.s32 $0x3000, s19;
	[dreg:$0x10] =	wrdreg s25  }
0x16: {  	v42 =	vadd.s32 $0x2C0, v28;
	v43 =	vadd.s32 $0x300, v28;
	v44 =	vadd.s32 $0x340, v28;
	[tilespmem:$0x1FFC0] =	vst v15;
	s7 =	simm.s32 $0x40;
	[dreg:$0x11] =	wrdreg s26;
	s0 =	sadd.s32 $0x3800, s19  }
0x17: {  	v23 =	vadd.s32 $0x7, v2;
	v45 =	vadd.s32 $0x380, v28;
	v47 =	vadd.s32 $0x3C0, v28;
	[tilespmem:$0x1FFD0] =	vst v16;
	s20 =	simm.s32 $0xCD80;
	s22 =	simm.s32 $0x7D80;
	s23 =	simm.s32 $0xA580  }
0x18: {  	v26 =	vadd.s32 $0x8, v2;
	v48 =	vadd.s32 $0x400, v28;
	v49 =	vadd.s32 $0x440, v28;
	[tilespmem:$0x1FFE0] =	vst v17;
	s24 =	simm.s32 $0x50;
	s25 =	simm.s32 $0x11D80;
	s26 =	simm.s32 $0x1C580  }
0x19: {  	v50 =	vadd.s32 $0x480, v28;
	v51 =	vadd.s32 $0x4C0, v28;
	v52 =	vor.u32 $0x40, v46;
	[tilespmem:$0x1FFF0] =	vst v18;
	s21 =	simm.s32 $0x3;
	[dreg:$0x12] =	wrdreg s0;
	s0 =	simm.s32 $0x1BD80  }
.LBB2_1:
0x1a: {  	s8 =	rddreg [dreg:$0x3];
	s9 =	simm.s32 $0x5  }
0x1b: {  	[tilespmem:s6], [sflag:$0x5] =	stream.linear.gather [hbm4b:s8+s6], $0x7D80, $0x38;
	[tilespmem:$0x1D180] =	vst v63  }
0x1c: {  	_ =	swait.ge [sflag:s9], $0x7D80  }
0x1d: {  	[sflag:s9] =	ssyncset.done $0x0  }
0x1e: {  	s17 =	rddreg [dreg:$0x8];
	[sflag:s9] =	ssyncadd.s32 $0xFFFF8280  }
0x1f: {  	[tilespmem:s20], [sflag:$0x5] =	stream.linear.gather [hbm4b:s17+s6], $0x5000, $0x38;
	[tilespmem:$0x1D180] =	vst v63  }
0x20: {  	_ =	swait.ge [sflag:s9], $0x5000  }
0x21: {  	[sflag:s9] =	ssyncset.done $0x0  }
0x22: {  	v53 =	vadd.s32 s6, v3;
	s18 =	rddreg [dreg:$0x9];
	[sflag:s9] =	ssyncadd.s32 $0xFFFFB000  }
0x23: {  	[tilespmem:s11], [sflag:$0x5] =	stream.linear.gather [hbm4b:s18+s6], $0x400, $0x38;
	[tilespmem:$0x1D180] =	vst v63  }
0x24: {  	_ =	swait.ge [sflag:s9], $0x400  }
0x25: {  	[sflag:s9] =	ssyncset.done $0x0  }
0x26: {  	s8 =	simm.s32 $0x0;
	[sflag:s9] =	ssyncadd.s32 $0xFFFFFC00  }
0x27: {  	v54 =	vadd.s32 s8, v2;
	v53 =	vld.idx.msk [tilespmem:v53+s20+$0x0], $0xffff  }
0x28: {  	v55 =	vadd.s32 s6, v1;
	_ =	sdelay $0x3  }
0x29: {  	[tilespmem:v54+s22+$0x0] =	vst.idx.msk $0xffff, v53  }
0x2a: {  	v63 =	vor.u32 s8, v0;
	v53 =	vld.idx.msk [tilespmem:v55+s20+$0x0], $0xffff  }
0x2b: {  	v57 =	vadd.s32 s6, v4;
	_ =	sdelay $0x3  }
0x2c: {  	[tilespmem:v63+s23+$0x0] =	vst.idx.msk $0xffff, v53  }
0x2d: {  	v58 =	vadd.s32 s8, v5;
	v53 =	vld.idx.msk [tilespmem:v57+s20+$0x0], $0xffff  }
0x2e: {  	v59 =	vadd.s32 s6, v6;
	_ =	sdelay $0x3  }
0x2f: {  	s19 =	simm.s32 $0x10;
	[tilespmem:v58+s22+$0x0] =	vst.idx.msk $0xffff, v53  }
0x30: {  	v60 =	vor.u32 s19, v0;
	v53 =	vld.idx.msk [tilespmem:v59+s20+$0x0], $0xffff  }
0x31: {  	v61 =	vadd.s32 s6, v7;
	_ =	sdelay $0x3  }
0x32: {  	[tilespmem:v60+s23+$0x0] =	vst.idx.msk $0xffff, v53  }
0x33: {  	v62 =	vadd.s32 s8, v8;
	v53 =	vld.idx.msk [tilespmem:v61+s20+$0x0], $0xffff  }
0x34: {  	v63 =	vadd.s32 s6, v9;
	_ =	sdelay $0x3  }
0x35: {  	s11 =	simm.s32 $0x20;
	[tilespmem:v62+s22+$0x0] =	vst.idx.msk $0xffff, v53  }
0x36: {  	v57 =	vor.u32 s11, v0;
	v53 =	vld.idx.msk [tilespmem:v63+s20+$0x0], $0xffff  }
0x37: {  	v58 =	vadd.s32 s6, v10;
	_ =	sdelay $0x3  }
0x38: {  	[tilespmem:v57+s23+$0x0] =	vst.idx.msk $0xffff, v53  }
0x39: {  	v59 =	vadd.s32 s8, v11;
	v53 =	vld.idx.msk [tilespmem:v58+s20+$0x0], $0xffff  }
0x3a: {  	v60 =	vadd.s32 s6, v12;
	_ =	sdelay $0x3  }
0x3b: {  	s13 =	simm.s32 $0x30;
	[tilespmem:v59+s22+$0x0] =	vst.idx.msk $0xffff, v53  }
0x3c: {  	v61 =	vor.u32 s13, v0;
	v53 =	vld.idx.msk [tilespmem:v60+s20+$0x0], $0xffff  }
0x3d: {  	v62 =	vadd.s32 s6, v13;
	_ =	sdelay $0x3  }
0x3e: {  	[tilespmem:v61+s23+$0x0] =	vst.idx.msk $0xffff, v53  }
0x3f: {  	v63 =	vadd.s32 s8, v14;
	v53 =	vld.idx.msk [tilespmem:v62+s20+$0x0], $0xffff  }
0x40: {  	v57 =	vadd.s32 s6, v15;
	_ =	sdelay $0x3  }
0x41: {  	s14 =	simm.s32 $0x40;
	[tilespmem:v63+s22+$0x0] =	vst.idx.msk $0xffff, v53  }
0x42: {  	v58 =	vor.u32 s14, v0;
	v53 =	vld.idx.msk [tilespmem:v57+s20+$0x0], $0xffff  }
0x43: {  	v59 =	vadd.s32 s6, v16;
	_ =	sdelay $0x3  }
0x44: {  	[tilespmem:v58+s23+$0x0] =	vst.idx.msk $0xffff, v53  }
0x45: {  	v60 =	vadd.s32 s8, v17;
	v53 =	vld.idx.msk [tilespmem:v59+s20+$0x0], $0xffff  }
0x46: {  	v61 =	vadd.s32 s6, v18;
	_ =	sdelay $0x3  }
0x47: {  	s15 =	simm.s32 $0x50;
	[tilespmem:v60+s22+$0x0] =	vst.idx.msk $0xffff, v53  }
0x48: {  	v62 =	vor.u32 s15, v0;
	v53 =	vld.idx.msk [tilespmem:v61+s20+$0x0], $0xffff  }
0x49: {  	v63 =	vadd.s32 s6, v19;
	_ =	sdelay $0x3  }
0x4a: {  	[tilespmem:v62+s23+$0x0] =	vst.idx.msk $0xffff, v53  }
0x4b: {  	v57 =	vadd.s32 s8, v20;
	v53 =	vld.idx.msk [tilespmem:v63+s20+$0x0], $0xffff  }
0x4c: {  	v58 =	vadd.s32 s6, v21;
	_ =	sdelay $0x3  }
0x4d: {  	s16 =	simm.s32 $0x60;
	[tilespmem:v57+s22+$0x0] =	vst.idx.msk $0xffff, v53  }
0x4e: {  	v59 =	vor.u32 s16, v0;
	v53 =	vld.idx.msk [tilespmem:v58+s20+$0x0], $0xffff  }
0x4f: {  	v60 =	vadd.s32 s6, v22;
	_ =	sdelay $0x3  }
0x50: {  	[tilespmem:v59+s23+$0x0] =	vst.idx.msk $0xffff, v53  }
0x51: {  	v61 =	vadd.s32 s8, v23;
	v53 =	vld.idx.msk [tilespmem:v60+s20+$0x0], $0xffff  }
0x52: {  	v62 =	vadd.s32 s6, v24;
	_ =	sdelay $0x3  }
0x53: {  	s17 =	simm.s32 $0x70;
	[tilespmem:v61+s22+$0x0] =	vst.idx.msk $0xffff, v53  }
0x54: {  	v63 =	vor.u32 s17, v0;
	v53 =	vld.idx.msk [tilespmem:v62+s20+$0x0], $0xffff  }
0x55: {  	v57 =	vadd.s32 s6, v25;
	_ =	sdelay $0x3  }
0x56: {  	[tilespmem:v63+s23+$0x0] =	vst.idx.msk $0xffff, v53  }
0x57: {  	v58 =	vadd.s32 s8, v26;
	v53 =	vld.idx.msk [tilespmem:v57+s20+$0x0], $0xffff  }
0x58: {  	v59 =	vadd.s32 s6, v27;
	_ =	sdelay $0x3  }
0x59: {  	s18 =	simm.s32 $0x80;
	[tilespmem:v58+s22+$0x0] =	vst.idx.msk $0xffff, v53  }
0x5a: {  	v60 =	vor.u32 s18, v0;
	v53 =	vld.idx.msk [tilespmem:v59+s20+$0x0], $0xffff  }
0x5b: {  	v61 =	vadd.s32 s6, v29;
	_ =	sdelay $0x3  }
0x5c: {  	[tilespmem:v60+s23+$0x0] =	vst.idx.msk $0xffff, v53  }
0x5d: {  	v62 =	vadd.s32 s8, v30;
	v53 =	vld.idx.msk [tilespmem:v61+s20+$0x0], $0xffff  }
0x5e: {  	v63 =	vadd.s32 s6, v31;
	_ =	sdelay $0x3  }
0x5f: {  	s19 =	simm.s32 $0x90;
	[tilespmem:v62+s22+$0x0] =	vst.idx.msk $0xffff, v53  }
0x60: {  	s9 =	simm.s32 $0x140;
	v54 =	vor.u32 s19, v0;
	v53 =	vld.idx.msk [tilespmem:v63+s20+$0x0], $0xffff  }
0x61: {  	v55 =	vadd.s32 s9, v3;
	s11 =	simm.s32 $0x1D0;
	s8 =	simm.s32 $0x130  }
.LBB2_2:
0x62: {  	p0 =	sne.s32 s11, $0x27F0;
	_ =	sdelay $0x2  }
0x63: {  	[tilespmem:v54+s23+$0x0] =	vst.idx.msk $0xffff, v53  }
0x64: {  	s13 =	sadd.s32 $0xFFFFFF70, s8;
	v53 =	vld.idx.msk [tilespmem:v55+s20+$0x0], $0xffff  }
0x65: {  	v54 =	vadd.s32 s13, v2  }
0x66: {  	v55 =	vadd.s32 s9, v1;
	_ =	sdelay $0x3  }
0x67: {  	[tilespmem:v54+s22+$0x0] =	vst.idx.msk $0xffff, v53  }
0x68: {  	v53 =	vld.idx.msk [tilespmem:v55+s20+$0x0], $0xffff  }
0x69: {  	v54 =	vor.u32 s13, v0  }
0x6a: {  	v55 =	vadd.s32 s9, v4;
	_ =	sdelay $0x3  }
0x6b: {  	[tilespmem:v54+s23+$0x0] =	vst.idx.msk $0xffff, v53  }
0x6c: {  	v53 =	vld.idx.msk [tilespmem:v55+s20+$0x0], $0xffff  }
0x6d: {  	v54 =	vadd.s32 s13, v5  }
0x6e: {  	v55 =	vadd.s32 s9, v6;
	_ =	sdelay $0x3  }
0x6f: {  	[tilespmem:v54+s22+$0x0] =	vst.idx.msk $0xffff, v53  }
0x70: {  	s14 =	sadd.s32 $0xFFFFFF80, s8;
	v53 =	vld.idx.msk [tilespmem:v55+s20+$0x0], $0xffff  }
0x71: {  	v54 =	vor.u32 s14, v0  }
0x72: {  	v55 =	vadd.s32 s9, v7;
	_ =	sdelay $0x3  }
0x73: {  	[tilespmem:v54+s23+$0x0] =	vst.idx.msk $0xffff, v53  }
0x74: {  	v53 =	vld.idx.msk [tilespmem:v55+s20+$0x0], $0xffff  }
0x75: {  	v54 =	vadd.s32 s13, v8  }
0x76: {  	v55 =	vadd.s32 s9, v9;
	_ =	sdelay $0x3  }
0x77: {  	[tilespmem:v54+s22+$0x0] =	vst.idx.msk $0xffff, v53  }
0x78: {  	s14 =	sadd.s32 $0xFFFFFF90, s8;
	v53 =	vld.idx.msk [tilespmem:v55+s20+$0x0], $0xffff  }
0x79: {  	v54 =	vor.u32 s14, v0  }
0x7a: {  	v55 =	vadd.s32 s9, v10;
	_ =	sdelay $0x3  }
0x7b: {  	[tilespmem:v54+s23+$0x0] =	vst.idx.msk $0xffff, v53  }
0x7c: {  	v53 =	vld.idx.msk [tilespmem:v55+s20+$0x0], $0xffff  }
0x7d: {  	v54 =	vadd.s32 s13, v11  }
0x7e: {  	v55 =	vadd.s32 s9, v12;
	_ =	sdelay $0x3  }
0x7f: {  	[tilespmem:v54+s22+$0x0] =	vst.idx.msk $0xffff, v53  }
0x80: {  	s14 =	sadd.s32 $0xFFFFFFA0, s8;
	v53 =	vld.idx.msk [tilespmem:v55+s20+$0x0], $0xffff  }
0x81: {  	v54 =	vor.u32 s14, v0  }
0x82: {  	v55 =	vadd.s32 s9, v13;
	_ =	sdelay $0x3  }
0x83: {  	[tilespmem:v54+s23+$0x0] =	vst.idx.msk $0xffff, v53  }
0x84: {  	v53 =	vld.idx.msk [tilespmem:v55+s20+$0x0], $0xffff  }
0x85: {  	v54 =	vadd.s32 s13, v14  }
0x86: {  	v55 =	vadd.s32 s9, v15;
	_ =	sdelay $0x3  }
0x87: {  	[tilespmem:v54+s22+$0x0] =	vst.idx.msk $0xffff, v53  }
0x88: {  	s14 =	sadd.s32 $0xFFFFFFB0, s8;
	v53 =	vld.idx.msk [tilespmem:v55+s20+$0x0], $0xffff  }
0x89: {  	v54 =	vor.u32 s14, v0  }
0x8a: {  	v55 =	vadd.s32 s9, v16;
	_ =	sdelay $0x3  }
0x8b: {  	[tilespmem:v54+s23+$0x0] =	vst.idx.msk $0xffff, v53  }
0x8c: {  	v53 =	vld.idx.msk [tilespmem:v55+s20+$0x0], $0xffff  }
0x8d: {  	v54 =	vadd.s32 s13, v17  }
0x8e: {  	v55 =	vadd.s32 s9, v18;
	_ =	sdelay $0x3  }
0x8f: {  	[tilespmem:v54+s22+$0x0] =	vst.idx.msk $0xffff, v53  }
0x90: {  	s14 =	sadd.s32 $0xFFFFFFC0, s8;
	v53 =	vld.idx.msk [tilespmem:v55+s20+$0x0], $0xffff  }
0x91: {  	v54 =	vor.u32 s14, v0  }
0x92: {  	v55 =	vadd.s32 s9, v19;
	_ =	sdelay $0x3  }
0x93: {  	[tilespmem:v54+s23+$0x0] =	vst.idx.msk $0xffff, v53  }
0x94: {  	v53 =	vld.idx.msk [tilespmem:v55+s20+$0x0], $0xffff  }
0x95: {  	v54 =	vadd.s32 s13, v20  }
0x96: {  	v55 =	vadd.s32 s9, v21;
	_ =	sdelay $0x3  }
0x97: {  	[tilespmem:v54+s22+$0x0] =	vst.idx.msk $0xffff, v53  }
0x98: {  	s14 =	sadd.s32 $0xFFFFFFD0, s8;
	v53 =	vld.idx.msk [tilespmem:v55+s20+$0x0], $0xffff  }
0x99: {  	v54 =	vor.u32 s14, v0  }
0x9a: {  	v55 =	vadd.s32 s9, v22;
	_ =	sdelay $0x3  }
0x9b: {  	[tilespmem:v54+s23+$0x0] =	vst.idx.msk $0xffff, v53  }
0x9c: {  	v53 =	vld.idx.msk [tilespmem:v55+s20+$0x0], $0xffff  }
0x9d: {  	v54 =	vadd.s32 s13, v23  }
0x9e: {  	v55 =	vadd.s32 s9, v24;
	_ =	sdelay $0x3  }
0x9f: {  	[tilespmem:v54+s22+$0x0] =	vst.idx.msk $0xffff, v53  }
0xa0: {  	s14 =	sadd.s32 $0xFFFFFFE0, s8;
	v53 =	vld.idx.msk [tilespmem:v55+s20+$0x0], $0xffff  }
0xa1: {  	v54 =	vor.u32 s14, v0  }
0xa2: {  	v55 =	vadd.s32 s9, v25;
	_ =	sdelay $0x3  }
0xa3: {  	[tilespmem:v54+s23+$0x0] =	vst.idx.msk $0xffff, v53  }
0xa4: {  	v53 =	vld.idx.msk [tilespmem:v55+s20+$0x0], $0xffff  }
0xa5: {  	v54 =	vadd.s32 s13, v26  }
0xa6: {  	v55 =	vadd.s32 s9, v27;
	_ =	sdelay $0x3  }
0xa7: {  	[tilespmem:v54+s22+$0x0] =	vst.idx.msk $0xffff, v53  }
0xa8: {  	s14 =	sadd.s32 $0xFFFFFFF0, s8;
	v53 =	vld.idx.msk [tilespmem:v55+s20+$0x0], $0xffff  }
0xa9: {  	v54 =	vor.u32 s14, v0  }
0xaa: {  	v55 =	vadd.s32 s9, v29;
	_ =	sdelay $0x3  }
0xab: {  	[tilespmem:v54+s23+$0x0] =	vst.idx.msk $0xffff, v53  }
0xac: {  	v53 =	vld.idx.msk [tilespmem:v55+s20+$0x0], $0xffff  }
0xad: {  	v54 =	vadd.s32 s13, v30  }
0xae: {  	v55 =	vadd.s32 s9, v31;
	_ =	sdelay $0x2  }
.Ltmp0:
0xaf: {  	(pc) =	sbr.rel @p0 .LBB2_2-.Ltmp0, $4  }
0xb0: {  	[tilespmem:v54+s22+$0x0] =	vst.idx.msk $0xffff, v53  }
0xb1: {  	v53 =	vld.idx.msk [tilespmem:v55+s20+$0x0], $0xffff  }
0xb2: {  	s9 =	sadd.s32 $0x140, s9;
	v54 =	vor.u32 s8, v0;
	s8 =	smov.u32 s11  }
0xb3: {  	s11 =	sadd.s32 $0xA0, s11;
	v55 =	vadd.s32 s9, v3  }
0xb4: {  	_ =	sdelay $0x3  }
0xb5: {  	s11 =	sadd.s32 $0xFFFFFF70, s8;
	[tilespmem:v54+s23+$0x0] =	vst.idx.msk $0xffff, v53  }
0xb6: {  	v59 =	vadd.s32 s11, v2;
	v53 =	vld.idx.msk [tilespmem:v55+s20+$0x0], $0xffff  }
0xb7: {  	v60 =	vadd.s32 s9, v1;
	_ =	sdelay $0x3  }
0xb8: {  	[tilespmem:v59+s22+$0x0] =	vst.idx.msk $0xffff, v53  }
0xb9: {  	v61 =	vor.u32 s11, v0;
	v53 =	vld.idx.msk [tilespmem:v60+s20+$0x0], $0xffff  }
0xba: {  	v62 =	vadd.s32 s9, v4;
	_ =	sdelay $0x3  }
0xbb: {  	[tilespmem:v61+s23+$0x0] =	vst.idx.msk $0xffff, v53  }
0xbc: {  	v63 =	vadd.s32 s11, v5;
	v53 =	vld.idx.msk [tilespmem:v62+s20+$0x0], $0xffff  }
0xbd: {  	v4 =	vadd.s32 s9, v6;
	_ =	sdelay $0x3  }
0xbe: {  	s13 =	sadd.s32 $0xFFFFFF80, s8;
	[tilespmem:v63+s22+$0x0] =	vst.idx.msk $0xffff, v53  }
0xbf: {  	v5 =	vor.u32 s13, v0;
	v53 =	vld.idx.msk [tilespmem:v4+s20+$0x0], $0xffff  }
0xc0: {  	v6 =	vadd.s32 s9, v7;
	_ =	sdelay $0x3  }
0xc1: {  	[tilespmem:v5+s23+$0x0] =	vst.idx.msk $0xffff, v53  }
0xc2: {  	v7 =	vadd.s32 s11, v8;
	v53 =	vld.idx.msk [tilespmem:v6+s20+$0x0], $0xffff  }
0xc3: {  	v8 =	vadd.s32 s9, v9;
	_ =	sdelay $0x3  }
0xc4: {  	s18 =	sadd.s32 $0xFFFFFF90, s8;
	[tilespmem:v7+s22+$0x0] =	vst.idx.msk $0xffff, v53  }
0xc5: {  	v9 =	vor.u32 s18, v0;
	v53 =	vld.idx.msk [tilespmem:v8+s20+$0x0], $0xffff  }
0xc6: {  	v10 =	vadd.s32 s9, v10;
	_ =	sdelay $0x3  }
0xc7: {  	[tilespmem:v9+s23+$0x0] =	vst.idx.msk $0xffff, v53  }
0xc8: {  	v11 =	vadd.s32 s11, v11;
	v53 =	vld.idx.msk [tilespmem:v10+s20+$0x0], $0xffff  }
0xc9: {  	v57 =	vadd.s32 s9, v12;
	_ =	sdelay $0x3  }
0xca: {  	s19 =	sadd.s32 $0xFFFFFFA0, s8;
	[tilespmem:v11+s22+$0x0] =	vst.idx.msk $0xffff, v53  }
0xcb: {  	v58 =	vor.u32 s19, v0;
	v53 =	vld.idx.msk [tilespmem:v57+s20+$0x0], $0xffff  }
0xcc: {  	v59 =	vadd.s32 s9, v13;
	_ =	sdelay $0x3  }
0xcd: {  	[tilespmem:v58+s23+$0x0] =	vst.idx.msk $0xffff, v53  }
0xce: {  	v60 =	vadd.s32 s11, v14;
	v53 =	vld.idx.msk [tilespmem:v59+s20+$0x0], $0xffff  }
0xcf: {  	v61 =	vadd.s32 s9, v15;
	_ =	sdelay $0x3  }
0xd0: {  	s14 =	sadd.s32 $0xFFFFFFB0, s8;
	[tilespmem:v60+s22+$0x0] =	vst.idx.msk $0xffff, v53  }
0xd1: {  	v62 =	vor.u32 s14, v0;
	v53 =	vld.idx.msk [tilespmem:v61+s20+$0x0], $0xffff  }
0xd2: {  	v63 =	vadd.s32 s9, v16;
	_ =	sdelay $0x3  }
0xd3: {  	[tilespmem:v62+s23+$0x0] =	vst.idx.msk $0xffff, v53  }
0xd4: {  	v4 =	vadd.s32 s11, v17;
	v53 =	vld.idx.msk [tilespmem:v63+s20+$0x0], $0xffff  }
0xd5: {  	v5 =	vadd.s32 s9, v18;
	_ =	sdelay $0x3  }
0xd6: {  	s15 =	sadd.s32 $0xFFFFFFC0, s8;
	[tilespmem:v4+s22+$0x0] =	vst.idx.msk $0xffff, v53  }
0xd7: {  	v6 =	vor.u32 s15, v0;
	v53 =	vld.idx.msk [tilespmem:v5+s20+$0x0], $0xffff  }
0xd8: {  	v7 =	vadd.s32 s9, v19;
	_ =	sdelay $0x3  }
0xd9: {  	[tilespmem:v6+s23+$0x0] =	vst.idx.msk $0xffff, v53  }
0xda: {  	v8 =	vadd.s32 s11, v20;
	v53 =	vld.idx.msk [tilespmem:v7+s20+$0x0], $0xffff  }
0xdb: {  	v9 =	vadd.s32 s9, v21;
	_ =	sdelay $0x3  }
0xdc: {  	s16 =	sadd.s32 $0xFFFFFFD0, s8;
	[tilespmem:v8+s22+$0x0] =	vst.idx.msk $0xffff, v53  }
0xdd: {  	v10 =	vor.u32 s16, v0;
	v53 =	vld.idx.msk [tilespmem:v9+s20+$0x0], $0xffff  }
0xde: {  	v11 =	vadd.s32 s9, v22;
	_ =	sdelay $0x3  }
0xdf: {  	[tilespmem:v10+s23+$0x0] =	vst.idx.msk $0xffff, v53  }
0xe0: {  	v12 =	vadd.s32 s11, v23;
	v53 =	vld.idx.msk [tilespmem:v11+s20+$0x0], $0xffff  }
0xe1: {  	v13 =	vadd.s32 s9, v24;
	_ =	sdelay $0x3  }
0xe2: {  	s17 =	sadd.s32 $0xFFFFFFE0, s8;
	[tilespmem:v12+s22+$0x0] =	vst.idx.msk $0xffff, v53  }
0xe3: {  	v14 =	vor.u32 s17, v0;
	v53 =	vld.idx.msk [tilespmem:v13+s20+$0x0], $0xffff  }
0xe4: {  	v15 =	vadd.s32 s9, v25;
	_ =	sdelay $0x3  }
0xe5: {  	[tilespmem:v14+s23+$0x0] =	vst.idx.msk $0xffff, v53  }
0xe6: {  	v57 =	vadd.s32 s11, v26;
	v53 =	vld.idx.msk [tilespmem:v15+s20+$0x0], $0xffff  }
0xe7: {  	v58 =	vadd.s32 s9, v27;
	_ =	sdelay $0x3  }
0xe8: {  	s18 =	sadd.s32 $0xFFFFFFF0, s8;
	[tilespmem:v57+s22+$0x0] =	vst.idx.msk $0xffff, v53  }
0xe9: {  	v59 =	vor.u32 s18, v0;
	v53 =	vld.idx.msk [tilespmem:v58+s20+$0x0], $0xffff  }
0xea: {  	v60 =	vadd.s32 s9, v29;
	_ =	sdelay $0x3  }
0xeb: {  	[tilespmem:v59+s23+$0x0] =	vst.idx.msk $0xffff, v53  }
0xec: {  	v61 =	vadd.s32 s11, v30;
	v53 =	vld.idx.msk [tilespmem:v60+s20+$0x0], $0xffff  }
0xed: {  	v62 =	vadd.s32 s9, v31;
	_ =	sdelay $0x3  }
0xee: {  	[tilespmem:v61+s22+$0x0] =	vst.idx.msk $0xffff, v53  }
0xef: {  	v63 =	vor.u32 s8, v0;
	v53 =	vld.idx.msk [tilespmem:v62+s20+$0x0], $0xffff;
	_ =	sdelay $0x4  }
0xf0: {  	[tilespmem:v63+s23+$0x0] =	vst.idx.msk $0xffff, v53  }
0xf1: {  	[tilespmem:s25], [sflag:$0x1] =	stream.indirect.gather [hbm4b:s1+s24], $0x80, s22, s24, $0xb8;
	[tilespmem:$0x1D180] =	vst v63  }
0xf2: {  	s19 =	simm.s32 $0x7DD0;
	s13 =	simm.s32 $0x0  }
0xf3: {  	[tilespmem:s28], [sflag:$0x1] =	stream.indirect.gather [hbm4b:s1+s24], $0x80, s19, s24, $0xb8;
	[tilespmem:$0x1D180] =	vst v63  }
.LBB2_4:
0xf4: {  	s14 =	sshllo.u32 s13, $0x1  }
0xf5: {  	s15 =	smul.u32 $0xA0, s14;
	_ =	sdelay $0x1  }
0xf6: {  	s8 =	sadd.s32 $0x7D80, s15  }
0xf7: {  	[tilespmem:s29], [sflag:$0x2] =	stream.indirect.gather [hbm4b:s1+s24], $0x80, s8, s24, $0xb8;
	[tilespmem:$0x1D180] =	vst v63  }
0xf8: {  	s18 =	sadd.s32 $0x7DD0, s15  }
0xf9: {  	[tilespmem:s30], [sflag:$0x2] =	stream.indirect.gather [hbm4b:s1+s24], $0x80, s18, s24, $0xb8;
	[tilespmem:$0x1D180] =	vst v63  }
0xfa: {  	_ =	swait.ge [sflag:s31], $0x5000  }
0xfb: {  	p0 =	seq.s32 s13, $0x0;
	[sflag:s31] =	ssyncset.done $0x0  }
0xfc: {  	s8 =	simm.s32 @!p0 $0x3;
	[sflag:s31] =	ssyncadd.s32 $0xFFFFB000  }
0xfd: {  	_ =	swait.ge @!p0 [sflag:s8], $0x800  }
0xfe: {  	s17 =	smul.u32 $0x140, s13;
	[sflag:s8] =	ssyncset.done @!p0 $0x0  }
0xff: {  	[sflag:s8] =	ssyncadd.s32 @!p0 $0xFFFFF800  }
0x100: {  	v53 =	vld [tilespmem:s17+$0xA580]  }
0x101: {  	v54 =	vld [tilespmem:s17+$0xA590]  }
0x102: {  	v55 =	vld [tilespmem:s17+$0xA5A0]  }
0x103: {  	v56 =	vld [tilespmem:s17+$0xA5B0]  }
0x104: {  	v57 =	vld [tilespmem:s17+$0xA5C0]  }
0x105: {  	v58 =	vld [tilespmem:s17+$0xA5D0]  }
0x106: {  	v59 =	vld [tilespmem:s17+$0xA5E0]  }
0x107: {  	s19 =	sand.u32 $0x3FC0, s17;
	v60 =	vld [tilespmem:s17+$0xA5F0]  }
0x108: {  	v61 =	vld [tilespmem:s19+$0xA600]  }
0x109: {  	v62 =	vld [tilespmem:s17+$0xA610];
	_ =	sdelay $0x1  }
0x10a: {  	v53 =	vshll.u32 v53, $0x6  }
0x10b: {  	v54 =	vshll.u32 v54, $0x6;
	v55 =	vshll.u32 v55, $0x6;
	v56 =	vshll.u32 v56, $0x6  }
0x10c: {  	v57 =	vshll.u32 v57, $0x6;
	v58 =	vshll.u32 v58, $0x6;
	v59 =	vshll.u32 v59, $0x6  }
0x10d: {  	s9 =	simm.s32 $0xFFFFFFFC;
	s16 =	sadd.s32 $0x50, s15;
	s18 =	sshll.u32 s13, $0x1;
	v60 =	vshll.u32 v60, $0x6;
	v61 =	vshll.u32 v61, $0x6;
	v62 =	vshll.u32 v62, $0x6  }
.LBB2_5:
0x10e: {  	s9 =	sadd.s32 $0x4, s9  }
0x10f: {  	s11 =	sand.u32 $0xC, s9  }
0x110: {  	v63 =	vadd.s32 s11, v0  }
0x111: {  	s8 =	sand.u32 $0x30, s9;
	v63 =	vand.u32 $0xF, v63  }
0x112: {  	v63 =	vor.u32 s8, v63  }
0x113: {  	v1 =	vor.u32 v28, v63  }
0x114: {  	v2 =	vor.u32 v53, v63  }
0x115: {  	v3 =	vor.u32 v32, v63  }
0x116: {  	v5 =	vor.u32 v54, v63  }
0x117: {  	v4 =	vor.u32 v33, v63  }
0x118: {  	v6 =	vor.u32 v34, v63;
	v1 =	vld.idx.msk [tilespmem:v1+s25+$0x0], $0xffff  }
0x119: {  	v2 =	vld.idx.msk [tilespmem:v2+s6+$0x0], $0xffff  }
0x11a: {  	v3 =	vld.idx.msk [tilespmem:v3+s25+$0x0], $0xffff  }
0x11b: {  	v9 =	vor.u32 v55, v63;
	v5 =	vld.idx.msk [tilespmem:v5+s6+$0x0], $0xffff  }
0x11c: {  	v12 =	vor.u32 v36, v63;
	v4 =	vld.idx.msk [tilespmem:v4+s25+$0x0], $0xffff  }
0x11d: {  	v7 =	vor.u32 v35, v63;
	v6 =	vld.idx.msk [tilespmem:v6+s25+$0x0], $0xffff  }
0x11e: {  	v8 =	vunpack.i.u.bf16.f32 v2;
	v2 =	vunpack.i.l.bf16.f32 v2  }
0x11f: {  	v15 =	vor.u32 v38, v63;
	v10 =	vmul.f32 v2, v1;
	v11 =	vmul.f32 v8, v3  }
0x120: {  	v9 =	vld.idx.msk [tilespmem:v9+s6+$0x0], $0xffff;
	v1 =	vmul.f32 v8, v1;
	v2 =	vmul.f32 v2, v3;
	v8 =	vunpack.i.u.bf16.f32 v5  }
0x121: {  	v12 =	vld.idx.msk [tilespmem:v12+s25+$0x0], $0xffff;
	v5 =	vunpack.i.l.bf16.f32 v5;
	v10 =	vsub.f32 v10, v11;
	v11 =	vor.u32 v56, v63  }
0x122: {  	v3 =	vld.idx.msk [tilespmem:v7+s25+$0x0], $0xffff;
	v7 =	vor.u32 v37, v63;
	v13 =	vmul.f32 v5, v4;
	v14 =	vmul.f32 v8, v6;
	_ =	sdelay $0x1  }
0x123: {  	v1 =	vadd.f32 v2, v1;
	v2 =	vsub.f32 v13, v14;
	v13 =	vor.u32 v57, v63  }
0x124: {  	v17 =	vor.u32 v40, v63;
	v15 =	vld.idx.msk [tilespmem:v15+s25+$0x0], $0xffff;
	v4 =	vmul.f32 v8, v4;
	v5 =	vmul.f32 v5, v6  }
0x125: {  	v18 =	vor.u32 v42, v63;
	v8 =	vunpack.i.u.bf16.f32 v9;
	v9 =	vunpack.i.l.bf16.f32 v9;
	v11 =	vld.idx.msk [tilespmem:v11+s6+$0x0], $0xffff  }
0x126: {  	v16 =	vmul.f32 v8, v12;
	v4 =	vadd.f32 v5, v4;
	v6 =	vld.idx.msk [tilespmem:v7+s25+$0x0], $0xffff;
	v7 =	vor.u32 v39, v63  }
0x127: {  	v10 =	vadd.f32 $0.0e+00, v10;
	v1 =	vadd.f32 $0.0e+00, v1;
	v14 =	vmul.f32 v9, v3  }
0x128: {  	v3 =	vmul.f32 v8, v3;
	v8 =	vmul.f32 v9, v12;
	v12 =	vld.idx.msk [tilespmem:v13+s6+$0x0], $0xffff;
	v13 =	vor.u32 v58, v63  }
0x129: {  	v9 =	vor.u32 v41, v63;
	v2 =	vadd.f32 v2, v10;
	v1 =	vadd.f32 v4, v1  }
0x12a: {  	v17 =	vld.idx.msk [tilespmem:v17+s25+$0x0], $0xffff;
	v5 =	vsub.f32 v14, v16;
	v10 =	vunpack.i.u.bf16.f32 v11;
	v11 =	vunpack.i.l.bf16.f32 v11  }
0x12b: {  	v3 =	vadd.f32 v8, v3;
	v7 =	vld.idx.msk [tilespmem:v7+s25+$0x0], $0xffff;
	v14 =	vmul.f32 v11, v6;
	v16 =	vmul.f32 v10, v15  }
0x12c: {  	v2 =	vadd.f32 v5, v2;
	v5 =	vmul.f32 v10, v6;
	v6 =	vmul.f32 v11, v15  }
0x12d: {  	v10 =	vunpack.i.u.bf16.f32 v12;
	v11 =	vunpack.i.l.bf16.f32 v12;
	v12 =	vld.idx.msk [tilespmem:v13+s6+$0x0], $0xffff;
	v13 =	vor.u32 v59, v63  }
0x12e: {  	v8 =	vld.idx.msk [tilespmem:v9+s25+$0x0], $0xffff;
	v9 =	vor.u32 v43, v63  }
0x12f: {  	v1 =	vadd.f32 v3, v1;
	v4 =	vsub.f32 v14, v16;
	v16 =	vld.idx.msk [tilespmem:v18+s25+$0x0], $0xffff;
	v18 =	vor.u32 v44, v63  }
0x130: {  	v15 =	vmul.f32 v10, v17;
	v14 =	vmul.f32 v11, v7;
	v3 =	vadd.f32 v6, v5  }
0x131: {  	v5 =	vmul.f32 v10, v7;
	v6 =	vmul.f32 v11, v17;
	v2 =	vadd.f32 v4, v2  }
0x132: {  	v10 =	vunpack.i.u.bf16.f32 v12;
	v11 =	vunpack.i.l.bf16.f32 v12;
	v12 =	vld.idx.msk [tilespmem:v13+s6+$0x0], $0xffff;
	v13 =	vor.u32 v60, v63  }
0x133: {  	v7 =	vld.idx.msk [tilespmem:v9+s25+$0x0], $0xffff;
	v9 =	vor.u32 v45, v63;
	v4 =	vsub.f32 v14, v15;
	v1 =	vadd.f32 v3, v1  }
0x134: {  	v3 =	vadd.f32 v6, v5;
	v14 =	vmul.f32 v11, v8;
	v17 =	vld.idx.msk [tilespmem:v18+s25+$0x0], $0xffff;
	v18 =	vor.u32 v47, v63  }
0x135: {  	v6 =	vmul.f32 v10, v8;
	v15 =	vmul.f32 v10, v16;
	v10 =	vor.u32 v61, v63  }
0x136: {  	v5 =	vor.u32 v48, v63;
	v2 =	vadd.f32 v4, v2  }
0x137: {  	v8 =	vmul.f32 v11, v16;
	v4 =	vsub.f32 v14, v15;
	v14 =	vor.u32 v49, v63;
	v13 =	vld.idx.msk [tilespmem:v13+s6+$0x0], $0xffff  }
0x138: {  	v1 =	vadd.f32 v3, v1;
	v9 =	vld.idx.msk [tilespmem:v9+s25+$0x0], $0xffff;
	v11 =	vunpack.i.u.bf16.f32 v12;
	v12 =	vunpack.i.l.bf16.f32 v12  }
0x139: {  	v3 =	vadd.f32 v8, v6;
	v15 =	vmul.f32 v12, v7;
	v16 =	vmul.f32 v11, v17;
	v18 =	vld.idx.msk [tilespmem:v18+s25+$0x0], $0xffff  }
0x13a: {  	v2 =	vadd.f32 v4, v2;
	v6 =	vmul.f32 v11, v7;
	v8 =	vld.idx.msk [tilespmem:v10+s6+$0x0], $0xffff;
	v10 =	vor.u32 v62, v63  }
0x13b: {  	v5 =	vld.idx.msk [tilespmem:v5+s25+$0x0], $0xffff;
	v7 =	vmul.f32 v12, v17;
	v17 =	vor.u32 v51, v63;
	v4 =	vsub.f32 v15, v16  }
0x13c: {  	v11 =	vunpack.i.u.bf16.f32 v13;
	v12 =	vunpack.i.l.bf16.f32 v13;
	v13 =	vld.idx.msk [tilespmem:v14+s25+$0x0], $0xffff;
	v14 =	vor.u32 v50, v63  }
0x13d: {  	v1 =	vadd.f32 v3, v1;
	v3 =	vadd.f32 v7, v6  }
0x13e: {  	v15 =	vmul.f32 v12, v9;
	v2 =	vadd.f32 v4, v2  }
0x13f: {  	v6 =	vmul.f32 v11, v9;
	v1 =	vadd.f32 v3, v1;
	v16 =	vmul.f32 v11, v18;
	v10 =	vld.idx.msk [tilespmem:v10+s6+$0x0], $0xffff  }
0x140: {  	v7 =	vmul.f32 v12, v18;
	v9 =	vunpack.i.u.bf16.f32 v8;
	v8 =	vunpack.i.l.bf16.f32 v8;
	v3 =	vld.idx.msk [tilespmem:v17+s25+$0x0], $0xffff  }
0x141: {  	v11 =	vmul.f32 v8, v5;
	v4 =	vsub.f32 v15, v16;
	v12 =	vmul.f32 v9, v13;
	v14 =	vld.idx.msk [tilespmem:v14+s25+$0x0], $0xffff  }
0x142: {  	v5 =	vmul.f32 v9, v5;
	v15 =	vadd.f32 v7, v6  }
0x143: {  	v2 =	vadd.f32 v4, v2;
	v11 =	vsub.f32 v11, v12;
	v12 =	vmul.f32 v8, v13  }
0x144: {  	v1 =	vadd.f32 v15, v1;
	v4 =	vunpack.i.l.bf16.f32 v10;
	v13 =	vunpack.i.u.bf16.f32 v10  }
0x145: {  	s19 =	sor.u32 $0x1, s11;
	v2 =	vadd.f32 v11, v2;
	v5 =	vadd.f32 v12, v5;
	v12 =	vmul.f32 v13, v3  }
0x146: {  	v15 =	vmul.f32 v4, v14;
	v6 =	vmul.f32 v13, v14;
	v13 =	vadd.s32 s19, v0  }
0x147: {  	v3 =	vmul.f32 v4, v3;
	v14 =	vor.u32 v46, v63;
	v9 =	vand.u32 $0xF, v13  }
0x148: {  	v7 =	vsub.f32 v15, v12;
	v15 =	vor.u32 v52, v63;
	v63 =	vor.u32 s8, v9  }
0x149: {  	v1 =	vadd.f32 v5, v1;
	v3 =	vadd.f32 v3, v6;
	v11 =	vor.u32 v28, v63  }
0x14a: {  	v12 =	vor.u32 v53, v63;
	v2 =	vadd.f32 v7, v2  }
0x14b: {  	v1 =	vadd.f32 v3, v1;
	v3 =	vor.u32 v32, v63  }
0x14c: {  	v13 =	vor.u32 v54, v63;
	[tilespmem:v14+s0+$0x0] =	vst.idx.msk $0xffff, v2  }
0x14d: {  	v2 =	vor.u32 v33, v63;
	[tilespmem:v15+s0+$0x0] =	vst.idx.msk $0xffff, v1  }
0x14e: {  	v14 =	vor.u32 v34, v63;
	v1 =	vld.idx.msk [tilespmem:v11+s25+$0x0], $0xffff  }
0x14f: {  	v4 =	vld.idx.msk [tilespmem:v12+s6+$0x0], $0xffff  }
0x150: {  	v3 =	vld.idx.msk [tilespmem:v3+s25+$0x0], $0xffff  }
0x151: {  	v9 =	vor.u32 v55, v63;
	v5 =	vld.idx.msk [tilespmem:v13+s6+$0x0], $0xffff  }
0x152: {  	v12 =	vor.u32 v36, v63;
	v2 =	vld.idx.msk [tilespmem:v2+s25+$0x0], $0xffff  }
0x153: {  	v7 =	vor.u32 v35, v63;
	v6 =	vld.idx.msk [tilespmem:v14+s25+$0x0], $0xffff  }
0x154: {  	v8 =	vunpack.i.u.bf16.f32 v4;
	v4 =	vunpack.i.l.bf16.f32 v4  }
0x155: {  	v15 =	vor.u32 v38, v63;
	v10 =	vmul.f32 v4, v1;
	v11 =	vmul.f32 v8, v3  }
0x156: {  	v9 =	vld.idx.msk [tilespmem:v9+s6+$0x0], $0xffff;
	v1 =	vmul.f32 v8, v1;
	v3 =	vmul.f32 v4, v3;
	v8 =	vunpack.i.u.bf16.f32 v5  }
0x157: {  	v12 =	vld.idx.msk [tilespmem:v12+s25+$0x0], $0xffff;
	v5 =	vunpack.i.l.bf16.f32 v5;
	v10 =	vsub.f32 v10, v11;
	v11 =	vor.u32 v56, v63  }
0x158: {  	v4 =	vld.idx.msk [tilespmem:v7+s25+$0x0], $0xffff;
	v7 =	vor.u32 v37, v63;
	v13 =	vmul.f32 v5, v2;
	v14 =	vmul.f32 v8, v6;
	_ =	sdelay $0x1  }
0x159: {  	v1 =	vadd.f32 v3, v1;
	v3 =	vsub.f32 v13, v14;
	v13 =	vor.u32 v57, v63  }
0x15a: {  	v17 =	vor.u32 v40, v63;
	v18 =	vor.u32 v42, v63;
	v15 =	vld.idx.msk [tilespmem:v15+s25+$0x0], $0xffff;
	v2 =	vmul.f32 v8, v2  }
0x15b: {  	v5 =	vmul.f32 v5, v6;
	v8 =	vunpack.i.u.bf16.f32 v9;
	v9 =	vunpack.i.l.bf16.f32 v9;
	v11 =	vld.idx.msk [tilespmem:v11+s6+$0x0], $0xffff  }
0x15c: {  	v10 =	vadd.f32 $0.0e+00, v10;
	v16 =	vmul.f32 v8, v12;
	v6 =	vld.idx.msk [tilespmem:v7+s25+$0x0], $0xffff;
	v7 =	vor.u32 v39, v63  }
0x15d: {  	v1 =	vadd.f32 $0.0e+00, v1;
	v2 =	vadd.f32 v5, v2;
	v14 =	vmul.f32 v9, v4  }
0x15e: {  	v4 =	vmul.f32 v8, v4;
	v8 =	vmul.f32 v9, v12;
	v12 =	vld.idx.msk [tilespmem:v13+s6+$0x0], $0xffff;
	v13 =	vor.u32 v58, v63  }
0x15f: {  	v9 =	vor.u32 v41, v63;
	v3 =	vadd.f32 v3, v10;
	v5 =	vsub.f32 v14, v16  }
0x160: {  	v17 =	vld.idx.msk [tilespmem:v17+s25+$0x0], $0xffff;
	v1 =	vadd.f32 v2, v1;
	v10 =	vunpack.i.u.bf16.f32 v11;
	v11 =	vunpack.i.l.bf16.f32 v11  }
0x161: {  	v2 =	vadd.f32 v5, v3;
	v7 =	vld.idx.msk [tilespmem:v7+s25+$0x0], $0xffff;
	v14 =	vmul.f32 v11, v6;
	v16 =	vmul.f32 v10, v15  }
0x162: {  	v3 =	vadd.f32 v8, v4;
	v5 =	vmul.f32 v10, v6;
	v6 =	vmul.f32 v11, v15  }
0x163: {  	v10 =	vunpack.i.u.bf16.f32 v12;
	v11 =	vunpack.i.l.bf16.f32 v12;
	v12 =	vld.idx.msk [tilespmem:v13+s6+$0x0], $0xffff;
	v13 =	vor.u32 v59, v63  }
0x164: {  	v8 =	vld.idx.msk [tilespmem:v9+s25+$0x0], $0xffff;
	v9 =	vor.u32 v43, v63  }
0x165: {  	v1 =	vadd.f32 v3, v1;
	v4 =	vsub.f32 v14, v16;
	v16 =	vld.idx.msk [tilespmem:v18+s25+$0x0], $0xffff;
	v18 =	vor.u32 v44, v63  }
0x166: {  	v14 =	vmul.f32 v11, v7;
	v15 =	vmul.f32 v10, v17;
	v3 =	vadd.f32 v6, v5  }
0x167: {  	v5 =	vmul.f32 v10, v7;
	v6 =	vmul.f32 v11, v17;
	v2 =	vadd.f32 v4, v2  }
0x168: {  	v10 =	vunpack.i.u.bf16.f32 v12;
	v11 =	vunpack.i.l.bf16.f32 v12;
	v12 =	vld.idx.msk [tilespmem:v13+s6+$0x0], $0xffff;
	v13 =	vor.u32 v60, v63  }
0x169: {  	v7 =	vld.idx.msk [tilespmem:v9+s25+$0x0], $0xffff;
	v9 =	vor.u32 v45, v63;
	v4 =	vsub.f32 v14, v15;
	v1 =	vadd.f32 v3, v1  }
0x16a: {  	v3 =	vadd.f32 v6, v5;
	v14 =	vmul.f32 v11, v8;
	v17 =	vld.idx.msk [tilespmem:v18+s25+$0x0], $0xffff;
	v18 =	vor.u32 v47, v63  }
0x16b: {  	v15 =	vmul.f32 v10, v16;
	v6 =	vmul.f32 v10, v8;
	v10 =	vor.u32 v61, v63  }
0x16c: {  	v5 =	vor.u32 v48, v63;
	v2 =	vadd.f32 v4, v2  }
0x16d: {  	v8 =	vmul.f32 v11, v16;
	v4 =	vsub.f32 v14, v15;
	v14 =	vor.u32 v49, v63;
	v13 =	vld.idx.msk [tilespmem:v13+s6+$0x0], $0xffff  }
0x16e: {  	v1 =	vadd.f32 v3, v1;
	v9 =	vld.idx.msk [tilespmem:v9+s25+$0x0], $0xffff;
	v11 =	vunpack.i.u.bf16.f32 v12;
	v12 =	vunpack.i.l.bf16.f32 v12  }
0x16f: {  	v3 =	vadd.f32 v8, v6;
	v15 =	vmul.f32 v12, v7;
	v16 =	vmul.f32 v11, v17;
	v18 =	vld.idx.msk [tilespmem:v18+s25+$0x0], $0xffff  }
0x170: {  	v2 =	vadd.f32 v4, v2;
	v6 =	vmul.f32 v11, v7;
	v8 =	vld.idx.msk [tilespmem:v10+s6+$0x0], $0xffff;
	v10 =	vor.u32 v62, v63  }
0x171: {  	v5 =	vld.idx.msk [tilespmem:v5+s25+$0x0], $0xffff;
	v7 =	vmul.f32 v12, v17;
	v17 =	vor.u32 v51, v63;
	v4 =	vsub.f32 v15, v16  }
0x172: {  	v11 =	vunpack.i.u.bf16.f32 v13;
	v12 =	vunpack.i.l.bf16.f32 v13;
	v13 =	vld.idx.msk [tilespmem:v14+s25+$0x0], $0xffff;
	v14 =	vor.u32 v50, v63  }
0x173: {  	v1 =	vadd.f32 v3, v1;
	v3 =	vadd.f32 v7, v6  }
0x174: {  	v2 =	vadd.f32 v4, v2;
	v15 =	vmul.f32 v12, v9  }
0x175: {  	v1 =	vadd.f32 v3, v1;
	v16 =	vmul.f32 v11, v18;
	v6 =	vmul.f32 v11, v9;
	v10 =	vld.idx.msk [tilespmem:v10+s6+$0x0], $0xffff  }
0x176: {  	v7 =	vmul.f32 v12, v18;
	v9 =	vunpack.i.u.bf16.f32 v8;
	v8 =	vunpack.i.l.bf16.f32 v8;
	v3 =	vld.idx.msk [tilespmem:v17+s25+$0x0], $0xffff  }
0x177: {  	v11 =	vmul.f32 v8, v5;
	v4 =	vsub.f32 v15, v16;
	v12 =	vmul.f32 v9, v13;
	v14 =	vld.idx.msk [tilespmem:v14+s25+$0x0], $0xffff  }
0x178: {  	v5 =	vmul.f32 v9, v5;
	v15 =	vadd.f32 v7, v6  }
0x179: {  	v2 =	vadd.f32 v4, v2;
	v11 =	vsub.f32 v11, v12;
	v12 =	vmul.f32 v8, v13  }
0x17a: {  	v1 =	vadd.f32 v15, v1;
	v4 =	vunpack.i.l.bf16.f32 v10;
	v13 =	vunpack.i.u.bf16.f32 v10  }
0x17b: {  	s19 =	sor.u32 $0x2, s11;
	v2 =	vadd.f32 v11, v2;
	v5 =	vadd.f32 v12, v5;
	v12 =	vmul.f32 v13, v3  }
0x17c: {  	v15 =	vmul.f32 v4, v14;
	v6 =	vmul.f32 v13, v14;
	v13 =	vadd.s32 s19, v0  }
0x17d: {  	v3 =	vmul.f32 v4, v3;
	v14 =	vor.u32 v46, v63;
	v9 =	vand.u32 $0xF, v13  }
0x17e: {  	v7 =	vsub.f32 v15, v12;
	v15 =	vor.u32 v52, v63;
	v63 =	vor.u32 s8, v9  }
0x17f: {  	v1 =	vadd.f32 v5, v1;
	v3 =	vadd.f32 v3, v6;
	v11 =	vor.u32 v28, v63  }
0x180: {  	v12 =	vor.u32 v53, v63;
	v2 =	vadd.f32 v7, v2  }
0x181: {  	v1 =	vadd.f32 v3, v1;
	v3 =	vor.u32 v32, v63  }
0x182: {  	v13 =	vor.u32 v54, v63;
	[tilespmem:v14+s0+$0x0] =	vst.idx.msk $0xffff, v2  }
0x183: {  	v2 =	vor.u32 v33, v63;
	[tilespmem:v15+s0+$0x0] =	vst.idx.msk $0xffff, v1  }
0x184: {  	v14 =	vor.u32 v34, v63;
	v1 =	vld.idx.msk [tilespmem:v11+s25+$0x0], $0xffff  }
0x185: {  	v4 =	vld.idx.msk [tilespmem:v12+s6+$0x0], $0xffff  }
0x186: {  	v3 =	vld.idx.msk [tilespmem:v3+s25+$0x0], $0xffff  }
0x187: {  	v9 =	vor.u32 v55, v63;
	v5 =	vld.idx.msk [tilespmem:v13+s6+$0x0], $0xffff  }
0x188: {  	v12 =	vor.u32 v36, v63;
	v2 =	vld.idx.msk [tilespmem:v2+s25+$0x0], $0xffff  }
0x189: {  	v7 =	vor.u32 v35, v63;
	v6 =	vld.idx.msk [tilespmem:v14+s25+$0x0], $0xffff  }
0x18a: {  	v8 =	vunpack.i.u.bf16.f32 v4;
	v4 =	vunpack.i.l.bf16.f32 v4  }
0x18b: {  	v15 =	vor.u32 v38, v63;
	v10 =	vmul.f32 v4, v1;
	v11 =	vmul.f32 v8, v3  }
0x18c: {  	v9 =	vld.idx.msk [tilespmem:v9+s6+$0x0], $0xffff;
	v1 =	vmul.f32 v8, v1;
	v3 =	vmul.f32 v4, v3;
	v8 =	vunpack.i.u.bf16.f32 v5  }
0x18d: {  	v12 =	vld.idx.msk [tilespmem:v12+s25+$0x0], $0xffff;
	v5 =	vunpack.i.l.bf16.f32 v5;
	v10 =	vsub.f32 v10, v11;
	v11 =	vor.u32 v56, v63  }
0x18e: {  	v4 =	vld.idx.msk [tilespmem:v7+s25+$0x0], $0xffff;
	v7 =	vor.u32 v37, v63;
	v13 =	vmul.f32 v5, v2;
	v14 =	vmul.f32 v8, v6;
	_ =	sdelay $0x1  }
0x18f: {  	v1 =	vadd.f32 v3, v1;
	v3 =	vsub.f32 v13, v14;
	v13 =	vor.u32 v57, v63  }
0x190: {  	v17 =	vor.u32 v40, v63;
	v18 =	vor.u32 v42, v63;
	v15 =	vld.idx.msk [tilespmem:v15+s25+$0x0], $0xffff;
	v2 =	vmul.f32 v8, v2  }
0x191: {  	v5 =	vmul.f32 v5, v6;
	v8 =	vunpack.i.u.bf16.f32 v9;
	v9 =	vunpack.i.l.bf16.f32 v9;
	v11 =	vld.idx.msk [tilespmem:v11+s6+$0x0], $0xffff  }
0x192: {  	v10 =	vadd.f32 $0.0e+00, v10;
	v16 =	vmul.f32 v8, v12;
	v6 =	vld.idx.msk [tilespmem:v7+s25+$0x0], $0xffff;
	v7 =	vor.u32 v39, v63  }
0x193: {  	v1 =	vadd.f32 $0.0e+00, v1;
	v2 =	vadd.f32 v5, v2;
	v14 =	vmul.f32 v9, v4  }
0x194: {  	v4 =	vmul.f32 v8, v4;
	v8 =	vmul.f32 v9, v12;
	v12 =	vld.idx.msk [tilespmem:v13+s6+$0x0], $0xffff;
	v13 =	vor.u32 v58, v63  }
0x195: {  	v9 =	vor.u32 v41, v63;
	v3 =	vadd.f32 v3, v10;
	v5 =	vsub.f32 v14, v16  }
0x196: {  	v17 =	vld.idx.msk [tilespmem:v17+s25+$0x0], $0xffff;
	v1 =	vadd.f32 v2, v1;
	v10 =	vunpack.i.u.bf16.f32 v11;
	v11 =	vunpack.i.l.bf16.f32 v11  }
0x197: {  	v2 =	vadd.f32 v5, v3;
	v7 =	vld.idx.msk [tilespmem:v7+s25+$0x0], $0xffff;
	v14 =	vmul.f32 v11, v6;
	v16 =	vmul.f32 v10, v15  }
0x198: {  	v3 =	vadd.f32 v8, v4;
	v5 =	vmul.f32 v10, v6;
	v6 =	vmul.f32 v11, v15  }
0x199: {  	v10 =	vunpack.i.u.bf16.f32 v12;
	v11 =	vunpack.i.l.bf16.f32 v12;
	v12 =	vld.idx.msk [tilespmem:v13+s6+$0x0], $0xffff;
	v13 =	vor.u32 v59, v63  }
0x19a: {  	v8 =	vld.idx.msk [tilespmem:v9+s25+$0x0], $0xffff;
	v9 =	vor.u32 v43, v63  }
0x19b: {  	v1 =	vadd.f32 v3, v1;
	v4 =	vsub.f32 v14, v16;
	v16 =	vld.idx.msk [tilespmem:v18+s25+$0x0], $0xffff;
	v18 =	vor.u32 v44, v63  }
0x19c: {  	v14 =	vmul.f32 v11, v7;
	v15 =	vmul.f32 v10, v17;
	v3 =	vadd.f32 v6, v5  }
0x19d: {  	v5 =	vmul.f32 v10, v7;
	v6 =	vmul.f32 v11, v17;
	v2 =	vadd.f32 v4, v2  }
0x19e: {  	v10 =	vunpack.i.u.bf16.f32 v12;
	v11 =	vunpack.i.l.bf16.f32 v12;
	v12 =	vld.idx.msk [tilespmem:v13+s6+$0x0], $0xffff;
	v13 =	vor.u32 v60, v63  }
0x19f: {  	v7 =	vld.idx.msk [tilespmem:v9+s25+$0x0], $0xffff;
	v9 =	vor.u32 v45, v63;
	v4 =	vsub.f32 v14, v15;
	v1 =	vadd.f32 v3, v1  }
0x1a0: {  	v3 =	vadd.f32 v6, v5;
	v14 =	vmul.f32 v11, v8;
	v17 =	vld.idx.msk [tilespmem:v18+s25+$0x0], $0xffff;
	v18 =	vor.u32 v47, v63  }
0x1a1: {  	v15 =	vmul.f32 v10, v16;
	v6 =	vmul.f32 v10, v8;
	v10 =	vor.u32 v61, v63  }
0x1a2: {  	v5 =	vor.u32 v48, v63;
	v2 =	vadd.f32 v4, v2  }
0x1a3: {  	v8 =	vmul.f32 v11, v16;
	v4 =	vsub.f32 v14, v15;
	v14 =	vor.u32 v49, v63;
	v13 =	vld.idx.msk [tilespmem:v13+s6+$0x0], $0xffff  }
0x1a4: {  	v1 =	vadd.f32 v3, v1;
	v9 =	vld.idx.msk [tilespmem:v9+s25+$0x0], $0xffff;
	v11 =	vunpack.i.u.bf16.f32 v12;
	v12 =	vunpack.i.l.bf16.f32 v12  }
0x1a5: {  	v3 =	vadd.f32 v8, v6;
	v15 =	vmul.f32 v12, v7;
	v16 =	vmul.f32 v11, v17;
	v18 =	vld.idx.msk [tilespmem:v18+s25+$0x0], $0xffff  }
0x1a6: {  	v2 =	vadd.f32 v4, v2;
	v6 =	vmul.f32 v11, v7;
	v8 =	vld.idx.msk [tilespmem:v10+s6+$0x0], $0xffff;
	v10 =	vor.u32 v62, v63  }
0x1a7: {  	v5 =	vld.idx.msk [tilespmem:v5+s25+$0x0], $0xffff;
	v7 =	vmul.f32 v12, v17;
	v17 =	vor.u32 v51, v63;
	v4 =	vsub.f32 v15, v16  }
0x1a8: {  	v11 =	vunpack.i.u.bf16.f32 v13;
	v12 =	vunpack.i.l.bf16.f32 v13;
	v13 =	vld.idx.msk [tilespmem:v14+s25+$0x0], $0xffff;
	v14 =	vor.u32 v50, v63  }
0x1a9: {  	v1 =	vadd.f32 v3, v1;
	v3 =	vadd.f32 v7, v6  }
0x1aa: {  	v2 =	vadd.f32 v4, v2;
	v15 =	vmul.f32 v12, v9  }
0x1ab: {  	v1 =	vadd.f32 v3, v1;
	v16 =	vmul.f32 v11, v18;
	v6 =	vmul.f32 v11, v9;
	v10 =	vld.idx.msk [tilespmem:v10+s6+$0x0], $0xffff  }
0x1ac: {  	v7 =	vmul.f32 v12, v18;
	v9 =	vunpack.i.u.bf16.f32 v8;
	v8 =	vunpack.i.l.bf16.f32 v8;
	v3 =	vld.idx.msk [tilespmem:v17+s25+$0x0], $0xffff  }
0x1ad: {  	v11 =	vmul.f32 v8, v5;
	v4 =	vsub.f32 v15, v16;
	v12 =	vmul.f32 v9, v13;
	v14 =	vld.idx.msk [tilespmem:v14+s25+$0x0], $0xffff  }
0x1ae: {  	v5 =	vmul.f32 v9, v5;
	v15 =	vadd.f32 v7, v6  }
0x1af: {  	v2 =	vadd.f32 v4, v2;
	v11 =	vsub.f32 v11, v12;
	v12 =	vmul.f32 v8, v13  }
0x1b0: {  	v1 =	vadd.f32 v15, v1;
	v4 =	vunpack.i.l.bf16.f32 v10;
	v13 =	vunpack.i.u.bf16.f32 v10  }
0x1b1: {  	s11 =	sor.u32 $0x3, s11;
	v2 =	vadd.f32 v11, v2;
	v5 =	vadd.f32 v12, v5;
	v12 =	vmul.f32 v13, v3  }
0x1b2: {  	v15 =	vmul.f32 v4, v14;
	v6 =	vmul.f32 v13, v14;
	v13 =	vadd.s32 s11, v0  }
0x1b3: {  	v3 =	vmul.f32 v4, v3;
	v14 =	vor.u32 v46, v63;
	v9 =	vand.u32 $0xF, v13  }
0x1b4: {  	v7 =	vsub.f32 v15, v12;
	v15 =	vor.u32 v52, v63;
	v63 =	vor.u32 s8, v9  }
0x1b5: {  	v1 =	vadd.f32 v5, v1;
	v3 =	vadd.f32 v3, v6;
	v12 =	vor.u32 v53, v63  }
0x1b6: {  	v11 =	vor.u32 v28, v63;
	v2 =	vadd.f32 v7, v2  }
0x1b7: {  	v1 =	vadd.f32 v3, v1;
	v3 =	vor.u32 v32, v63  }
0x1b8: {  	v13 =	vor.u32 v54, v63;
	[tilespmem:v14+s0+$0x0] =	vst.idx.msk $0xffff, v2  }
0x1b9: {  	v2 =	vor.u32 v33, v63;
	[tilespmem:v15+s0+$0x0] =	vst.idx.msk $0xffff, v1  }
0x1ba: {  	v14 =	vor.u32 v34, v63;
	v4 =	vld.idx.msk [tilespmem:v12+s6+$0x0], $0xffff  }
0x1bb: {  	v9 =	vor.u32 v55, v63;
	v1 =	vld.idx.msk [tilespmem:v11+s25+$0x0], $0xffff  }
0x1bc: {  	v7 =	vor.u32 v35, v63;
	v3 =	vld.idx.msk [tilespmem:v3+s25+$0x0], $0xffff  }
0x1bd: {  	v5 =	vld.idx.msk [tilespmem:v13+s6+$0x0], $0xffff  }
0x1be: {  	v12 =	vor.u32 v36, v63;
	v2 =	vld.idx.msk [tilespmem:v2+s25+$0x0], $0xffff  }
0x1bf: {  	v6 =	vld.idx.msk [tilespmem:v14+s25+$0x0], $0xffff;
	v8 =	vunpack.i.u.bf16.f32 v4;
	v4 =	vunpack.i.l.bf16.f32 v4  }
0x1c0: {  	v9 =	vld.idx.msk [tilespmem:v9+s6+$0x0], $0xffff;
	v10 =	vmul.f32 v4, v1  }
0x1c1: {  	v11 =	vmul.f32 v8, v3;
	v3 =	vmul.f32 v4, v3;
	v4 =	vld.idx.msk [tilespmem:v7+s25+$0x0], $0xffff;
	v7 =	vor.u32 v37, v63  }
0x1c2: {  	v15 =	vor.u32 v38, v63;
	v1 =	vmul.f32 v8, v1  }
0x1c3: {  	v12 =	vld.idx.msk [tilespmem:v12+s25+$0x0], $0xffff;
	v8 =	vunpack.i.u.bf16.f32 v5;
	v5 =	vunpack.i.l.bf16.f32 v5;
	v10 =	vsub.f32 v10, v11  }
0x1c4: {  	v11 =	vor.u32 v56, v63;
	v13 =	vmul.f32 v5, v2;
	v14 =	vmul.f32 v8, v6  }
0x1c5: {  	v1 =	vadd.f32 v3, v1;
	v2 =	vmul.f32 v8, v2;
	v5 =	vmul.f32 v5, v6  }
0x1c6: {  	v8 =	vunpack.i.u.bf16.f32 v9;
	v9 =	vunpack.i.l.bf16.f32 v9;
	v6 =	vld.idx.msk [tilespmem:v7+s25+$0x0], $0xffff;
	v7 =	vor.u32 v57, v63  }
0x1c7: {  	v10 =	vadd.f32 $0.0e+00, v10;
	v3 =	vsub.f32 v13, v14;
	v13 =	vor.u32 v39, v63  }
0x1c8: {  	v14 =	vor.u32 v40, v63;
	v17 =	vmul.f32 v8, v12;
	v16 =	vmul.f32 v9, v4  }
0x1c9: {  	v1 =	vadd.f32 $0.0e+00, v1;
	v2 =	vadd.f32 v5, v2;
	v4 =	vmul.f32 v8, v4;
	v11 =	vld.idx.msk [tilespmem:v11+s6+$0x0], $0xffff  }
0x1ca: {  	v15 =	vld.idx.msk [tilespmem:v15+s25+$0x0], $0xffff;
	v8 =	vmul.f32 v9, v12;
	v3 =	vadd.f32 v3, v10;
	v5 =	vsub.f32 v16, v17  }
0x1cb: {  	v9 =	vor.u32 v58, v63;
	v1 =	vadd.f32 v2, v1;
	v7 =	vld.idx.msk [tilespmem:v7+s6+$0x0], $0xffff  }
0x1cc: {  	v10 =	vld.idx.msk [tilespmem:v13+s25+$0x0], $0xffff;
	v13 =	vor.u32 v41, v63;
	v2 =	vadd.f32 v5, v3;
	v3 =	vadd.f32 v8, v4  }
0x1cd: {  	v16 =	vor.u32 v42, v63;
	v14 =	vld.idx.msk [tilespmem:v14+s25+$0x0], $0xffff  }
0x1ce: {  	v1 =	vadd.f32 v3, v1;
	v12 =	vunpack.i.u.bf16.f32 v11;
	v11 =	vunpack.i.l.bf16.f32 v11  }
0x1cf: {  	v3 =	vor.u32 v59, v63;
	v17 =	vmul.f32 v11, v6;
	v18 =	vmul.f32 v12, v15  }
0x1d0: {  	v9 =	vld.idx.msk [tilespmem:v9+s6+$0x0], $0xffff;
	v8 =	vmul.f32 v11, v15;
	v11 =	vunpack.i.u.bf16.f32 v7;
	v7 =	vunpack.i.l.bf16.f32 v7  }
0x1d1: {  	v5 =	vmul.f32 v12, v6;
	v6 =	vld.idx.msk [tilespmem:v13+s25+$0x0], $0xffff;
	v4 =	vsub.f32 v17, v18;
	v12 =	vmul.f32 v7, v10  }
0x1d2: {  	v15 =	vld.idx.msk [tilespmem:v16+s25+$0x0], $0xffff;
	v16 =	vor.u32 v43, v63;
	v13 =	vmul.f32 v11, v14;
	v10 =	vmul.f32 v11, v10  }
0x1d3: {  	v2 =	vadd.f32 v4, v2;
	v4 =	vadd.f32 v8, v5;
	v8 =	vor.u32 v44, v63  }
0x1d4: {  	v7 =	vmul.f32 v7, v14;
	v11 =	vor.u32 v45, v63;
	v5 =	vsub.f32 v12, v13  }
0x1d5: {  	v12 =	vunpack.i.u.bf16.f32 v9;
	v9 =	vunpack.i.l.bf16.f32 v9;
	v13 =	vor.u32 v60, v63  }
0x1d6: {  	v18 =	vor.u32 v47, v63;
	v3 =	vld.idx.msk [tilespmem:v3+s6+$0x0], $0xffff;
	v14 =	vmul.f32 v9, v6  }
0x1d7: {  	v16 =	vld.idx.msk [tilespmem:v16+s25+$0x0], $0xffff;
	v17 =	vmul.f32 v12, v15;
	v1 =	vadd.f32 v4, v1;
	v4 =	vadd.f32 v7, v10  }
0x1d8: {  	v6 =	vmul.f32 v12, v6;
	v9 =	vmul.f32 v9, v15;
	v12 =	vor.u32 v49, v63;
	v7 =	vld.idx.msk [tilespmem:v8+s25+$0x0], $0xffff  }
0x1d9: {  	v2 =	vadd.f32 v5, v2;
	v5 =	vsub.f32 v14, v17;
	v10 =	vld.idx.msk [tilespmem:v11+s25+$0x0], $0xffff;
	v11 =	vor.u32 v61, v63  }
0x1da: {  	v1 =	vadd.f32 v4, v1;
	v8 =	vor.u32 v48, v63;
	v4 =	vld.idx.msk [tilespmem:v13+s6+$0x0], $0xffff  }
0x1db: {  	v2 =	vadd.f32 v5, v2;
	v5 =	vadd.f32 v9, v6;
	v6 =	vld.idx.msk [tilespmem:v18+s25+$0x0], $0xffff;
	v9 =	vor.u32 v50, v63  }
0x1dc: {  	v14 =	vor.u32 v62, v63;
	v13 =	vunpack.i.u.bf16.f32 v3;
	v3 =	vunpack.i.l.bf16.f32 v3  }
0x1dd: {  	v18 =	vor.u32 v51, v63;
	v15 =	vmul.f32 v3, v16;
	v12 =	vld.idx.msk [tilespmem:v12+s25+$0x0], $0xffff;
	v17 =	vmul.f32 v13, v7  }
0x1de: {  	v1 =	vadd.f32 v5, v1;
	v5 =	vmul.f32 v13, v16;
	v3 =	vmul.f32 v3, v7;
	v7 =	vld.idx.msk [tilespmem:v11+s6+$0x0], $0xffff  }
0x1df: {  	v8 =	vld.idx.msk [tilespmem:v8+s25+$0x0], $0xffff;
	v13 =	vunpack.i.u.bf16.f32 v4;
	v4 =	vunpack.i.l.bf16.f32 v4;
	v11 =	vsub.f32 v15, v17  }
0x1e0: {  	v9 =	vld.idx.msk [tilespmem:v9+s25+$0x0], $0xffff;
	v3 =	vadd.f32 v3, v5;
	v5 =	vmul.f32 v4, v10;
	v15 =	vmul.f32 v13, v6  }
0x1e1: {  	v10 =	vmul.f32 v13, v10;
	v4 =	vmul.f32 v4, v6;
	v6 =	vld.idx.msk [tilespmem:v14+s6+$0x0], $0xffff;
	v2 =	vadd.f32 v11, v2  }
0x1e2: {  	v1 =	vadd.f32 v3, v1;
	v3 =	vsub.f32 v5, v15;
	v5 =	vld.idx.msk [tilespmem:v18+s25+$0x0], $0xffff  }
0x1e3: {  	v4 =	vadd.f32 v4, v10;
	v15 =	vunpack.i.u.bf16.f32 v7;
	v7 =	vunpack.i.l.bf16.f32 v7  }
0x1e4: {  	v2 =	vadd.f32 v3, v2;
	v3 =	vmul.f32 v7, v8;
	v13 =	vmul.f32 v15, v12  }
0x1e5: {  	v1 =	vadd.f32 v4, v1;
	v14 =	vmul.f32 v15, v8;
	v7 =	vmul.f32 v7, v12  }
0x1e6: {  	v15 =	vunpack.i.u.bf16.f32 v6;
	v6 =	vunpack.i.l.bf16.f32 v6;
	v3 =	vsub.f32 v3, v13  }
0x1e7: {  	v4 =	vadd.f32 v7, v14;
	v12 =	vmul.f32 v6, v9;
	v13 =	vmul.f32 v15, v5  }
0x1e8: {  	v8 =	vmul.f32 v15, v9;
	v14 =	vor.u32 v46, v63;
	v5 =	vmul.f32 v6, v5  }
0x1e9: {  	p1 =	slt.u32 s9, $0x3C;
	v15 =	vor.u32 v52, v63;
	v2 =	vadd.f32 v3, v2;
	v3 =	vsub.f32 v12, v13  }
.Ltmp1:
0x1ea: {  	v1 =	vadd.f32 v4, v1;
	v63 =	vadd.f32 v5, v8;
	(pc) =	sbr.rel @p1 .LBB2_5-.Ltmp1, $4  }
0x1eb: {  	v2 =	vadd.f32 v3, v2  }
0x1ec: {  	v1 =	vadd.f32 v63, v1  }
0x1ed: {  	[tilespmem:v14+s0+$0x0] =	vst.idx.msk $0xffff, v2  }
0x1ee: {  	[tilespmem:v15+s0+$0x0] =	vst.idx.msk $0xffff, v1  }
0x1ef: {  	p1 =	sne.s32 s13, $0x1F  }
.Ltmp2:
0x1f0: {  	_ = 	snop;
	(pc) =	sbr.rel @p1 .LBB2_8-.Ltmp2, $4  }
0x1f1: {  	s8 =	sadd.s32 s10, s18  }
0x1f2: {  	s8 =	sshll.u32 s8, $0x8  }
0x1f3: {  	s8 =	sadd.s32 s5, s8  }
0x1f4: {  	[hbm4b:s8+s6] =	stream.linear.scatter [tilespmem:s0], [sflag:$0x3], $0x800, $0x38;
	[tilespmem:$0x1D180] =	vst v63  }
.Ltmp3:
0x1f5: {  	(pc) =	sbr.rel .LBB2_9-.Ltmp3, $4  }
0x1f6: {  	_ = 	snop  }
0x1f7: {  	_ =	swait.ge [sflag:s4], $0x5000  }
0x1f8: {  	[sflag:s4] =	ssyncset.done $0x0  }
0x1f9: {  	[sflag:s4] =	ssyncadd.s32 $0xFFFFB000  }
.LBB2_8:
0x1fa: {  	s8 =	sadd.s32 $0x7EC0, s17  }
0x1fb: {  	[tilespmem:s25], [sflag:$0x1] =	stream.indirect.gather [hbm4b:s1+s24], $0x80, s8, s24, $0xb8;
	[tilespmem:$0x1D180] =	vst v63  }
.Ltmp4:
0x1fc: {  	s19 =	sadd.s32 $0x7F10, s17;
	(pc) =	sbr.rel @p0 .LBB2_10-.Ltmp4, $4  }
0x1fd: {  	[tilespmem:s28], [sflag:$0x1] =	stream.indirect.gather [hbm4b:s1+s24], $0x80, s19, s24, $0xb8;
	[tilespmem:$0x1D180] =	vst v63  }
0x1fe: {  	_ =	swait.ge [sflag:s4], $0x5000  }
0x1ff: {  	[sflag:s4] =	ssyncset.done $0x0  }
0x200: {  	[sflag:s4] =	ssyncadd.s32 $0xFFFFB000  }
.LBB2_9:
0x201: {  	_ =	swait.ge [sflag:s2], $0x800  }
0x202: {  	[sflag:s2] =	ssyncset.done $0x0  }
0x203: {  	[sflag:s2] =	ssyncadd.s32 $0xFFFFF800  }
.LBB2_10:
0x204: {  	v1 =	vld [tilespmem:s15+$0xA580]  }
0x205: {  	v2 =	vld [tilespmem:s15+$0xA590]  }
0x206: {  	v3 =	vld [tilespmem:s15+$0xA5A0]  }
0x207: {  	v4 =	vld [tilespmem:s15+$0xA5B0]  }
0x208: {  	v5 =	vld [tilespmem:s15+$0xA5C0]  }
0x209: {  	v6 =	vld [tilespmem:s16+$0xA580]  }
0x20a: {  	v7 =	vld [tilespmem:s15+$0xA5E0]  }
0x20b: {  	v8 =	vld [tilespmem:s15+$0xA5F0]  }
0x20c: {  	s8 =	sand.u32 $0x3FE0, s15;
	v10 =	vld [tilespmem:s15+$0xA610]  }
0x20d: {  	v9 =	vld [tilespmem:s8+$0xA600];
	_ =	sdelay $0x1  }
0x20e: {  	v53 =	vshll.u32 v1, $0x6  }
0x20f: {  	v54 =	vshll.u32 v2, $0x6;
	v55 =	vshll.u32 v3, $0x6;
	v56 =	vshll.u32 v4, $0x6  }
0x210: {  	v57 =	vshll.u32 v5, $0x6;
	v58 =	vshll.u32 v6, $0x6;
	v59 =	vshll.u32 v7, $0x6  }
0x211: {  	s9 =	simm.s32 $0xFFFFFFFC;
	v60 =	vshll.u32 v8, $0x6;
	v62 =	vshll.u32 v10, $0x6;
	v61 =	vshll.u32 v9, $0x6  }
.LBB2_11:
0x212: {  	s9 =	sadd.s32 $0x4, s9  }
0x213: {  	s11 =	sand.u32 $0xC, s9  }
0x214: {  	v1 =	vadd.s32 s11, v0  }
0x215: {  	s8 =	sand.u32 $0x30, s9;
	v1 =	vand.u32 $0xF, v1  }
0x216: {  	v63 =	vor.u32 s8, v1  }
0x217: {  	v1 =	vor.u32 v28, v63  }
0x218: {  	v2 =	vor.u32 v53, v63  }
0x219: {  	v3 =	vor.u32 v32, v63  }
0x21a: {  	v5 =	vor.u32 v54, v63  }
0x21b: {  	v4 =	vor.u32 v33, v63  }
0x21c: {  	v6 =	vor.u32 v34, v63;
	v1 =	vld.idx.msk [tilespmem:v1+s29+$0x0], $0xffff  }
0x21d: {  	v2 =	vld.idx.msk [tilespmem:v2+s6+$0x0], $0xffff  }
0x21e: {  	v3 =	vld.idx.msk [tilespmem:v3+s29+$0x0], $0xffff  }
0x21f: {  	v9 =	vor.u32 v55, v63;
	v5 =	vld.idx.msk [tilespmem:v5+s6+$0x0], $0xffff  }
0x220: {  	v12 =	vor.u32 v36, v63;
	v4 =	vld.idx.msk [tilespmem:v4+s29+$0x0], $0xffff  }
0x221: {  	v7 =	vor.u32 v35, v63;
	v6 =	vld.idx.msk [tilespmem:v6+s29+$0x0], $0xffff  }
0x222: {  	v8 =	vunpack.i.u.bf16.f32 v2;
	v2 =	vunpack.i.l.bf16.f32 v2  }
0x223: {  	v15 =	vor.u32 v38, v63;
	v10 =	vmul.f32 v2, v1;
	v11 =	vmul.f32 v8, v3  }
0x224: {  	v9 =	vld.idx.msk [tilespmem:v9+s6+$0x0], $0xffff;
	v1 =	vmul.f32 v8, v1;
	v2 =	vmul.f32 v2, v3;
	v8 =	vunpack.i.u.bf16.f32 v5  }
0x225: {  	v12 =	vld.idx.msk [tilespmem:v12+s29+$0x0], $0xffff;
	v5 =	vunpack.i.l.bf16.f32 v5;
	v10 =	vsub.f32 v10, v11;
	v11 =	vor.u32 v56, v63  }
0x226: {  	v3 =	vld.idx.msk [tilespmem:v7+s29+$0x0], $0xffff;
	v7 =	vor.u32 v37, v63;
	v13 =	vmul.f32 v5, v4;
	v14 =	vmul.f32 v8, v6;
	_ =	sdelay $0x1  }
0x227: {  	v1 =	vadd.f32 v2, v1;
	v2 =	vsub.f32 v13, v14;
	v13 =	vor.u32 v57, v63  }
0x228: {  	v17 =	vor.u32 v40, v63;
	v15 =	vld.idx.msk [tilespmem:v15+s29+$0x0], $0xffff;
	v4 =	vmul.f32 v8, v4;
	v5 =	vmul.f32 v5, v6  }
0x229: {  	v18 =	vor.u32 v42, v63;
	v8 =	vunpack.i.u.bf16.f32 v9;
	v9 =	vunpack.i.l.bf16.f32 v9;
	v11 =	vld.idx.msk [tilespmem:v11+s6+$0x0], $0xffff  }
0x22a: {  	v16 =	vmul.f32 v8, v12;
	v4 =	vadd.f32 v5, v4;
	v6 =	vld.idx.msk [tilespmem:v7+s29+$0x0], $0xffff;
	v7 =	vor.u32 v39, v63  }
0x22b: {  	v10 =	vadd.f32 $0.0e+00, v10;
	v1 =	vadd.f32 $0.0e+00, v1;
	v14 =	vmul.f32 v9, v3  }
0x22c: {  	v3 =	vmul.f32 v8, v3;
	v8 =	vmul.f32 v9, v12;
	v12 =	vld.idx.msk [tilespmem:v13+s6+$0x0], $0xffff;
	v13 =	vor.u32 v58, v63  }
0x22d: {  	v9 =	vor.u32 v41, v63;
	v2 =	vadd.f32 v2, v10;
	v1 =	vadd.f32 v4, v1  }
0x22e: {  	v17 =	vld.idx.msk [tilespmem:v17+s29+$0x0], $0xffff;
	v5 =	vsub.f32 v14, v16;
	v10 =	vunpack.i.u.bf16.f32 v11;
	v11 =	vunpack.i.l.bf16.f32 v11  }
0x22f: {  	v3 =	vadd.f32 v8, v3;
	v7 =	vld.idx.msk [tilespmem:v7+s29+$0x0], $0xffff;
	v14 =	vmul.f32 v11, v6;
	v16 =	vmul.f32 v10, v15  }
0x230: {  	v2 =	vadd.f32 v5, v2;
	v5 =	vmul.f32 v10, v6;
	v6 =	vmul.f32 v11, v15  }
0x231: {  	v10 =	vunpack.i.u.bf16.f32 v12;
	v11 =	vunpack.i.l.bf16.f32 v12;
	v12 =	vld.idx.msk [tilespmem:v13+s6+$0x0], $0xffff;
	v13 =	vor.u32 v59, v63  }
0x232: {  	v8 =	vld.idx.msk [tilespmem:v9+s29+$0x0], $0xffff;
	v9 =	vor.u32 v43, v63  }
0x233: {  	v1 =	vadd.f32 v3, v1;
	v4 =	vsub.f32 v14, v16;
	v16 =	vld.idx.msk [tilespmem:v18+s29+$0x0], $0xffff;
	v18 =	vor.u32 v44, v63  }
0x234: {  	v15 =	vmul.f32 v10, v17;
	v14 =	vmul.f32 v11, v7;
	v3 =	vadd.f32 v6, v5  }
0x235: {  	v5 =	vmul.f32 v10, v7;
	v6 =	vmul.f32 v11, v17;
	v2 =	vadd.f32 v4, v2  }
0x236: {  	v10 =	vunpack.i.u.bf16.f32 v12;
	v11 =	vunpack.i.l.bf16.f32 v12;
	v12 =	vld.idx.msk [tilespmem:v13+s6+$0x0], $0xffff;
	v13 =	vor.u32 v60, v63  }
0x237: {  	v7 =	vld.idx.msk [tilespmem:v9+s29+$0x0], $0xffff;
	v9 =	vor.u32 v45, v63;
	v4 =	vsub.f32 v14, v15;
	v1 =	vadd.f32 v3, v1  }
0x238: {  	v3 =	vadd.f32 v6, v5;
	v14 =	vmul.f32 v11, v8;
	v17 =	vld.idx.msk [tilespmem:v18+s29+$0x0], $0xffff;
	v18 =	vor.u32 v47, v63  }
0x239: {  	v6 =	vmul.f32 v10, v8;
	v15 =	vmul.f32 v10, v16;
	v10 =	vor.u32 v61, v63  }
0x23a: {  	v5 =	vor.u32 v48, v63;
	v2 =	vadd.f32 v4, v2  }
0x23b: {  	v8 =	vmul.f32 v11, v16;
	v4 =	vsub.f32 v14, v15;
	v14 =	vor.u32 v49, v63;
	v13 =	vld.idx.msk [tilespmem:v13+s6+$0x0], $0xffff  }
0x23c: {  	v1 =	vadd.f32 v3, v1;
	v9 =	vld.idx.msk [tilespmem:v9+s29+$0x0], $0xffff;
	v11 =	vunpack.i.u.bf16.f32 v12;
	v12 =	vunpack.i.l.bf16.f32 v12  }
0x23d: {  	v3 =	vadd.f32 v8, v6;
	v15 =	vmul.f32 v12, v7;
	v16 =	vmul.f32 v11, v17;
	v18 =	vld.idx.msk [tilespmem:v18+s29+$0x0], $0xffff  }
0x23e: {  	v2 =	vadd.f32 v4, v2;
	v6 =	vmul.f32 v11, v7;
	v8 =	vld.idx.msk [tilespmem:v10+s6+$0x0], $0xffff;
	v10 =	vor.u32 v62, v63  }
0x23f: {  	v5 =	vld.idx.msk [tilespmem:v5+s29+$0x0], $0xffff;
	v7 =	vmul.f32 v12, v17;
	v17 =	vor.u32 v51, v63;
	v4 =	vsub.f32 v15, v16  }
0x240: {  	v11 =	vunpack.i.u.bf16.f32 v13;
	v12 =	vunpack.i.l.bf16.f32 v13;
	v13 =	vld.idx.msk [tilespmem:v14+s29+$0x0], $0xffff;
	v14 =	vor.u32 v50, v63  }
0x241: {  	v1 =	vadd.f32 v3, v1;
	v3 =	vadd.f32 v7, v6  }
0x242: {  	v15 =	vmul.f32 v12, v9;
	v2 =	vadd.f32 v4, v2  }
0x243: {  	v6 =	vmul.f32 v11, v9;
	v1 =	vadd.f32 v3, v1;
	v16 =	vmul.f32 v11, v18;
	v10 =	vld.idx.msk [tilespmem:v10+s6+$0x0], $0xffff  }
0x244: {  	v7 =	vmul.f32 v12, v18;
	v9 =	vunpack.i.u.bf16.f32 v8;
	v8 =	vunpack.i.l.bf16.f32 v8;
	v3 =	vld.idx.msk [tilespmem:v17+s29+$0x0], $0xffff  }
0x245: {  	v11 =	vmul.f32 v8, v5;
	v4 =	vsub.f32 v15, v16;
	v12 =	vmul.f32 v9, v13;
	v14 =	vld.idx.msk [tilespmem:v14+s29+$0x0], $0xffff  }
0x246: {  	v5 =	vmul.f32 v9, v5;
	v15 =	vadd.f32 v7, v6  }
0x247: {  	v2 =	vadd.f32 v4, v2;
	v11 =	vsub.f32 v11, v12;
	v12 =	vmul.f32 v8, v13  }
0x248: {  	v1 =	vadd.f32 v15, v1;
	v4 =	vunpack.i.l.bf16.f32 v10;
	v13 =	vunpack.i.u.bf16.f32 v10  }
0x249: {  	s15 =	sor.u32 $0x1, s11;
	v2 =	vadd.f32 v11, v2;
	v5 =	vadd.f32 v12, v5;
	v12 =	vmul.f32 v13, v3  }
0x24a: {  	v15 =	vmul.f32 v4, v14;
	v6 =	vmul.f32 v13, v14;
	v13 =	vadd.s32 s15, v0  }
0x24b: {  	v3 =	vmul.f32 v4, v3;
	v14 =	vor.u32 v46, v63;
	v9 =	vand.u32 $0xF, v13  }
0x24c: {  	v7 =	vsub.f32 v15, v12;
	v15 =	vor.u32 v52, v63;
	v63 =	vor.u32 s8, v9  }
0x24d: {  	v1 =	vadd.f32 v5, v1;
	v3 =	vadd.f32 v3, v6;
	v11 =	vor.u32 v28, v63  }
0x24e: {  	v12 =	vor.u32 v53, v63;
	v2 =	vadd.f32 v7, v2  }
0x24f: {  	v1 =	vadd.f32 v3, v1;
	v3 =	vor.u32 v32, v63  }
0x250: {  	v13 =	vor.u32 v54, v63;
	[tilespmem:v14+s26+$0x0] =	vst.idx.msk $0xffff, v2  }
0x251: {  	v2 =	vor.u32 v33, v63;
	[tilespmem:v15+s26+$0x0] =	vst.idx.msk $0xffff, v1  }
0x252: {  	v14 =	vor.u32 v34, v63;
	v1 =	vld.idx.msk [tilespmem:v11+s29+$0x0], $0xffff  }
0x253: {  	v4 =	vld.idx.msk [tilespmem:v12+s6+$0x0], $0xffff  }
0x254: {  	v3 =	vld.idx.msk [tilespmem:v3+s29+$0x0], $0xffff  }
0x255: {  	v9 =	vor.u32 v55, v63;
	v5 =	vld.idx.msk [tilespmem:v13+s6+$0x0], $0xffff  }
0x256: {  	v12 =	vor.u32 v36, v63;
	v2 =	vld.idx.msk [tilespmem:v2+s29+$0x0], $0xffff  }
0x257: {  	v7 =	vor.u32 v35, v63;
	v6 =	vld.idx.msk [tilespmem:v14+s29+$0x0], $0xffff  }
0x258: {  	v8 =	vunpack.i.u.bf16.f32 v4;
	v4 =	vunpack.i.l.bf16.f32 v4  }
0x259: {  	v15 =	vor.u32 v38, v63;
	v10 =	vmul.f32 v4, v1;
	v11 =	vmul.f32 v8, v3  }
0x25a: {  	v9 =	vld.idx.msk [tilespmem:v9+s6+$0x0], $0xffff;
	v1 =	vmul.f32 v8, v1;
	v3 =	vmul.f32 v4, v3;
	v8 =	vunpack.i.u.bf16.f32 v5  }
0x25b: {  	v12 =	vld.idx.msk [tilespmem:v12+s29+$0x0], $0xffff;
	v5 =	vunpack.i.l.bf16.f32 v5;
	v10 =	vsub.f32 v10, v11;
	v11 =	vor.u32 v56, v63  }
0x25c: {  	v4 =	vld.idx.msk [tilespmem:v7+s29+$0x0], $0xffff;
	v7 =	vor.u32 v37, v63;
	v13 =	vmul.f32 v5, v2;
	v14 =	vmul.f32 v8, v6;
	_ =	sdelay $0x1  }
0x25d: {  	v1 =	vadd.f32 v3, v1;
	v3 =	vsub.f32 v13, v14;
	v13 =	vor.u32 v57, v63  }
0x25e: {  	v17 =	vor.u32 v40, v63;
	v18 =	vor.u32 v42, v63;
	v15 =	vld.idx.msk [tilespmem:v15+s29+$0x0], $0xffff;
	v2 =	vmul.f32 v8, v2  }
0x25f: {  	v5 =	vmul.f32 v5, v6;
	v8 =	vunpack.i.u.bf16.f32 v9;
	v9 =	vunpack.i.l.bf16.f32 v9;
	v11 =	vld.idx.msk [tilespmem:v11+s6+$0x0], $0xffff  }
0x260: {  	v10 =	vadd.f32 $0.0e+00, v10;
	v16 =	vmul.f32 v8, v12;
	v6 =	vld.idx.msk [tilespmem:v7+s29+$0x0], $0xffff;
	v7 =	vor.u32 v39, v63  }
0x261: {  	v1 =	vadd.f32 $0.0e+00, v1;
	v2 =	vadd.f32 v5, v2;
	v14 =	vmul.f32 v9, v4  }
0x262: {  	v4 =	vmul.f32 v8, v4;
	v8 =	vmul.f32 v9, v12;
	v12 =	vld.idx.msk [tilespmem:v13+s6+$0x0], $0xffff;
	v13 =	vor.u32 v58, v63  }
0x263: {  	v9 =	vor.u32 v41, v63;
	v3 =	vadd.f32 v3, v10;
	v5 =	vsub.f32 v14, v16  }
0x264: {  	v17 =	vld.idx.msk [tilespmem:v17+s29+$0x0], $0xffff;
	v1 =	vadd.f32 v2, v1;
	v10 =	vunpack.i.u.bf16.f32 v11;
	v11 =	vunpack.i.l.bf16.f32 v11  }
0x265: {  	v2 =	vadd.f32 v5, v3;
	v7 =	vld.idx.msk [tilespmem:v7+s29+$0x0], $0xffff;
	v14 =	vmul.f32 v11, v6;
	v16 =	vmul.f32 v10, v15  }
0x266: {  	v3 =	vadd.f32 v8, v4;
	v5 =	vmul.f32 v10, v6;
	v6 =	vmul.f32 v11, v15  }
0x267: {  	v10 =	vunpack.i.u.bf16.f32 v12;
	v11 =	vunpack.i.l.bf16.f32 v12;
	v12 =	vld.idx.msk [tilespmem:v13+s6+$0x0], $0xffff;
	v13 =	vor.u32 v59, v63  }
0x268: {  	v8 =	vld.idx.msk [tilespmem:v9+s29+$0x0], $0xffff;
	v9 =	vor.u32 v43, v63  }
0x269: {  	v1 =	vadd.f32 v3, v1;
	v4 =	vsub.f32 v14, v16;
	v16 =	vld.idx.msk [tilespmem:v18+s29+$0x0], $0xffff;
	v18 =	vor.u32 v44, v63  }
0x26a: {  	v14 =	vmul.f32 v11, v7;
	v15 =	vmul.f32 v10, v17;
	v3 =	vadd.f32 v6, v5  }
0x26b: {  	v5 =	vmul.f32 v10, v7;
	v6 =	vmul.f32 v11, v17;
	v2 =	vadd.f32 v4, v2  }
0x26c: {  	v10 =	vunpack.i.u.bf16.f32 v12;
	v11 =	vunpack.i.l.bf16.f32 v12;
	v12 =	vld.idx.msk [tilespmem:v13+s6+$0x0], $0xffff;
	v13 =	vor.u32 v60, v63  }
0x26d: {  	v7 =	vld.idx.msk [tilespmem:v9+s29+$0x0], $0xffff;
	v9 =	vor.u32 v45, v63;
	v4 =	vsub.f32 v14, v15;
	v1 =	vadd.f32 v3, v1  }
0x26e: {  	v3 =	vadd.f32 v6, v5;
	v14 =	vmul.f32 v11, v8;
	v17 =	vld.idx.msk [tilespmem:v18+s29+$0x0], $0xffff;
	v18 =	vor.u32 v47, v63  }
0x26f: {  	v15 =	vmul.f32 v10, v16;
	v6 =	vmul.f32 v10, v8;
	v10 =	vor.u32 v61, v63  }
0x270: {  	v5 =	vor.u32 v48, v63;
	v2 =	vadd.f32 v4, v2  }
0x271: {  	v8 =	vmul.f32 v11, v16;
	v4 =	vsub.f32 v14, v15;
	v14 =	vor.u32 v49, v63;
	v13 =	vld.idx.msk [tilespmem:v13+s6+$0x0], $0xffff  }
0x272: {  	v1 =	vadd.f32 v3, v1;
	v9 =	vld.idx.msk [tilespmem:v9+s29+$0x0], $0xffff;
	v11 =	vunpack.i.u.bf16.f32 v12;
	v12 =	vunpack.i.l.bf16.f32 v12  }
0x273: {  	v3 =	vadd.f32 v8, v6;
	v15 =	vmul.f32 v12, v7;
	v16 =	vmul.f32 v11, v17;
	v18 =	vld.idx.msk [tilespmem:v18+s29+$0x0], $0xffff  }
0x274: {  	v2 =	vadd.f32 v4, v2;
	v6 =	vmul.f32 v11, v7;
	v8 =	vld.idx.msk [tilespmem:v10+s6+$0x0], $0xffff;
	v10 =	vor.u32 v62, v63  }
0x275: {  	v5 =	vld.idx.msk [tilespmem:v5+s29+$0x0], $0xffff;
	v7 =	vmul.f32 v12, v17;
	v17 =	vor.u32 v51, v63;
	v4 =	vsub.f32 v15, v16  }
0x276: {  	v11 =	vunpack.i.u.bf16.f32 v13;
	v12 =	vunpack.i.l.bf16.f32 v13;
	v13 =	vld.idx.msk [tilespmem:v14+s29+$0x0], $0xffff;
	v14 =	vor.u32 v50, v63  }
0x277: {  	v1 =	vadd.f32 v3, v1;
	v3 =	vadd.f32 v7, v6  }
0x278: {  	v2 =	vadd.f32 v4, v2;
	v15 =	vmul.f32 v12, v9  }
0x279: {  	v1 =	vadd.f32 v3, v1;
	v16 =	vmul.f32 v11, v18;
	v6 =	vmul.f32 v11, v9;
	v10 =	vld.idx.msk [tilespmem:v10+s6+$0x0], $0xffff  }
0x27a: {  	v7 =	vmul.f32 v12, v18;
	v9 =	vunpack.i.u.bf16.f32 v8;
	v8 =	vunpack.i.l.bf16.f32 v8;
	v3 =	vld.idx.msk [tilespmem:v17+s29+$0x0], $0xffff  }
0x27b: {  	v11 =	vmul.f32 v8, v5;
	v4 =	vsub.f32 v15, v16;
	v12 =	vmul.f32 v9, v13;
	v14 =	vld.idx.msk [tilespmem:v14+s29+$0x0], $0xffff  }
0x27c: {  	v5 =	vmul.f32 v9, v5;
	v15 =	vadd.f32 v7, v6  }
0x27d: {  	v2 =	vadd.f32 v4, v2;
	v11 =	vsub.f32 v11, v12;
	v12 =	vmul.f32 v8, v13  }
0x27e: {  	v1 =	vadd.f32 v15, v1;
	v4 =	vunpack.i.l.bf16.f32 v10;
	v13 =	vunpack.i.u.bf16.f32 v10  }
0x27f: {  	s19 =	sor.u32 $0x2, s11;
	v2 =	vadd.f32 v11, v2;
	v5 =	vadd.f32 v12, v5;
	v12 =	vmul.f32 v13, v3  }
0x280: {  	v15 =	vmul.f32 v4, v14;
	v6 =	vmul.f32 v13, v14;
	v13 =	vadd.s32 s19, v0  }
0x281: {  	v3 =	vmul.f32 v4, v3;
	v14 =	vor.u32 v46, v63;
	v9 =	vand.u32 $0xF, v13  }
0x282: {  	v7 =	vsub.f32 v15, v12;
	v15 =	vor.u32 v52, v63;
	v63 =	vor.u32 s8, v9  }
0x283: {  	v1 =	vadd.f32 v5, v1;
	v3 =	vadd.f32 v3, v6;
	v11 =	vor.u32 v28, v63  }
0x284: {  	v12 =	vor.u32 v53, v63;
	v2 =	vadd.f32 v7, v2  }
0x285: {  	v1 =	vadd.f32 v3, v1;
	v3 =	vor.u32 v32, v63  }
0x286: {  	v13 =	vor.u32 v54, v63;
	[tilespmem:v14+s26+$0x0] =	vst.idx.msk $0xffff, v2  }
0x287: {  	v2 =	vor.u32 v33, v63;
	[tilespmem:v15+s26+$0x0] =	vst.idx.msk $0xffff, v1  }
0x288: {  	v14 =	vor.u32 v34, v63;
	v1 =	vld.idx.msk [tilespmem:v11+s29+$0x0], $0xffff  }
0x289: {  	v4 =	vld.idx.msk [tilespmem:v12+s6+$0x0], $0xffff  }
0x28a: {  	v3 =	vld.idx.msk [tilespmem:v3+s29+$0x0], $0xffff  }
0x28b: {  	v9 =	vor.u32 v55, v63;
	v5 =	vld.idx.msk [tilespmem:v13+s6+$0x0], $0xffff  }
0x28c: {  	v12 =	vor.u32 v36, v63;
	v2 =	vld.idx.msk [tilespmem:v2+s29+$0x0], $0xffff  }
0x28d: {  	v7 =	vor.u32 v35, v63;
	v6 =	vld.idx.msk [tilespmem:v14+s29+$0x0], $0xffff  }
0x28e: {  	v8 =	vunpack.i.u.bf16.f32 v4;
	v4 =	vunpack.i.l.bf16.f32 v4  }
0x28f: {  	v15 =	vor.u32 v38, v63;
	v10 =	vmul.f32 v4, v1;
	v11 =	vmul.f32 v8, v3  }
0x290: {  	v9 =	vld.idx.msk [tilespmem:v9+s6+$0x0], $0xffff;
	v1 =	vmul.f32 v8, v1;
	v3 =	vmul.f32 v4, v3;
	v8 =	vunpack.i.u.bf16.f32 v5  }
0x291: {  	v12 =	vld.idx.msk [tilespmem:v12+s29+$0x0], $0xffff;
	v5 =	vunpack.i.l.bf16.f32 v5;
	v10 =	vsub.f32 v10, v11;
	v11 =	vor.u32 v56, v63  }
0x292: {  	v4 =	vld.idx.msk [tilespmem:v7+s29+$0x0], $0xffff;
	v7 =	vor.u32 v37, v63;
	v13 =	vmul.f32 v5, v2;
	v14 =	vmul.f32 v8, v6;
	_ =	sdelay $0x1  }
0x293: {  	v1 =	vadd.f32 v3, v1;
	v3 =	vsub.f32 v13, v14;
	v13 =	vor.u32 v57, v63  }
0x294: {  	v17 =	vor.u32 v40, v63;
	v18 =	vor.u32 v42, v63;
	v15 =	vld.idx.msk [tilespmem:v15+s29+$0x0], $0xffff;
	v2 =	vmul.f32 v8, v2  }
0x295: {  	v5 =	vmul.f32 v5, v6;
	v8 =	vunpack.i.u.bf16.f32 v9;
	v9 =	vunpack.i.l.bf16.f32 v9;
	v11 =	vld.idx.msk [tilespmem:v11+s6+$0x0], $0xffff  }
0x296: {  	v10 =	vadd.f32 $0.0e+00, v10;
	v16 =	vmul.f32 v8, v12;
	v6 =	vld.idx.msk [tilespmem:v7+s29+$0x0], $0xffff;
	v7 =	vor.u32 v39, v63  }
0x297: {  	v1 =	vadd.f32 $0.0e+00, v1;
	v2 =	vadd.f32 v5, v2;
	v14 =	vmul.f32 v9, v4  }
0x298: {  	v4 =	vmul.f32 v8, v4;
	v8 =	vmul.f32 v9, v12;
	v12 =	vld.idx.msk [tilespmem:v13+s6+$0x0], $0xffff;
	v13 =	vor.u32 v58, v63  }
0x299: {  	v9 =	vor.u32 v41, v63;
	v3 =	vadd.f32 v3, v10;
	v5 =	vsub.f32 v14, v16  }
0x29a: {  	v17 =	vld.idx.msk [tilespmem:v17+s29+$0x0], $0xffff;
	v1 =	vadd.f32 v2, v1;
	v10 =	vunpack.i.u.bf16.f32 v11;
	v11 =	vunpack.i.l.bf16.f32 v11  }
0x29b: {  	v2 =	vadd.f32 v5, v3;
	v7 =	vld.idx.msk [tilespmem:v7+s29+$0x0], $0xffff;
	v14 =	vmul.f32 v11, v6;
	v16 =	vmul.f32 v10, v15  }
0x29c: {  	v3 =	vadd.f32 v8, v4;
	v5 =	vmul.f32 v10, v6;
	v6 =	vmul.f32 v11, v15  }
0x29d: {  	v10 =	vunpack.i.u.bf16.f32 v12;
	v11 =	vunpack.i.l.bf16.f32 v12;
	v12 =	vld.idx.msk [tilespmem:v13+s6+$0x0], $0xffff;
	v13 =	vor.u32 v59, v63  }
0x29e: {  	v8 =	vld.idx.msk [tilespmem:v9+s29+$0x0], $0xffff;
	v9 =	vor.u32 v43, v63  }
0x29f: {  	v1 =	vadd.f32 v3, v1;
	v4 =	vsub.f32 v14, v16;
	v16 =	vld.idx.msk [tilespmem:v18+s29+$0x0], $0xffff;
	v18 =	vor.u32 v44, v63  }
0x2a0: {  	v14 =	vmul.f32 v11, v7;
	v15 =	vmul.f32 v10, v17;
	v3 =	vadd.f32 v6, v5  }
0x2a1: {  	v5 =	vmul.f32 v10, v7;
	v6 =	vmul.f32 v11, v17;
	v2 =	vadd.f32 v4, v2  }
0x2a2: {  	v10 =	vunpack.i.u.bf16.f32 v12;
	v11 =	vunpack.i.l.bf16.f32 v12;
	v12 =	vld.idx.msk [tilespmem:v13+s6+$0x0], $0xffff;
	v13 =	vor.u32 v60, v63  }
0x2a3: {  	v7 =	vld.idx.msk [tilespmem:v9+s29+$0x0], $0xffff;
	v9 =	vor.u32 v45, v63;
	v4 =	vsub.f32 v14, v15;
	v1 =	vadd.f32 v3, v1  }
0x2a4: {  	v3 =	vadd.f32 v6, v5;
	v14 =	vmul.f32 v11, v8;
	v17 =	vld.idx.msk [tilespmem:v18+s29+$0x0], $0xffff;
	v18 =	vor.u32 v47, v63  }
0x2a5: {  	v15 =	vmul.f32 v10, v16;
	v6 =	vmul.f32 v10, v8;
	v10 =	vor.u32 v61, v63  }
0x2a6: {  	v5 =	vor.u32 v48, v63;
	v2 =	vadd.f32 v4, v2  }
0x2a7: {  	v8 =	vmul.f32 v11, v16;
	v4 =	vsub.f32 v14, v15;
	v14 =	vor.u32 v49, v63;
	v13 =	vld.idx.msk [tilespmem:v13+s6+$0x0], $0xffff  }
0x2a8: {  	v1 =	vadd.f32 v3, v1;
	v9 =	vld.idx.msk [tilespmem:v9+s29+$0x0], $0xffff;
	v11 =	vunpack.i.u.bf16.f32 v12;
	v12 =	vunpack.i.l.bf16.f32 v12  }
0x2a9: {  	v3 =	vadd.f32 v8, v6;
	v15 =	vmul.f32 v12, v7;
	v16 =	vmul.f32 v11, v17;
	v18 =	vld.idx.msk [tilespmem:v18+s29+$0x0], $0xffff  }
0x2aa: {  	v2 =	vadd.f32 v4, v2;
	v6 =	vmul.f32 v11, v7;
	v8 =	vld.idx.msk [tilespmem:v10+s6+$0x0], $0xffff;
	v10 =	vor.u32 v62, v63  }
0x2ab: {  	v5 =	vld.idx.msk [tilespmem:v5+s29+$0x0], $0xffff;
	v7 =	vmul.f32 v12, v17;
	v17 =	vor.u32 v51, v63;
	v4 =	vsub.f32 v15, v16  }
0x2ac: {  	v11 =	vunpack.i.u.bf16.f32 v13;
	v12 =	vunpack.i.l.bf16.f32 v13;
	v13 =	vld.idx.msk [tilespmem:v14+s29+$0x0], $0xffff;
	v14 =	vor.u32 v50, v63  }
0x2ad: {  	v1 =	vadd.f32 v3, v1;
	v3 =	vadd.f32 v7, v6  }
0x2ae: {  	v2 =	vadd.f32 v4, v2;
	v15 =	vmul.f32 v12, v9  }
0x2af: {  	v1 =	vadd.f32 v3, v1;
	v16 =	vmul.f32 v11, v18;
	v6 =	vmul.f32 v11, v9;
	v10 =	vld.idx.msk [tilespmem:v10+s6+$0x0], $0xffff  }
0x2b0: {  	v7 =	vmul.f32 v12, v18;
	v9 =	vunpack.i.u.bf16.f32 v8;
	v8 =	vunpack.i.l.bf16.f32 v8;
	v3 =	vld.idx.msk [tilespmem:v17+s29+$0x0], $0xffff  }
0x2b1: {  	v11 =	vmul.f32 v8, v5;
	v4 =	vsub.f32 v15, v16;
	v12 =	vmul.f32 v9, v13;
	v14 =	vld.idx.msk [tilespmem:v14+s29+$0x0], $0xffff  }
0x2b2: {  	v5 =	vmul.f32 v9, v5;
	v15 =	vadd.f32 v7, v6  }
0x2b3: {  	v2 =	vadd.f32 v4, v2;
	v11 =	vsub.f32 v11, v12;
	v12 =	vmul.f32 v8, v13  }
0x2b4: {  	v1 =	vadd.f32 v15, v1;
	v4 =	vunpack.i.l.bf16.f32 v10;
	v13 =	vunpack.i.u.bf16.f32 v10  }
0x2b5: {  	s11 =	sor.u32 $0x3, s11;
	v2 =	vadd.f32 v11, v2;
	v5 =	vadd.f32 v12, v5;
	v12 =	vmul.f32 v13, v3  }
0x2b6: {  	v15 =	vmul.f32 v4, v14;
	v6 =	vmul.f32 v13, v14;
	v13 =	vadd.s32 s11, v0  }
0x2b7: {  	v3 =	vmul.f32 v4, v3;
	v14 =	vor.u32 v46, v63;
	v9 =	vand.u32 $0xF, v13  }
0x2b8: {  	v7 =	vsub.f32 v15, v12;
	v15 =	vor.u32 v52, v63;
	v63 =	vor.u32 s8, v9  }
0x2b9: {  	v1 =	vadd.f32 v5, v1;
	v3 =	vadd.f32 v3, v6;
	v12 =	vor.u32 v53, v63  }
0x2ba: {  	v11 =	vor.u32 v28, v63;
	v2 =	vadd.f32 v7, v2  }
0x2bb: {  	v1 =	vadd.f32 v3, v1;
	v3 =	vor.u32 v32, v63  }
0x2bc: {  	v13 =	vor.u32 v54, v63;
	[tilespmem:v14+s26+$0x0] =	vst.idx.msk $0xffff, v2  }
0x2bd: {  	v2 =	vor.u32 v33, v63;
	[tilespmem:v15+s26+$0x0] =	vst.idx.msk $0xffff, v1  }
0x2be: {  	v14 =	vor.u32 v34, v63;
	v4 =	vld.idx.msk [tilespmem:v12+s6+$0x0], $0xffff  }
0x2bf: {  	v9 =	vor.u32 v55, v63;
	v1 =	vld.idx.msk [tilespmem:v11+s29+$0x0], $0xffff  }
0x2c0: {  	v7 =	vor.u32 v35, v63;
	v3 =	vld.idx.msk [tilespmem:v3+s29+$0x0], $0xffff  }
0x2c1: {  	v5 =	vld.idx.msk [tilespmem:v13+s6+$0x0], $0xffff  }
0x2c2: {  	v12 =	vor.u32 v36, v63;
	v2 =	vld.idx.msk [tilespmem:v2+s29+$0x0], $0xffff  }
0x2c3: {  	v6 =	vld.idx.msk [tilespmem:v14+s29+$0x0], $0xffff;
	v8 =	vunpack.i.u.bf16.f32 v4;
	v4 =	vunpack.i.l.bf16.f32 v4  }
0x2c4: {  	v9 =	vld.idx.msk [tilespmem:v9+s6+$0x0], $0xffff;
	v10 =	vmul.f32 v4, v1  }
0x2c5: {  	v11 =	vmul.f32 v8, v3;
	v3 =	vmul.f32 v4, v3;
	v4 =	vld.idx.msk [tilespmem:v7+s29+$0x0], $0xffff;
	v7 =	vor.u32 v37, v63  }
0x2c6: {  	v15 =	vor.u32 v38, v63;
	v1 =	vmul.f32 v8, v1  }
0x2c7: {  	v12 =	vld.idx.msk [tilespmem:v12+s29+$0x0], $0xffff;
	v8 =	vunpack.i.u.bf16.f32 v5;
	v5 =	vunpack.i.l.bf16.f32 v5;
	v10 =	vsub.f32 v10, v11  }
0x2c8: {  	v11 =	vor.u32 v56, v63;
	v13 =	vmul.f32 v5, v2;
	v14 =	vmul.f32 v8, v6  }
0x2c9: {  	v1 =	vadd.f32 v3, v1;
	v2 =	vmul.f32 v8, v2;
	v5 =	vmul.f32 v5, v6  }
0x2ca: {  	v8 =	vunpack.i.u.bf16.f32 v9;
	v9 =	vunpack.i.l.bf16.f32 v9;
	v6 =	vld.idx.msk [tilespmem:v7+s29+$0x0], $0xffff;
	v7 =	vor.u32 v57, v63  }
0x2cb: {  	v10 =	vadd.f32 $0.0e+00, v10;
	v3 =	vsub.f32 v13, v14;
	v13 =	vor.u32 v39, v63  }
0x2cc: {  	v14 =	vor.u32 v40, v63;
	v17 =	vmul.f32 v8, v12;
	v16 =	vmul.f32 v9, v4  }
0x2cd: {  	v1 =	vadd.f32 $0.0e+00, v1;
	v2 =	vadd.f32 v5, v2;
	v4 =	vmul.f32 v8, v4;
	v11 =	vld.idx.msk [tilespmem:v11+s6+$0x0], $0xffff  }
0x2ce: {  	v15 =	vld.idx.msk [tilespmem:v15+s29+$0x0], $0xffff;
	v8 =	vmul.f32 v9, v12;
	v3 =	vadd.f32 v3, v10;
	v5 =	vsub.f32 v16, v17  }
0x2cf: {  	v9 =	vor.u32 v58, v63;
	v1 =	vadd.f32 v2, v1;
	v7 =	vld.idx.msk [tilespmem:v7+s6+$0x0], $0xffff  }
0x2d0: {  	v10 =	vld.idx.msk [tilespmem:v13+s29+$0x0], $0xffff;
	v13 =	vor.u32 v41, v63;
	v2 =	vadd.f32 v5, v3;
	v3 =	vadd.f32 v8, v4  }
0x2d1: {  	v16 =	vor.u32 v42, v63;
	v14 =	vld.idx.msk [tilespmem:v14+s29+$0x0], $0xffff  }
0x2d2: {  	v1 =	vadd.f32 v3, v1;
	v12 =	vunpack.i.u.bf16.f32 v11;
	v11 =	vunpack.i.l.bf16.f32 v11  }
0x2d3: {  	v3 =	vor.u32 v59, v63;
	v17 =	vmul.f32 v11, v6;
	v18 =	vmul.f32 v12, v15  }
0x2d4: {  	v9 =	vld.idx.msk [tilespmem:v9+s6+$0x0], $0xffff;
	v8 =	vmul.f32 v11, v15;
	v11 =	vunpack.i.u.bf16.f32 v7;
	v7 =	vunpack.i.l.bf16.f32 v7  }
0x2d5: {  	v5 =	vmul.f32 v12, v6;
	v6 =	vld.idx.msk [tilespmem:v13+s29+$0x0], $0xffff;
	v4 =	vsub.f32 v17, v18;
	v12 =	vmul.f32 v7, v10  }
0x2d6: {  	v15 =	vld.idx.msk [tilespmem:v16+s29+$0x0], $0xffff;
	v16 =	vor.u32 v43, v63;
	v13 =	vmul.f32 v11, v14;
	v10 =	vmul.f32 v11, v10  }
0x2d7: {  	v2 =	vadd.f32 v4, v2;
	v4 =	vadd.f32 v8, v5;
	v8 =	vor.u32 v44, v63  }
0x2d8: {  	v7 =	vmul.f32 v7, v14;
	v11 =	vor.u32 v45, v63;
	v5 =	vsub.f32 v12, v13  }
0x2d9: {  	v12 =	vunpack.i.u.bf16.f32 v9;
	v9 =	vunpack.i.l.bf16.f32 v9;
	v13 =	vor.u32 v60, v63  }
0x2da: {  	v18 =	vor.u32 v47, v63;
	v3 =	vld.idx.msk [tilespmem:v3+s6+$0x0], $0xffff;
	v14 =	vmul.f32 v9, v6  }
0x2db: {  	v16 =	vld.idx.msk [tilespmem:v16+s29+$0x0], $0xffff;
	v17 =	vmul.f32 v12, v15;
	v1 =	vadd.f32 v4, v1;
	v4 =	vadd.f32 v7, v10  }
0x2dc: {  	v6 =	vmul.f32 v12, v6;
	v9 =	vmul.f32 v9, v15;
	v12 =	vor.u32 v49, v63;
	v7 =	vld.idx.msk [tilespmem:v8+s29+$0x0], $0xffff  }
0x2dd: {  	v2 =	vadd.f32 v5, v2;
	v5 =	vsub.f32 v14, v17;
	v10 =	vld.idx.msk [tilespmem:v11+s29+$0x0], $0xffff;
	v11 =	vor.u32 v61, v63  }
0x2de: {  	v1 =	vadd.f32 v4, v1;
	v8 =	vor.u32 v48, v63;
	v4 =	vld.idx.msk [tilespmem:v13+s6+$0x0], $0xffff  }
0x2df: {  	v2 =	vadd.f32 v5, v2;
	v5 =	vadd.f32 v9, v6;
	v6 =	vld.idx.msk [tilespmem:v18+s29+$0x0], $0xffff;
	v9 =	vor.u32 v50, v63  }
0x2e0: {  	v14 =	vor.u32 v62, v63;
	v13 =	vunpack.i.u.bf16.f32 v3;
	v3 =	vunpack.i.l.bf16.f32 v3  }
0x2e1: {  	v18 =	vor.u32 v51, v63;
	v15 =	vmul.f32 v3, v16;
	v12 =	vld.idx.msk [tilespmem:v12+s29+$0x0], $0xffff;
	v17 =	vmul.f32 v13, v7  }
0x2e2: {  	v1 =	vadd.f32 v5, v1;
	v5 =	vmul.f32 v13, v16;
	v3 =	vmul.f32 v3, v7;
	v7 =	vld.idx.msk [tilespmem:v11+s6+$0x0], $0xffff  }
0x2e3: {  	v8 =	vld.idx.msk [tilespmem:v8+s29+$0x0], $0xffff;
	v13 =	vunpack.i.u.bf16.f32 v4;
	v4 =	vunpack.i.l.bf16.f32 v4;
	v11 =	vsub.f32 v15, v17  }
0x2e4: {  	v9 =	vld.idx.msk [tilespmem:v9+s29+$0x0], $0xffff;
	v3 =	vadd.f32 v3, v5;
	v5 =	vmul.f32 v4, v10;
	v15 =	vmul.f32 v13, v6  }
0x2e5: {  	v10 =	vmul.f32 v13, v10;
	v4 =	vmul.f32 v4, v6;
	v6 =	vld.idx.msk [tilespmem:v14+s6+$0x0], $0xffff;
	v2 =	vadd.f32 v11, v2  }
0x2e6: {  	v1 =	vadd.f32 v3, v1;
	v3 =	vsub.f32 v5, v15;
	v5 =	vld.idx.msk [tilespmem:v18+s29+$0x0], $0xffff  }
0x2e7: {  	v4 =	vadd.f32 v4, v10;
	v15 =	vunpack.i.u.bf16.f32 v7;
	v7 =	vunpack.i.l.bf16.f32 v7  }
0x2e8: {  	v2 =	vadd.f32 v3, v2;
	v3 =	vmul.f32 v7, v8;
	v13 =	vmul.f32 v15, v12  }
0x2e9: {  	v1 =	vadd.f32 v4, v1;
	v14 =	vmul.f32 v15, v8;
	v7 =	vmul.f32 v7, v12  }
0x2ea: {  	v15 =	vunpack.i.u.bf16.f32 v6;
	v6 =	vunpack.i.l.bf16.f32 v6;
	v3 =	vsub.f32 v3, v13  }
0x2eb: {  	v4 =	vadd.f32 v7, v14;
	v12 =	vmul.f32 v6, v9;
	v13 =	vmul.f32 v15, v5  }
0x2ec: {  	v8 =	vmul.f32 v15, v9;
	v14 =	vor.u32 v46, v63;
	v5 =	vmul.f32 v6, v5  }
0x2ed: {  	p0 =	slt.u32 s9, $0x3C;
	v15 =	vor.u32 v52, v63;
	v2 =	vadd.f32 v3, v2;
	v3 =	vsub.f32 v12, v13  }
.Ltmp5:
0x2ee: {  	v1 =	vadd.f32 v4, v1;
	v63 =	vadd.f32 v5, v8;
	(pc) =	sbr.rel @p0 .LBB2_11-.Ltmp5, $4  }
0x2ef: {  	v2 =	vadd.f32 v3, v2  }
0x2f0: {  	v1 =	vadd.f32 v63, v1  }
0x2f1: {  	[tilespmem:v14+s26+$0x0] =	vst.idx.msk $0xffff, v2  }
0x2f2: {  	[tilespmem:v15+s26+$0x0] =	vst.idx.msk $0xffff, v1  }
0x2f3: {  	s13 =	sadd.s32 $0x1, s13  }
0x2f4: {  	p0 =	sne.s32 s13, $0x20  }
.Ltmp6:
0x2f5: {  	s8 =	sadd.s32 s10, s14;
	(pc) =	sbr.rel @p0 .LBB2_4-.Ltmp6, $4  }
0x2f6: {  	s8 =	sshll.u32 s8, $0x8  }
0x2f7: {  	s8 =	sand.u32 $0x1FFFFF00, s8  }
0x2f8: {  	s8 =	sadd.s32 s5, s8  }
0x2f9: {  	[hbm4b:s8+s6] =	stream.linear.scatter [tilespmem:s26], [sflag:$0x4], $0x800, $0x38;
	[tilespmem:$0x1D180] =	vst v63  }
0x2fa: {  	_ =	swait.ge [sflag:s21], $0x800  }
0x2fb: {  	[sflag:s21] =	ssyncset.done $0x0  }
0x2fc: {  	[sflag:s21] =	ssyncadd.s32 $0xFFFFF800  }
0x2fd: {  	_ =	swait.ge [sflag:s2], $0x800  }
0x2fe: {  	[sflag:s2] =	ssyncset.done $0x0  }
0x2ff: {  	s11 =	simm.s32 $0x1CD80;
	[sflag:s2] =	ssyncadd.s32 $0xFFFFF800  }
0x300: {  	[tilespmem:s25], [sflag:$0x1] =	stream.indirect.gather [hbm4b:s3+s7], $0x80, s11, s7, $0xb8;
	[tilespmem:$0x1D180] =	vst v63  }
0x301: {  	s8 =	simm.s32 $0x1CDC0;
	s9 =	simm.s32 $0x13D80  }
0x302: {  	[tilespmem:s9], [sflag:$0x1] =	stream.indirect.gather [hbm4b:s3+s7], $0x80, s8, s7, $0xb8;
	[tilespmem:$0x1D180] =	vst v63  }
0x303: {  	s15 =	simm.s32 $0x1CE00  }
0x304: {  	[tilespmem:s29], [sflag:$0x2] =	stream.indirect.gather [hbm4b:s3+s7], $0x80, s15, s7, $0xb8;
	[tilespmem:$0x1D180] =	vst v63  }
0x305: {  	s16 =	simm.s32 $0x1CE40;
	s13 =	simm.s32 $0x18D80  }
0x306: {  	[tilespmem:s13], [sflag:$0x2] =	stream.indirect.gather [hbm4b:s3+s7], $0x80, s16, s7, $0xb8;
	[tilespmem:$0x1D180] =	vst v63  }
0x307: {  	_ =	swait.ge [sflag:s31], $0x4000  }
0x308: {  	[sflag:s31] =	ssyncset.done $0x0  }
0x309: {  	s17 =	rddreg [dreg:$0xa];
	[sflag:s31] =	ssyncadd.s32 $0xFFFFC000  }
0x30a: {  	[hbm4b:s17+s6] =	stream.linear.scatter [tilespmem:s25], [sflag:$0x3], $0x4000, $0x38;
	[tilespmem:$0x1D180] =	vst v63  }
0x30b: {  	_ =	swait.ge [sflag:s21], $0x4000  }
0x30c: {  	[sflag:s21] =	ssyncset.done $0x0  }
0x30d: {  	s18 =	simm.s32 $0x1CE80;
	[sflag:s21] =	ssyncadd.s32 $0xFFFFC000  }
0x30e: {  	[tilespmem:s25], [sflag:$0x1] =	stream.indirect.gather [hbm4b:s3+s7], $0x80, s18, s7, $0xb8;
	[tilespmem:$0x1D180] =	vst v63  }
0x30f: {  	s19 =	simm.s32 $0x1CEC0  }
0x310: {  	[tilespmem:s9], [sflag:$0x1] =	stream.indirect.gather [hbm4b:s3+s7], $0x80, s19, s7, $0xb8;
	[tilespmem:$0x1D180] =	vst v63  }
0x311: {  	_ =	swait.ge [sflag:s4], $0x4000  }
0x312: {  	[sflag:s4] =	ssyncset.done $0x0  }
0x313: {  	s14 =	rddreg [dreg:$0xc];
	[sflag:s4] =	ssyncadd.s32 $0xFFFFC000  }
0x314: {  	[hbm4b:s14+s6] =	stream.linear.scatter [tilespmem:s29], [sflag:$0x4], $0x4000, $0x38;
	[tilespmem:$0x1D180] =	vst v63  }
0x315: {  	_ =	swait.ge [sflag:s2], $0x4000  }
0x316: {  	[sflag:s2] =	ssyncset.done $0x0  }
0x317: {  	s15 =	simm.s32 $0x1CF00;
	[sflag:s2] =	ssyncadd.s32 $0xFFFFC000  }
0x318: {  	[tilespmem:s29], [sflag:$0x2] =	stream.indirect.gather [hbm4b:s3+s7], $0x80, s15, s7, $0xb8;
	[tilespmem:$0x1D180] =	vst v63  }
0x319: {  	s16 =	simm.s32 $0x1CF40  }
0x31a: {  	[tilespmem:s13], [sflag:$0x2] =	stream.indirect.gather [hbm4b:s3+s7], $0x80, s16, s7, $0xb8;
	[tilespmem:$0x1D180] =	vst v63  }
0x31b: {  	_ =	swait.ge [sflag:s31], $0x4000  }
0x31c: {  	[sflag:s31] =	ssyncset.done $0x0  }
0x31d: {  	s17 =	rddreg [dreg:$0xd];
	[sflag:s31] =	ssyncadd.s32 $0xFFFFC000  }
0x31e: {  	[hbm4b:s17+s6] =	stream.linear.scatter [tilespmem:s25], [sflag:$0x3], $0x4000, $0x38;
	[tilespmem:$0x1D180] =	vst v63  }
0x31f: {  	_ =	swait.ge [sflag:s21], $0x4000  }
0x320: {  	[sflag:s21] =	ssyncset.done $0x0  }
0x321: {  	s18 =	simm.s32 $0x1CF80;
	[sflag:s21] =	ssyncadd.s32 $0xFFFFC000  }
0x322: {  	[tilespmem:s25], [sflag:$0x1] =	stream.indirect.gather [hbm4b:s3+s7], $0x80, s18, s7, $0xb8;
	[tilespmem:$0x1D180] =	vst v63  }
0x323: {  	s19 =	simm.s32 $0x1CFC0  }
0x324: {  	[tilespmem:s9], [sflag:$0x1] =	stream.indirect.gather [hbm4b:s3+s7], $0x80, s19, s7, $0xb8;
	[tilespmem:$0x1D180] =	vst v63  }
0x325: {  	_ =	swait.ge [sflag:s4], $0x4000  }
0x326: {  	[sflag:s4] =	ssyncset.done $0x0  }
0x327: {  	s14 =	rddreg [dreg:$0xe];
	[sflag:s4] =	ssyncadd.s32 $0xFFFFC000  }
0x328: {  	[hbm4b:s14+s6] =	stream.linear.scatter [tilespmem:s29], [sflag:$0x4], $0x4000, $0x38;
	[tilespmem:$0x1D180] =	vst v63  }
0x329: {  	_ =	swait.ge [sflag:s2], $0x4000  }
0x32a: {  	[sflag:s2] =	ssyncset.done $0x0  }
0x32b: {  	s15 =	simm.s32 $0x1D000;
	[sflag:s2] =	ssyncadd.s32 $0xFFFFC000  }
0x32c: {  	[tilespmem:s29], [sflag:$0x2] =	stream.indirect.gather [hbm4b:s3+s7], $0x80, s15, s7, $0xb8;
	[tilespmem:$0x1D180] =	vst v63  }
0x32d: {  	s16 =	simm.s32 $0x1D040  }
0x32e: {  	[tilespmem:s13], [sflag:$0x2] =	stream.indirect.gather [hbm4b:s3+s7], $0x80, s16, s7, $0xb8;
	[tilespmem:$0x1D180] =	vst v63  }
0x32f: {  	_ =	swait.ge [sflag:s31], $0x4000  }
0x330: {  	[sflag:s31] =	ssyncset.done $0x0  }
0x331: {  	s17 =	rddreg [dreg:$0xf];
	[sflag:s31] =	ssyncadd.s32 $0xFFFFC000  }
0x332: {  	[hbm4b:s17+s6] =	stream.linear.scatter [tilespmem:s25], [sflag:$0x3], $0x4000, $0x38;
	[tilespmem:$0x1D180] =	vst v63  }
0x333: {  	_ =	swait.ge [sflag:s21], $0x4000  }
0x334: {  	[sflag:s21] =	ssyncset.done $0x0  }
0x335: {  	s18 =	simm.s32 $0x1D080;
	[sflag:s21] =	ssyncadd.s32 $0xFFFFC000  }
0x336: {  	[tilespmem:s25], [sflag:$0x1] =	stream.indirect.gather [hbm4b:s3+s7], $0x80, s18, s7, $0xb8;
	[tilespmem:$0x1D180] =	vst v63  }
0x337: {  	s19 =	simm.s32 $0x1D0C0  }
0x338: {  	[tilespmem:s9], [sflag:$0x1] =	stream.indirect.gather [hbm4b:s3+s7], $0x80, s19, s7, $0xb8;
	[tilespmem:$0x1D180] =	vst v63  }
0x339: {  	_ =	swait.ge [sflag:s4], $0x4000  }
0x33a: {  	[sflag:s4] =	ssyncset.done $0x0  }
0x33b: {  	s14 =	rddreg [dreg:$0x10];
	[sflag:s4] =	ssyncadd.s32 $0xFFFFC000  }
0x33c: {  	[hbm4b:s14+s6] =	stream.linear.scatter [tilespmem:s29], [sflag:$0x4], $0x4000, $0x38;
	[tilespmem:$0x1D180] =	vst v63  }
0x33d: {  	_ =	swait.ge [sflag:s2], $0x4000  }
0x33e: {  	[sflag:s2] =	ssyncset.done $0x0  }
0x33f: {  	s15 =	simm.s32 $0x1D100;
	[sflag:s2] =	ssyncadd.s32 $0xFFFFC000  }
0x340: {  	[tilespmem:s29], [sflag:$0x2] =	stream.indirect.gather [hbm4b:s3+s7], $0x80, s15, s7, $0xb8;
	[tilespmem:$0x1D180] =	vst v63  }
0x341: {  	s16 =	simm.s32 $0x1D140  }
0x342: {  	[tilespmem:s13], [sflag:$0x2] =	stream.indirect.gather [hbm4b:s3+s7], $0x80, s16, s7, $0xb8;
	[tilespmem:$0x1D180] =	vst v63  }
0x343: {  	_ =	swait.ge [sflag:s31], $0x4000  }
0x344: {  	[sflag:s31] =	ssyncset.done $0x0  }
0x345: {  	s17 =	rddreg [dreg:$0x11];
	[sflag:s31] =	ssyncadd.s32 $0xFFFFC000  }
0x346: {  	[hbm4b:s17+s6] =	stream.linear.scatter [tilespmem:s25], [sflag:$0x3], $0x4000, $0x38;
	[tilespmem:$0x1D180] =	vst v63  }
0x347: {  	_ =	swait.ge [sflag:s4], $0x4000  }
0x348: {  	[sflag:s4] =	ssyncset.done $0x0  }
0x349: {  	s18 =	rddreg [dreg:$0x12];
	[sflag:s4] =	ssyncadd.s32 $0xFFFFC000  }
0x34a: {  	[hbm4b:s18+s6] =	stream.linear.scatter [tilespmem:s29], [sflag:$0x4], $0x4000, $0x38;
	[tilespmem:$0x1D180] =	vst v63  }
0x34b: {  	_ =	swait.ge [sflag:s21], $0x4000  }
0x34c: {  	[sflag:s21] =	ssyncset.done $0x0  }
0x34d: {  	[sflag:s21] =	ssyncadd.s32 $0xFFFFC000  }
0x34e: {  	_ =	swait.ge [sflag:s2], $0x4000  }
0x34f: {  	v1 =	vld [tilespmem:$0x1FEE0]  }
0x350: {  	v2 =	vld [tilespmem:$0x1FEF0]  }
0x351: {  	v3 =	vld [tilespmem:$0x1FF00]  }
0x352: {  	v4 =	vld [tilespmem:$0x1FF10]  }
0x353: {  	v5 =	vld [tilespmem:$0x1FF20]  }
0x354: {  	v6 =	vld [tilespmem:$0x1FF30]  }
0x355: {  	v7 =	vld [tilespmem:$0x1FF40]  }
0x356: {  	v8 =	vld [tilespmem:$0x1FF50]  }
0x357: {  	v9 =	vld [tilespmem:$0x1FF60]  }
0x358: {  	v10 =	vld [tilespmem:$0x1FF70]  }
0x359: {  	v11 =	vld [tilespmem:$0x1FF80]  }
0x35a: {  	s12 =	sadd.s32 $0x1, s12;
	s19 =	rddreg [dreg:$0xb];
	v12 =	vld [tilespmem:$0x1FF90]  }
0x35b: {  	v13 =	vld [tilespmem:$0x1FFA0];
	p0 =	sne.s32 s12, s19  }
.Ltmp7:
0x35c: {  	v14 =	vld [tilespmem:$0x1FFB0];
	(pc) =	sbr.rel @p0 .LBB2_1-.Ltmp7, $4  }
0x35d: {  	v15 =	vld [tilespmem:$0x1FFC0]  }
0x35e: {  	v16 =	vld [tilespmem:$0x1FFD0]  }
0x35f: {  	[sflag:s2] =	ssyncset.done $0x0;
	v17 =	vld [tilespmem:$0x1FFE0]  }
0x360: {  	v18 =	vld [tilespmem:$0x1FFF0];
	[sflag:s2] =	ssyncadd.s32 $0xFFFFC000  }
0x361: {  	_ =	sfence.sel $0x180000  }
0x362: {  	[bflag:$0x0] =	sbarrier.arrive $0xFFFF  }
0x363: {  	_ =	strace $0x90000047  }
0x364: {  	s0 =	stileid.u32;
	[bflag:$0x2] =	sbarrier.arrive $0xFFFF  }
0x365: {  	p0 =	sne.s32 s0, $0x0;
	s0 =	rddreg [dreg:$0x7]  }
0x366: {  	s0 =	sadd.s32 @!p0 $0x100000, s0  }
0x367: {  	[sflag:s0] =	ssyncadd.tile.s32 @!p0 $0x1;
	_ =	shalt  }
.Lfunc_end2:
_tile_overlayer_lowered:
.L_overlay_start_2:
0x368: {  	(tag) =	ssettag $0x2  }
0x369: {  	s0 =	rddreg [dreg:$0x0];
	s2 =	stileid.u32  }
0x36a: {  	s1 =	rddreg [dreg:$0x1];
	p0 =	sne.s32 s2, $0x0  }
0x36b: {  	s3 =	rddreg [dreg:$0x2];
	[bflag:$0x3] =	sbarrier.arrive $0xFFFF;
	s2 =	simm.s32 @!p0 $0x1C05  }
0x36c: {  	[timem:s3], [sflag:s2] =	dma.local @!p0 [hbm:s0], s1  }
0x36d: {  	s0 =	simm.s32 @!p0 $0x5  }
0x36e: {  	_ =	swait.ge @!p0 [sflag:s0], s1  }
0x36f: {  	s1 =	ssub.s32 @!p0 $0x0, s1;
	[sflag:s0] =	ssyncset.done @!p0 $0x0  }
0x370: {  	[sflag:s0] =	ssyncadd.s32 @!p0 s1  }
0x371: {  	[bflag:$0x3] =	sbarrier.arrive $0xFFFF  }
0x372: {  	_ =	shalt  }

</sc_bundles>
